<compile_context>
chip_gen: v7x
topology: tpu7x:2x2x1
jax: 0.10.2.dev20260603
libtpu: 0.0.44.dev20260713+nightly
codegen_flags: <defaults>
</compile_context>

<pallas_src>
import functools

import jax
import jax.numpy as jnp
from jax import lax
from jax.experimental import pallas as pl
from jax.experimental.pallas import tpu as pltpu
from jax.experimental.pallas import tpu_sc as plsc

N = 10000
E = 320000
D = 128
NC = 2
NS = 16
NW = NC * NS
WIN_K = 128
E_PAD = 323584

DWIN_N = E_PAD // NW // WIN_K
NREG = N + 8

AWIN_N = E_PAD // NS // WIN_K
NH = N // NC
PARKN = 256
ACC_ROWS = 5280
ACH = 40

MB = 2000
GRID = N // MB

_MESH = dict(core_axis_name="c", subcore_axis_name="s",
             num_cores=NC, num_subcores=NS)


def _sc_degree(dst3, zeros_reg, ones_w):

    @functools.partial(
        pl.kernel,
        out_type=jax.ShapeDtypeStruct((NW * NREG,), jnp.float32),
        mesh=plsc.VectorSubcoreMesh(**_MESH),
        scratch_types=[
            pltpu.VMEM((DWIN_N, WIN_K), jnp.int32),
            pltpu.VMEM((WIN_K,), jnp.float32),
            pltpu.VMEM((NREG,), jnp.float32),
            pltpu.VMEM_SHARED((NS * NREG,), jnp.float32),
        ],
    )
    def deg_kernel(dst_hbm, z_hbm, ones_hbm, out_hbm, dstv, onesv, vbuf, cnt):
        c = lax.axis_index("c")
        s = lax.axis_index("s")
        w = c * NS + s
        pltpu.sync_copy(dst_hbm.at[w], dstv)
        pltpu.sync_copy(ones_hbm, onesv)

        base = s * NREG

        def remap(j, carry):
            for k in range(WIN_K // 16):
                dstv[j, pl.ds(k * 16, 16)] = (
                    dstv[j, pl.ds(k * 16, 16)] + base)
            return carry

        lax.fori_loop(0, DWIN_N, remap, 0)

        pltpu.sync_copy(z_hbm, vbuf)
        pltpu.sync_copy(vbuf, cnt.at[pl.ds(s * NREG, NREG)])

        def body(j, carry):
            pltpu.sync_copy(onesv, cnt.at[dstv.at[j]], add=True)
            return carry

        lax.fori_loop(0, DWIN_N, body, 0)
        pltpu.sync_copy(cnt.at[pl.ds(s * NREG, NREG)], vbuf)
        pltpu.sync_copy(vbuf, out_hbm.at[pl.ds(w * NREG, NREG)])

    return deg_kernel(dst3, zeros_reg, ones_w)


def _sc_aggregate(hs, src3, dst3, zeros_rows):

    @functools.partial(
        pl.kernel,
        out_type=jax.ShapeDtypeStruct((N, D), jnp.float32),
        mesh=plsc.VectorSubcoreMesh(**_MESH),
        scratch_types=[
            pltpu.VMEM((AWIN_N, WIN_K), jnp.int32),
            pltpu.VMEM((AWIN_N, WIN_K), jnp.int32),
            pltpu.VMEM((WIN_K, D), jnp.float32),
            pltpu.VMEM((WIN_K, D), jnp.float32),
            pltpu.VMEM((ACH, D), jnp.float32),
            pltpu.VMEM_SHARED((ACC_ROWS, D), jnp.float32),
            pltpu.SemaphoreType.DMA,
            pltpu.SemaphoreType.DMA,
            pltpu.SemaphoreType.DMA,
            pltpu.SemaphoreType.DMA,
        ],
    )
    def agg_kernel(hs_hbm, src_hbm, dst_hbm, z_hbm, out_hbm,
                   srcv, dstv, buf0, buf1, chbuf, acc,
                   sem0, sem1, ssem0, ssem1):
        c = lax.axis_index("c")
        s = lax.axis_index("s")
        pltpu.sync_copy(src_hbm.at[s], srcv)
        pltpu.sync_copy(dst_hbm.at[s], dstv)

        lane = lax.iota(jnp.int32, 16)
        base = c * NH

        def remap(jj, carry):
            for m in range(2):
                j = jj * 2 + m
                for k in range(WIN_K // 16):
                    d = dstv[j, pl.ds(k * 16, 16)]
                    local = d - base
                    ok = (local >= 0) & (local < NH)
                    park = NH + m * WIN_K + k * 16 + lane
                    dstv[j, pl.ds(k * 16, 16)] = jnp.where(ok, local, park)
            return carry

        lax.fori_loop(0, AWIN_N // 2, remap, 0)

        pltpu.sync_copy(z_hbm, chbuf)
        for k in range(-(-(ACC_ROWS // ACH) // NS)):
            ch = s + k * NS

            @pl.when(ch < ACC_ROWS // ACH)
            def _():
                pltpu.sync_copy(chbuf, acc.at[pl.ds(ch * ACH, ACH)])

        plsc.subcore_barrier()

        pltpu.async_copy(hs_hbm.at[srcv.at[0]], buf0, sem0)
        pltpu.async_copy(hs_hbm.at[srcv.at[1]], buf1, sem1)

        def body(i, carry):
            j = i * 2
            pltpu.make_async_copy(hs_hbm.at[srcv.at[j]], buf0, sem0).wait()
            pltpu.async_copy(buf0, acc.at[dstv.at[j]], ssem0, add=True)
            pltpu.make_async_copy(
                hs_hbm.at[srcv.at[j + 1]], buf1, sem1).wait()
            pltpu.async_copy(buf1, acc.at[dstv.at[j + 1]], ssem1, add=True)

            @pl.when(j + 2 < AWIN_N)
            def _():
                pltpu.make_async_copy(
                    buf0, acc.at[dstv.at[j]], ssem0).wait()
                pltpu.async_copy(hs_hbm.at[srcv.at[j + 2]], buf0, sem0)

            @pl.when(j + 3 < AWIN_N)
            def _():
                pltpu.make_async_copy(
                    buf1, acc.at[dstv.at[j + 1]], ssem1).wait()
                pltpu.async_copy(hs_hbm.at[srcv.at[j + 3]], buf1, sem1)

            return carry

        lax.fori_loop(0, AWIN_N // 2, body, 0)
        pltpu.make_async_copy(buf0, acc.at[dstv.at[0]], ssem0).wait()
        pltpu.make_async_copy(buf1, acc.at[dstv.at[1]], ssem1).wait()
        plsc.subcore_barrier()

        for k in range(-(-(NH // ACH) // NS)):
            ch = s + k * NS

            @pl.when(ch < NH // ACH)
            def _():
                pltpu.sync_copy(acc.at[pl.ds(ch * ACH, ACH)], chbuf)
                pltpu.sync_copy(
                    chbuf, out_hbm.at[pl.ds(c * NH + ch * ACH, ACH)])

    return agg_kernel(hs, src3, dst3, zeros_rows)


def _tc_layer1(x, W1, degpt):

    def body(x_ref, w_ref, dp_ref, hs_ref):
        g = lax.rsqrt(1.0 + jnp.sum(dp_ref[...], axis=1, keepdims=True))
        hs_ref[...] = (
            jnp.dot(x_ref[...], w_ref[...], preferred_element_type=jnp.float32)
            * g
        )

    return pl.pallas_call(
        body,
        grid=(GRID,),
        in_specs=[
            pl.BlockSpec((MB, D), lambda i: (i, 0)),
            pl.BlockSpec((D, D), lambda i: (0, 0)),
            pl.BlockSpec((MB, NW), lambda i: (i, 0)),
        ],
        out_specs=pl.BlockSpec((MB, D), lambda i: (i, 0)),
        out_shape=jax.ShapeDtypeStruct((N, D), jnp.float32),
    )(x, W1, degpt)


def _tc_layer2(agg1, hs1, degpt, W2, b1):

    def body(a_ref, h_ref, dp_ref, w_ref, b_ref, out_ref):
        g = lax.rsqrt(1.0 + jnp.sum(dp_ref[...], axis=1, keepdims=True))
        t = (a_ref[...] + h_ref[...]) * g + b_ref[...]
        t = jnp.maximum(t, 0.0)
        out_ref[...] = (
            jnp.dot(t, w_ref[...], preferred_element_type=jnp.float32) * g
        )

    return pl.pallas_call(
        body,
        grid=(GRID,),
        in_specs=[
            pl.BlockSpec((MB, D), lambda i: (i, 0)),
            pl.BlockSpec((MB, D), lambda i: (i, 0)),
            pl.BlockSpec((MB, NW), lambda i: (i, 0)),
            pl.BlockSpec((D, D), lambda i: (0, 0)),
            pl.BlockSpec((1, D), lambda i: (0, 0)),
        ],
        out_specs=pl.BlockSpec((MB, D), lambda i: (i, 0)),
        out_shape=jax.ShapeDtypeStruct((N, D), jnp.float32),
    )(agg1, hs1, degpt, W2, b1)


def _tc_layer3(agg2, hs2, degpt, b2):

    def body(a_ref, h_ref, dp_ref, b_ref, out_ref):
        g = lax.rsqrt(1.0 + jnp.sum(dp_ref[...], axis=1, keepdims=True))
        out_ref[...] = (a_ref[...] + h_ref[...]) * g + b_ref[...]

    return pl.pallas_call(
        body,
        grid=(GRID,),
        in_specs=[
            pl.BlockSpec((MB, D), lambda i: (i, 0)),
            pl.BlockSpec((MB, D), lambda i: (i, 0)),
            pl.BlockSpec((MB, NW), lambda i: (i, 0)),
            pl.BlockSpec((1, D), lambda i: (0, 0)),
        ],
        out_specs=pl.BlockSpec((MB, D), lambda i: (i, 0)),
        out_shape=jax.ShapeDtypeStruct((N, D), jnp.float32),
    )(agg2, hs2, degpt, b2)


def kernel(x, edge_index, W1, b1, W2, b2):
    npad = E_PAD - E
    src_p = jnp.concatenate(
        [edge_index[0], jnp.zeros((npad,), edge_index.dtype)])
    dst_p = jnp.concatenate(
        [edge_index[1], jnp.full((npad,), N, edge_index.dtype)])
    dst32 = dst_p.reshape(NW, DWIN_N, WIN_K)
    src16 = src_p.reshape(NS, AWIN_N, WIN_K)
    dst16 = dst_p.reshape(NS, AWIN_N, WIN_K)
    zeros_rows = jnp.zeros((ACH, D), jnp.float32)
    zeros_reg = jnp.zeros((NREG,), jnp.float32)
    ones_w = jnp.ones((WIN_K,), jnp.float32)

    degp = _sc_degree(dst32, zeros_reg, ones_w)
    degpt = degp.reshape(NW, NREG)[:, :N].T

    hs1 = _tc_layer1(x, W1, degpt)
    agg1 = _sc_aggregate(hs1, src16, dst16, zeros_rows)
    hs2 = _tc_layer2(agg1, hs1, degpt, W2, b1.reshape(1, D))
    agg2 = _sc_aggregate(hs2, src16, dst16, zeros_rows)
    return _tc_layer3(agg2, hs2, degpt, b2.reshape(1, D))

# --- scband reference (transcript-rebuilt; emitter-appended) ---
"""Pipeline reference for scband-gnnmodel-4028679324142 (READ-ONLY COPY).

The authoritative reference and input builder live on the scoring server;
editing this copy changes nothing except your own understanding.
"""

import jax, jax.numpy as jnp
import numpy as np

N_NODES = 10000
N_EDGES = 320000
D_IN = 128
D_HID = 128
D_OUT = 128


def _gcn_layer(x, src, dst, norm, W, b):
    h = x @ W
    msg = h[src] * norm[:, None]
    out = jnp.zeros((x.shape[0], W.shape[1]), dtype=x.dtype).at[dst].add(msg)
    return out + b


def setup_inputs(seed: int = 0) -> dict:
    key = jax.random.key(seed)
    k1, k2, k3, k4, k5, k6 = jax.random.split(key, 6)
    x = jax.random.normal(k1, (N_NODES, D_IN), dtype=jnp.float32)
    edge_index = jax.random.randint(k2, (2, N_EDGES), 0, N_NODES, dtype=jnp.int32)
    s1 = 1.0 / np.sqrt(D_IN)
    s2 = 1.0 / np.sqrt(D_HID)
    W1 = jax.random.uniform(k3, (D_IN, D_HID), jnp.float32, -s1, s1)
    b1 = jnp.zeros((D_HID,), jnp.float32)
    W2 = jax.random.uniform(k4, (D_HID, D_OUT), jnp.float32, -s2, s2)
    b2 = jnp.zeros((D_OUT,), jnp.float32)
    return {"x": x, "edge_index": edge_index, "W1": W1, "b1": b1, "W2": W2, "b2": b2}


def reference(x, edge_index, W1, b1, W2, b2):
    # GCNConv (PyG semantics): add self-loops, symmetric normalization,
    # x' = D^{-1/2} (A+I) D^{-1/2} X W + b. Dropout is identity in eval mode.
    N = x.shape[0]
    loop = jnp.arange(N, dtype=edge_index.dtype)
    src = jnp.concatenate([edge_index[0], loop])
    dst = jnp.concatenate([edge_index[1], loop])
    deg = jnp.zeros((N,), dtype=x.dtype).at[dst].add(1.0)
    dinv = jnp.where(deg > 0, jax.lax.rsqrt(jnp.maximum(deg, 1e-12)), 0.0)
    norm = dinv[src] * dinv[dst]
    h = _gcn_layer(x, src, dst, norm, W1, b1)
    h = jax.nn.relu(h)
    out = _gcn_layer(h, src, dst, norm, W2, b2)
    return out

if __name__ == "__main__":
    import jax
    _d = setup_inputs()
    print(jax.jit(kernel)(*tuple(_d.values())))

</pallas_src>

<mosaic_0001>
#map = affine_map<(d0, d1) -> (0, 0)>
#map1 = affine_map<(d0, d1) -> (0, 0, 0)>
module attributes {stable_mosaic.version = 14 : i64} {
  func.func @agg_kernel(%arg0: i32, %arg1: i32, %arg2: memref<10000x128xf32, #tpu.memory_space<hbm>>, %arg3: memref<16x158x128xi32, #tpu.memory_space<hbm>>, %arg4: memref<16x158x128xi32, #tpu.memory_space<hbm>>, %arg5: memref<40x128xf32, #tpu.memory_space<hbm>>, %arg6: memref<10000x128xf32, #tpu.memory_space<hbm>>, %arg7: memref<158x128xi32, #tpu.memory_space<vmem>>, %arg8: memref<158x128xi32, #tpu.memory_space<vmem>>, %arg9: memref<128x128xf32, #tpu.memory_space<vmem>>, %arg10: memref<128x128xf32, #tpu.memory_space<vmem>>, %arg11: memref<40x128xf32, #tpu.memory_space<vmem>>, %arg12: memref<5280x128xf32, #tpu.memory_space<vmem_shared>>, %arg13: memref<!tpu.dma_semaphore, #tpu.memory_space<semaphore_mem>>, %arg14: memref<!tpu.dma_semaphore, #tpu.memory_space<semaphore_mem>>, %arg15: memref<!tpu.dma_semaphore, #tpu.memory_space<semaphore_mem>>, %arg16: memref<!tpu.dma_semaphore, #tpu.memory_space<semaphore_mem>>) attributes {dimension_semantics = [#tpu.dimension_semantics<core_parallel>, #tpu.dimension_semantics<subcore_parallel>], iteration_bounds = array<i64: 2, 16>, scalar_prefetch = 0 : i64, scratch_operands = 10 : i64, tpu.core_type = #tpu.core_type<sc_vector_subcore>, window_params = [{transform_indices = #map}, {transform_indices = #map1}, {transform_indices = #map1}, {transform_indices = #map}, {transform_indices = #map}]} {
    "tpu.region"() ({
      %run_scoped3A = tpu.sem_alloc : memref<!tpu.dma_semaphore, #tpu.memory_space<semaphore_mem>>
      %dma_start3A_154 = arith.constant 0 : i32
      %dma_start3A_155 = arith.constant 0 : i32
      %dma_start3A_156 = tpu.memref_slice %arg3[%arg1, %dma_start3A_154, %dma_start3A_155] : memref<16x158x128xi32, #tpu.memory_space<hbm>> -> memref<1x158x128xi32, #tpu.memory_space<hbm>>
      %dma_start3A_157 = tpu.memref_squeeze %dma_start3A_156 : memref<1x158x128xi32, #tpu.memory_space<hbm>> -> memref<158x128xi32, #tpu.memory_space<hbm>>
      %dma_start3A_158 = arith.constant 0 : i32
      %dma_start3A_159 = arith.constant 0 : i32
      %dma_start3A_160 = tpu.memref_slice %arg3[%arg1, %dma_start3A_158, %dma_start3A_159] : memref<16x158x128xi32, #tpu.memory_space<hbm>> -> memref<1x158x128xi32, #tpu.memory_space<hbm>>
      %dma_start3A_161 = tpu.memref_squeeze %dma_start3A_160 : memref<1x158x128xi32, #tpu.memory_space<hbm>> -> memref<158x128xi32, #tpu.memory_space<hbm>>
      tpu.enqueue_dma source(%dma_start3A_161 : memref<158x128xi32, #tpu.memory_space<hbm>>) target(%arg7 : memref<158x128xi32, #tpu.memory_space<vmem>>) target_semaphore(%run_scoped3A : memref<!tpu.dma_semaphore, #tpu.memory_space<semaphore_mem>>)
      %dma_wait3A_162 = arith.constant 0 : i32
      %dma_wait3A_163 = arith.constant 0 : i32
      %dma_wait3A_164 = tpu.memref_slice %arg3[%arg1, %dma_wait3A_162, %dma_wait3A_163] : memref<16x158x128xi32, #tpu.memory_space<hbm>> -> memref<1x158x128xi32, #tpu.memory_space<hbm>>
      %dma_wait3A_165 = tpu.memref_squeeze %dma_wait3A_164 : memref<1x158x128xi32, #tpu.memory_space<hbm>> -> memref<158x128xi32, #tpu.memory_space<hbm>>
      %dma_wait3A_166 = arith.constant 0 : i32
      %dma_wait3A_167 = arith.constant 0 : i32
      %dma_wait3A_168 = tpu.memref_slice %arg3[%arg1, %dma_wait3A_166, %dma_wait3A_167] : memref<16x158x128xi32, #tpu.memory_space<hbm>> -> memref<1x158x128xi32, #tpu.memory_space<hbm>>
      %dma_wait3A_169 = tpu.memref_squeeze %dma_wait3A_168 : memref<1x158x128xi32, #tpu.memory_space<hbm>> -> memref<158x128xi32, #tpu.memory_space<hbm>>
      tpu.wait_dma2 semaphore(%run_scoped3A : memref<!tpu.dma_semaphore, #tpu.memory_space<semaphore_mem>>) src(%dma_wait3A_169 : memref<158x128xi32, #tpu.memory_space<hbm>>) dst(%arg7 : memref<158x128xi32, #tpu.memory_space<vmem>>)
      tpu.yield
    }) : () -> ()
    "tpu.region"() ({
      %run_scoped3A = tpu.sem_alloc : memref<!tpu.dma_semaphore, #tpu.memory_space<semaphore_mem>>
      %dma_start3A_154 = arith.constant 0 : i32
      %dma_start3A_155 = arith.constant 0 : i32
      %dma_start3A_156 = tpu.memref_slice %arg4[%arg1, %dma_start3A_154, %dma_start3A_155] : memref<16x158x128xi32, #tpu.memory_space<hbm>> -> memref<1x158x128xi32, #tpu.memory_space<hbm>>
      %dma_start3A_157 = tpu.memref_squeeze %dma_start3A_156 : memref<1x158x128xi32, #tpu.memory_space<hbm>> -> memref<158x128xi32, #tpu.memory_space<hbm>>
      %dma_start3A_158 = arith.constant 0 : i32
      %dma_start3A_159 = arith.constant 0 : i32
      %dma_start3A_160 = tpu.memref_slice %arg4[%arg1, %dma_start3A_158, %dma_start3A_159] : memref<16x158x128xi32, #tpu.memory_space<hbm>> -> memref<1x158x128xi32, #tpu.memory_space<hbm>>
      %dma_start3A_161 = tpu.memref_squeeze %dma_start3A_160 : memref<1x158x128xi32, #tpu.memory_space<hbm>> -> memref<158x128xi32, #tpu.memory_space<hbm>>
      tpu.enqueue_dma source(%dma_start3A_161 : memref<158x128xi32, #tpu.memory_space<hbm>>) target(%arg8 : memref<158x128xi32, #tpu.memory_space<vmem>>) target_semaphore(%run_scoped3A : memref<!tpu.dma_semaphore, #tpu.memory_space<semaphore_mem>>)
      %dma_wait3A_162 = arith.constant 0 : i32
      %dma_wait3A_163 = arith.constant 0 : i32
      %dma_wait3A_164 = tpu.memref_slice %arg4[%arg1, %dma_wait3A_162, %dma_wait3A_163] : memref<16x158x128xi32, #tpu.memory_space<hbm>> -> memref<1x158x128xi32, #tpu.memory_space<hbm>>
      %dma_wait3A_165 = tpu.memref_squeeze %dma_wait3A_164 : memref<1x158x128xi32, #tpu.memory_space<hbm>> -> memref<158x128xi32, #tpu.memory_space<hbm>>
      %dma_wait3A_166 = arith.constant 0 : i32
      %dma_wait3A_167 = arith.constant 0 : i32
      %dma_wait3A_168 = tpu.memref_slice %arg4[%arg1, %dma_wait3A_166, %dma_wait3A_167] : memref<16x158x128xi32, #tpu.memory_space<hbm>> -> memref<1x158x128xi32, #tpu.memory_space<hbm>>
      %dma_wait3A_169 = tpu.memref_squeeze %dma_wait3A_168 : memref<1x158x128xi32, #tpu.memory_space<hbm>> -> memref<158x128xi32, #tpu.memory_space<hbm>>
      tpu.wait_dma2 semaphore(%run_scoped3A : memref<!tpu.dma_semaphore, #tpu.memory_space<semaphore_mem>>) src(%dma_wait3A_169 : memref<158x128xi32, #tpu.memory_space<hbm>>) dst(%arg8 : memref<158x128xi32, #tpu.memory_space<vmem>>)
      tpu.yield
    }) : () -> ()
    %iota3A = tpu.iota {dimensions = array<i32: 0>} : vector<16xi32>
    %mul3A = arith.constant 5000 : i32
    %mul3A_0 = arith.muli %arg0, %mul3A : i32
    %scan3A = arith.constant 0 : i32
    %scan3A_1 = arith.constant 0 : i32
    %scan3A_2 = arith.constant 79 : i32
    %scan3A_3 = arith.addi %scan3A_1, %scan3A_2 : i32
    %scan3A_4 = arith.constant 1 : i32
    scf.for %scan3A_154 = %scan3A_1 to %scan3A_3 step %scan3A_4  : i32 {
      %mul3A_155 = arith.constant 2 : i32
      %mul3A_156 = arith.muli %scan3A_154, %mul3A_155 : i32
      %add3A_157 = arith.constant 0 : i32
      %add3A_158 = arith.addi %mul3A_156, %add3A_157 : i32
      %get3A = arith.index_cast %add3A_158 : i32 to index
      %get3A_159 = arith.constant 0 : index
      %get3A_160 = tpu.vector_load %arg8[%get3A, %get3A_159] {strides = array<i32>} : memref<158x128xi32, #tpu.memory_space<vmem>>, vector<1x16xi32>,
      %get3A_161 = vector.shape_cast %get3A_160 : vector<1x16xi32> to vector<16xi32>
      %sub3A = vector.broadcast %mul3A_0 : i32 to vector<16xi32>
      %sub3A_162 = arith.subi %get3A_161, %sub3A : vector<16xi32>
      %ge3A = arith.constant 0 : i32
      %ge3A_163 = vector.broadcast %ge3A : i32 to vector<16xi32>
      %ge3A_164 = arith.cmpi sge, %sub3A_162, %ge3A_163 : vector<16xi32>
      %lt3A_165 = arith.constant 5000 : i32
      %lt3A_166 = vector.broadcast %lt3A_165 : i32 to vector<16xi32>
      %lt3A_167 = arith.cmpi slt, %sub3A_162, %lt3A_166 : vector<16xi32>
      %and3A = arith.andi %ge3A_164, %lt3A_167 : vector<16xi1>
      %add3A_168 = arith.constant 5000 : i32
      %add3A_169 = vector.broadcast %add3A_168 : i32 to vector<16xi32>
      %add3A_170 = arith.addi %add3A_169, %iota3A : vector<16xi32>
      %select_n3A = arith.select %and3A, %sub3A_162, %add3A_170 : vector<16xi1>, vector<16xi32>
      %swap3A = arith.index_cast %add3A_158 : i32 to index
      %swap3A_171 = arith.constant 0 : index
      %swap3A_172 = tpu.vector_load %arg8[%swap3A, %swap3A_171] {strides = array<i32>} : memref<158x128xi32, #tpu.memory_space<vmem>>, vector<1x16xi32>,
      %swap3A_173 = vector.shape_cast %swap3A_172 : vector<1x16xi32> to vector<16xi32>
      %swap3A_174 = vector.shape_cast %select_n3A : vector<16xi32> to vector<1x16xi32>
      tpu.vector_store %arg8[%swap3A, %swap3A_171], %swap3A_174 {strides = array<i32>} : memref<158x128xi32, #tpu.memory_space<vmem>>, vector<1x16xi32>,
      %get3A_175 = arith.index_cast %add3A_158 : i32 to index
      %get3A_176 = arith.constant 16 : index
      %get3A_177 = tpu.vector_load %arg8[%get3A_175, %get3A_176] {strides = array<i32>} : memref<158x128xi32, #tpu.memory_space<vmem>>, vector<1x16xi32>,
      %get3A_178 = vector.shape_cast %get3A_177 : vector<1x16xi32> to vector<16xi32>
      %sub3A_179 = vector.broadcast %mul3A_0 : i32 to vector<16xi32>
      %sub3A_180 = arith.subi %get3A_178, %sub3A_179 : vector<16xi32>
      %ge3A_181 = arith.constant 0 : i32
      %ge3A_182 = vector.broadcast %ge3A_181 : i32 to vector<16xi32>
      %ge3A_183 = arith.cmpi sge, %sub3A_180, %ge3A_182 : vector<16xi32>
      %lt3A_184 = arith.constant 5000 : i32
      %lt3A_185 = vector.broadcast %lt3A_184 : i32 to vector<16xi32>
      %lt3A_186 = arith.cmpi slt, %sub3A_180, %lt3A_185 : vector<16xi32>
      %and3A_187 = arith.andi %ge3A_183, %lt3A_186 : vector<16xi1>
      %add3A_188 = arith.constant 5016 : i32
      %add3A_189 = vector.broadcast %add3A_188 : i32 to vector<16xi32>
      %add3A_190 = arith.addi %add3A_189, %iota3A : vector<16xi32>
      %select_n3A_191 = arith.select %and3A_187, %sub3A_180, %add3A_190 : vector<16xi1>, vector<16xi32>
      %swap3A_192 = arith.index_cast %add3A_158 : i32 to index
      %swap3A_193 = arith.constant 16 : index
      %swap3A_194 = tpu.vector_load %arg8[%swap3A_192, %swap3A_193] {strides = array<i32>} : memref<158x128xi32, #tpu.memory_space<vmem>>, vector<1x16xi32>,
      %swap3A_195 = vector.shape_cast %swap3A_194 : vector<1x16xi32> to vector<16xi32>
      %swap3A_196 = vector.shape_cast %select_n3A_191 : vector<16xi32> to vector<1x16xi32>
      tpu.vector_store %arg8[%swap3A_192, %swap3A_193], %swap3A_196 {strides = array<i32>} : memref<158x128xi32, #tpu.memory_space<vmem>>, vector<1x16xi32>,
      %get3A_197 = arith.index_cast %add3A_158 : i32 to index
      %get3A_198 = arith.constant 32 : index
      %get3A_199 = tpu.vector_load %arg8[%get3A_197, %get3A_198] {strides = array<i32>} : memref<158x128xi32, #tpu.memory_space<vmem>>, vector<1x16xi32>,
      %get3A_200 = vector.shape_cast %get3A_199 : vector<1x16xi32> to vector<16xi32>
      %sub3A_201 = vector.broadcast %mul3A_0 : i32 to vector<16xi32>
      %sub3A_202 = arith.subi %get3A_200, %sub3A_201 : vector<16xi32>
      %ge3A_203 = arith.constant 0 : i32
      %ge3A_204 = vector.broadcast %ge3A_203 : i32 to vector<16xi32>
      %ge3A_205 = arith.cmpi sge, %sub3A_202, %ge3A_204 : vector<16xi32>
      %lt3A_206 = arith.constant 5000 : i32
      %lt3A_207 = vector.broadcast %lt3A_206 : i32 to vector<16xi32>
      %lt3A_208 = arith.cmpi slt, %sub3A_202, %lt3A_207 : vector<16xi32>
      %and3A_209 = arith.andi %ge3A_205, %lt3A_208 : vector<16xi1>
      %add3A_210 = arith.constant 5032 : i32
      %add3A_211 = vector.broadcast %add3A_210 : i32 to vector<16xi32>
      %add3A_212 = arith.addi %add3A_211, %iota3A : vector<16xi32>
      %select_n3A_213 = arith.select %and3A_209, %sub3A_202, %add3A_212 : vector<16xi1>, vector<16xi32>
      %swap3A_214 = arith.index_cast %add3A_158 : i32 to index
      %swap3A_215 = arith.constant 32 : index
      %swap3A_216 = tpu.vector_load %arg8[%swap3A_214, %swap3A_215] {strides = array<i32>} : memref<158x128xi32, #tpu.memory_space<vmem>>, vector<1x16xi32>,
      %swap3A_217 = vector.shape_cast %swap3A_216 : vector<1x16xi32> to vector<16xi32>
      %swap3A_218 = vector.shape_cast %select_n3A_213 : vector<16xi32> to vector<1x16xi32>
      tpu.vector_store %arg8[%swap3A_214, %swap3A_215], %swap3A_218 {strides = array<i32>} : memref<158x128xi32, #tpu.memory_space<vmem>>, vector<1x16xi32>,
      %get3A_219 = arith.index_cast %add3A_158 : i32 to index
      %get3A_220 = arith.constant 48 : index
      %get3A_221 = tpu.vector_load %arg8[%get3A_219, %get3A_220] {strides = array<i32>} : memref<158x128xi32, #tpu.memory_space<vmem>>, vector<1x16xi32>,
      %get3A_222 = vector.shape_cast %get3A_221 : vector<1x16xi32> to vector<16xi32>
      %sub3A_223 = vector.broadcast %mul3A_0 : i32 to vector<16xi32>
      %sub3A_224 = arith.subi %get3A_222, %sub3A_223 : vector<16xi32>
      %ge3A_225 = arith.constant 0 : i32
      %ge3A_226 = vector.broadcast %ge3A_225 : i32 to vector<16xi32>
      %ge3A_227 = arith.cmpi sge, %sub3A_224, %ge3A_226 : vector<16xi32>
      %lt3A_228 = arith.constant 5000 : i32
      %lt3A_229 = vector.broadcast %lt3A_228 : i32 to vector<16xi32>
      %lt3A_230 = arith.cmpi slt, %sub3A_224, %lt3A_229 : vector<16xi32>
      %and3A_231 = arith.andi %ge3A_227, %lt3A_230 : vector<16xi1>
      %add3A_232 = arith.constant 5048 : i32
      %add3A_233 = vector.broadcast %add3A_232 : i32 to vector<16xi32>
      %add3A_234 = arith.addi %add3A_233, %iota3A : vector<16xi32>
      %select_n3A_235 = arith.select %and3A_231, %sub3A_224, %add3A_234 : vector<16xi1>, vector<16xi32>
      %swap3A_236 = arith.index_cast %add3A_158 : i32 to index
      %swap3A_237 = arith.constant 48 : index
      %swap3A_238 = tpu.vector_load %arg8[%swap3A_236, %swap3A_237] {strides = array<i32>} : memref<158x128xi32, #tpu.memory_space<vmem>>, vector<1x16xi32>,
      %swap3A_239 = vector.shape_cast %swap3A_238 : vector<1x16xi32> to vector<16xi32>
      %swap3A_240 = vector.shape_cast %select_n3A_235 : vector<16xi32> to vector<1x16xi32>
      tpu.vector_store %arg8[%swap3A_236, %swap3A_237], %swap3A_240 {strides = array<i32>} : memref<158x128xi32, #tpu.memory_space<vmem>>, vector<1x16xi32>,
      %get3A_241 = arith.index_cast %add3A_158 : i32 to index
      %get3A_242 = arith.constant 64 : index
      %get3A_243 = tpu.vector_load %arg8[%get3A_241, %get3A_242] {strides = array<i32>} : memref<158x128xi32, #tpu.memory_space<vmem>>, vector<1x16xi32>,
      %get3A_244 = vector.shape_cast %get3A_243 : vector<1x16xi32> to vector<16xi32>
      %sub3A_245 = vector.broadcast %mul3A_0 : i32 to vector<16xi32>
      %sub3A_246 = arith.subi %get3A_244, %sub3A_245 : vector<16xi32>
      %ge3A_247 = arith.constant 0 : i32
      %ge3A_248 = vector.broadcast %ge3A_247 : i32 to vector<16xi32>
      %ge3A_249 = arith.cmpi sge, %sub3A_246, %ge3A_248 : vector<16xi32>
      %lt3A_250 = arith.constant 5000 : i32
      %lt3A_251 = vector.broadcast %lt3A_250 : i32 to vector<16xi32>
      %lt3A_252 = arith.cmpi slt, %sub3A_246, %lt3A_251 : vector<16xi32>
      %and3A_253 = arith.andi %ge3A_249, %lt3A_252 : vector<16xi1>
      %add3A_254 = arith.constant 5064 : i32
      %add3A_255 = vector.broadcast %add3A_254 : i32 to vector<16xi32>
      %add3A_256 = arith.addi %add3A_255, %iota3A : vector<16xi32>
      %select_n3A_257 = arith.select %and3A_253, %sub3A_246, %add3A_256 : vector<16xi1>, vector<16xi32>
      %swap3A_258 = arith.index_cast %add3A_158 : i32 to index
      %swap3A_259 = arith.constant 64 : index
      %swap3A_260 = tpu.vector_load %arg8[%swap3A_258, %swap3A_259] {strides = array<i32>} : memref<158x128xi32, #tpu.memory_space<vmem>>, vector<1x16xi32>,
      %swap3A_261 = vector.shape_cast %swap3A_260 : vector<1x16xi32> to vector<16xi32>
      %swap3A_262 = vector.shape_cast %select_n3A_257 : vector<16xi32> to vector<1x16xi32>
      tpu.vector_store %arg8[%swap3A_258, %swap3A_259], %swap3A_262 {strides = array<i32>} : memref<158x128xi32, #tpu.memory_space<vmem>>, vector<1x16xi32>,
      %get3A_263 = arith.index_cast %add3A_158 : i32 to index
      %get3A_264 = arith.constant 80 : index
      %get3A_265 = tpu.vector_load %arg8[%get3A_263, %get3A_264] {strides = array<i32>} : memref<158x128xi32, #tpu.memory_space<vmem>>, vector<1x16xi32>,
      %get3A_266 = vector.shape_cast %get3A_265 : vector<1x16xi32> to vector<16xi32>
      %sub3A_267 = vector.broadcast %mul3A_0 : i32 to vector<16xi32>
      %sub3A_268 = arith.subi %get3A_266, %sub3A_267 : vector<16xi32>
      %ge3A_269 = arith.constant 0 : i32
      %ge3A_270 = vector.broadcast %ge3A_269 : i32 to vector<16xi32>
      %ge3A_271 = arith.cmpi sge, %sub3A_268, %ge3A_270 : vector<16xi32>
      %lt3A_272 = arith.constant 5000 : i32
      %lt3A_273 = vector.broadcast %lt3A_272 : i32 to vector<16xi32>
      %lt3A_274 = arith.cmpi slt, %sub3A_268, %lt3A_273 : vector<16xi32>
      %and3A_275 = arith.andi %ge3A_271, %lt3A_274 : vector<16xi1>
      %add3A_276 = arith.constant 5080 : i32
      %add3A_277 = vector.broadcast %add3A_276 : i32 to vector<16xi32>
      %add3A_278 = arith.addi %add3A_277, %iota3A : vector<16xi32>
      %select_n3A_279 = arith.select %and3A_275, %sub3A_268, %add3A_278 : vector<16xi1>, vector<16xi32>
      %swap3A_280 = arith.index_cast %add3A_158 : i32 to index
      %swap3A_281 = arith.constant 80 : index
      %swap3A_282 = tpu.vector_load %arg8[%swap3A_280, %swap3A_281] {strides = array<i32>} : memref<158x128xi32, #tpu.memory_space<vmem>>, vector<1x16xi32>,
      %swap3A_283 = vector.shape_cast %swap3A_282 : vector<1x16xi32> to vector<16xi32>
      %swap3A_284 = vector.shape_cast %select_n3A_279 : vector<16xi32> to vector<1x16xi32>
      tpu.vector_store %arg8[%swap3A_280, %swap3A_281], %swap3A_284 {strides = array<i32>} : memref<158x128xi32, #tpu.memory_space<vmem>>, vector<1x16xi32>,
      %get3A_285 = arith.index_cast %add3A_158 : i32 to index
      %get3A_286 = arith.constant 96 : index
      %get3A_287 = tpu.vector_load %arg8[%get3A_285, %get3A_286] {strides = array<i32>} : memref<158x128xi32, #tpu.memory_space<vmem>>, vector<1x16xi32>,
      %get3A_288 = vector.shape_cast %get3A_287 : vector<1x16xi32> to vector<16xi32>
      %sub3A_289 = vector.broadcast %mul3A_0 : i32 to vector<16xi32>
      %sub3A_290 = arith.subi %get3A_288, %sub3A_289 : vector<16xi32>
      %ge3A_291 = arith.constant 0 : i32
      %ge3A_292 = vector.broadcast %ge3A_291 : i32 to vector<16xi32>
      %ge3A_293 = arith.cmpi sge, %sub3A_290, %ge3A_292 : vector<16xi32>
      %lt3A_294 = arith.constant 5000 : i32
      %lt3A_295 = vector.broadcast %lt3A_294 : i32 to vector<16xi32>
      %lt3A_296 = arith.cmpi slt, %sub3A_290, %lt3A_295 : vector<16xi32>
      %and3A_297 = arith.andi %ge3A_293, %lt3A_296 : vector<16xi1>
      %add3A_298 = arith.constant 5096 : i32
      %add3A_299 = vector.broadcast %add3A_298 : i32 to vector<16xi32>
      %add3A_300 = arith.addi %add3A_299, %iota3A : vector<16xi32>
      %select_n3A_301 = arith.select %and3A_297, %sub3A_290, %add3A_300 : vector<16xi1>, vector<16xi32>
      %swap3A_302 = arith.index_cast %add3A_158 : i32 to index
      %swap3A_303 = arith.constant 96 : index
      %swap3A_304 = tpu.vector_load %arg8[%swap3A_302, %swap3A_303] {strides = array<i32>} : memref<158x128xi32, #tpu.memory_space<vmem>>, vector<1x16xi32>,
      %swap3A_305 = vector.shape_cast %swap3A_304 : vector<1x16xi32> to vector<16xi32>
      %swap3A_306 = vector.shape_cast %select_n3A_301 : vector<16xi32> to vector<1x16xi32>
      tpu.vector_store %arg8[%swap3A_302, %swap3A_303], %swap3A_306 {strides = array<i32>} : memref<158x128xi32, #tpu.memory_space<vmem>>, vector<1x16xi32>,
      %get3A_307 = arith.index_cast %add3A_158 : i32 to index
      %get3A_308 = arith.constant 112 : index
      %get3A_309 = tpu.vector_load %arg8[%get3A_307, %get3A_308] {strides = array<i32>} : memref<158x128xi32, #tpu.memory_space<vmem>>, vector<1x16xi32>,
      %get3A_310 = vector.shape_cast %get3A_309 : vector<1x16xi32> to vector<16xi32>
      %sub3A_311 = vector.broadcast %mul3A_0 : i32 to vector<16xi32>
      %sub3A_312 = arith.subi %get3A_310, %sub3A_311 : vector<16xi32>
      %ge3A_313 = arith.constant 0 : i32
      %ge3A_314 = vector.broadcast %ge3A_313 : i32 to vector<16xi32>
      %ge3A_315 = arith.cmpi sge, %sub3A_312, %ge3A_314 : vector<16xi32>
      %lt3A_316 = arith.constant 5000 : i32
      %lt3A_317 = vector.broadcast %lt3A_316 : i32 to vector<16xi32>
      %lt3A_318 = arith.cmpi slt, %sub3A_312, %lt3A_317 : vector<16xi32>
      %and3A_319 = arith.andi %ge3A_315, %lt3A_318 : vector<16xi1>
      %add3A_320 = arith.constant 5112 : i32
      %add3A_321 = vector.broadcast %add3A_320 : i32 to vector<16xi32>
      %add3A_322 = arith.addi %add3A_321, %iota3A : vector<16xi32>
      %select_n3A_323 = arith.select %and3A_319, %sub3A_312, %add3A_322 : vector<16xi1>, vector<16xi32>
      %swap3A_324 = arith.index_cast %add3A_158 : i32 to index
      %swap3A_325 = arith.constant 112 : index
      %swap3A_326 = tpu.vector_load %arg8[%swap3A_324, %swap3A_325] {strides = array<i32>} : memref<158x128xi32, #tpu.memory_space<vmem>>, vector<1x16xi32>,
      %swap3A_327 = vector.shape_cast %swap3A_326 : vector<1x16xi32> to vector<16xi32>
      %swap3A_328 = vector.shape_cast %select_n3A_323 : vector<16xi32> to vector<1x16xi32>
      tpu.vector_store %arg8[%swap3A_324, %swap3A_325], %swap3A_328 {strides = array<i32>} : memref<158x128xi32, #tpu.memory_space<vmem>>, vector<1x16xi32>,
      %mul3A_329 = arith.constant 2 : i32
      %mul3A_330 = arith.muli %scan3A_154, %mul3A_329 : i32
      %add3A_331 = arith.constant 1 : i32
      %add3A_332 = arith.addi %mul3A_330, %add3A_331 : i32
      %get3A_333 = arith.index_cast %add3A_332 : i32 to index
      %get3A_334 = arith.constant 0 : index
      %get3A_335 = tpu.vector_load %arg8[%get3A_333, %get3A_334] {strides = array<i32>} : memref<158x128xi32, #tpu.memory_space<vmem>>, vector<1x16xi32>,
      %get3A_336 = vector.shape_cast %get3A_335 : vector<1x16xi32> to vector<16xi32>
      %sub3A_337 = vector.broadcast %mul3A_0 : i32 to vector<16xi32>
      %sub3A_338 = arith.subi %get3A_336, %sub3A_337 : vector<16xi32>
      %ge3A_339 = arith.constant 0 : i32
      %ge3A_340 = vector.broadcast %ge3A_339 : i32 to vector<16xi32>
      %ge3A_341 = arith.cmpi sge, %sub3A_338, %ge3A_340 : vector<16xi32>
      %lt3A_342 = arith.constant 5000 : i32
      %lt3A_343 = vector.broadcast %lt3A_342 : i32 to vector<16xi32>
      %lt3A_344 = arith.cmpi slt, %sub3A_338, %lt3A_343 : vector<16xi32>
      %and3A_345 = arith.andi %ge3A_341, %lt3A_344 : vector<16xi1>
      %add3A_346 = arith.constant 5128 : i32
      %add3A_347 = vector.broadcast %add3A_346 : i32 to vector<16xi32>
      %add3A_348 = arith.addi %add3A_347, %iota3A : vector<16xi32>
      %select_n3A_349 = arith.select %and3A_345, %sub3A_338, %add3A_348 : vector<16xi1>, vector<16xi32>
      %swap3A_350 = arith.index_cast %add3A_332 : i32 to index
      %swap3A_351 = arith.constant 0 : index
      %swap3A_352 = tpu.vector_load %arg8[%swap3A_350, %swap3A_351] {strides = array<i32>} : memref<158x128xi32, #tpu.memory_space<vmem>>, vector<1x16xi32>,
      %swap3A_353 = vector.shape_cast %swap3A_352 : vector<1x16xi32> to vector<16xi32>
      %swap3A_354 = vector.shape_cast %select_n3A_349 : vector<16xi32> to vector<1x16xi32>
      tpu.vector_store %arg8[%swap3A_350, %swap3A_351], %swap3A_354 {strides = array<i32>} : memref<158x128xi32, #tpu.memory_space<vmem>>, vector<1x16xi32>,
      %get3A_355 = arith.index_cast %add3A_332 : i32 to index
      %get3A_356 = arith.constant 16 : index
      %get3A_357 = tpu.vector_load %arg8[%get3A_355, %get3A_356] {strides = array<i32>} : memref<158x128xi32, #tpu.memory_space<vmem>>, vector<1x16xi32>,
      %get3A_358 = vector.shape_cast %get3A_357 : vector<1x16xi32> to vector<16xi32>
      %sub3A_359 = vector.broadcast %mul3A_0 : i32 to vector<16xi32>
      %sub3A_360 = arith.subi %get3A_358, %sub3A_359 : vector<16xi32>
      %ge3A_361 = arith.constant 0 : i32
      %ge3A_362 = vector.broadcast %ge3A_361 : i32 to vector<16xi32>
      %ge3A_363 = arith.cmpi sge, %sub3A_360, %ge3A_362 : vector<16xi32>
      %lt3A_364 = arith.constant 5000 : i32
      %lt3A_365 = vector.broadcast %lt3A_364 : i32 to vector<16xi32>
      %lt3A_366 = arith.cmpi slt, %sub3A_360, %lt3A_365 : vector<16xi32>
      %and3A_367 = arith.andi %ge3A_363, %lt3A_366 : vector<16xi1>
      %add3A_368 = arith.constant 5144 : i32
      %add3A_369 = vector.broadcast %add3A_368 : i32 to vector<16xi32>
      %add3A_370 = arith.addi %add3A_369, %iota3A : vector<16xi32>
      %select_n3A_371 = arith.select %and3A_367, %sub3A_360, %add3A_370 : vector<16xi1>, vector<16xi32>
      %swap3A_372 = arith.index_cast %add3A_332 : i32 to index
      %swap3A_373 = arith.constant 16 : index
      %swap3A_374 = tpu.vector_load %arg8[%swap3A_372, %swap3A_373] {strides = array<i32>} : memref<158x128xi32, #tpu.memory_space<vmem>>, vector<1x16xi32>,
      %swap3A_375 = vector.shape_cast %swap3A_374 : vector<1x16xi32> to vector<16xi32>
      %swap3A_376 = vector.shape_cast %select_n3A_371 : vector<16xi32> to vector<1x16xi32>
      tpu.vector_store %arg8[%swap3A_372, %swap3A_373], %swap3A_376 {strides = array<i32>} : memref<158x128xi32, #tpu.memory_space<vmem>>, vector<1x16xi32>,
      %get3A_377 = arith.index_cast %add3A_332 : i32 to index
      %get3A_378 = arith.constant 32 : index
      %get3A_379 = tpu.vector_load %arg8[%get3A_377, %get3A_378] {strides = array<i32>} : memref<158x128xi32, #tpu.memory_space<vmem>>, vector<1x16xi32>,
      %get3A_380 = vector.shape_cast %get3A_379 : vector<1x16xi32> to vector<16xi32>
      %sub3A_381 = vector.broadcast %mul3A_0 : i32 to vector<16xi32>
      %sub3A_382 = arith.subi %get3A_380, %sub3A_381 : vector<16xi32>
      %ge3A_383 = arith.constant 0 : i32
      %ge3A_384 = vector.broadcast %ge3A_383 : i32 to vector<16xi32>
      %ge3A_385 = arith.cmpi sge, %sub3A_382, %ge3A_384 : vector<16xi32>
      %lt3A_386 = arith.constant 5000 : i32
      %lt3A_387 = vector.broadcast %lt3A_386 : i32 to vector<16xi32>
      %lt3A_388 = arith.cmpi slt, %sub3A_382, %lt3A_387 : vector<16xi32>
      %and3A_389 = arith.andi %ge3A_385, %lt3A_388 : vector<16xi1>
      %add3A_390 = arith.constant 5160 : i32
      %add3A_391 = vector.broadcast %add3A_390 : i32 to vector<16xi32>
      %add3A_392 = arith.addi %add3A_391, %iota3A : vector<16xi32>
      %select_n3A_393 = arith.select %and3A_389, %sub3A_382, %add3A_392 : vector<16xi1>, vector<16xi32>
      %swap3A_394 = arith.index_cast %add3A_332 : i32 to index
      %swap3A_395 = arith.constant 32 : index
      %swap3A_396 = tpu.vector_load %arg8[%swap3A_394, %swap3A_395] {strides = array<i32>} : memref<158x128xi32, #tpu.memory_space<vmem>>, vector<1x16xi32>,
      %swap3A_397 = vector.shape_cast %swap3A_396 : vector<1x16xi32> to vector<16xi32>
      %swap3A_398 = vector.shape_cast %select_n3A_393 : vector<16xi32> to vector<1x16xi32>
      tpu.vector_store %arg8[%swap3A_394, %swap3A_395], %swap3A_398 {strides = array<i32>} : memref<158x128xi32, #tpu.memory_space<vmem>>, vector<1x16xi32>,
      %get3A_399 = arith.index_cast %add3A_332 : i32 to index
      %get3A_400 = arith.constant 48 : index
      %get3A_401 = tpu.vector_load %arg8[%get3A_399, %get3A_400] {strides = array<i32>} : memref<158x128xi32, #tpu.memory_space<vmem>>, vector<1x16xi32>,
      %get3A_402 = vector.shape_cast %get3A_401 : vector<1x16xi32> to vector<16xi32>
      %sub3A_403 = vector.broadcast %mul3A_0 : i32 to vector<16xi32>
      %sub3A_404 = arith.subi %get3A_402, %sub3A_403 : vector<16xi32>
      %ge3A_405 = arith.constant 0 : i32
      %ge3A_406 = vector.broadcast %ge3A_405 : i32 to vector<16xi32>
      %ge3A_407 = arith.cmpi sge, %sub3A_404, %ge3A_406 : vector<16xi32>
      %lt3A_408 = arith.constant 5000 : i32
      %lt3A_409 = vector.broadcast %lt3A_408 : i32 to vector<16xi32>
      %lt3A_410 = arith.cmpi slt, %sub3A_404, %lt3A_409 : vector<16xi32>
      %and3A_411 = arith.andi %ge3A_407, %lt3A_410 : vector<16xi1>
      %add3A_412 = arith.constant 5176 : i32
      %add3A_413 = vector.broadcast %add3A_412 : i32 to vector<16xi32>
      %add3A_414 = arith.addi %add3A_413, %iota3A : vector<16xi32>
      %select_n3A_415 = arith.select %and3A_411, %sub3A_404, %add3A_414 : vector<16xi1>, vector<16xi32>
      %swap3A_416 = arith.index_cast %add3A_332 : i32 to index
      %swap3A_417 = arith.constant 48 : index
      %swap3A_418 = tpu.vector_load %arg8[%swap3A_416, %swap3A_417] {strides = array<i32>} : memref<158x128xi32, #tpu.memory_space<vmem>>, vector<1x16xi32>,
      %swap3A_419 = vector.shape_cast %swap3A_418 : vector<1x16xi32> to vector<16xi32>
      %swap3A_420 = vector.shape_cast %select_n3A_415 : vector<16xi32> to vector<1x16xi32>
      tpu.vector_store %arg8[%swap3A_416, %swap3A_417], %swap3A_420 {strides = array<i32>} : memref<158x128xi32, #tpu.memory_space<vmem>>, vector<1x16xi32>,
      %get3A_421 = arith.index_cast %add3A_332 : i32 to index
      %get3A_422 = arith.constant 64 : index
      %get3A_423 = tpu.vector_load %arg8[%get3A_421, %get3A_422] {strides = array<i32>} : memref<158x128xi32, #tpu.memory_space<vmem>>, vector<1x16xi32>,
      %get3A_424 = vector.shape_cast %get3A_423 : vector<1x16xi32> to vector<16xi32>
      %sub3A_425 = vector.broadcast %mul3A_0 : i32 to vector<16xi32>
      %sub3A_426 = arith.subi %get3A_424, %sub3A_425 : vector<16xi32>
      %ge3A_427 = arith.constant 0 : i32
      %ge3A_428 = vector.broadcast %ge3A_427 : i32 to vector<16xi32>
      %ge3A_429 = arith.cmpi sge, %sub3A_426, %ge3A_428 : vector<16xi32>
      %lt3A_430 = arith.constant 5000 : i32
      %lt3A_431 = vector.broadcast %lt3A_430 : i32 to vector<16xi32>
      %lt3A_432 = arith.cmpi slt, %sub3A_426, %lt3A_431 : vector<16xi32>
      %and3A_433 = arith.andi %ge3A_429, %lt3A_432 : vector<16xi1>
      %add3A_434 = arith.constant 5192 : i32
      %add3A_435 = vector.broadcast %add3A_434 : i32 to vector<16xi32>
      %add3A_436 = arith.addi %add3A_435, %iota3A : vector<16xi32>
      %select_n3A_437 = arith.select %and3A_433, %sub3A_426, %add3A_436 : vector<16xi1>, vector<16xi32>
      %swap3A_438 = arith.index_cast %add3A_332 : i32 to index
      %swap3A_439 = arith.constant 64 : index
      %swap3A_440 = tpu.vector_load %arg8[%swap3A_438, %swap3A_439] {strides = array<i32>} : memref<158x128xi32, #tpu.memory_space<vmem>>, vector<1x16xi32>,
      %swap3A_441 = vector.shape_cast %swap3A_440 : vector<1x16xi32> to vector<16xi32>
      %swap3A_442 = vector.shape_cast %select_n3A_437 : vector<16xi32> to vector<1x16xi32>
      tpu.vector_store %arg8[%swap3A_438, %swap3A_439], %swap3A_442 {strides = array<i32>} : memref<158x128xi32, #tpu.memory_space<vmem>>, vector<1x16xi32>,
      %get3A_443 = arith.index_cast %add3A_332 : i32 to index
      %get3A_444 = arith.constant 80 : index
      %get3A_445 = tpu.vector_load %arg8[%get3A_443, %get3A_444] {strides = array<i32>} : memref<158x128xi32, #tpu.memory_space<vmem>>, vector<1x16xi32>,
      %get3A_446 = vector.shape_cast %get3A_445 : vector<1x16xi32> to vector<16xi32>
      %sub3A_447 = vector.broadcast %mul3A_0 : i32 to vector<16xi32>
      %sub3A_448 = arith.subi %get3A_446, %sub3A_447 : vector<16xi32>
      %ge3A_449 = arith.constant 0 : i32
      %ge3A_450 = vector.broadcast %ge3A_449 : i32 to vector<16xi32>
      %ge3A_451 = arith.cmpi sge, %sub3A_448, %ge3A_450 : vector<16xi32>
      %lt3A_452 = arith.constant 5000 : i32
      %lt3A_453 = vector.broadcast %lt3A_452 : i32 to vector<16xi32>
      %lt3A_454 = arith.cmpi slt, %sub3A_448, %lt3A_453 : vector<16xi32>
      %and3A_455 = arith.andi %ge3A_451, %lt3A_454 : vector<16xi1>
      %add3A_456 = arith.constant 5208 : i32
      %add3A_457 = vector.broadcast %add3A_456 : i32 to vector<16xi32>
      %add3A_458 = arith.addi %add3A_457, %iota3A : vector<16xi32>
      %select_n3A_459 = arith.select %and3A_455, %sub3A_448, %add3A_458 : vector<16xi1>, vector<16xi32>
      %swap3A_460 = arith.index_cast %add3A_332 : i32 to index
      %swap3A_461 = arith.constant 80 : index
      %swap3A_462 = tpu.vector_load %arg8[%swap3A_460, %swap3A_461] {strides = array<i32>} : memref<158x128xi32, #tpu.memory_space<vmem>>, vector<1x16xi32>,
      %swap3A_463 = vector.shape_cast %swap3A_462 : vector<1x16xi32> to vector<16xi32>
      %swap3A_464 = vector.shape_cast %select_n3A_459 : vector<16xi32> to vector<1x16xi32>
      tpu.vector_store %arg8[%swap3A_460, %swap3A_461], %swap3A_464 {strides = array<i32>} : memref<158x128xi32, #tpu.memory_space<vmem>>, vector<1x16xi32>,
      %get3A_465 = arith.index_cast %add3A_332 : i32 to index
      %get3A_466 = arith.constant 96 : index
      %get3A_467 = tpu.vector_load %arg8[%get3A_465, %get3A_466] {strides = array<i32>} : memref<158x128xi32, #tpu.memory_space<vmem>>, vector<1x16xi32>,
      %get3A_468 = vector.shape_cast %get3A_467 : vector<1x16xi32> to vector<16xi32>
      %sub3A_469 = vector.broadcast %mul3A_0 : i32 to vector<16xi32>
      %sub3A_470 = arith.subi %get3A_468, %sub3A_469 : vector<16xi32>
      %ge3A_471 = arith.constant 0 : i32
      %ge3A_472 = vector.broadcast %ge3A_471 : i32 to vector<16xi32>
      %ge3A_473 = arith.cmpi sge, %sub3A_470, %ge3A_472 : vector<16xi32>
      %lt3A_474 = arith.constant 5000 : i32
      %lt3A_475 = vector.broadcast %lt3A_474 : i32 to vector<16xi32>
      %lt3A_476 = arith.cmpi slt, %sub3A_470, %lt3A_475 : vector<16xi32>
      %and3A_477 = arith.andi %ge3A_473, %lt3A_476 : vector<16xi1>
      %add3A_478 = arith.constant 5224 : i32
      %add3A_479 = vector.broadcast %add3A_478 : i32 to vector<16xi32>
      %add3A_480 = arith.addi %add3A_479, %iota3A : vector<16xi32>
      %select_n3A_481 = arith.select %and3A_477, %sub3A_470, %add3A_480 : vector<16xi1>, vector<16xi32>
      %swap3A_482 = arith.index_cast %add3A_332 : i32 to index
      %swap3A_483 = arith.constant 96 : index
      %swap3A_484 = tpu.vector_load %arg8[%swap3A_482, %swap3A_483] {strides = array<i32>} : memref<158x128xi32, #tpu.memory_space<vmem>>, vector<1x16xi32>,
      %swap3A_485 = vector.shape_cast %swap3A_484 : vector<1x16xi32> to vector<16xi32>
      %swap3A_486 = vector.shape_cast %select_n3A_481 : vector<16xi32> to vector<1x16xi32>
      tpu.vector_store %arg8[%swap3A_482, %swap3A_483], %swap3A_486 {strides = array<i32>} : memref<158x128xi32, #tpu.memory_space<vmem>>, vector<1x16xi32>,
      %get3A_487 = arith.index_cast %add3A_332 : i32 to index
      %get3A_488 = arith.constant 112 : index
      %get3A_489 = tpu.vector_load %arg8[%get3A_487, %get3A_488] {strides = array<i32>} : memref<158x128xi32, #tpu.memory_space<vmem>>, vector<1x16xi32>,
      %get3A_490 = vector.shape_cast %get3A_489 : vector<1x16xi32> to vector<16xi32>
      %sub3A_491 = vector.broadcast %mul3A_0 : i32 to vector<16xi32>
      %sub3A_492 = arith.subi %get3A_490, %sub3A_491 : vector<16xi32>
      %ge3A_493 = arith.constant 0 : i32
      %ge3A_494 = vector.broadcast %ge3A_493 : i32 to vector<16xi32>
      %ge3A_495 = arith.cmpi sge, %sub3A_492, %ge3A_494 : vector<16xi32>
      %lt3A_496 = arith.constant 5000 : i32
      %lt3A_497 = vector.broadcast %lt3A_496 : i32 to vector<16xi32>
      %lt3A_498 = arith.cmpi slt, %sub3A_492, %lt3A_497 : vector<16xi32>
      %and3A_499 = arith.andi %ge3A_495, %lt3A_498 : vector<16xi1>
      %add3A_500 = arith.constant 5240 : i32
      %add3A_501 = vector.broadcast %add3A_500 : i32 to vector<16xi32>
      %add3A_502 = arith.addi %add3A_501, %iota3A : vector<16xi32>
      %select_n3A_503 = arith.select %and3A_499, %sub3A_492, %add3A_502 : vector<16xi1>, vector<16xi32>
      %swap3A_504 = arith.index_cast %add3A_332 : i32 to index
      %swap3A_505 = arith.constant 112 : index
      %swap3A_506 = tpu.vector_load %arg8[%swap3A_504, %swap3A_505] {strides = array<i32>} : memref<158x128xi32, #tpu.memory_space<vmem>>, vector<1x16xi32>,
      %swap3A_507 = vector.shape_cast %swap3A_506 : vector<1x16xi32> to vector<16xi32>
      %swap3A_508 = vector.shape_cast %select_n3A_503 : vector<16xi32> to vector<1x16xi32>
      tpu.vector_store %arg8[%swap3A_504, %swap3A_505], %swap3A_508 {strides = array<i32>} : memref<158x128xi32, #tpu.memory_space<vmem>>, vector<1x16xi32>,
    }
    %scan3A_5 = arith.constant 79 : i32
    "tpu.region"() ({
      %run_scoped3A = tpu.sem_alloc : memref<!tpu.dma_semaphore, #tpu.memory_space<semaphore_mem>>
      tpu.enqueue_dma source(%arg5 : memref<40x128xf32, #tpu.memory_space<hbm>>) target(%arg11 : memref<40x128xf32, #tpu.memory_space<vmem>>) target_semaphore(%run_scoped3A : memref<!tpu.dma_semaphore, #tpu.memory_space<semaphore_mem>>)
      tpu.wait_dma2 semaphore(%run_scoped3A : memref<!tpu.dma_semaphore, #tpu.memory_space<semaphore_mem>>) src(%arg5 : memref<40x128xf32, #tpu.memory_space<hbm>>) dst(%arg11 : memref<40x128xf32, #tpu.memory_space<vmem>>)
      tpu.yield
    }) : () -> ()
    %add3A = arith.constant 0 : i32
    %add3A_6 = arith.addi %arg1, %add3A : i32
    %lt3A = arith.constant 132 : i32
    %lt3A_7 = arith.cmpi slt, %add3A_6, %lt3A : i32
    %convert_element_type3A = arith.extui %lt3A_7 : i1 to i32
    %cond3A = arith.constant 0 : i32
    %cond3A_8 = arith.cmpi ne, %convert_element_type3A, %cond3A : i32
    scf.if %cond3A_8 {
      %mul3A_154 = arith.constant 40 : i32
      %mul3A_155 = arith.muli %add3A_6, %mul3A_154 : i32
      "tpu.region"() ({
        %run_scoped3A = tpu.sem_alloc : memref<!tpu.dma_semaphore, #tpu.memory_space<semaphore_mem>>
        %dma_start3A_156 = arith.constant 0 : i32
        %dma_start3A_157 = tpu.memref_slice %arg12[%mul3A_155, %dma_start3A_156] : memref<5280x128xf32, #tpu.memory_space<vmem_shared>> -> memref<40x128xf32, #tpu.memory_space<vmem_shared>>
        %dma_start3A_158 = arith.constant 0 : i32
        %dma_start3A_159 = tpu.memref_slice %arg12[%mul3A_155, %dma_start3A_158] : memref<5280x128xf32, #tpu.memory_space<vmem_shared>> -> memref<40x128xf32, #tpu.memory_space<vmem_shared>>
        tpu.enqueue_dma source(%arg11 : memref<40x128xf32, #tpu.memory_space<vmem>>) target(%dma_start3A_159 : memref<40x128xf32, #tpu.memory_space<vmem_shared>>) target_semaphore(%run_scoped3A : memref<!tpu.dma_semaphore, #tpu.memory_space<semaphore_mem>>)
        %dma_wait3A_160 = arith.constant 0 : i32
        %dma_wait3A_161 = tpu.memref_slice %arg12[%mul3A_155, %dma_wait3A_160] : memref<5280x128xf32, #tpu.memory_space<vmem_shared>> -> memref<40x128xf32, #tpu.memory_space<vmem_shared>>
        %dma_wait3A_162 = arith.constant 0 : i32
        %dma_wait3A_163 = tpu.memref_slice %arg12[%mul3A_155, %dma_wait3A_162] : memref<5280x128xf32, #tpu.memory_space<vmem_shared>> -> memref<40x128xf32, #tpu.memory_space<vmem_shared>>
        tpu.wait_dma2 semaphore(%run_scoped3A : memref<!tpu.dma_semaphore, #tpu.memory_space<semaphore_mem>>) src(%arg11 : memref<40x128xf32, #tpu.memory_space<vmem>>) dst(%dma_wait3A_163 : memref<40x128xf32, #tpu.memory_space<vmem_shared>>)
        tpu.yield
      }) : () -> ()
    } else {
    }
    %add3A_9 = arith.constant 16 : i32
    %add3A_10 = arith.addi %arg1, %add3A_9 : i32
    %lt3A_11 = arith.constant 132 : i32
    %lt3A_12 = arith.cmpi slt, %add3A_10, %lt3A_11 : i32
    %convert_element_type3A_13 = arith.extui %lt3A_12 : i1 to i32
    %cond3A_14 = arith.constant 0 : i32
    %cond3A_15 = arith.cmpi ne, %convert_element_type3A_13, %cond3A_14 : i32
    scf.if %cond3A_15 {
      %mul3A_154 = arith.constant 40 : i32
      %mul3A_155 = arith.muli %add3A_10, %mul3A_154 : i32
      "tpu.region"() ({
        %run_scoped3A = tpu.sem_alloc : memref<!tpu.dma_semaphore, #tpu.memory_space<semaphore_mem>>
        %dma_start3A_156 = arith.constant 0 : i32
        %dma_start3A_157 = tpu.memref_slice %arg12[%mul3A_155, %dma_start3A_156] : memref<5280x128xf32, #tpu.memory_space<vmem_shared>> -> memref<40x128xf32, #tpu.memory_space<vmem_shared>>
        %dma_start3A_158 = arith.constant 0 : i32
        %dma_start3A_159 = tpu.memref_slice %arg12[%mul3A_155, %dma_start3A_158] : memref<5280x128xf32, #tpu.memory_space<vmem_shared>> -> memref<40x128xf32, #tpu.memory_space<vmem_shared>>
        tpu.enqueue_dma source(%arg11 : memref<40x128xf32, #tpu.memory_space<vmem>>) target(%dma_start3A_159 : memref<40x128xf32, #tpu.memory_space<vmem_shared>>) target_semaphore(%run_scoped3A : memref<!tpu.dma_semaphore, #tpu.memory_space<semaphore_mem>>)
        %dma_wait3A_160 = arith.constant 0 : i32
        %dma_wait3A_161 = tpu.memref_slice %arg12[%mul3A_155, %dma_wait3A_160] : memref<5280x128xf32, #tpu.memory_space<vmem_shared>> -> memref<40x128xf32, #tpu.memory_space<vmem_shared>>
        %dma_wait3A_162 = arith.constant 0 : i32
        %dma_wait3A_163 = tpu.memref_slice %arg12[%mul3A_155, %dma_wait3A_162] : memref<5280x128xf32, #tpu.memory_space<vmem_shared>> -> memref<40x128xf32, #tpu.memory_space<vmem_shared>>
        tpu.wait_dma2 semaphore(%run_scoped3A : memref<!tpu.dma_semaphore, #tpu.memory_space<semaphore_mem>>) src(%arg11 : memref<40x128xf32, #tpu.memory_space<vmem>>) dst(%dma_wait3A_163 : memref<40x128xf32, #tpu.memory_space<vmem_shared>>)
        tpu.yield
      }) : () -> ()
    } else {
    }
    %add3A_16 = arith.constant 32 : i32
    %add3A_17 = arith.addi %arg1, %add3A_16 : i32
    %lt3A_18 = arith.constant 132 : i32
    %lt3A_19 = arith.cmpi slt, %add3A_17, %lt3A_18 : i32
    %convert_element_type3A_20 = arith.extui %lt3A_19 : i1 to i32
    %cond3A_21 = arith.constant 0 : i32
    %cond3A_22 = arith.cmpi ne, %convert_element_type3A_20, %cond3A_21 : i32
    scf.if %cond3A_22 {
      %mul3A_154 = arith.constant 40 : i32
      %mul3A_155 = arith.muli %add3A_17, %mul3A_154 : i32
      "tpu.region"() ({
        %run_scoped3A = tpu.sem_alloc : memref<!tpu.dma_semaphore, #tpu.memory_space<semaphore_mem>>
        %dma_start3A_156 = arith.constant 0 : i32
        %dma_start3A_157 = tpu.memref_slice %arg12[%mul3A_155, %dma_start3A_156] : memref<5280x128xf32, #tpu.memory_space<vmem_shared>> -> memref<40x128xf32, #tpu.memory_space<vmem_shared>>
        %dma_start3A_158 = arith.constant 0 : i32
        %dma_start3A_159 = tpu.memref_slice %arg12[%mul3A_155, %dma_start3A_158] : memref<5280x128xf32, #tpu.memory_space<vmem_shared>> -> memref<40x128xf32, #tpu.memory_space<vmem_shared>>
        tpu.enqueue_dma source(%arg11 : memref<40x128xf32, #tpu.memory_space<vmem>>) target(%dma_start3A_159 : memref<40x128xf32, #tpu.memory_space<vmem_shared>>) target_semaphore(%run_scoped3A : memref<!tpu.dma_semaphore, #tpu.memory_space<semaphore_mem>>)
        %dma_wait3A_160 = arith.constant 0 : i32
        %dma_wait3A_161 = tpu.memref_slice %arg12[%mul3A_155, %dma_wait3A_160] : memref<5280x128xf32, #tpu.memory_space<vmem_shared>> -> memref<40x128xf32, #tpu.memory_space<vmem_shared>>
        %dma_wait3A_162 = arith.constant 0 : i32
        %dma_wait3A_163 = tpu.memref_slice %arg12[%mul3A_155, %dma_wait3A_162] : memref<5280x128xf32, #tpu.memory_space<vmem_shared>> -> memref<40x128xf32, #tpu.memory_space<vmem_shared>>
        tpu.wait_dma2 semaphore(%run_scoped3A : memref<!tpu.dma_semaphore, #tpu.memory_space<semaphore_mem>>) src(%arg11 : memref<40x128xf32, #tpu.memory_space<vmem>>) dst(%dma_wait3A_163 : memref<40x128xf32, #tpu.memory_space<vmem_shared>>)
        tpu.yield
      }) : () -> ()
    } else {
    }
    %add3A_23 = arith.constant 48 : i32
    %add3A_24 = arith.addi %arg1, %add3A_23 : i32
    %lt3A_25 = arith.constant 132 : i32
    %lt3A_26 = arith.cmpi slt, %add3A_24, %lt3A_25 : i32
    %convert_element_type3A_27 = arith.extui %lt3A_26 : i1 to i32
    %cond3A_28 = arith.constant 0 : i32
    %cond3A_29 = arith.cmpi ne, %convert_element_type3A_27, %cond3A_28 : i32
    scf.if %cond3A_29 {
      %mul3A_154 = arith.constant 40 : i32
      %mul3A_155 = arith.muli %add3A_24, %mul3A_154 : i32
      "tpu.region"() ({
        %run_scoped3A = tpu.sem_alloc : memref<!tpu.dma_semaphore, #tpu.memory_space<semaphore_mem>>
        %dma_start3A_156 = arith.constant 0 : i32
        %dma_start3A_157 = tpu.memref_slice %arg12[%mul3A_155, %dma_start3A_156] : memref<5280x128xf32, #tpu.memory_space<vmem_shared>> -> memref<40x128xf32, #tpu.memory_space<vmem_shared>>
        %dma_start3A_158 = arith.constant 0 : i32
        %dma_start3A_159 = tpu.memref_slice %arg12[%mul3A_155, %dma_start3A_158] : memref<5280x128xf32, #tpu.memory_space<vmem_shared>> -> memref<40x128xf32, #tpu.memory_space<vmem_shared>>
        tpu.enqueue_dma source(%arg11 : memref<40x128xf32, #tpu.memory_space<vmem>>) target(%dma_start3A_159 : memref<40x128xf32, #tpu.memory_space<vmem_shared>>) target_semaphore(%run_scoped3A : memref<!tpu.dma_semaphore, #tpu.memory_space<semaphore_mem>>)
        %dma_wait3A_160 = arith.constant 0 : i32
        %dma_wait3A_161 = tpu.memref_slice %arg12[%mul3A_155, %dma_wait3A_160] : memref<5280x128xf32, #tpu.memory_space<vmem_shared>> -> memref<40x128xf32, #tpu.memory_space<vmem_shared>>
        %dma_wait3A_162 = arith.constant 0 : i32
        %dma_wait3A_163 = tpu.memref_slice %arg12[%mul3A_155, %dma_wait3A_162] : memref<5280x128xf32, #tpu.memory_space<vmem_shared>> -> memref<40x128xf32, #tpu.memory_space<vmem_shared>>
        tpu.wait_dma2 semaphore(%run_scoped3A : memref<!tpu.dma_semaphore, #tpu.memory_space<semaphore_mem>>) src(%arg11 : memref<40x128xf32, #tpu.memory_space<vmem>>) dst(%dma_wait3A_163 : memref<40x128xf32, #tpu.memory_space<vmem_shared>>)
        tpu.yield
      }) : () -> ()
    } else {
    }
    %add3A_30 = arith.constant 64 : i32
    %add3A_31 = arith.addi %arg1, %add3A_30 : i32
    %lt3A_32 = arith.constant 132 : i32
    %lt3A_33 = arith.cmpi slt, %add3A_31, %lt3A_32 : i32
    %convert_element_type3A_34 = arith.extui %lt3A_33 : i1 to i32
    %cond3A_35 = arith.constant 0 : i32
    %cond3A_36 = arith.cmpi ne, %convert_element_type3A_34, %cond3A_35 : i32
    scf.if %cond3A_36 {
      %mul3A_154 = arith.constant 40 : i32
      %mul3A_155 = arith.muli %add3A_31, %mul3A_154 : i32
      "tpu.region"() ({
        %run_scoped3A = tpu.sem_alloc : memref<!tpu.dma_semaphore, #tpu.memory_space<semaphore_mem>>
        %dma_start3A_156 = arith.constant 0 : i32
        %dma_start3A_157 = tpu.memref_slice %arg12[%mul3A_155, %dma_start3A_156] : memref<5280x128xf32, #tpu.memory_space<vmem_shared>> -> memref<40x128xf32, #tpu.memory_space<vmem_shared>>
        %dma_start3A_158 = arith.constant 0 : i32
        %dma_start3A_159 = tpu.memref_slice %arg12[%mul3A_155, %dma_start3A_158] : memref<5280x128xf32, #tpu.memory_space<vmem_shared>> -> memref<40x128xf32, #tpu.memory_space<vmem_shared>>
        tpu.enqueue_dma source(%arg11 : memref<40x128xf32, #tpu.memory_space<vmem>>) target(%dma_start3A_159 : memref<40x128xf32, #tpu.memory_space<vmem_shared>>) target_semaphore(%run_scoped3A : memref<!tpu.dma_semaphore, #tpu.memory_space<semaphore_mem>>)
        %dma_wait3A_160 = arith.constant 0 : i32
        %dma_wait3A_161 = tpu.memref_slice %arg12[%mul3A_155, %dma_wait3A_160] : memref<5280x128xf32, #tpu.memory_space<vmem_shared>> -> memref<40x128xf32, #tpu.memory_space<vmem_shared>>
        %dma_wait3A_162 = arith.constant 0 : i32
        %dma_wait3A_163 = tpu.memref_slice %arg12[%mul3A_155, %dma_wait3A_162] : memref<5280x128xf32, #tpu.memory_space<vmem_shared>> -> memref<40x128xf32, #tpu.memory_space<vmem_shared>>
        tpu.wait_dma2 semaphore(%run_scoped3A : memref<!tpu.dma_semaphore, #tpu.memory_space<semaphore_mem>>) src(%arg11 : memref<40x128xf32, #tpu.memory_space<vmem>>) dst(%dma_wait3A_163 : memref<40x128xf32, #tpu.memory_space<vmem_shared>>)
        tpu.yield
      }) : () -> ()
    } else {
    }
    %add3A_37 = arith.constant 80 : i32
    %add3A_38 = arith.addi %arg1, %add3A_37 : i32
    %lt3A_39 = arith.constant 132 : i32
    %lt3A_40 = arith.cmpi slt, %add3A_38, %lt3A_39 : i32
    %convert_element_type3A_41 = arith.extui %lt3A_40 : i1 to i32
    %cond3A_42 = arith.constant 0 : i32
    %cond3A_43 = arith.cmpi ne, %convert_element_type3A_41, %cond3A_42 : i32
    scf.if %cond3A_43 {
      %mul3A_154 = arith.constant 40 : i32
      %mul3A_155 = arith.muli %add3A_38, %mul3A_154 : i32
      "tpu.region"() ({
        %run_scoped3A = tpu.sem_alloc : memref<!tpu.dma_semaphore, #tpu.memory_space<semaphore_mem>>
        %dma_start3A_156 = arith.constant 0 : i32
        %dma_start3A_157 = tpu.memref_slice %arg12[%mul3A_155, %dma_start3A_156] : memref<5280x128xf32, #tpu.memory_space<vmem_shared>> -> memref<40x128xf32, #tpu.memory_space<vmem_shared>>
        %dma_start3A_158 = arith.constant 0 : i32
        %dma_start3A_159 = tpu.memref_slice %arg12[%mul3A_155, %dma_start3A_158] : memref<5280x128xf32, #tpu.memory_space<vmem_shared>> -> memref<40x128xf32, #tpu.memory_space<vmem_shared>>
        tpu.enqueue_dma source(%arg11 : memref<40x128xf32, #tpu.memory_space<vmem>>) target(%dma_start3A_159 : memref<40x128xf32, #tpu.memory_space<vmem_shared>>) target_semaphore(%run_scoped3A : memref<!tpu.dma_semaphore, #tpu.memory_space<semaphore_mem>>)
        %dma_wait3A_160 = arith.constant 0 : i32
        %dma_wait3A_161 = tpu.memref_slice %arg12[%mul3A_155, %dma_wait3A_160] : memref<5280x128xf32, #tpu.memory_space<vmem_shared>> -> memref<40x128xf32, #tpu.memory_space<vmem_shared>>
        %dma_wait3A_162 = arith.constant 0 : i32
        %dma_wait3A_163 = tpu.memref_slice %arg12[%mul3A_155, %dma_wait3A_162] : memref<5280x128xf32, #tpu.memory_space<vmem_shared>> -> memref<40x128xf32, #tpu.memory_space<vmem_shared>>
        tpu.wait_dma2 semaphore(%run_scoped3A : memref<!tpu.dma_semaphore, #tpu.memory_space<semaphore_mem>>) src(%arg11 : memref<40x128xf32, #tpu.memory_space<vmem>>) dst(%dma_wait3A_163 : memref<40x128xf32, #tpu.memory_space<vmem_shared>>)
        tpu.yield
      }) : () -> ()
    } else {
    }
    %add3A_44 = arith.constant 96 : i32
    %add3A_45 = arith.addi %arg1, %add3A_44 : i32
    %lt3A_46 = arith.constant 132 : i32
    %lt3A_47 = arith.cmpi slt, %add3A_45, %lt3A_46 : i32
    %convert_element_type3A_48 = arith.extui %lt3A_47 : i1 to i32
    %cond3A_49 = arith.constant 0 : i32
    %cond3A_50 = arith.cmpi ne, %convert_element_type3A_48, %cond3A_49 : i32
    scf.if %cond3A_50 {
      %mul3A_154 = arith.constant 40 : i32
      %mul3A_155 = arith.muli %add3A_45, %mul3A_154 : i32
      "tpu.region"() ({
        %run_scoped3A = tpu.sem_alloc : memref<!tpu.dma_semaphore, #tpu.memory_space<semaphore_mem>>
        %dma_start3A_156 = arith.constant 0 : i32
        %dma_start3A_157 = tpu.memref_slice %arg12[%mul3A_155, %dma_start3A_156] : memref<5280x128xf32, #tpu.memory_space<vmem_shared>> -> memref<40x128xf32, #tpu.memory_space<vmem_shared>>
        %dma_start3A_158 = arith.constant 0 : i32
        %dma_start3A_159 = tpu.memref_slice %arg12[%mul3A_155, %dma_start3A_158] : memref<5280x128xf32, #tpu.memory_space<vmem_shared>> -> memref<40x128xf32, #tpu.memory_space<vmem_shared>>
        tpu.enqueue_dma source(%arg11 : memref<40x128xf32, #tpu.memory_space<vmem>>) target(%dma_start3A_159 : memref<40x128xf32, #tpu.memory_space<vmem_shared>>) target_semaphore(%run_scoped3A : memref<!tpu.dma_semaphore, #tpu.memory_space<semaphore_mem>>)
        %dma_wait3A_160 = arith.constant 0 : i32
        %dma_wait3A_161 = tpu.memref_slice %arg12[%mul3A_155, %dma_wait3A_160] : memref<5280x128xf32, #tpu.memory_space<vmem_shared>> -> memref<40x128xf32, #tpu.memory_space<vmem_shared>>
        %dma_wait3A_162 = arith.constant 0 : i32
        %dma_wait3A_163 = tpu.memref_slice %arg12[%mul3A_155, %dma_wait3A_162] : memref<5280x128xf32, #tpu.memory_space<vmem_shared>> -> memref<40x128xf32, #tpu.memory_space<vmem_shared>>
        tpu.wait_dma2 semaphore(%run_scoped3A : memref<!tpu.dma_semaphore, #tpu.memory_space<semaphore_mem>>) src(%arg11 : memref<40x128xf32, #tpu.memory_space<vmem>>) dst(%dma_wait3A_163 : memref<40x128xf32, #tpu.memory_space<vmem_shared>>)
        tpu.yield
      }) : () -> ()
    } else {
    }
    %add3A_51 = arith.constant 112 : i32
    %add3A_52 = arith.addi %arg1, %add3A_51 : i32
    %lt3A_53 = arith.constant 132 : i32
    %lt3A_54 = arith.cmpi slt, %add3A_52, %lt3A_53 : i32
    %convert_element_type3A_55 = arith.extui %lt3A_54 : i1 to i32
    %cond3A_56 = arith.constant 0 : i32
    %cond3A_57 = arith.cmpi ne, %convert_element_type3A_55, %cond3A_56 : i32
    scf.if %cond3A_57 {
      %mul3A_154 = arith.constant 40 : i32
      %mul3A_155 = arith.muli %add3A_52, %mul3A_154 : i32
      "tpu.region"() ({
        %run_scoped3A = tpu.sem_alloc : memref<!tpu.dma_semaphore, #tpu.memory_space<semaphore_mem>>
        %dma_start3A_156 = arith.constant 0 : i32
        %dma_start3A_157 = tpu.memref_slice %arg12[%mul3A_155, %dma_start3A_156] : memref<5280x128xf32, #tpu.memory_space<vmem_shared>> -> memref<40x128xf32, #tpu.memory_space<vmem_shared>>
        %dma_start3A_158 = arith.constant 0 : i32
        %dma_start3A_159 = tpu.memref_slice %arg12[%mul3A_155, %dma_start3A_158] : memref<5280x128xf32, #tpu.memory_space<vmem_shared>> -> memref<40x128xf32, #tpu.memory_space<vmem_shared>>
        tpu.enqueue_dma source(%arg11 : memref<40x128xf32, #tpu.memory_space<vmem>>) target(%dma_start3A_159 : memref<40x128xf32, #tpu.memory_space<vmem_shared>>) target_semaphore(%run_scoped3A : memref<!tpu.dma_semaphore, #tpu.memory_space<semaphore_mem>>)
        %dma_wait3A_160 = arith.constant 0 : i32
        %dma_wait3A_161 = tpu.memref_slice %arg12[%mul3A_155, %dma_wait3A_160] : memref<5280x128xf32, #tpu.memory_space<vmem_shared>> -> memref<40x128xf32, #tpu.memory_space<vmem_shared>>
        %dma_wait3A_162 = arith.constant 0 : i32
        %dma_wait3A_163 = tpu.memref_slice %arg12[%mul3A_155, %dma_wait3A_162] : memref<5280x128xf32, #tpu.memory_space<vmem_shared>> -> memref<40x128xf32, #tpu.memory_space<vmem_shared>>
        tpu.wait_dma2 semaphore(%run_scoped3A : memref<!tpu.dma_semaphore, #tpu.memory_space<semaphore_mem>>) src(%arg11 : memref<40x128xf32, #tpu.memory_space<vmem>>) dst(%dma_wait3A_163 : memref<40x128xf32, #tpu.memory_space<vmem_shared>>)
        tpu.yield
      }) : () -> ()
    } else {
    }
    %add3A_58 = arith.constant 128 : i32
    %add3A_59 = arith.addi %arg1, %add3A_58 : i32
    %lt3A_60 = arith.constant 132 : i32
    %lt3A_61 = arith.cmpi slt, %add3A_59, %lt3A_60 : i32
    %convert_element_type3A_62 = arith.extui %lt3A_61 : i1 to i32
    %cond3A_63 = arith.constant 0 : i32
    %cond3A_64 = arith.cmpi ne, %convert_element_type3A_62, %cond3A_63 : i32
    scf.if %cond3A_64 {
      %mul3A_154 = arith.constant 40 : i32
      %mul3A_155 = arith.muli %add3A_59, %mul3A_154 : i32
      "tpu.region"() ({
        %run_scoped3A = tpu.sem_alloc : memref<!tpu.dma_semaphore, #tpu.memory_space<semaphore_mem>>
        %dma_start3A_156 = arith.constant 0 : i32
        %dma_start3A_157 = tpu.memref_slice %arg12[%mul3A_155, %dma_start3A_156] : memref<5280x128xf32, #tpu.memory_space<vmem_shared>> -> memref<40x128xf32, #tpu.memory_space<vmem_shared>>
        %dma_start3A_158 = arith.constant 0 : i32
        %dma_start3A_159 = tpu.memref_slice %arg12[%mul3A_155, %dma_start3A_158] : memref<5280x128xf32, #tpu.memory_space<vmem_shared>> -> memref<40x128xf32, #tpu.memory_space<vmem_shared>>
        tpu.enqueue_dma source(%arg11 : memref<40x128xf32, #tpu.memory_space<vmem>>) target(%dma_start3A_159 : memref<40x128xf32, #tpu.memory_space<vmem_shared>>) target_semaphore(%run_scoped3A : memref<!tpu.dma_semaphore, #tpu.memory_space<semaphore_mem>>)
        %dma_wait3A_160 = arith.constant 0 : i32
        %dma_wait3A_161 = tpu.memref_slice %arg12[%mul3A_155, %dma_wait3A_160] : memref<5280x128xf32, #tpu.memory_space<vmem_shared>> -> memref<40x128xf32, #tpu.memory_space<vmem_shared>>
        %dma_wait3A_162 = arith.constant 0 : i32
        %dma_wait3A_163 = tpu.memref_slice %arg12[%mul3A_155, %dma_wait3A_162] : memref<5280x128xf32, #tpu.memory_space<vmem_shared>> -> memref<40x128xf32, #tpu.memory_space<vmem_shared>>
        tpu.wait_dma2 semaphore(%run_scoped3A : memref<!tpu.dma_semaphore, #tpu.memory_space<semaphore_mem>>) src(%arg11 : memref<40x128xf32, #tpu.memory_space<vmem>>) dst(%dma_wait3A_163 : memref<40x128xf32, #tpu.memory_space<vmem_shared>>)
        tpu.yield
      }) : () -> ()
    } else {
    }
    %barrier3A = arith.constant 0 : index
    tpu.barrier barrier_id(%barrier3A)
    %dma_start3A = arith.constant 0 : i32
    %dma_start3A_65 = arith.constant 0 : i32
    %dma_start3A_66 = tpu.memref_slice %arg7[%dma_start3A, %dma_start3A_65] : memref<158x128xi32, #tpu.memory_space<vmem>> -> memref<1x128xi32, #tpu.memory_space<vmem>>
    %dma_start3A_67 = tpu.memref_squeeze %dma_start3A_66 : memref<1x128xi32, #tpu.memory_space<vmem>> -> memref<128xi32, #tpu.memory_space<vmem>>
    %dma_start3A_68 = arith.constant 0 : i32
    %dma_start3A_69 = arith.constant 0 : i32
    %dma_start3A_70 = tpu.memref_slice %arg2[%dma_start3A_68, %dma_start3A_69] : memref<10000x128xf32, #tpu.memory_space<hbm>> -> memref<10000x128xf32, #tpu.memory_space<hbm>>
    tpu.enqueue_indirect_dma source(%dma_start3A_70 : memref<10000x128xf32, #tpu.memory_space<hbm>>) target(%arg9 : memref<128x128xf32, #tpu.memory_space<vmem>>) offsets(%dma_start3A_67 : memref<128xi32, #tpu.memory_space<vmem>>) semaphore(%arg13 : memref<!tpu.dma_semaphore, #tpu.memory_space<semaphore_mem>>)
    %dma_start3A_71 = arith.constant 1 : i32
    %dma_start3A_72 = arith.constant 0 : i32
    %dma_start3A_73 = tpu.memref_slice %arg7[%dma_start3A_71, %dma_start3A_72] : memref<158x128xi32, #tpu.memory_space<vmem>> -> memref<1x128xi32, #tpu.memory_space<vmem>>
    %dma_start3A_74 = tpu.memref_squeeze %dma_start3A_73 : memref<1x128xi32, #tpu.memory_space<vmem>> -> memref<128xi32, #tpu.memory_space<vmem>>
    %dma_start3A_75 = arith.constant 0 : i32
    %dma_start3A_76 = arith.constant 0 : i32
    %dma_start3A_77 = tpu.memref_slice %arg2[%dma_start3A_75, %dma_start3A_76] : memref<10000x128xf32, #tpu.memory_space<hbm>> -> memref<10000x128xf32, #tpu.memory_space<hbm>>
    tpu.enqueue_indirect_dma source(%dma_start3A_77 : memref<10000x128xf32, #tpu.memory_space<hbm>>) target(%arg10 : memref<128x128xf32, #tpu.memory_space<vmem>>) offsets(%dma_start3A_74 : memref<128xi32, #tpu.memory_space<vmem>>) semaphore(%arg14 : memref<!tpu.dma_semaphore, #tpu.memory_space<semaphore_mem>>)
    %scan3A_78 = arith.constant 0 : i32
    %scan3A_79 = arith.constant 0 : i32
    %scan3A_80 = arith.constant 79 : i32
    %scan3A_81 = arith.addi %scan3A_79, %scan3A_80 : i32
    %scan3A_82 = arith.constant 1 : i32
    scf.for %scan3A_154 = %scan3A_79 to %scan3A_81 step %scan3A_82  : i32 {
      %mul3A_155 = arith.constant 2 : i32
      %mul3A_156 = arith.muli %scan3A_154, %mul3A_155 : i32
      %dma_wait3A_157 = arith.constant 0 : i32
      %dma_wait3A_158 = tpu.memref_slice %arg7[%mul3A_156, %dma_wait3A_157] : memref<158x128xi32, #tpu.memory_space<vmem>> -> memref<1x128xi32, #tpu.memory_space<vmem>>
      %dma_wait3A_159 = tpu.memref_squeeze %dma_wait3A_158 : memref<1x128xi32, #tpu.memory_space<vmem>> -> memref<128xi32, #tpu.memory_space<vmem>>
      %dma_wait3A_160 = arith.constant 0 : i32
      %dma_wait3A_161 = arith.constant 0 : i32
      %dma_wait3A_162 = tpu.memref_slice %arg2[%dma_wait3A_160, %dma_wait3A_161] : memref<10000x128xf32, #tpu.memory_space<hbm>> -> memref<10000x128xf32, #tpu.memory_space<hbm>>
      tpu.wait_indirect_dma semaphore(%arg13 : memref<!tpu.dma_semaphore, #tpu.memory_space<semaphore_mem>>) src(%dma_wait3A_162 : memref<10000x128xf32, #tpu.memory_space<hbm>>) dst(%arg9 : memref<128x128xf32, #tpu.memory_space<vmem>>)
      %dma_start3A_163 = arith.constant 0 : i32
      %dma_start3A_164 = tpu.memref_slice %arg8[%mul3A_156, %dma_start3A_163] : memref<158x128xi32, #tpu.memory_space<vmem>> -> memref<1x128xi32, #tpu.memory_space<vmem>>
      %dma_start3A_165 = tpu.memref_squeeze %dma_start3A_164 : memref<1x128xi32, #tpu.memory_space<vmem>> -> memref<128xi32, #tpu.memory_space<vmem>>
      %dma_start3A_166 = arith.constant 0 : i32
      %dma_start3A_167 = arith.constant 0 : i32
      %dma_start3A_168 = tpu.memref_slice %arg12[%dma_start3A_166, %dma_start3A_167] : memref<5280x128xf32, #tpu.memory_space<vmem_shared>> -> memref<5280x128xf32, #tpu.memory_space<vmem_shared>>
      tpu.enqueue_indirect_dma source(%arg9 : memref<128x128xf32, #tpu.memory_space<vmem>>) target(%dma_start3A_168 : memref<5280x128xf32, #tpu.memory_space<vmem_shared>>) offsets(%dma_start3A_165 : memref<128xi32, #tpu.memory_space<vmem>>) semaphore(%arg15 : memref<!tpu.dma_semaphore, #tpu.memory_space<semaphore_mem>>) {add = true}
      %add3A_169 = arith.constant 1 : i32
      %add3A_170 = arith.addi %mul3A_156, %add3A_169 : i32
      %dma_wait3A_171 = arith.constant 0 : i32
      %dma_wait3A_172 = tpu.memref_slice %arg7[%add3A_170, %dma_wait3A_171] : memref<158x128xi32, #tpu.memory_space<vmem>> -> memref<1x128xi32, #tpu.memory_space<vmem>>
      %dma_wait3A_173 = tpu.memref_squeeze %dma_wait3A_172 : memref<1x128xi32, #tpu.memory_space<vmem>> -> memref<128xi32, #tpu.memory_space<vmem>>
      %dma_wait3A_174 = arith.constant 0 : i32
      %dma_wait3A_175 = arith.constant 0 : i32
      %dma_wait3A_176 = tpu.memref_slice %arg2[%dma_wait3A_174, %dma_wait3A_175] : memref<10000x128xf32, #tpu.memory_space<hbm>> -> memref<10000x128xf32, #tpu.memory_space<hbm>>
      tpu.wait_indirect_dma semaphore(%arg14 : memref<!tpu.dma_semaphore, #tpu.memory_space<semaphore_mem>>) src(%dma_wait3A_176 : memref<10000x128xf32, #tpu.memory_space<hbm>>) dst(%arg10 : memref<128x128xf32, #tpu.memory_space<vmem>>)
      %add3A_177 = arith.constant 1 : i32
      %add3A_178 = arith.addi %mul3A_156, %add3A_177 : i32
      %dma_start3A_179 = arith.constant 0 : i32
      %dma_start3A_180 = tpu.memref_slice %arg8[%add3A_178, %dma_start3A_179] : memref<158x128xi32, #tpu.memory_space<vmem>> -> memref<1x128xi32, #tpu.memory_space<vmem>>
      %dma_start3A_181 = tpu.memref_squeeze %dma_start3A_180 : memref<1x128xi32, #tpu.memory_space<vmem>> -> memref<128xi32, #tpu.memory_space<vmem>>
      %dma_start3A_182 = arith.constant 0 : i32
      %dma_start3A_183 = arith.constant 0 : i32
      %dma_start3A_184 = tpu.memref_slice %arg12[%dma_start3A_182, %dma_start3A_183] : memref<5280x128xf32, #tpu.memory_space<vmem_shared>> -> memref<5280x128xf32, #tpu.memory_space<vmem_shared>>
      tpu.enqueue_indirect_dma source(%arg10 : memref<128x128xf32, #tpu.memory_space<vmem>>) target(%dma_start3A_184 : memref<5280x128xf32, #tpu.memory_space<vmem_shared>>) offsets(%dma_start3A_181 : memref<128xi32, #tpu.memory_space<vmem>>) semaphore(%arg16 : memref<!tpu.dma_semaphore, #tpu.memory_space<semaphore_mem>>) {add = true}
      %add3A_185 = arith.constant 2 : i32
      %add3A_186 = arith.addi %mul3A_156, %add3A_185 : i32
      %lt3A_187 = arith.constant 158 : i32
      %lt3A_188 = arith.cmpi slt, %add3A_186, %lt3A_187 : i32
      %convert_element_type3A_189 = arith.extui %lt3A_188 : i1 to i32
      %cond3A_190 = arith.constant 0 : i32
      %cond3A_191 = arith.cmpi ne, %convert_element_type3A_189, %cond3A_190 : i32
      scf.if %cond3A_191 {
        %dma_wait3A_199 = arith.constant 0 : i32
        %dma_wait3A_200 = tpu.memref_slice %arg8[%mul3A_156, %dma_wait3A_199] : memref<158x128xi32, #tpu.memory_space<vmem>> -> memref<1x128xi32, #tpu.memory_space<vmem>>
        %dma_wait3A_201 = tpu.memref_squeeze %dma_wait3A_200 : memref<1x128xi32, #tpu.memory_space<vmem>> -> memref<128xi32, #tpu.memory_space<vmem>>
        %dma_wait3A_202 = arith.constant 0 : i32
        %dma_wait3A_203 = arith.constant 0 : i32
        %dma_wait3A_204 = tpu.memref_slice %arg12[%dma_wait3A_202, %dma_wait3A_203] : memref<5280x128xf32, #tpu.memory_space<vmem_shared>> -> memref<5280x128xf32, #tpu.memory_space<vmem_shared>>
        tpu.wait_indirect_dma semaphore(%arg15 : memref<!tpu.dma_semaphore, #tpu.memory_space<semaphore_mem>>) src(%arg9 : memref<128x128xf32, #tpu.memory_space<vmem>>) dst(%dma_wait3A_204 : memref<5280x128xf32, #tpu.memory_space<vmem_shared>>)
        %add3A_205 = arith.constant 2 : i32
        %add3A_206 = arith.addi %mul3A_156, %add3A_205 : i32
        %dma_start3A_207 = arith.constant 0 : i32
        %dma_start3A_208 = tpu.memref_slice %arg7[%add3A_206, %dma_start3A_207] : memref<158x128xi32, #tpu.memory_space<vmem>> -> memref<1x128xi32, #tpu.memory_space<vmem>>
        %dma_start3A_209 = tpu.memref_squeeze %dma_start3A_208 : memref<1x128xi32, #tpu.memory_space<vmem>> -> memref<128xi32, #tpu.memory_space<vmem>>
        %dma_start3A_210 = arith.constant 0 : i32
        %dma_start3A_211 = arith.constant 0 : i32
        %dma_start3A_212 = tpu.memref_slice %arg2[%dma_start3A_210, %dma_start3A_211] : memref<10000x128xf32, #tpu.memory_space<hbm>> -> memref<10000x128xf32, #tpu.memory_space<hbm>>
        tpu.enqueue_indirect_dma source(%dma_start3A_212 : memref<10000x128xf32, #tpu.memory_space<hbm>>) target(%arg9 : memref<128x128xf32, #tpu.memory_space<vmem>>) offsets(%dma_start3A_209 : memref<128xi32, #tpu.memory_space<vmem>>) semaphore(%arg13 : memref<!tpu.dma_semaphore, #tpu.memory_space<semaphore_mem>>)
      } else {
      }
      %add3A_192 = arith.constant 3 : i32
      %add3A_193 = arith.addi %mul3A_156, %add3A_192 : i32
      %lt3A_194 = arith.constant 158 : i32
      %lt3A_195 = arith.cmpi slt, %add3A_193, %lt3A_194 : i32
      %convert_element_type3A_196 = arith.extui %lt3A_195 : i1 to i32
      %cond3A_197 = arith.constant 0 : i32
      %cond3A_198 = arith.cmpi ne, %convert_element_type3A_196, %cond3A_197 : i32
      scf.if %cond3A_198 {
        %add3A_199 = arith.constant 1 : i32
        %add3A_200 = arith.addi %mul3A_156, %add3A_199 : i32
        %dma_wait3A_201 = arith.constant 0 : i32
        %dma_wait3A_202 = tpu.memref_slice %arg8[%add3A_200, %dma_wait3A_201] : memref<158x128xi32, #tpu.memory_space<vmem>> -> memref<1x128xi32, #tpu.memory_space<vmem>>
        %dma_wait3A_203 = tpu.memref_squeeze %dma_wait3A_202 : memref<1x128xi32, #tpu.memory_space<vmem>> -> memref<128xi32, #tpu.memory_space<vmem>>
        %dma_wait3A_204 = arith.constant 0 : i32
        %dma_wait3A_205 = arith.constant 0 : i32
        %dma_wait3A_206 = tpu.memref_slice %arg12[%dma_wait3A_204, %dma_wait3A_205] : memref<5280x128xf32, #tpu.memory_space<vmem_shared>> -> memref<5280x128xf32, #tpu.memory_space<vmem_shared>>
        tpu.wait_indirect_dma semaphore(%arg16 : memref<!tpu.dma_semaphore, #tpu.memory_space<semaphore_mem>>) src(%arg10 : memref<128x128xf32, #tpu.memory_space<vmem>>) dst(%dma_wait3A_206 : memref<5280x128xf32, #tpu.memory_space<vmem_shared>>)
        %add3A_207 = arith.constant 3 : i32
        %add3A_208 = arith.addi %mul3A_156, %add3A_207 : i32
        %dma_start3A_209 = arith.constant 0 : i32
        %dma_start3A_210 = tpu.memref_slice %arg7[%add3A_208, %dma_start3A_209] : memref<158x128xi32, #tpu.memory_space<vmem>> -> memref<1x128xi32, #tpu.memory_space<vmem>>
        %dma_start3A_211 = tpu.memref_squeeze %dma_start3A_210 : memref<1x128xi32, #tpu.memory_space<vmem>> -> memref<128xi32, #tpu.memory_space<vmem>>
        %dma_start3A_212 = arith.constant 0 : i32
        %dma_start3A_213 = arith.constant 0 : i32
        %dma_start3A_214 = tpu.memref_slice %arg2[%dma_start3A_212, %dma_start3A_213] : memref<10000x128xf32, #tpu.memory_space<hbm>> -> memref<10000x128xf32, #tpu.memory_space<hbm>>
        tpu.enqueue_indirect_dma source(%dma_start3A_214 : memref<10000x128xf32, #tpu.memory_space<hbm>>) target(%arg10 : memref<128x128xf32, #tpu.memory_space<vmem>>) offsets(%dma_start3A_211 : memref<128xi32, #tpu.memory_space<vmem>>) semaphore(%arg14 : memref<!tpu.dma_semaphore, #tpu.memory_space<semaphore_mem>>)
      } else {
      }
    }
    %scan3A_83 = arith.constant 79 : i32
    %dma_wait3A = arith.constant 0 : i32
    %dma_wait3A_84 = arith.constant 0 : i32
    %dma_wait3A_85 = tpu.memref_slice %arg8[%dma_wait3A, %dma_wait3A_84] : memref<158x128xi32, #tpu.memory_space<vmem>> -> memref<1x128xi32, #tpu.memory_space<vmem>>
    %dma_wait3A_86 = tpu.memref_squeeze %dma_wait3A_85 : memref<1x128xi32, #tpu.memory_space<vmem>> -> memref<128xi32, #tpu.memory_space<vmem>>
    %dma_wait3A_87 = arith.constant 0 : i32
    %dma_wait3A_88 = arith.constant 0 : i32
    %dma_wait3A_89 = tpu.memref_slice %arg12[%dma_wait3A_87, %dma_wait3A_88] : memref<5280x128xf32, #tpu.memory_space<vmem_shared>> -> memref<5280x128xf32, #tpu.memory_space<vmem_shared>>
    tpu.wait_indirect_dma semaphore(%arg15 : memref<!tpu.dma_semaphore, #tpu.memory_space<semaphore_mem>>) src(%arg9 : memref<128x128xf32, #tpu.memory_space<vmem>>) dst(%dma_wait3A_89 : memref<5280x128xf32, #tpu.memory_space<vmem_shared>>)
    %dma_wait3A_90 = arith.constant 1 : i32
    %dma_wait3A_91 = arith.constant 0 : i32
    %dma_wait3A_92 = tpu.memref_slice %arg8[%dma_wait3A_90, %dma_wait3A_91] : memref<158x128xi32, #tpu.memory_space<vmem>> -> memref<1x128xi32, #tpu.memory_space<vmem>>
    %dma_wait3A_93 = tpu.memref_squeeze %dma_wait3A_92 : memref<1x128xi32, #tpu.memory_space<vmem>> -> memref<128xi32, #tpu.memory_space<vmem>>
    %dma_wait3A_94 = arith.constant 0 : i32
    %dma_wait3A_95 = arith.constant 0 : i32
    %dma_wait3A_96 = tpu.memref_slice %arg12[%dma_wait3A_94, %dma_wait3A_95] : memref<5280x128xf32, #tpu.memory_space<vmem_shared>> -> memref<5280x128xf32, #tpu.memory_space<vmem_shared>>
    tpu.wait_indirect_dma semaphore(%arg16 : memref<!tpu.dma_semaphore, #tpu.memory_space<semaphore_mem>>) src(%arg10 : memref<128x128xf32, #tpu.memory_space<vmem>>) dst(%dma_wait3A_96 : memref<5280x128xf32, #tpu.memory_space<vmem_shared>>)
    %barrier3A_97 = arith.constant 0 : index
    tpu.barrier barrier_id(%barrier3A_97)
    %add3A_98 = arith.constant 0 : i32
    %add3A_99 = arith.addi %arg1, %add3A_98 : i32
    %lt3A_100 = arith.constant 125 : i32
    %lt3A_101 = arith.cmpi slt, %add3A_99, %lt3A_100 : i32
    %convert_element_type3A_102 = arith.extui %lt3A_101 : i1 to i32
    %cond3A_103 = arith.constant 0 : i32
    %cond3A_104 = arith.cmpi ne, %convert_element_type3A_102, %cond3A_103 : i32
    scf.if %cond3A_104 {
      %mul3A_154 = arith.constant 40 : i32
      %mul3A_155 = arith.muli %add3A_99, %mul3A_154 : i32
      "tpu.region"() ({
        %run_scoped3A = tpu.sem_alloc : memref<!tpu.dma_semaphore, #tpu.memory_space<semaphore_mem>>
        %dma_start3A_161 = arith.constant 0 : i32
        %dma_start3A_162 = tpu.memref_slice %arg12[%mul3A_155, %dma_start3A_161] : memref<5280x128xf32, #tpu.memory_space<vmem_shared>> -> memref<40x128xf32, #tpu.memory_space<vmem_shared>>
        %dma_start3A_163 = arith.constant 0 : i32
        %dma_start3A_164 = tpu.memref_slice %arg12[%mul3A_155, %dma_start3A_163] : memref<5280x128xf32, #tpu.memory_space<vmem_shared>> -> memref<40x128xf32, #tpu.memory_space<vmem_shared>>
        tpu.enqueue_dma source(%dma_start3A_164 : memref<40x128xf32, #tpu.memory_space<vmem_shared>>) target(%arg11 : memref<40x128xf32, #tpu.memory_space<vmem>>) target_semaphore(%run_scoped3A : memref<!tpu.dma_semaphore, #tpu.memory_space<semaphore_mem>>)
        %dma_wait3A_165 = arith.constant 0 : i32
        %dma_wait3A_166 = tpu.memref_slice %arg12[%mul3A_155, %dma_wait3A_165] : memref<5280x128xf32, #tpu.memory_space<vmem_shared>> -> memref<40x128xf32, #tpu.memory_space<vmem_shared>>
        %dma_wait3A_167 = arith.constant 0 : i32
        %dma_wait3A_168 = tpu.memref_slice %arg12[%mul3A_155, %dma_wait3A_167] : memref<5280x128xf32, #tpu.memory_space<vmem_shared>> -> memref<40x128xf32, #tpu.memory_space<vmem_shared>>
        tpu.wait_dma2 semaphore(%run_scoped3A : memref<!tpu.dma_semaphore, #tpu.memory_space<semaphore_mem>>) src(%dma_wait3A_168 : memref<40x128xf32, #tpu.memory_space<vmem_shared>>) dst(%arg11 : memref<40x128xf32, #tpu.memory_space<vmem>>)
        tpu.yield
      }) : () -> ()
      %mul3A_156 = arith.constant 5000 : i32
      %mul3A_157 = arith.muli %arg0, %mul3A_156 : i32
      %mul3A_158 = arith.constant 40 : i32
      %mul3A_159 = arith.muli %add3A_99, %mul3A_158 : i32
      %add3A_160 = arith.addi %mul3A_157, %mul3A_159 : i32
      "tpu.region"() ({
        %run_scoped3A = tpu.sem_alloc : memref<!tpu.dma_semaphore, #tpu.memory_space<semaphore_mem>>
        %dma_start3A_161 = arith.constant 0 : i32
        %dma_start3A_162 = tpu.memref_slice %arg6[%add3A_160, %dma_start3A_161] : memref<10000x128xf32, #tpu.memory_space<hbm>> -> memref<40x128xf32, #tpu.memory_space<hbm>>
        %dma_start3A_163 = arith.constant 0 : i32
        %dma_start3A_164 = tpu.memref_slice %arg6[%add3A_160, %dma_start3A_163] : memref<10000x128xf32, #tpu.memory_space<hbm>> -> memref<40x128xf32, #tpu.memory_space<hbm>>
        tpu.enqueue_dma source(%arg11 : memref<40x128xf32, #tpu.memory_space<vmem>>) target(%dma_start3A_164 : memref<40x128xf32, #tpu.memory_space<hbm>>) target_semaphore(%run_scoped3A : memref<!tpu.dma_semaphore, #tpu.memory_space<semaphore_mem>>)
        %dma_wait3A_165 = arith.constant 0 : i32
        %dma_wait3A_166 = tpu.memref_slice %arg6[%add3A_160, %dma_wait3A_165] : memref<10000x128xf32, #tpu.memory_space<hbm>> -> memref<40x128xf32, #tpu.memory_space<hbm>>
        %dma_wait3A_167 = arith.constant 0 : i32
        %dma_wait3A_168 = tpu.memref_slice %arg6[%add3A_160, %dma_wait3A_167] : memref<10000x128xf32, #tpu.memory_space<hbm>> -> memref<40x128xf32, #tpu.memory_space<hbm>>
        tpu.wait_dma2 semaphore(%run_scoped3A : memref<!tpu.dma_semaphore, #tpu.memory_space<semaphore_mem>>) src(%arg11 : memref<40x128xf32, #tpu.memory_space<vmem>>) dst(%dma_wait3A_168 : memref<40x128xf32, #tpu.memory_space<hbm>>)
        tpu.yield
      }) : () -> ()
    } else {
    }
    %add3A_105 = arith.constant 16 : i32
    %add3A_106 = arith.addi %arg1, %add3A_105 : i32
    %lt3A_107 = arith.constant 125 : i32
    %lt3A_108 = arith.cmpi slt, %add3A_106, %lt3A_107 : i32
    %convert_element_type3A_109 = arith.extui %lt3A_108 : i1 to i32
    %cond3A_110 = arith.constant 0 : i32
    %cond3A_111 = arith.cmpi ne, %convert_element_type3A_109, %cond3A_110 : i32
    scf.if %cond3A_111 {
      %mul3A_154 = arith.constant 40 : i32
      %mul3A_155 = arith.muli %add3A_106, %mul3A_154 : i32
      "tpu.region"() ({
        %run_scoped3A = tpu.sem_alloc : memref<!tpu.dma_semaphore, #tpu.memory_space<semaphore_mem>>
        %dma_start3A_161 = arith.constant 0 : i32
        %dma_start3A_162 = tpu.memref_slice %arg12[%mul3A_155, %dma_start3A_161] : memref<5280x128xf32, #tpu.memory_space<vmem_shared>> -> memref<40x128xf32, #tpu.memory_space<vmem_shared>>
        %dma_start3A_163 = arith.constant 0 : i32
        %dma_start3A_164 = tpu.memref_slice %arg12[%mul3A_155, %dma_start3A_163] : memref<5280x128xf32, #tpu.memory_space<vmem_shared>> -> memref<40x128xf32, #tpu.memory_space<vmem_shared>>
        tpu.enqueue_dma source(%dma_start3A_164 : memref<40x128xf32, #tpu.memory_space<vmem_shared>>) target(%arg11 : memref<40x128xf32, #tpu.memory_space<vmem>>) target_semaphore(%run_scoped3A : memref<!tpu.dma_semaphore, #tpu.memory_space<semaphore_mem>>)
        %dma_wait3A_165 = arith.constant 0 : i32
        %dma_wait3A_166 = tpu.memref_slice %arg12[%mul3A_155, %dma_wait3A_165] : memref<5280x128xf32, #tpu.memory_space<vmem_shared>> -> memref<40x128xf32, #tpu.memory_space<vmem_shared>>
        %dma_wait3A_167 = arith.constant 0 : i32
        %dma_wait3A_168 = tpu.memref_slice %arg12[%mul3A_155, %dma_wait3A_167] : memref<5280x128xf32, #tpu.memory_space<vmem_shared>> -> memref<40x128xf32, #tpu.memory_space<vmem_shared>>
        tpu.wait_dma2 semaphore(%run_scoped3A : memref<!tpu.dma_semaphore, #tpu.memory_space<semaphore_mem>>) src(%dma_wait3A_168 : memref<40x128xf32, #tpu.memory_space<vmem_shared>>) dst(%arg11 : memref<40x128xf32, #tpu.memory_space<vmem>>)
        tpu.yield
      }) : () -> ()
      %mul3A_156 = arith.constant 5000 : i32
      %mul3A_157 = arith.muli %arg0, %mul3A_156 : i32
      %mul3A_158 = arith.constant 40 : i32
      %mul3A_159 = arith.muli %add3A_106, %mul3A_158 : i32
      %add3A_160 = arith.addi %mul3A_157, %mul3A_159 : i32
      "tpu.region"() ({
        %run_scoped3A = tpu.sem_alloc : memref<!tpu.dma_semaphore, #tpu.memory_space<semaphore_mem>>
        %dma_start3A_161 = arith.constant 0 : i32
        %dma_start3A_162 = tpu.memref_slice %arg6[%add3A_160, %dma_start3A_161] : memref<10000x128xf32, #tpu.memory_space<hbm>> -> memref<40x128xf32, #tpu.memory_space<hbm>>
        %dma_start3A_163 = arith.constant 0 : i32
        %dma_start3A_164 = tpu.memref_slice %arg6[%add3A_160, %dma_start3A_163] : memref<10000x128xf32, #tpu.memory_space<hbm>> -> memref<40x128xf32, #tpu.memory_space<hbm>>
        tpu.enqueue_dma source(%arg11 : memref<40x128xf32, #tpu.memory_space<vmem>>) target(%dma_start3A_164 : memref<40x128xf32, #tpu.memory_space<hbm>>) target_semaphore(%run_scoped3A : memref<!tpu.dma_semaphore, #tpu.memory_space<semaphore_mem>>)
        %dma_wait3A_165 = arith.constant 0 : i32
        %dma_wait3A_166 = tpu.memref_slice %arg6[%add3A_160, %dma_wait3A_165] : memref<10000x128xf32, #tpu.memory_space<hbm>> -> memref<40x128xf32, #tpu.memory_space<hbm>>
        %dma_wait3A_167 = arith.constant 0 : i32
        %dma_wait3A_168 = tpu.memref_slice %arg6[%add3A_160, %dma_wait3A_167] : memref<10000x128xf32, #tpu.memory_space<hbm>> -> memref<40x128xf32, #tpu.memory_space<hbm>>
        tpu.wait_dma2 semaphore(%run_scoped3A : memref<!tpu.dma_semaphore, #tpu.memory_space<semaphore_mem>>) src(%arg11 : memref<40x128xf32, #tpu.memory_space<vmem>>) dst(%dma_wait3A_168 : memref<40x128xf32, #tpu.memory_space<hbm>>)
        tpu.yield
      }) : () -> ()
    } else {
    }
    %add3A_112 = arith.constant 32 : i32
    %add3A_113 = arith.addi %arg1, %add3A_112 : i32
    %lt3A_114 = arith.constant 125 : i32
    %lt3A_115 = arith.cmpi slt, %add3A_113, %lt3A_114 : i32
    %convert_element_type3A_116 = arith.extui %lt3A_115 : i1 to i32
    %cond3A_117 = arith.constant 0 : i32
    %cond3A_118 = arith.cmpi ne, %convert_element_type3A_116, %cond3A_117 : i32
    scf.if %cond3A_118 {
      %mul3A_154 = arith.constant 40 : i32
      %mul3A_155 = arith.muli %add3A_113, %mul3A_154 : i32
      "tpu.region"() ({
        %run_scoped3A = tpu.sem_alloc : memref<!tpu.dma_semaphore, #tpu.memory_space<semaphore_mem>>
        %dma_start3A_161 = arith.constant 0 : i32
        %dma_start3A_162 = tpu.memref_slice %arg12[%mul3A_155, %dma_start3A_161] : memref<5280x128xf32, #tpu.memory_space<vmem_shared>> -> memref<40x128xf32, #tpu.memory_space<vmem_shared>>
        %dma_start3A_163 = arith.constant 0 : i32
        %dma_start3A_164 = tpu.memref_slice %arg12[%mul3A_155, %dma_start3A_163] : memref<5280x128xf32, #tpu.memory_space<vmem_shared>> -> memref<40x128xf32, #tpu.memory_space<vmem_shared>>
        tpu.enqueue_dma source(%dma_start3A_164 : memref<40x128xf32, #tpu.memory_space<vmem_shared>>) target(%arg11 : memref<40x128xf32, #tpu.memory_space<vmem>>) target_semaphore(%run_scoped3A : memref<!tpu.dma_semaphore, #tpu.memory_space<semaphore_mem>>)
        %dma_wait3A_165 = arith.constant 0 : i32
        %dma_wait3A_166 = tpu.memref_slice %arg12[%mul3A_155, %dma_wait3A_165] : memref<5280x128xf32, #tpu.memory_space<vmem_shared>> -> memref<40x128xf32, #tpu.memory_space<vmem_shared>>
        %dma_wait3A_167 = arith.constant 0 : i32
        %dma_wait3A_168 = tpu.memref_slice %arg12[%mul3A_155, %dma_wait3A_167] : memref<5280x128xf32, #tpu.memory_space<vmem_shared>> -> memref<40x128xf32, #tpu.memory_space<vmem_shared>>
        tpu.wait_dma2 semaphore(%run_scoped3A : memref<!tpu.dma_semaphore, #tpu.memory_space<semaphore_mem>>) src(%dma_wait3A_168 : memref<40x128xf32, #tpu.memory_space<vmem_shared>>) dst(%arg11 : memref<40x128xf32, #tpu.memory_space<vmem>>)
        tpu.yield
      }) : () -> ()
      %mul3A_156 = arith.constant 5000 : i32
      %mul3A_157 = arith.muli %arg0, %mul3A_156 : i32
      %mul3A_158 = arith.constant 40 : i32
      %mul3A_159 = arith.muli %add3A_113, %mul3A_158 : i32
      %add3A_160 = arith.addi %mul3A_157, %mul3A_159 : i32
      "tpu.region"() ({
        %run_scoped3A = tpu.sem_alloc : memref<!tpu.dma_semaphore, #tpu.memory_space<semaphore_mem>>
        %dma_start3A_161 = arith.constant 0 : i32
        %dma_start3A_162 = tpu.memref_slice %arg6[%add3A_160, %dma_start3A_161] : memref<10000x128xf32, #tpu.memory_space<hbm>> -> memref<40x128xf32, #tpu.memory_space<hbm>>
        %dma_start3A_163 = arith.constant 0 : i32
        %dma_start3A_164 = tpu.memref_slice %arg6[%add3A_160, %dma_start3A_163] : memref<10000x128xf32, #tpu.memory_space<hbm>> -> memref<40x128xf32, #tpu.memory_space<hbm>>
        tpu.enqueue_dma source(%arg11 : memref<40x128xf32, #tpu.memory_space<vmem>>) target(%dma_start3A_164 : memref<40x128xf32, #tpu.memory_space<hbm>>) target_semaphore(%run_scoped3A : memref<!tpu.dma_semaphore, #tpu.memory_space<semaphore_mem>>)
        %dma_wait3A_165 = arith.constant 0 : i32
        %dma_wait3A_166 = tpu.memref_slice %arg6[%add3A_160, %dma_wait3A_165] : memref<10000x128xf32, #tpu.memory_space<hbm>> -> memref<40x128xf32, #tpu.memory_space<hbm>>
        %dma_wait3A_167 = arith.constant 0 : i32
        %dma_wait3A_168 = tpu.memref_slice %arg6[%add3A_160, %dma_wait3A_167] : memref<10000x128xf32, #tpu.memory_space<hbm>> -> memref<40x128xf32, #tpu.memory_space<hbm>>
        tpu.wait_dma2 semaphore(%run_scoped3A : memref<!tpu.dma_semaphore, #tpu.memory_space<semaphore_mem>>) src(%arg11 : memref<40x128xf32, #tpu.memory_space<vmem>>) dst(%dma_wait3A_168 : memref<40x128xf32, #tpu.memory_space<hbm>>)
        tpu.yield
      }) : () -> ()
    } else {
    }
    %add3A_119 = arith.constant 48 : i32
    %add3A_120 = arith.addi %arg1, %add3A_119 : i32
    %lt3A_121 = arith.constant 125 : i32
    %lt3A_122 = arith.cmpi slt, %add3A_120, %lt3A_121 : i32
    %convert_element_type3A_123 = arith.extui %lt3A_122 : i1 to i32
    %cond3A_124 = arith.constant 0 : i32
    %cond3A_125 = arith.cmpi ne, %convert_element_type3A_123, %cond3A_124 : i32
    scf.if %cond3A_125 {
      %mul3A_154 = arith.constant 40 : i32
      %mul3A_155 = arith.muli %add3A_120, %mul3A_154 : i32
      "tpu.region"() ({
        %run_scoped3A = tpu.sem_alloc : memref<!tpu.dma_semaphore, #tpu.memory_space<semaphore_mem>>
        %dma_start3A_161 = arith.constant 0 : i32
        %dma_start3A_162 = tpu.memref_slice %arg12[%mul3A_155, %dma_start3A_161] : memref<5280x128xf32, #tpu.memory_space<vmem_shared>> -> memref<40x128xf32, #tpu.memory_space<vmem_shared>>
        %dma_start3A_163 = arith.constant 0 : i32
        %dma_start3A_164 = tpu.memref_slice %arg12[%mul3A_155, %dma_start3A_163] : memref<5280x128xf32, #tpu.memory_space<vmem_shared>> -> memref<40x128xf32, #tpu.memory_space<vmem_shared>>
        tpu.enqueue_dma source(%dma_start3A_164 : memref<40x128xf32, #tpu.memory_space<vmem_shared>>) target(%arg11 : memref<40x128xf32, #tpu.memory_space<vmem>>) target_semaphore(%run_scoped3A : memref<!tpu.dma_semaphore, #tpu.memory_space<semaphore_mem>>)
        %dma_wait3A_165 = arith.constant 0 : i32
        %dma_wait3A_166 = tpu.memref_slice %arg12[%mul3A_155, %dma_wait3A_165] : memref<5280x128xf32, #tpu.memory_space<vmem_shared>> -> memref<40x128xf32, #tpu.memory_space<vmem_shared>>
        %dma_wait3A_167 = arith.constant 0 : i32
        %dma_wait3A_168 = tpu.memref_slice %arg12[%mul3A_155, %dma_wait3A_167] : memref<5280x128xf32, #tpu.memory_space<vmem_shared>> -> memref<40x128xf32, #tpu.memory_space<vmem_shared>>
        tpu.wait_dma2 semaphore(%run_scoped3A : memref<!tpu.dma_semaphore, #tpu.memory_space<semaphore_mem>>) src(%dma_wait3A_168 : memref<40x128xf32, #tpu.memory_space<vmem_shared>>) dst(%arg11 : memref<40x128xf32, #tpu.memory_space<vmem>>)
        tpu.yield
      }) : () -> ()
      %mul3A_156 = arith.constant 5000 : i32
      %mul3A_157 = arith.muli %arg0, %mul3A_156 : i32
      %mul3A_158 = arith.constant 40 : i32
      %mul3A_159 = arith.muli %add3A_120, %mul3A_158 : i32
      %add3A_160 = arith.addi %mul3A_157, %mul3A_159 : i32
      "tpu.region"() ({
        %run_scoped3A = tpu.sem_alloc : memref<!tpu.dma_semaphore, #tpu.memory_space<semaphore_mem>>
        %dma_start3A_161 = arith.constant 0 : i32
        %dma_start3A_162 = tpu.memref_slice %arg6[%add3A_160, %dma_start3A_161] : memref<10000x128xf32, #tpu.memory_space<hbm>> -> memref<40x128xf32, #tpu.memory_space<hbm>>
        %dma_start3A_163 = arith.constant 0 : i32
        %dma_start3A_164 = tpu.memref_slice %arg6[%add3A_160, %dma_start3A_163] : memref<10000x128xf32, #tpu.memory_space<hbm>> -> memref<40x128xf32, #tpu.memory_space<hbm>>
        tpu.enqueue_dma source(%arg11 : memref<40x128xf32, #tpu.memory_space<vmem>>) target(%dma_start3A_164 : memref<40x128xf32, #tpu.memory_space<hbm>>) target_semaphore(%run_scoped3A : memref<!tpu.dma_semaphore, #tpu.memory_space<semaphore_mem>>)
        %dma_wait3A_165 = arith.constant 0 : i32
        %dma_wait3A_166 = tpu.memref_slice %arg6[%add3A_160, %dma_wait3A_165] : memref<10000x128xf32, #tpu.memory_space<hbm>> -> memref<40x128xf32, #tpu.memory_space<hbm>>
        %dma_wait3A_167 = arith.constant 0 : i32
        %dma_wait3A_168 = tpu.memref_slice %arg6[%add3A_160, %dma_wait3A_167] : memref<10000x128xf32, #tpu.memory_space<hbm>> -> memref<40x128xf32, #tpu.memory_space<hbm>>
        tpu.wait_dma2 semaphore(%run_scoped3A : memref<!tpu.dma_semaphore, #tpu.memory_space<semaphore_mem>>) src(%arg11 : memref<40x128xf32, #tpu.memory_space<vmem>>) dst(%dma_wait3A_168 : memref<40x128xf32, #tpu.memory_space<hbm>>)
        tpu.yield
      }) : () -> ()
    } else {
    }
    %add3A_126 = arith.constant 64 : i32
    %add3A_127 = arith.addi %arg1, %add3A_126 : i32
    %lt3A_128 = arith.constant 125 : i32
    %lt3A_129 = arith.cmpi slt, %add3A_127, %lt3A_128 : i32
    %convert_element_type3A_130 = arith.extui %lt3A_129 : i1 to i32
    %cond3A_131 = arith.constant 0 : i32
    %cond3A_132 = arith.cmpi ne, %convert_element_type3A_130, %cond3A_131 : i32
    scf.if %cond3A_132 {
      %mul3A_154 = arith.constant 40 : i32
      %mul3A_155 = arith.muli %add3A_127, %mul3A_154 : i32
      "tpu.region"() ({
        %run_scoped3A = tpu.sem_alloc : memref<!tpu.dma_semaphore, #tpu.memory_space<semaphore_mem>>
        %dma_start3A_161 = arith.constant 0 : i32
        %dma_start3A_162 = tpu.memref_slice %arg12[%mul3A_155, %dma_start3A_161] : memref<5280x128xf32, #tpu.memory_space<vmem_shared>> -> memref<40x128xf32, #tpu.memory_space<vmem_shared>>
        %dma_start3A_163 = arith.constant 0 : i32
        %dma_start3A_164 = tpu.memref_slice %arg12[%mul3A_155, %dma_start3A_163] : memref<5280x128xf32, #tpu.memory_space<vmem_shared>> -> memref<40x128xf32, #tpu.memory_space<vmem_shared>>
        tpu.enqueue_dma source(%dma_start3A_164 : memref<40x128xf32, #tpu.memory_space<vmem_shared>>) target(%arg11 : memref<40x128xf32, #tpu.memory_space<vmem>>) target_semaphore(%run_scoped3A : memref<!tpu.dma_semaphore, #tpu.memory_space<semaphore_mem>>)
        %dma_wait3A_165 = arith.constant 0 : i32
        %dma_wait3A_166 = tpu.memref_slice %arg12[%mul3A_155, %dma_wait3A_165] : memref<5280x128xf32, #tpu.memory_space<vmem_shared>> -> memref<40x128xf32, #tpu.memory_space<vmem_shared>>
        %dma_wait3A_167 = arith.constant 0 : i32
        %dma_wait3A_168 = tpu.memref_slice %arg12[%mul3A_155, %dma_wait3A_167] : memref<5280x128xf32, #tpu.memory_space<vmem_shared>> -> memref<40x128xf32, #tpu.memory_space<vmem_shared>>
        tpu.wait_dma2 semaphore(%run_scoped3A : memref<!tpu.dma_semaphore, #tpu.memory_space<semaphore_mem>>) src(%dma_wait3A_168 : memref<40x128xf32, #tpu.memory_space<vmem_shared>>) dst(%arg11 : memref<40x128xf32, #tpu.memory_space<vmem>>)
        tpu.yield
      }) : () -> ()
      %mul3A_156 = arith.constant 5000 : i32
      %mul3A_157 = arith.muli %arg0, %mul3A_156 : i32
      %mul3A_158 = arith.constant 40 : i32
      %mul3A_159 = arith.muli %add3A_127, %mul3A_158 : i32
      %add3A_160 = arith.addi %mul3A_157, %mul3A_159 : i32
      "tpu.region"() ({
        %run_scoped3A = tpu.sem_alloc : memref<!tpu.dma_semaphore, #tpu.memory_space<semaphore_mem>>
        %dma_start3A_161 = arith.constant 0 : i32
        %dma_start3A_162 = tpu.memref_slice %arg6[%add3A_160, %dma_start3A_161] : memref<10000x128xf32, #tpu.memory_space<hbm>> -> memref<40x128xf32, #tpu.memory_space<hbm>>
        %dma_start3A_163 = arith.constant 0 : i32
        %dma_start3A_164 = tpu.memref_slice %arg6[%add3A_160, %dma_start3A_163] : memref<10000x128xf32, #tpu.memory_space<hbm>> -> memref<40x128xf32, #tpu.memory_space<hbm>>
        tpu.enqueue_dma source(%arg11 : memref<40x128xf32, #tpu.memory_space<vmem>>) target(%dma_start3A_164 : memref<40x128xf32, #tpu.memory_space<hbm>>) target_semaphore(%run_scoped3A : memref<!tpu.dma_semaphore, #tpu.memory_space<semaphore_mem>>)
        %dma_wait3A_165 = arith.constant 0 : i32
        %dma_wait3A_166 = tpu.memref_slice %arg6[%add3A_160, %dma_wait3A_165] : memref<10000x128xf32, #tpu.memory_space<hbm>> -> memref<40x128xf32, #tpu.memory_space<hbm>>
        %dma_wait3A_167 = arith.constant 0 : i32
        %dma_wait3A_168 = tpu.memref_slice %arg6[%add3A_160, %dma_wait3A_167] : memref<10000x128xf32, #tpu.memory_space<hbm>> -> memref<40x128xf32, #tpu.memory_space<hbm>>
        tpu.wait_dma2 semaphore(%run_scoped3A : memref<!tpu.dma_semaphore, #tpu.memory_space<semaphore_mem>>) src(%arg11 : memref<40x128xf32, #tpu.memory_space<vmem>>) dst(%dma_wait3A_168 : memref<40x128xf32, #tpu.memory_space<hbm>>)
        tpu.yield
      }) : () -> ()
    } else {
    }
    %add3A_133 = arith.constant 80 : i32
    %add3A_134 = arith.addi %arg1, %add3A_133 : i32
    %lt3A_135 = arith.constant 125 : i32
    %lt3A_136 = arith.cmpi slt, %add3A_134, %lt3A_135 : i32
    %convert_element_type3A_137 = arith.extui %lt3A_136 : i1 to i32
    %cond3A_138 = arith.constant 0 : i32
    %cond3A_139 = arith.cmpi ne, %convert_element_type3A_137, %cond3A_138 : i32
    scf.if %cond3A_139 {
      %mul3A_154 = arith.constant 40 : i32
      %mul3A_155 = arith.muli %add3A_134, %mul3A_154 : i32
      "tpu.region"() ({
        %run_scoped3A = tpu.sem_alloc : memref<!tpu.dma_semaphore, #tpu.memory_space<semaphore_mem>>
        %dma_start3A_161 = arith.constant 0 : i32
        %dma_start3A_162 = tpu.memref_slice %arg12[%mul3A_155, %dma_start3A_161] : memref<5280x128xf32, #tpu.memory_space<vmem_shared>> -> memref<40x128xf32, #tpu.memory_space<vmem_shared>>
        %dma_start3A_163 = arith.constant 0 : i32
        %dma_start3A_164 = tpu.memref_slice %arg12[%mul3A_155, %dma_start3A_163] : memref<5280x128xf32, #tpu.memory_space<vmem_shared>> -> memref<40x128xf32, #tpu.memory_space<vmem_shared>>
        tpu.enqueue_dma source(%dma_start3A_164 : memref<40x128xf32, #tpu.memory_space<vmem_shared>>) target(%arg11 : memref<40x128xf32, #tpu.memory_space<vmem>>) target_semaphore(%run_scoped3A : memref<!tpu.dma_semaphore, #tpu.memory_space<semaphore_mem>>)
        %dma_wait3A_165 = arith.constant 0 : i32
        %dma_wait3A_166 = tpu.memref_slice %arg12[%mul3A_155, %dma_wait3A_165] : memref<5280x128xf32, #tpu.memory_space<vmem_shared>> -> memref<40x128xf32, #tpu.memory_space<vmem_shared>>
        %dma_wait3A_167 = arith.constant 0 : i32
        %dma_wait3A_168 = tpu.memref_slice %arg12[%mul3A_155, %dma_wait3A_167] : memref<5280x128xf32, #tpu.memory_space<vmem_shared>> -> memref<40x128xf32, #tpu.memory_space<vmem_shared>>
        tpu.wait_dma2 semaphore(%run_scoped3A : memref<!tpu.dma_semaphore, #tpu.memory_space<semaphore_mem>>) src(%dma_wait3A_168 : memref<40x128xf32, #tpu.memory_space<vmem_shared>>) dst(%arg11 : memref<40x128xf32, #tpu.memory_space<vmem>>)
        tpu.yield
      }) : () -> ()
      %mul3A_156 = arith.constant 5000 : i32
      %mul3A_157 = arith.muli %arg0, %mul3A_156 : i32
      %mul3A_158 = arith.constant 40 : i32
      %mul3A_159 = arith.muli %add3A_134, %mul3A_158 : i32
      %add3A_160 = arith.addi %mul3A_157, %mul3A_159 : i32
      "tpu.region"() ({
        %run_scoped3A = tpu.sem_alloc : memref<!tpu.dma_semaphore, #tpu.memory_space<semaphore_mem>>
        %dma_start3A_161 = arith.constant 0 : i32
        %dma_start3A_162 = tpu.memref_slice %arg6[%add3A_160, %dma_start3A_161] : memref<10000x128xf32, #tpu.memory_space<hbm>> -> memref<40x128xf32, #tpu.memory_space<hbm>>
        %dma_start3A_163 = arith.constant 0 : i32
        %dma_start3A_164 = tpu.memref_slice %arg6[%add3A_160, %dma_start3A_163] : memref<10000x128xf32, #tpu.memory_space<hbm>> -> memref<40x128xf32, #tpu.memory_space<hbm>>
        tpu.enqueue_dma source(%arg11 : memref<40x128xf32, #tpu.memory_space<vmem>>) target(%dma_start3A_164 : memref<40x128xf32, #tpu.memory_space<hbm>>) target_semaphore(%run_scoped3A : memref<!tpu.dma_semaphore, #tpu.memory_space<semaphore_mem>>)
        %dma_wait3A_165 = arith.constant 0 : i32
        %dma_wait3A_166 = tpu.memref_slice %arg6[%add3A_160, %dma_wait3A_165] : memref<10000x128xf32, #tpu.memory_space<hbm>> -> memref<40x128xf32, #tpu.memory_space<hbm>>
        %dma_wait3A_167 = arith.constant 0 : i32
        %dma_wait3A_168 = tpu.memref_slice %arg6[%add3A_160, %dma_wait3A_167] : memref<10000x128xf32, #tpu.memory_space<hbm>> -> memref<40x128xf32, #tpu.memory_space<hbm>>
        tpu.wait_dma2 semaphore(%run_scoped3A : memref<!tpu.dma_semaphore, #tpu.memory_space<semaphore_mem>>) src(%arg11 : memref<40x128xf32, #tpu.memory_space<vmem>>) dst(%dma_wait3A_168 : memref<40x128xf32, #tpu.memory_space<hbm>>)
        tpu.yield
      }) : () -> ()
    } else {
    }
    %add3A_140 = arith.constant 96 : i32
    %add3A_141 = arith.addi %arg1, %add3A_140 : i32
    %lt3A_142 = arith.constant 125 : i32
    %lt3A_143 = arith.cmpi slt, %add3A_141, %lt3A_142 : i32
    %convert_element_type3A_144 = arith.extui %lt3A_143 : i1 to i32
    %cond3A_145 = arith.constant 0 : i32
    %cond3A_146 = arith.cmpi ne, %convert_element_type3A_144, %cond3A_145 : i32
    scf.if %cond3A_146 {
      %mul3A_154 = arith.constant 40 : i32
      %mul3A_155 = arith.muli %add3A_141, %mul3A_154 : i32
      "tpu.region"() ({
        %run_scoped3A = tpu.sem_alloc : memref<!tpu.dma_semaphore, #tpu.memory_space<semaphore_mem>>
        %dma_start3A_161 = arith.constant 0 : i32
        %dma_start3A_162 = tpu.memref_slice %arg12[%mul3A_155, %dma_start3A_161] : memref<5280x128xf32, #tpu.memory_space<vmem_shared>> -> memref<40x128xf32, #tpu.memory_space<vmem_shared>>
        %dma_start3A_163 = arith.constant 0 : i32
        %dma_start3A_164 = tpu.memref_slice %arg12[%mul3A_155, %dma_start3A_163] : memref<5280x128xf32, #tpu.memory_space<vmem_shared>> -> memref<40x128xf32, #tpu.memory_space<vmem_shared>>
        tpu.enqueue_dma source(%dma_start3A_164 : memref<40x128xf32, #tpu.memory_space<vmem_shared>>) target(%arg11 : memref<40x128xf32, #tpu.memory_space<vmem>>) target_semaphore(%run_scoped3A : memref<!tpu.dma_semaphore, #tpu.memory_space<semaphore_mem>>)
        %dma_wait3A_165 = arith.constant 0 : i32
        %dma_wait3A_166 = tpu.memref_slice %arg12[%mul3A_155, %dma_wait3A_165] : memref<5280x128xf32, #tpu.memory_space<vmem_shared>> -> memref<40x128xf32, #tpu.memory_space<vmem_shared>>
        %dma_wait3A_167 = arith.constant 0 : i32
        %dma_wait3A_168 = tpu.memref_slice %arg12[%mul3A_155, %dma_wait3A_167] : memref<5280x128xf32, #tpu.memory_space<vmem_shared>> -> memref<40x128xf32, #tpu.memory_space<vmem_shared>>
        tpu.wait_dma2 semaphore(%run_scoped3A : memref<!tpu.dma_semaphore, #tpu.memory_space<semaphore_mem>>) src(%dma_wait3A_168 : memref<40x128xf32, #tpu.memory_space<vmem_shared>>) dst(%arg11 : memref<40x128xf32, #tpu.memory_space<vmem>>)
        tpu.yield
      }) : () -> ()
      %mul3A_156 = arith.constant 5000 : i32
      %mul3A_157 = arith.muli %arg0, %mul3A_156 : i32
      %mul3A_158 = arith.constant 40 : i32
      %mul3A_159 = arith.muli %add3A_141, %mul3A_158 : i32
      %add3A_160 = arith.addi %mul3A_157, %mul3A_159 : i32
      "tpu.region"() ({
        %run_scoped3A = tpu.sem_alloc : memref<!tpu.dma_semaphore, #tpu.memory_space<semaphore_mem>>
        %dma_start3A_161 = arith.constant 0 : i32
        %dma_start3A_162 = tpu.memref_slice %arg6[%add3A_160, %dma_start3A_161] : memref<10000x128xf32, #tpu.memory_space<hbm>> -> memref<40x128xf32, #tpu.memory_space<hbm>>
        %dma_start3A_163 = arith.constant 0 : i32
        %dma_start3A_164 = tpu.memref_slice %arg6[%add3A_160, %dma_start3A_163] : memref<10000x128xf32, #tpu.memory_space<hbm>> -> memref<40x128xf32, #tpu.memory_space<hbm>>
        tpu.enqueue_dma source(%arg11 : memref<40x128xf32, #tpu.memory_space<vmem>>) target(%dma_start3A_164 : memref<40x128xf32, #tpu.memory_space<hbm>>) target_semaphore(%run_scoped3A : memref<!tpu.dma_semaphore, #tpu.memory_space<semaphore_mem>>)
        %dma_wait3A_165 = arith.constant 0 : i32
        %dma_wait3A_166 = tpu.memref_slice %arg6[%add3A_160, %dma_wait3A_165] : memref<10000x128xf32, #tpu.memory_space<hbm>> -> memref<40x128xf32, #tpu.memory_space<hbm>>
        %dma_wait3A_167 = arith.constant 0 : i32
        %dma_wait3A_168 = tpu.memref_slice %arg6[%add3A_160, %dma_wait3A_167] : memref<10000x128xf32, #tpu.memory_space<hbm>> -> memref<40x128xf32, #tpu.memory_space<hbm>>
        tpu.wait_dma2 semaphore(%run_scoped3A : memref<!tpu.dma_semaphore, #tpu.memory_space<semaphore_mem>>) src(%arg11 : memref<40x128xf32, #tpu.memory_space<vmem>>) dst(%dma_wait3A_168 : memref<40x128xf32, #tpu.memory_space<hbm>>)
        tpu.yield
      }) : () -> ()
    } else {
    }
    %add3A_147 = arith.constant 112 : i32
    %add3A_148 = arith.addi %arg1, %add3A_147 : i32
    %lt3A_149 = arith.constant 125 : i32
    %lt3A_150 = arith.cmpi slt, %add3A_148, %lt3A_149 : i32
    %convert_element_type3A_151 = arith.extui %lt3A_150 : i1 to i32
    %cond3A_152 = arith.constant 0 : i32
    %cond3A_153 = arith.cmpi ne, %convert_element_type3A_151, %cond3A_152 : i32
    scf.if %cond3A_153 {
      %mul3A_154 = arith.constant 40 : i32
      %mul3A_155 = arith.muli %add3A_148, %mul3A_154 : i32
      "tpu.region"() ({
        %run_scoped3A = tpu.sem_alloc : memref<!tpu.dma_semaphore, #tpu.memory_space<semaphore_mem>>
        %dma_start3A_161 = arith.constant 0 : i32
        %dma_start3A_162 = tpu.memref_slice %arg12[%mul3A_155, %dma_start3A_161] : memref<5280x128xf32, #tpu.memory_space<vmem_shared>> -> memref<40x128xf32, #tpu.memory_space<vmem_shared>>
        %dma_start3A_163 = arith.constant 0 : i32
        %dma_start3A_164 = tpu.memref_slice %arg12[%mul3A_155, %dma_start3A_163] : memref<5280x128xf32, #tpu.memory_space<vmem_shared>> -> memref<40x128xf32, #tpu.memory_space<vmem_shared>>
        tpu.enqueue_dma source(%dma_start3A_164 : memref<40x128xf32, #tpu.memory_space<vmem_shared>>) target(%arg11 : memref<40x128xf32, #tpu.memory_space<vmem>>) target_semaphore(%run_scoped3A : memref<!tpu.dma_semaphore, #tpu.memory_space<semaphore_mem>>)
        %dma_wait3A_165 = arith.constant 0 : i32
        %dma_wait3A_166 = tpu.memref_slice %arg12[%mul3A_155, %dma_wait3A_165] : memref<5280x128xf32, #tpu.memory_space<vmem_shared>> -> memref<40x128xf32, #tpu.memory_space<vmem_shared>>
        %dma_wait3A_167 = arith.constant 0 : i32
        %dma_wait3A_168 = tpu.memref_slice %arg12[%mul3A_155, %dma_wait3A_167] : memref<5280x128xf32, #tpu.memory_space<vmem_shared>> -> memref<40x128xf32, #tpu.memory_space<vmem_shared>>
        tpu.wait_dma2 semaphore(%run_scoped3A : memref<!tpu.dma_semaphore, #tpu.memory_space<semaphore_mem>>) src(%dma_wait3A_168 : memref<40x128xf32, #tpu.memory_space<vmem_shared>>) dst(%arg11 : memref<40x128xf32, #tpu.memory_space<vmem>>)
        tpu.yield
      }) : () -> ()
      %mul3A_156 = arith.constant 5000 : i32
      %mul3A_157 = arith.muli %arg0, %mul3A_156 : i32
      %mul3A_158 = arith.constant 40 : i32
      %mul3A_159 = arith.muli %add3A_148, %mul3A_158 : i32
      %add3A_160 = arith.addi %mul3A_157, %mul3A_159 : i32
      "tpu.region"() ({
        %run_scoped3A = tpu.sem_alloc : memref<!tpu.dma_semaphore, #tpu.memory_space<semaphore_mem>>
        %dma_start3A_161 = arith.constant 0 : i32
        %dma_start3A_162 = tpu.memref_slice %arg6[%add3A_160, %dma_start3A_161] : memref<10000x128xf32, #tpu.memory_space<hbm>> -> memref<40x128xf32, #tpu.memory_space<hbm>>
        %dma_start3A_163 = arith.constant 0 : i32
        %dma_start3A_164 = tpu.memref_slice %arg6[%add3A_160, %dma_start3A_163] : memref<10000x128xf32, #tpu.memory_space<hbm>> -> memref<40x128xf32, #tpu.memory_space<hbm>>
        tpu.enqueue_dma source(%arg11 : memref<40x128xf32, #tpu.memory_space<vmem>>) target(%dma_start3A_164 : memref<40x128xf32, #tpu.memory_space<hbm>>) target_semaphore(%run_scoped3A : memref<!tpu.dma_semaphore, #tpu.memory_space<semaphore_mem>>)
        %dma_wait3A_165 = arith.constant 0 : i32
        %dma_wait3A_166 = tpu.memref_slice %arg6[%add3A_160, %dma_wait3A_165] : memref<10000x128xf32, #tpu.memory_space<hbm>> -> memref<40x128xf32, #tpu.memory_space<hbm>>
        %dma_wait3A_167 = arith.constant 0 : i32
        %dma_wait3A_168 = tpu.memref_slice %arg6[%add3A_160, %dma_wait3A_167] : memref<10000x128xf32, #tpu.memory_space<hbm>> -> memref<40x128xf32, #tpu.memory_space<hbm>>
        tpu.wait_dma2 semaphore(%run_scoped3A : memref<!tpu.dma_semaphore, #tpu.memory_space<semaphore_mem>>) src(%arg11 : memref<40x128xf32, #tpu.memory_space<vmem>>) dst(%dma_wait3A_168 : memref<40x128xf32, #tpu.memory_space<hbm>>)
        tpu.yield
      }) : () -> ()
    } else {
    }
    return
  }
}

#map = affine_map<(d0, d1) -> (0, 0)>
#map1 = affine_map<(d0, d1) -> (0, 0, 0)>
module attributes {stable_mosaic.version = 14 : i64} {
  func.func @agg_kernel(%arg0: i32, %arg1: i32, %arg2: memref<10000x128xf32, #tpu.memory_space<hbm>>, %arg3: memref<16x158x128xi32, #tpu.memory_space<hbm>>, %arg4: memref<16x158x128xi32, #tpu.memory_space<hbm>>, %arg5: memref<40x128xf32, #tpu.memory_space<hbm>>, %arg6: memref<10000x128xf32, #tpu.memory_space<hbm>>, %arg7: memref<158x128xi32, #tpu.memory_space<vmem>>, %arg8: memref<158x128xi32, #tpu.memory_space<vmem>>, %arg9: memref<128x128xf32, #tpu.memory_space<vmem>>, %arg10: memref<128x128xf32, #tpu.memory_space<vmem>>, %arg11: memref<40x128xf32, #tpu.memory_space<vmem>>, %arg12: memref<5280x128xf32, #tpu.memory_space<vmem_shared>>, %arg13: memref<!tpu.dma_semaphore, #tpu.memory_space<semaphore_mem>>, %arg14: memref<!tpu.dma_semaphore, #tpu.memory_space<semaphore_mem>>, %arg15: memref<!tpu.dma_semaphore, #tpu.memory_space<semaphore_mem>>, %arg16: memref<!tpu.dma_semaphore, #tpu.memory_space<semaphore_mem>>) attributes {dimension_semantics = [#tpu.dimension_semantics<core_parallel>, #tpu.dimension_semantics<subcore_parallel>], iteration_bounds = array<i64: 2, 16>, scalar_prefetch = 0 : i64, scratch_operands = 10 : i64, tpu.core_type = #tpu.core_type<sc_vector_subcore>, window_params = [{transform_indices = #map}, {transform_indices = #map1}, {transform_indices = #map1}, {transform_indices = #map}, {transform_indices = #map}]} {
    "tpu.region"() ({
      %run_scoped3A = tpu.sem_alloc : memref<!tpu.dma_semaphore, #tpu.memory_space<semaphore_mem>>
      %dma_start3A_154 = arith.constant 0 : i32
      %dma_start3A_155 = arith.constant 0 : i32
      %dma_start3A_156 = tpu.memref_slice %arg3[%arg1, %dma_start3A_154, %dma_start3A_155] : memref<16x158x128xi32, #tpu.memory_space<hbm>> -> memref<1x158x128xi32, #tpu.memory_space<hbm>>
      %dma_start3A_157 = tpu.memref_squeeze %dma_start3A_156 : memref<1x158x128xi32, #tpu.memory_space<hbm>> -> memref<158x128xi32, #tpu.memory_space<hbm>>
      %dma_start3A_158 = arith.constant 0 : i32
      %dma_start3A_159 = arith.constant 0 : i32
      %dma_start3A_160 = tpu.memref_slice %arg3[%arg1, %dma_start3A_158, %dma_start3A_159] : memref<16x158x128xi32, #tpu.memory_space<hbm>> -> memref<1x158x128xi32, #tpu.memory_space<hbm>>
      %dma_start3A_161 = tpu.memref_squeeze %dma_start3A_160 : memref<1x158x128xi32, #tpu.memory_space<hbm>> -> memref<158x128xi32, #tpu.memory_space<hbm>>
      tpu.enqueue_dma source(%dma_start3A_161 : memref<158x128xi32, #tpu.memory_space<hbm>>) target(%arg7 : memref<158x128xi32, #tpu.memory_space<vmem>>) target_semaphore(%run_scoped3A : memref<!tpu.dma_semaphore, #tpu.memory_space<semaphore_mem>>)
      %dma_wait3A_162 = arith.constant 0 : i32
      %dma_wait3A_163 = arith.constant 0 : i32
      %dma_wait3A_164 = tpu.memref_slice %arg3[%arg1, %dma_wait3A_162, %dma_wait3A_163] : memref<16x158x128xi32, #tpu.memory_space<hbm>> -> memref<1x158x128xi32, #tpu.memory_space<hbm>>
      %dma_wait3A_165 = tpu.memref_squeeze %dma_wait3A_164 : memref<1x158x128xi32, #tpu.memory_space<hbm>> -> memref<158x128xi32, #tpu.memory_space<hbm>>
      %dma_wait3A_166 = arith.constant 0 : i32
      %dma_wait3A_167 = arith.constant 0 : i32
      %dma_wait3A_168 = tpu.memref_slice %arg3[%arg1, %dma_wait3A_166, %dma_wait3A_167] : memref<16x158x128xi32, #tpu.memory_space<hbm>> -> memref<1x158x128xi32, #tpu.memory_space<hbm>>
      %dma_wait3A_169 = tpu.memref_squeeze %dma_wait3A_168 : memref<1x158x128xi32, #tpu.memory_space<hbm>> -> memref<158x128xi32, #tpu.memory_space<hbm>>
      tpu.wait_dma2 semaphore(%run_scoped3A : memref<!tpu.dma_semaphore, #tpu.memory_space<semaphore_mem>>) src(%dma_wait3A_169 : memref<158x128xi32, #tpu.memory_space<hbm>>) dst(%arg7 : memref<158x128xi32, #tpu.memory_space<vmem>>)
      tpu.yield
    }) : () -> ()
    "tpu.region"() ({
      %run_scoped3A = tpu.sem_alloc : memref<!tpu.dma_semaphore, #tpu.memory_space<semaphore_mem>>
      %dma_start3A_154 = arith.constant 0 : i32
      %dma_start3A_155 = arith.constant 0 : i32
      %dma_start3A_156 = tpu.memref_slice %arg4[%arg1, %dma_start3A_154, %dma_start3A_155] : memref<16x158x128xi32, #tpu.memory_space<hbm>> -> memref<1x158x128xi32, #tpu.memory_space<hbm>>
      %dma_start3A_157 = tpu.memref_squeeze %dma_start3A_156 : memref<1x158x128xi32, #tpu.memory_space<hbm>> -> memref<158x128xi32, #tpu.memory_space<hbm>>
      %dma_start3A_158 = arith.constant 0 : i32
      %dma_start3A_159 = arith.constant 0 : i32
      %dma_start3A_160 = tpu.memref_slice %arg4[%arg1, %dma_start3A_158, %dma_start3A_159] : memref<16x158x128xi32, #tpu.memory_space<hbm>> -> memref<1x158x128xi32, #tpu.memory_space<hbm>>
      %dma_start3A_161 = tpu.memref_squeeze %dma_start3A_160 : memref<1x158x128xi32, #tpu.memory_space<hbm>> -> memref<158x128xi32, #tpu.memory_space<hbm>>
      tpu.enqueue_dma source(%dma_start3A_161 : memref<158x128xi32, #tpu.memory_space<hbm>>) target(%arg8 : memref<158x128xi32, #tpu.memory_space<vmem>>) target_semaphore(%run_scoped3A : memref<!tpu.dma_semaphore, #tpu.memory_space<semaphore_mem>>)
      %dma_wait3A_162 = arith.constant 0 : i32
      %dma_wait3A_163 = arith.constant 0 : i32
      %dma_wait3A_164 = tpu.memref_slice %arg4[%arg1, %dma_wait3A_162, %dma_wait3A_163] : memref<16x158x128xi32, #tpu.memory_space<hbm>> -> memref<1x158x128xi32, #tpu.memory_space<hbm>>
      %dma_wait3A_165 = tpu.memref_squeeze %dma_wait3A_164 : memref<1x158x128xi32, #tpu.memory_space<hbm>> -> memref<158x128xi32, #tpu.memory_space<hbm>>
      %dma_wait3A_166 = arith.constant 0 : i32
      %dma_wait3A_167 = arith.constant 0 : i32
      %dma_wait3A_168 = tpu.memref_slice %arg4[%arg1, %dma_wait3A_166, %dma_wait3A_167] : memref<16x158x128xi32, #tpu.memory_space<hbm>> -> memref<1x158x128xi32, #tpu.memory_space<hbm>>
      %dma_wait3A_169 = tpu.memref_squeeze %dma_wait3A_168 : memref<1x158x128xi32, #tpu.memory_space<hbm>> -> memref<158x128xi32, #tpu.memory_space<hbm>>
      tpu.wait_dma2 semaphore(%run_scoped3A : memref<!tpu.dma_semaphore, #tpu.memory_space<semaphore_mem>>) src(%dma_wait3A_169 : memref<158x128xi32, #tpu.memory_space<hbm>>) dst(%arg8 : memref<158x128xi32, #tpu.memory_space<vmem>>)
      tpu.yield
    }) : () -> ()
    %iota3A = tpu.iota {dimensions = array<i32: 0>} : vector<16xi32>
    %mul3A = arith.constant 5000 : i32
    %mul3A_0 = arith.muli %arg0, %mul3A : i32
    %scan3A = arith.constant 0 : i32
    %scan3A_1 = arith.constant 0 : i32
    %scan3A_2 = arith.constant 79 : i32
    %scan3A_3 = arith.addi %scan3A_1, %scan3A_2 : i32
    %scan3A_4 = arith.constant 1 : i32
    scf.for %scan3A_154 = %scan3A_1 to %scan3A_3 step %scan3A_4  : i32 {
      %mul3A_155 = arith.constant 2 : i32
      %mul3A_156 = arith.muli %scan3A_154, %mul3A_155 : i32
      %add3A_157 = arith.constant 0 : i32
      %add3A_158 = arith.addi %mul3A_156, %add3A_157 : i32
      %get3A = arith.index_cast %add3A_158 : i32 to index
      %get3A_159 = arith.constant 0 : index
      %get3A_160 = tpu.vector_load %arg8[%get3A, %get3A_159] {strides = array<i32>} : memref<158x128xi32, #tpu.memory_space<vmem>>, vector<1x16xi32>,
      %get3A_161 = vector.shape_cast %get3A_160 : vector<1x16xi32> to vector<16xi32>
      %sub3A = vector.broadcast %mul3A_0 : i32 to vector<16xi32>
      %sub3A_162 = arith.subi %get3A_161, %sub3A : vector<16xi32>
      %ge3A = arith.constant 0 : i32
      %ge3A_163 = vector.broadcast %ge3A : i32 to vector<16xi32>
      %ge3A_164 = arith.cmpi sge, %sub3A_162, %ge3A_163 : vector<16xi32>
      %lt3A_165 = arith.constant 5000 : i32
      %lt3A_166 = vector.broadcast %lt3A_165 : i32 to vector<16xi32>
      %lt3A_167 = arith.cmpi slt, %sub3A_162, %lt3A_166 : vector<16xi32>
      %and3A = arith.andi %ge3A_164, %lt3A_167 : vector<16xi1>
      %add3A_168 = arith.constant 5000 : i32
      %add3A_169 = vector.broadcast %add3A_168 : i32 to vector<16xi32>
      %add3A_170 = arith.addi %add3A_169, %iota3A : vector<16xi32>
      %select_n3A = arith.select %and3A, %sub3A_162, %add3A_170 : vector<16xi1>, vector<16xi32>
      %swap3A = arith.index_cast %add3A_158 : i32 to index
      %swap3A_171 = arith.constant 0 : index
      %swap3A_172 = tpu.vector_load %arg8[%swap3A, %swap3A_171] {strides = array<i32>} : memref<158x128xi32, #tpu.memory_space<vmem>>, vector<1x16xi32>,
      %swap3A_173 = vector.shape_cast %swap3A_172 : vector<1x16xi32> to vector<16xi32>
      %swap3A_174 = vector.shape_cast %select_n3A : vector<16xi32> to vector<1x16xi32>
      tpu.vector_store %arg8[%swap3A, %swap3A_171], %swap3A_174 {strides = array<i32>} : memref<158x128xi32, #tpu.memory_space<vmem>>, vector<1x16xi32>,
      %get3A_175 = arith.index_cast %add3A_158 : i32 to index
      %get3A_176 = arith.constant 16 : index
      %get3A_177 = tpu.vector_load %arg8[%get3A_175, %get3A_176] {strides = array<i32>} : memref<158x128xi32, #tpu.memory_space<vmem>>, vector<1x16xi32>,
      %get3A_178 = vector.shape_cast %get3A_177 : vector<1x16xi32> to vector<16xi32>
      %sub3A_179 = vector.broadcast %mul3A_0 : i32 to vector<16xi32>
      %sub3A_180 = arith.subi %get3A_178, %sub3A_179 : vector<16xi32>
      %ge3A_181 = arith.constant 0 : i32
      %ge3A_182 = vector.broadcast %ge3A_181 : i32 to vector<16xi32>
      %ge3A_183 = arith.cmpi sge, %sub3A_180, %ge3A_182 : vector<16xi32>
      %lt3A_184 = arith.constant 5000 : i32
      %lt3A_185 = vector.broadcast %lt3A_184 : i32 to vector<16xi32>
      %lt3A_186 = arith.cmpi slt, %sub3A_180, %lt3A_185 : vector<16xi32>
      %and3A_187 = arith.andi %ge3A_183, %lt3A_186 : vector<16xi1>
      %add3A_188 = arith.constant 5016 : i32
      %add3A_189 = vector.broadcast %add3A_188 : i32 to vector<16xi32>
      %add3A_190 = arith.addi %add3A_189, %iota3A : vector<16xi32>
      %select_n3A_191 = arith.select %and3A_187, %sub3A_180, %add3A_190 : vector<16xi1>, vector<16xi32>
      %swap3A_192 = arith.index_cast %add3A_158 : i32 to index
      %swap3A_193 = arith.constant 16 : index
      %swap3A_194 = tpu.vector_load %arg8[%swap3A_192, %swap3A_193] {strides = array<i32>} : memref<158x128xi32, #tpu.memory_space<vmem>>, vector<1x16xi32>,
      %swap3A_195 = vector.shape_cast %swap3A_194 : vector<1x16xi32> to vector<16xi32>
      %swap3A_196 = vector.shape_cast %select_n3A_191 : vector<16xi32> to vector<1x16xi32>
      tpu.vector_store %arg8[%swap3A_192, %swap3A_193], %swap3A_196 {strides = array<i32>} : memref<158x128xi32, #tpu.memory_space<vmem>>, vector<1x16xi32>,
      %get3A_197 = arith.index_cast %add3A_158 : i32 to index
      %get3A_198 = arith.constant 32 : index
      %get3A_199 = tpu.vector_load %arg8[%get3A_197, %get3A_198] {strides = array<i32>} : memref<158x128xi32, #tpu.memory_space<vmem>>, vector<1x16xi32>,
      %get3A_200 = vector.shape_cast %get3A_199 : vector<1x16xi32> to vector<16xi32>
      %sub3A_201 = vector.broadcast %mul3A_0 : i32 to vector<16xi32>
      %sub3A_202 = arith.subi %get3A_200, %sub3A_201 : vector<16xi32>
      %ge3A_203 = arith.constant 0 : i32
      %ge3A_204 = vector.broadcast %ge3A_203 : i32 to vector<16xi32>
      %ge3A_205 = arith.cmpi sge, %sub3A_202, %ge3A_204 : vector<16xi32>
      %lt3A_206 = arith.constant 5000 : i32
      %lt3A_207 = vector.broadcast %lt3A_206 : i32 to vector<16xi32>
      %lt3A_208 = arith.cmpi slt, %sub3A_202, %lt3A_207 : vector<16xi32>
      %and3A_209 = arith.andi %ge3A_205, %lt3A_208 : vector<16xi1>
      %add3A_210 = arith.constant 5032 : i32
      %add3A_211 = vector.broadcast %add3A_210 : i32 to vector<16xi32>
      %add3A_212 = arith.addi %add3A_211, %iota3A : vector<16xi32>
      %select_n3A_213 = arith.select %and3A_209, %sub3A_202, %add3A_212 : vector<16xi1>, vector<16xi32>
      %swap3A_214 = arith.index_cast %add3A_158 : i32 to index
      %swap3A_215 = arith.constant 32 : index
      %swap3A_216 = tpu.vector_load %arg8[%swap3A_214, %swap3A_215] {strides = array<i32>} : memref<158x128xi32, #tpu.memory_space<vmem>>, vector<1x16xi32>,
      %swap3A_217 = vector.shape_cast %swap3A_216 : vector<1x16xi32> to vector<16xi32>
      %swap3A_218 = vector.shape_cast %select_n3A_213 : vector<16xi32> to vector<1x16xi32>
      tpu.vector_store %arg8[%swap3A_214, %swap3A_215], %swap3A_218 {strides = array<i32>} : memref<158x128xi32, #tpu.memory_space<vmem>>, vector<1x16xi32>,
      %get3A_219 = arith.index_cast %add3A_158 : i32 to index
      %get3A_220 = arith.constant 48 : index
      %get3A_221 = tpu.vector_load %arg8[%get3A_219, %get3A_220] {strides = array<i32>} : memref<158x128xi32, #tpu.memory_space<vmem>>, vector<1x16xi32>,
      %get3A_222 = vector.shape_cast %get3A_221 : vector<1x16xi32> to vector<16xi32>
      %sub3A_223 = vector.broadcast %mul3A_0 : i32 to vector<16xi32>
      %sub3A_224 = arith.subi %get3A_222, %sub3A_223 : vector<16xi32>
      %ge3A_225 = arith.constant 0 : i32
      %ge3A_226 = vector.broadcast %ge3A_225 : i32 to vector<16xi32>
      %ge3A_227 = arith.cmpi sge, %sub3A_224, %ge3A_226 : vector<16xi32>
      %lt3A_228 = arith.constant 5000 : i32
      %lt3A_229 = vector.broadcast %lt3A_228 : i32 to vector<16xi32>
      %lt3A_230 = arith.cmpi slt, %sub3A_224, %lt3A_229 : vector<16xi32>
      %and3A_231 = arith.andi %ge3A_227, %lt3A_230 : vector<16xi1>
      %add3A_232 = arith.constant 5048 : i32
      %add3A_233 = vector.broadcast %add3A_232 : i32 to vector<16xi32>
      %add3A_234 = arith.addi %add3A_233, %iota3A : vector<16xi32>
      %select_n3A_235 = arith.select %and3A_231, %sub3A_224, %add3A_234 : vector<16xi1>, vector<16xi32>
      %swap3A_236 = arith.index_cast %add3A_158 : i32 to index
      %swap3A_237 = arith.constant 48 : index
      %swap3A_238 = tpu.vector_load %arg8[%swap3A_236, %swap3A_237] {strides = array<i32>} : memref<158x128xi32, #tpu.memory_space<vmem>>, vector<1x16xi32>,
      %swap3A_239 = vector.shape_cast %swap3A_238 : vector<1x16xi32> to vector<16xi32>
      %swap3A_240 = vector.shape_cast %select_n3A_235 : vector<16xi32> to vector<1x16xi32>
      tpu.vector_store %arg8[%swap3A_236, %swap3A_237], %swap3A_240 {strides = array<i32>} : memref<158x128xi32, #tpu.memory_space<vmem>>, vector<1x16xi32>,
      %get3A_241 = arith.index_cast %add3A_158 : i32 to index
      %get3A_242 = arith.constant 64 : index
      %get3A_243 = tpu.vector_load %arg8[%get3A_241, %get3A_242] {strides = array<i32>} : memref<158x128xi32, #tpu.memory_space<vmem>>, vector<1x16xi32>,
      %get3A_244 = vector.shape_cast %get3A_243 : vector<1x16xi32> to vector<16xi32>
      %sub3A_245 = vector.broadcast %mul3A_0 : i32 to vector<16xi32>
      %sub3A_246 = arith.subi %get3A_244, %sub3A_245 : vector<16xi32>
      %ge3A_247 = arith.constant 0 : i32
      %ge3A_248 = vector.broadcast %ge3A_247 : i32 to vector<16xi32>
      %ge3A_249 = arith.cmpi sge, %sub3A_246, %ge3A_248 : vector<16xi32>
      %lt3A_250 = arith.constant 5000 : i32
      %lt3A_251 = vector.broadcast %lt3A_250 : i32 to vector<16xi32>
      %lt3A_252 = arith.cmpi slt, %sub3A_246, %lt3A_251 : vector<16xi32>
      %and3A_253 = arith.andi %ge3A_249, %lt3A_252 : vector<16xi1>
      %add3A_254 = arith.constant 5064 : i32
      %add3A_255 = vector.broadcast %add3A_254 : i32 to vector<16xi32>
      %add3A_256 = arith.addi %add3A_255, %iota3A : vector<16xi32>
      %select_n3A_257 = arith.select %and3A_253, %sub3A_246, %add3A_256 : vector<16xi1>, vector<16xi32>
      %swap3A_258 = arith.index_cast %add3A_158 : i32 to index
      %swap3A_259 = arith.constant 64 : index
      %swap3A_260 = tpu.vector_load %arg8[%swap3A_258, %swap3A_259] {strides = array<i32>} : memref<158x128xi32, #tpu.memory_space<vmem>>, vector<1x16xi32>,
      %swap3A_261 = vector.shape_cast %swap3A_260 : vector<1x16xi32> to vector<16xi32>
      %swap3A_262 = vector.shape_cast %select_n3A_257 : vector<16xi32> to vector<1x16xi32>
      tpu.vector_store %arg8[%swap3A_258, %swap3A_259], %swap3A_262 {strides = array<i32>} : memref<158x128xi32, #tpu.memory_space<vmem>>, vector<1x16xi32>,
      %get3A_263 = arith.index_cast %add3A_158 : i32 to index
      %get3A_264 = arith.constant 80 : index
      %get3A_265 = tpu.vector_load %arg8[%get3A_263, %get3A_264] {strides = array<i32>} : memref<158x128xi32, #tpu.memory_space<vmem>>, vector<1x16xi32>,
      %get3A_266 = vector.shape_cast %get3A_265 : vector<1x16xi32> to vector<16xi32>
      %sub3A_267 = vector.broadcast %mul3A_0 : i32 to vector<16xi32>
      %sub3A_268 = arith.subi %get3A_266, %sub3A_267 : vector<16xi32>
      %ge3A_269 = arith.constant 0 : i32
      %ge3A_270 = vector.broadcast %ge3A_269 : i32 to vector<16xi32>
      %ge3A_271 = arith.cmpi sge, %sub3A_268, %ge3A_270 : vector<16xi32>
      %lt3A_272 = arith.constant 5000 : i32
      %lt3A_273 = vector.broadcast %lt3A_272 : i32 to vector<16xi32>
      %lt3A_274 = arith.cmpi slt, %sub3A_268, %lt3A_273 : vector<16xi32>
      %and3A_275 = arith.andi %ge3A_271, %lt3A_274 : vector<16xi1>
      %add3A_276 = arith.constant 5080 : i32
      %add3A_277 = vector.broadcast %add3A_276 : i32 to vector<16xi32>
      %add3A_278 = arith.addi %add3A_277, %iota3A : vector<16xi32>
      %select_n3A_279 = arith.select %and3A_275, %sub3A_268, %add3A_278 : vector<16xi1>, vector<16xi32>
      %swap3A_280 = arith.index_cast %add3A_158 : i32 to index
      %swap3A_281 = arith.constant 80 : index
      %swap3A_282 = tpu.vector_load %arg8[%swap3A_280, %swap3A_281] {strides = array<i32>} : memref<158x128xi32, #tpu.memory_space<vmem>>, vector<1x16xi32>,
      %swap3A_283 = vector.shape_cast %swap3A_282 : vector<1x16xi32> to vector<16xi32>
      %swap3A_284 = vector.shape_cast %select_n3A_279 : vector<16xi32> to vector<1x16xi32>
      tpu.vector_store %arg8[%swap3A_280, %swap3A_281], %swap3A_284 {strides = array<i32>} : memref<158x128xi32, #tpu.memory_space<vmem>>, vector<1x16xi32>,
      %get3A_285 = arith.index_cast %add3A_158 : i32 to index
      %get3A_286 = arith.constant 96 : index
      %get3A_287 = tpu.vector_load %arg8[%get3A_285, %get3A_286] {strides = array<i32>} : memref<158x128xi32, #tpu.memory_space<vmem>>, vector<1x16xi32>,
      %get3A_288 = vector.shape_cast %get3A_287 : vector<1x16xi32> to vector<16xi32>
      %sub3A_289 = vector.broadcast %mul3A_0 : i32 to vector<16xi32>
      %sub3A_290 = arith.subi %get3A_288, %sub3A_289 : vector<16xi32>
      %ge3A_291 = arith.constant 0 : i32
      %ge3A_292 = vector.broadcast %ge3A_291 : i32 to vector<16xi32>
      %ge3A_293 = arith.cmpi sge, %sub3A_290, %ge3A_292 : vector<16xi32>
      %lt3A_294 = arith.constant 5000 : i32
      %lt3A_295 = vector.broadcast %lt3A_294 : i32 to vector<16xi32>
      %lt3A_296 = arith.cmpi slt, %sub3A_290, %lt3A_295 : vector<16xi32>
      %and3A_297 = arith.andi %ge3A_293, %lt3A_296 : vector<16xi1>
      %add3A_298 = arith.constant 5096 : i32
      %add3A_299 = vector.broadcast %add3A_298 : i32 to vector<16xi32>
      %add3A_300 = arith.addi %add3A_299, %iota3A : vector<16xi32>
      %select_n3A_301 = arith.select %and3A_297, %sub3A_290, %add3A_300 : vector<16xi1>, vector<16xi32>
      %swap3A_302 = arith.index_cast %add3A_158 : i32 to index
      %swap3A_303 = arith.constant 96 : index
      %swap3A_304 = tpu.vector_load %arg8[%swap3A_302, %swap3A_303] {strides = array<i32>} : memref<158x128xi32, #tpu.memory_space<vmem>>, vector<1x16xi32>,
      %swap3A_305 = vector.shape_cast %swap3A_304 : vector<1x16xi32> to vector<16xi32>
      %swap3A_306 = vector.shape_cast %select_n3A_301 : vector<16xi32> to vector<1x16xi32>
      tpu.vector_store %arg8[%swap3A_302, %swap3A_303], %swap3A_306 {strides = array<i32>} : memref<158x128xi32, #tpu.memory_space<vmem>>, vector<1x16xi32>,
      %get3A_307 = arith.index_cast %add3A_158 : i32 to index
      %get3A_308 = arith.constant 112 : index
      %get3A_309 = tpu.vector_load %arg8[%get3A_307, %get3A_308] {strides = array<i32>} : memref<158x128xi32, #tpu.memory_space<vmem>>, vector<1x16xi32>,
      %get3A_310 = vector.shape_cast %get3A_309 : vector<1x16xi32> to vector<16xi32>
      %sub3A_311 = vector.broadcast %mul3A_0 : i32 to vector<16xi32>
      %sub3A_312 = arith.subi %get3A_310, %sub3A_311 : vector<16xi32>
      %ge3A_313 = arith.constant 0 : i32
      %ge3A_314 = vector.broadcast %ge3A_313 : i32 to vector<16xi32>
      %ge3A_315 = arith.cmpi sge, %sub3A_312, %ge3A_314 : vector<16xi32>
      %lt3A_316 = arith.constant 5000 : i32
      %lt3A_317 = vector.broadcast %lt3A_316 : i32 to vector<16xi32>
      %lt3A_318 = arith.cmpi slt, %sub3A_312, %lt3A_317 : vector<16xi32>
      %and3A_319 = arith.andi %ge3A_315, %lt3A_318 : vector<16xi1>
      %add3A_320 = arith.constant 5112 : i32
      %add3A_321 = vector.broadcast %add3A_320 : i32 to vector<16xi32>
      %add3A_322 = arith.addi %add3A_321, %iota3A : vector<16xi32>
      %select_n3A_323 = arith.select %and3A_319, %sub3A_312, %add3A_322 : vector<16xi1>, vector<16xi32>
      %swap3A_324 = arith.index_cast %add3A_158 : i32 to index
      %swap3A_325 = arith.constant 112 : index
      %swap3A_326 = tpu.vector_load %arg8[%swap3A_324, %swap3A_325] {strides = array<i32>} : memref<158x128xi32, #tpu.memory_space<vmem>>, vector<1x16xi32>,
      %swap3A_327 = vector.shape_cast %swap3A_326 : vector<1x16xi32> to vector<16xi32>
      %swap3A_328 = vector.shape_cast %select_n3A_323 : vector<16xi32> to vector<1x16xi32>
      tpu.vector_store %arg8[%swap3A_324, %swap3A_325], %swap3A_328 {strides = array<i32>} : memref<158x128xi32, #tpu.memory_space<vmem>>, vector<1x16xi32>,
      %mul3A_329 = arith.constant 2 : i32
      %mul3A_330 = arith.muli %scan3A_154, %mul3A_329 : i32
      %add3A_331 = arith.constant 1 : i32
      %add3A_332 = arith.addi %mul3A_330, %add3A_331 : i32
      %get3A_333 = arith.index_cast %add3A_332 : i32 to index
      %get3A_334 = arith.constant 0 : index
      %get3A_335 = tpu.vector_load %arg8[%get3A_333, %get3A_334] {strides = array<i32>} : memref<158x128xi32, #tpu.memory_space<vmem>>, vector<1x16xi32>,
      %get3A_336 = vector.shape_cast %get3A_335 : vector<1x16xi32> to vector<16xi32>
      %sub3A_337 = vector.broadcast %mul3A_0 : i32 to vector<16xi32>
      %sub3A_338 = arith.subi %get3A_336, %sub3A_337 : vector<16xi32>
      %ge3A_339 = arith.constant 0 : i32
      %ge3A_340 = vector.broadcast %ge3A_339 : i32 to vector<16xi32>
      %ge3A_341 = arith.cmpi sge, %sub3A_338, %ge3A_340 : vector<16xi32>
      %lt3A_342 = arith.constant 5000 : i32
      %lt3A_343 = vector.broadcast %lt3A_342 : i32 to vector<16xi32>
      %lt3A_344 = arith.cmpi slt, %sub3A_338, %lt3A_343 : vector<16xi32>
      %and3A_345 = arith.andi %ge3A_341, %lt3A_344 : vector<16xi1>
      %add3A_346 = arith.constant 5128 : i32
      %add3A_347 = vector.broadcast %add3A_346 : i32 to vector<16xi32>
      %add3A_348 = arith.addi %add3A_347, %iota3A : vector<16xi32>
      %select_n3A_349 = arith.select %and3A_345, %sub3A_338, %add3A_348 : vector<16xi1>, vector<16xi32>
      %swap3A_350 = arith.index_cast %add3A_332 : i32 to index
      %swap3A_351 = arith.constant 0 : index
      %swap3A_352 = tpu.vector_load %arg8[%swap3A_350, %swap3A_351] {strides = array<i32>} : memref<158x128xi32, #tpu.memory_space<vmem>>, vector<1x16xi32>,
      %swap3A_353 = vector.shape_cast %swap3A_352 : vector<1x16xi32> to vector<16xi32>
      %swap3A_354 = vector.shape_cast %select_n3A_349 : vector<16xi32> to vector<1x16xi32>
      tpu.vector_store %arg8[%swap3A_350, %swap3A_351], %swap3A_354 {strides = array<i32>} : memref<158x128xi32, #tpu.memory_space<vmem>>, vector<1x16xi32>,
      %get3A_355 = arith.index_cast %add3A_332 : i32 to index
      %get3A_356 = arith.constant 16 : index
      %get3A_357 = tpu.vector_load %arg8[%get3A_355, %get3A_356] {strides = array<i32>} : memref<158x128xi32, #tpu.memory_space<vmem>>, vector<1x16xi32>,
      %get3A_358 = vector.shape_cast %get3A_357 : vector<1x16xi32> to vector<16xi32>
      %sub3A_359 = vector.broadcast %mul3A_0 : i32 to vector<16xi32>
      %sub3A_360 = arith.subi %get3A_358, %sub3A_359 : vector<16xi32>
      %ge3A_361 = arith.constant 0 : i32
      %ge3A_362 = vector.broadcast %ge3A_361 : i32 to vector<16xi32>
      %ge3A_363 = arith.cmpi sge, %sub3A_360, %ge3A_362 : vector<16xi32>
      %lt3A_364 = arith.constant 5000 : i32
      %lt3A_365 = vector.broadcast %lt3A_364 : i32 to vector<16xi32>
      %lt3A_366 = arith.cmpi slt, %sub3A_360, %lt3A_365 : vector<16xi32>
      %and3A_367 = arith.andi %ge3A_363, %lt3A_366 : vector<16xi1>
      %add3A_368 = arith.constant 5144 : i32
      %add3A_369 = vector.broadcast %add3A_368 : i32 to vector<16xi32>
      %add3A_370 = arith.addi %add3A_369, %iota3A : vector<16xi32>
      %select_n3A_371 = arith.select %and3A_367, %sub3A_360, %add3A_370 : vector<16xi1>, vector<16xi32>
      %swap3A_372 = arith.index_cast %add3A_332 : i32 to index
      %swap3A_373 = arith.constant 16 : index
      %swap3A_374 = tpu.vector_load %arg8[%swap3A_372, %swap3A_373] {strides = array<i32>} : memref<158x128xi32, #tpu.memory_space<vmem>>, vector<1x16xi32>,
      %swap3A_375 = vector.shape_cast %swap3A_374 : vector<1x16xi32> to vector<16xi32>
      %swap3A_376 = vector.shape_cast %select_n3A_371 : vector<16xi32> to vector<1x16xi32>
      tpu.vector_store %arg8[%swap3A_372, %swap3A_373], %swap3A_376 {strides = array<i32>} : memref<158x128xi32, #tpu.memory_space<vmem>>, vector<1x16xi32>,
      %get3A_377 = arith.index_cast %add3A_332 : i32 to index
      %get3A_378 = arith.constant 32 : index
      %get3A_379 = tpu.vector_load %arg8[%get3A_377, %get3A_378] {strides = array<i32>} : memref<158x128xi32, #tpu.memory_space<vmem>>, vector<1x16xi32>,
      %get3A_380 = vector.shape_cast %get3A_379 : vector<1x16xi32> to vector<16xi32>
      %sub3A_381 = vector.broadcast %mul3A_0 : i32 to vector<16xi32>
      %sub3A_382 = arith.subi %get3A_380, %sub3A_381 : vector<16xi32>
      %ge3A_383 = arith.constant 0 : i32
      %ge3A_384 = vector.broadcast %ge3A_383 : i32 to vector<16xi32>
      %ge3A_385 = arith.cmpi sge, %sub3A_382, %ge3A_384 : vector<16xi32>
      %lt3A_386 = arith.constant 5000 : i32
      %lt3A_387 = vector.broadcast %lt3A_386 : i32 to vector<16xi32>
      %lt3A_388 = arith.cmpi slt, %sub3A_382, %lt3A_387 : vector<16xi32>
      %and3A_389 = arith.andi %ge3A_385, %lt3A_388 : vector<16xi1>
      %add3A_390 = arith.constant 5160 : i32
      %add3A_391 = vector.broadcast %add3A_390 : i32 to vector<16xi32>
      %add3A_392 = arith.addi %add3A_391, %iota3A : vector<16xi32>
      %select_n3A_393 = arith.select %and3A_389, %sub3A_382, %add3A_392 : vector<16xi1>, vector<16xi32>
      %swap3A_394 = arith.index_cast %add3A_332 : i32 to index
      %swap3A_395 = arith.constant 32 : index
      %swap3A_396 = tpu.vector_load %arg8[%swap3A_394, %swap3A_395] {strides = array<i32>} : memref<158x128xi32, #tpu.memory_space<vmem>>, vector<1x16xi32>,
      %swap3A_397 = vector.shape_cast %swap3A_396 : vector<1x16xi32> to vector<16xi32>
      %swap3A_398 = vector.shape_cast %select_n3A_393 : vector<16xi32> to vector<1x16xi32>
      tpu.vector_store %arg8[%swap3A_394, %swap3A_395], %swap3A_398 {strides = array<i32>} : memref<158x128xi32, #tpu.memory_space<vmem>>, vector<1x16xi32>,
      %get3A_399 = arith.index_cast %add3A_332 : i32 to index
      %get3A_400 = arith.constant 48 : index
      %get3A_401 = tpu.vector_load %arg8[%get3A_399, %get3A_400] {strides = array<i32>} : memref<158x128xi32, #tpu.memory_space<vmem>>, vector<1x16xi32>,
      %get3A_402 = vector.shape_cast %get3A_401 : vector<1x16xi32> to vector<16xi32>
      %sub3A_403 = vector.broadcast %mul3A_0 : i32 to vector<16xi32>
      %sub3A_404 = arith.subi %get3A_402, %sub3A_403 : vector<16xi32>
      %ge3A_405 = arith.constant 0 : i32
      %ge3A_406 = vector.broadcast %ge3A_405 : i32 to vector<16xi32>
      %ge3A_407 = arith.cmpi sge, %sub3A_404, %ge3A_406 : vector<16xi32>
      %lt3A_408 = arith.constant 5000 : i32
      %lt3A_409 = vector.broadcast %lt3A_408 : i32 to vector<16xi32>
      %lt3A_410 = arith.cmpi slt, %sub3A_404, %lt3A_409 : vector<16xi32>
      %and3A_411 = arith.andi %ge3A_407, %lt3A_410 : vector<16xi1>
      %add3A_412 = arith.constant 5176 : i32
      %add3A_413 = vector.broadcast %add3A_412 : i32 to vector<16xi32>
      %add3A_414 = arith.addi %add3A_413, %iota3A : vector<16xi32>
      %select_n3A_415 = arith.select %and3A_411, %sub3A_404, %add3A_414 : vector<16xi1>, vector<16xi32>
      %swap3A_416 = arith.index_cast %add3A_332 : i32 to index
      %swap3A_417 = arith.constant 48 : index
      %swap3A_418 = tpu.vector_load %arg8[%swap3A_416, %swap3A_417] {strides = array<i32>} : memref<158x128xi32, #tpu.memory_space<vmem>>, vector<1x16xi32>,
      %swap3A_419 = vector.shape_cast %swap3A_418 : vector<1x16xi32> to vector<16xi32>
      %swap3A_420 = vector.shape_cast %select_n3A_415 : vector<16xi32> to vector<1x16xi32>
      tpu.vector_store %arg8[%swap3A_416, %swap3A_417], %swap3A_420 {strides = array<i32>} : memref<158x128xi32, #tpu.memory_space<vmem>>, vector<1x16xi32>,
      %get3A_421 = arith.index_cast %add3A_332 : i32 to index
      %get3A_422 = arith.constant 64 : index
      %get3A_423 = tpu.vector_load %arg8[%get3A_421, %get3A_422] {strides = array<i32>} : memref<158x128xi32, #tpu.memory_space<vmem>>, vector<1x16xi32>,
      %get3A_424 = vector.shape_cast %get3A_423 : vector<1x16xi32> to vector<16xi32>
      %sub3A_425 = vector.broadcast %mul3A_0 : i32 to vector<16xi32>
      %sub3A_426 = arith.subi %get3A_424, %sub3A_425 : vector<16xi32>
      %ge3A_427 = arith.constant 0 : i32
      %ge3A_428 = vector.broadcast %ge3A_427 : i32 to vector<16xi32>
      %ge3A_429 = arith.cmpi sge, %sub3A_426, %ge3A_428 : vector<16xi32>
      %lt3A_430 = arith.constant 5000 : i32
      %lt3A_431 = vector.broadcast %lt3A_430 : i32 to vector<16xi32>
      %lt3A_432 = arith.cmpi slt, %sub3A_426, %lt3A_431 : vector<16xi32>
      %and3A_433 = arith.andi %ge3A_429, %lt3A_432 : vector<16xi1>
      %add3A_434 = arith.constant 5192 : i32
      %add3A_435 = vector.broadcast %add3A_434 : i32 to vector<16xi32>
      %add3A_436 = arith.addi %add3A_435, %iota3A : vector<16xi32>
      %select_n3A_437 = arith.select %and3A_433, %sub3A_426, %add3A_436 : vector<16xi1>, vector<16xi32>
      %swap3A_438 = arith.index_cast %add3A_332 : i32 to index
      %swap3A_439 = arith.constant 64 : index
      %swap3A_440 = tpu.vector_load %arg8[%swap3A_438, %swap3A_439] {strides = array<i32>} : memref<158x128xi32, #tpu.memory_space<vmem>>, vector<1x16xi32>,
      %swap3A_441 = vector.shape_cast %swap3A_440 : vector<1x16xi32> to vector<16xi32>
      %swap3A_442 = vector.shape_cast %select_n3A_437 : vector<16xi32> to vector<1x16xi32>
      tpu.vector_store %arg8[%swap3A_438, %swap3A_439], %swap3A_442 {strides = array<i32>} : memref<158x128xi32, #tpu.memory_space<vmem>>, vector<1x16xi32>,
      %get3A_443 = arith.index_cast %add3A_332 : i32 to index
      %get3A_444 = arith.constant 80 : index
      %get3A_445 = tpu.vector_load %arg8[%get3A_443, %get3A_444] {strides = array<i32>} : memref<158x128xi32, #tpu.memory_space<vmem>>, vector<1x16xi32>,
      %get3A_446 = vector.shape_cast %get3A_445 : vector<1x16xi32> to vector<16xi32>
      %sub3A_447 = vector.broadcast %mul3A_0 : i32 to vector<16xi32>
      %sub3A_448 = arith.subi %get3A_446, %sub3A_447 : vector<16xi32>
      %ge3A_449 = arith.constant 0 : i32
      %ge3A_450 = vector.broadcast %ge3A_449 : i32 to vector<16xi32>
      %ge3A_451 = arith.cmpi sge, %sub3A_448, %ge3A_450 : vector<16xi32>
      %lt3A_452 = arith.constant 5000 : i32
      %lt3A_453 = vector.broadcast %lt3A_452 : i32 to vector<16xi32>
      %lt3A_454 = arith.cmpi slt, %sub3A_448, %lt3A_453 : vector<16xi32>
      %and3A_455 = arith.andi %ge3A_451, %lt3A_454 : vector<16xi1>
      %add3A_456 = arith.constant 5208 : i32
      %add3A_457 = vector.broadcast %add3A_456 : i32 to vector<16xi32>
      %add3A_458 = arith.addi %add3A_457, %iota3A : vector<16xi32>
      %select_n3A_459 = arith.select %and3A_455, %sub3A_448, %add3A_458 : vector<16xi1>, vector<16xi32>
      %swap3A_460 = arith.index_cast %add3A_332 : i32 to index
      %swap3A_461 = arith.constant 80 : index
      %swap3A_462 = tpu.vector_load %arg8[%swap3A_460, %swap3A_461] {strides = array<i32>} : memref<158x128xi32, #tpu.memory_space<vmem>>, vector<1x16xi32>,
      %swap3A_463 = vector.shape_cast %swap3A_462 : vector<1x16xi32> to vector<16xi32>
      %swap3A_464 = vector.shape_cast %select_n3A_459 : vector<16xi32> to vector<1x16xi32>
      tpu.vector_store %arg8[%swap3A_460, %swap3A_461], %swap3A_464 {strides = array<i32>} : memref<158x128xi32, #tpu.memory_space<vmem>>, vector<1x16xi32>,
      %get3A_465 = arith.index_cast %add3A_332 : i32 to index
      %get3A_466 = arith.constant 96 : index
      %get3A_467 = tpu.vector_load %arg8[%get3A_465, %get3A_466] {strides = array<i32>} : memref<158x128xi32, #tpu.memory_space<vmem>>, vector<1x16xi32>,
      %get3A_468 = vector.shape_cast %get3A_467 : vector<1x16xi32> to vector<16xi32>
      %sub3A_469 = vector.broadcast %mul3A_0 : i32 to vector<16xi32>
      %sub3A_470 = arith.subi %get3A_468, %sub3A_469 : vector<16xi32>
      %ge3A_471 = arith.constant 0 : i32
      %ge3A_472 = vector.broadcast %ge3A_471 : i32 to vector<16xi32>
      %ge3A_473 = arith.cmpi sge, %sub3A_470, %ge3A_472 : vector<16xi32>
      %lt3A_474 = arith.constant 5000 : i32
      %lt3A_475 = vector.broadcast %lt3A_474 : i32 to vector<16xi32>
      %lt3A_476 = arith.cmpi slt, %sub3A_470, %lt3A_475 : vector<16xi32>
      %and3A_477 = arith.andi %ge3A_473, %lt3A_476 : vector<16xi1>
      %add3A_478 = arith.constant 5224 : i32
      %add3A_479 = vector.broadcast %add3A_478 : i32 to vector<16xi32>
      %add3A_480 = arith.addi %add3A_479, %iota3A : vector<16xi32>
      %select_n3A_481 = arith.select %and3A_477, %sub3A_470, %add3A_480 : vector<16xi1>, vector<16xi32>
      %swap3A_482 = arith.index_cast %add3A_332 : i32 to index
      %swap3A_483 = arith.constant 96 : index
      %swap3A_484 = tpu.vector_load %arg8[%swap3A_482, %swap3A_483] {strides = array<i32>} : memref<158x128xi32, #tpu.memory_space<vmem>>, vector<1x16xi32>,
      %swap3A_485 = vector.shape_cast %swap3A_484 : vector<1x16xi32> to vector<16xi32>
      %swap3A_486 = vector.shape_cast %select_n3A_481 : vector<16xi32> to vector<1x16xi32>
      tpu.vector_store %arg8[%swap3A_482, %swap3A_483], %swap3A_486 {strides = array<i32>} : memref<158x128xi32, #tpu.memory_space<vmem>>, vector<1x16xi32>,
      %get3A_487 = arith.index_cast %add3A_332 : i32 to index
      %get3A_488 = arith.constant 112 : index
      %get3A_489 = tpu.vector_load %arg8[%get3A_487, %get3A_488] {strides = array<i32>} : memref<158x128xi32, #tpu.memory_space<vmem>>, vector<1x16xi32>,
      %get3A_490 = vector.shape_cast %get3A_489 : vector<1x16xi32> to vector<16xi32>
      %sub3A_491 = vector.broadcast %mul3A_0 : i32 to vector<16xi32>
      %sub3A_492 = arith.subi %get3A_490, %sub3A_491 : vector<16xi32>
      %ge3A_493 = arith.constant 0 : i32
      %ge3A_494 = vector.broadcast %ge3A_493 : i32 to vector<16xi32>
      %ge3A_495 = arith.cmpi sge, %sub3A_492, %ge3A_494 : vector<16xi32>
      %lt3A_496 = arith.constant 5000 : i32
      %lt3A_497 = vector.broadcast %lt3A_496 : i32 to vector<16xi32>
      %lt3A_498 = arith.cmpi slt, %sub3A_492, %lt3A_497 : vector<16xi32>
      %and3A_499 = arith.andi %ge3A_495, %lt3A_498 : vector<16xi1>
      %add3A_500 = arith.constant 5240 : i32
      %add3A_501 = vector.broadcast %add3A_500 : i32 to vector<16xi32>
      %add3A_502 = arith.addi %add3A_501, %iota3A : vector<16xi32>
      %select_n3A_503 = arith.select %and3A_499, %sub3A_492, %add3A_502 : vector<16xi1>, vector<16xi32>
      %swap3A_504 = arith.index_cast %add3A_332 : i32 to index
      %swap3A_505 = arith.constant 112 : index
      %swap3A_506 = tpu.vector_load %arg8[%swap3A_504, %swap3A_505] {strides = array<i32>} : memref<158x128xi32, #tpu.memory_space<vmem>>, vector<1x16xi32>,
      %swap3A_507 = vector.shape_cast %swap3A_506 : vector<1x16xi32> to vector<16xi32>
      %swap3A_508 = vector.shape_cast %select_n3A_503 : vector<16xi32> to vector<1x16xi32>
      tpu.vector_store %arg8[%swap3A_504, %swap3A_505], %swap3A_508 {strides = array<i32>} : memref<158x128xi32, #tpu.memory_space<vmem>>, vector<1x16xi32>,
    }
    %scan3A_5 = arith.constant 79 : i32
    "tpu.region"() ({
      %run_scoped3A = tpu.sem_alloc : memref<!tpu.dma_semaphore, #tpu.memory_space<semaphore_mem>>
      tpu.enqueue_dma source(%arg5 : memref<40x128xf32, #tpu.memory_space<hbm>>) target(%arg11 : memref<40x128xf32, #tpu.memory_space<vmem>>) target_semaphore(%run_scoped3A : memref<!tpu.dma_semaphore, #tpu.memory_space<semaphore_mem>>)
      tpu.wait_dma2 semaphore(%run_scoped3A : memref<!tpu.dma_semaphore, #tpu.memory_space<semaphore_mem>>) src(%arg5 : memref<40x128xf32, #tpu.memory_space<hbm>>) dst(%arg11 : memref<40x128xf32, #tpu.memory_space<vmem>>)
      tpu.yield
    }) : () -> ()
    %add3A = arith.constant 0 : i32
    %add3A_6 = arith.addi %arg1, %add3A : i32
    %lt3A = arith.constant 132 : i32
    %lt3A_7 = arith.cmpi slt, %add3A_6, %lt3A : i32
    %convert_element_type3A = arith.extui %lt3A_7 : i1 to i32
    %cond3A = arith.constant 0 : i32
    %cond3A_8 = arith.cmpi ne, %convert_element_type3A, %cond3A : i32
    scf.if %cond3A_8 {
      %mul3A_154 = arith.constant 40 : i32
      %mul3A_155 = arith.muli %add3A_6, %mul3A_154 : i32
      "tpu.region"() ({
        %run_scoped3A = tpu.sem_alloc : memref<!tpu.dma_semaphore, #tpu.memory_space<semaphore_mem>>
        %dma_start3A_156 = arith.constant 0 : i32
        %dma_start3A_157 = tpu.memref_slice %arg12[%mul3A_155, %dma_start3A_156] : memref<5280x128xf32, #tpu.memory_space<vmem_shared>> -> memref<40x128xf32, #tpu.memory_space<vmem_shared>>
        %dma_start3A_158 = arith.constant 0 : i32
        %dma_start3A_159 = tpu.memref_slice %arg12[%mul3A_155, %dma_start3A_158] : memref<5280x128xf32, #tpu.memory_space<vmem_shared>> -> memref<40x128xf32, #tpu.memory_space<vmem_shared>>
        tpu.enqueue_dma source(%arg11 : memref<40x128xf32, #tpu.memory_space<vmem>>) target(%dma_start3A_159 : memref<40x128xf32, #tpu.memory_space<vmem_shared>>) target_semaphore(%run_scoped3A : memref<!tpu.dma_semaphore, #tpu.memory_space<semaphore_mem>>)
        %dma_wait3A_160 = arith.constant 0 : i32
        %dma_wait3A_161 = tpu.memref_slice %arg12[%mul3A_155, %dma_wait3A_160] : memref<5280x128xf32, #tpu.memory_space<vmem_shared>> -> memref<40x128xf32, #tpu.memory_space<vmem_shared>>
        %dma_wait3A_162 = arith.constant 0 : i32
        %dma_wait3A_163 = tpu.memref_slice %arg12[%mul3A_155, %dma_wait3A_162] : memref<5280x128xf32, #tpu.memory_space<vmem_shared>> -> memref<40x128xf32, #tpu.memory_space<vmem_shared>>
        tpu.wait_dma2 semaphore(%run_scoped3A : memref<!tpu.dma_semaphore, #tpu.memory_space<semaphore_mem>>) src(%arg11 : memref<40x128xf32, #tpu.memory_space<vmem>>) dst(%dma_wait3A_163 : memref<40x128xf32, #tpu.memory_space<vmem_shared>>)
        tpu.yield
      }) : () -> ()
    } else {
    }
    %add3A_9 = arith.constant 16 : i32
    %add3A_10 = arith.addi %arg1, %add3A_9 : i32
    %lt3A_11 = arith.constant 132 : i32
    %lt3A_12 = arith.cmpi slt, %add3A_10, %lt3A_11 : i32
    %convert_element_type3A_13 = arith.extui %lt3A_12 : i1 to i32
    %cond3A_14 = arith.constant 0 : i32
    %cond3A_15 = arith.cmpi ne, %convert_element_type3A_13, %cond3A_14 : i32
    scf.if %cond3A_15 {
      %mul3A_154 = arith.constant 40 : i32
      %mul3A_155 = arith.muli %add3A_10, %mul3A_154 : i32
      "tpu.region"() ({
        %run_scoped3A = tpu.sem_alloc : memref<!tpu.dma_semaphore, #tpu.memory_space<semaphore_mem>>
        %dma_start3A_156 = arith.constant 0 : i32
        %dma_start3A_157 = tpu.memref_slice %arg12[%mul3A_155, %dma_start3A_156] : memref<5280x128xf32, #tpu.memory_space<vmem_shared>> -> memref<40x128xf32, #tpu.memory_space<vmem_shared>>
        %dma_start3A_158 = arith.constant 0 : i32
        %dma_start3A_159 = tpu.memref_slice %arg12[%mul3A_155, %dma_start3A_158] : memref<5280x128xf32, #tpu.memory_space<vmem_shared>> -> memref<40x128xf32, #tpu.memory_space<vmem_shared>>
        tpu.enqueue_dma source(%arg11 : memref<40x128xf32, #tpu.memory_space<vmem>>) target(%dma_start3A_159 : memref<40x128xf32, #tpu.memory_space<vmem_shared>>) target_semaphore(%run_scoped3A : memref<!tpu.dma_semaphore, #tpu.memory_space<semaphore_mem>>)
        %dma_wait3A_160 = arith.constant 0 : i32
        %dma_wait3A_161 = tpu.memref_slice %arg12[%mul3A_155, %dma_wait3A_160] : memref<5280x128xf32, #tpu.memory_space<vmem_shared>> -> memref<40x128xf32, #tpu.memory_space<vmem_shared>>
        %dma_wait3A_162 = arith.constant 0 : i32
        %dma_wait3A_163 = tpu.memref_slice %arg12[%mul3A_155, %dma_wait3A_162] : memref<5280x128xf32, #tpu.memory_space<vmem_shared>> -> memref<40x128xf32, #tpu.memory_space<vmem_shared>>
        tpu.wait_dma2 semaphore(%run_scoped3A : memref<!tpu.dma_semaphore, #tpu.memory_space<semaphore_mem>>) src(%arg11 : memref<40x128xf32, #tpu.memory_space<vmem>>) dst(%dma_wait3A_163 : memref<40x128xf32, #tpu.memory_space<vmem_shared>>)
        tpu.yield
      }) : () -> ()
    } else {
    }
    %add3A_16 = arith.constant 32 : i32
    %add3A_17 = arith.addi %arg1, %add3A_16 : i32
    %lt3A_18 = arith.constant 132 : i32
    %lt3A_19 = arith.cmpi slt, %add3A_17, %lt3A_18 : i32
    %convert_element_type3A_20 = arith.extui %lt3A_19 : i1 to i32
    %cond3A_21 = arith.constant 0 : i32
    %cond3A_22 = arith.cmpi ne, %convert_element_type3A_20, %cond3A_21 : i32
    scf.if %cond3A_22 {
      %mul3A_154 = arith.constant 40 : i32
      %mul3A_155 = arith.muli %add3A_17, %mul3A_154 : i32
      "tpu.region"() ({
        %run_scoped3A = tpu.sem_alloc : memref<!tpu.dma_semaphore, #tpu.memory_space<semaphore_mem>>
        %dma_start3A_156 = arith.constant 0 : i32
        %dma_start3A_157 = tpu.memref_slice %arg12[%mul3A_155, %dma_start3A_156] : memref<5280x128xf32, #tpu.memory_space<vmem_shared>> -> memref<40x128xf32, #tpu.memory_space<vmem_shared>>
        %dma_start3A_158 = arith.constant 0 : i32
        %dma_start3A_159 = tpu.memref_slice %arg12[%mul3A_155, %dma_start3A_158] : memref<5280x128xf32, #tpu.memory_space<vmem_shared>> -> memref<40x128xf32, #tpu.memory_space<vmem_shared>>
        tpu.enqueue_dma source(%arg11 : memref<40x128xf32, #tpu.memory_space<vmem>>) target(%dma_start3A_159 : memref<40x128xf32, #tpu.memory_space<vmem_shared>>) target_semaphore(%run_scoped3A : memref<!tpu.dma_semaphore, #tpu.memory_space<semaphore_mem>>)
        %dma_wait3A_160 = arith.constant 0 : i32
        %dma_wait3A_161 = tpu.memref_slice %arg12[%mul3A_155, %dma_wait3A_160] : memref<5280x128xf32, #tpu.memory_space<vmem_shared>> -> memref<40x128xf32, #tpu.memory_space<vmem_shared>>
        %dma_wait3A_162 = arith.constant 0 : i32
        %dma_wait3A_163 = tpu.memref_slice %arg12[%mul3A_155, %dma_wait3A_162] : memref<5280x128xf32, #tpu.memory_space<vmem_shared>> -> memref<40x128xf32, #tpu.memory_space<vmem_shared>>
        tpu.wait_dma2 semaphore(%run_scoped3A : memref<!tpu.dma_semaphore, #tpu.memory_space<semaphore_mem>>) src(%arg11 : memref<40x128xf32, #tpu.memory_space<vmem>>) dst(%dma_wait3A_163 : memref<40x128xf32, #tpu.memory_space<vmem_shared>>)
        tpu.yield
      }) : () -> ()
    } else {
    }
    %add3A_23 = arith.constant 48 : i32
    %add3A_24 = arith.addi %arg1, %add3A_23 : i32
    %lt3A_25 = arith.constant 132 : i32
    %lt3A_26 = arith.cmpi slt, %add3A_24, %lt3A_25 : i32
    %convert_element_type3A_27 = arith.extui %lt3A_26 : i1 to i32
    %cond3A_28 = arith.constant 0 : i32
    %cond3A_29 = arith.cmpi ne, %convert_element_type3A_27, %cond3A_28 : i32
    scf.if %cond3A_29 {
      %mul3A_154 = arith.constant 40 : i32
      %mul3A_155 = arith.muli %add3A_24, %mul3A_154 : i32
      "tpu.region"() ({
        %run_scoped3A = tpu.sem_alloc : memref<!tpu.dma_semaphore, #tpu.memory_space<semaphore_mem>>
        %dma_start3A_156 = arith.constant 0 : i32
        %dma_start3A_157 = tpu.memref_slice %arg12[%mul3A_155, %dma_start3A_156] : memref<5280x128xf32, #tpu.memory_space<vmem_shared>> -> memref<40x128xf32, #tpu.memory_space<vmem_shared>>
        %dma_start3A_158 = arith.constant 0 : i32
        %dma_start3A_159 = tpu.memref_slice %arg12[%mul3A_155, %dma_start3A_158] : memref<5280x128xf32, #tpu.memory_space<vmem_shared>> -> memref<40x128xf32, #tpu.memory_space<vmem_shared>>
        tpu.enqueue_dma source(%arg11 : memref<40x128xf32, #tpu.memory_space<vmem>>) target(%dma_start3A_159 : memref<40x128xf32, #tpu.memory_space<vmem_shared>>) target_semaphore(%run_scoped3A : memref<!tpu.dma_semaphore, #tpu.memory_space<semaphore_mem>>)
        %dma_wait3A_160 = arith.constant 0 : i32
        %dma_wait3A_161 = tpu.memref_slice %arg12[%mul3A_155, %dma_wait3A_160] : memref<5280x128xf32, #tpu.memory_space<vmem_shared>> -> memref<40x128xf32, #tpu.memory_space<vmem_shared>>
        %dma_wait3A_162 = arith.constant 0 : i32
        %dma_wait3A_163 = tpu.memref_slice %arg12[%mul3A_155, %dma_wait3A_162] : memref<5280x128xf32, #tpu.memory_space<vmem_shared>> -> memref<40x128xf32, #tpu.memory_space<vmem_shared>>
        tpu.wait_dma2 semaphore(%run_scoped3A : memref<!tpu.dma_semaphore, #tpu.memory_space<semaphore_mem>>) src(%arg11 : memref<40x128xf32, #tpu.memory_space<vmem>>) dst(%dma_wait3A_163 : memref<40x128xf32, #tpu.memory_space<vmem_shared>>)
        tpu.yield
      }) : () -> ()
    } else {
    }
    %add3A_30 = arith.constant 64 : i32
    %add3A_31 = arith.addi %arg1, %add3A_30 : i32
    %lt3A_32 = arith.constant 132 : i32
    %lt3A_33 = arith.cmpi slt, %add3A_31, %lt3A_32 : i32
    %convert_element_type3A_34 = arith.extui %lt3A_33 : i1 to i32
    %cond3A_35 = arith.constant 0 : i32
    %cond3A_36 = arith.cmpi ne, %convert_element_type3A_34, %cond3A_35 : i32
    scf.if %cond3A_36 {
      %mul3A_154 = arith.constant 40 : i32
      %mul3A_155 = arith.muli %add3A_31, %mul3A_154 : i32
      "tpu.region"() ({
        %run_scoped3A = tpu.sem_alloc : memref<!tpu.dma_semaphore, #tpu.memory_space<semaphore_mem>>
        %dma_start3A_156 = arith.constant 0 : i32
        %dma_start3A_157 = tpu.memref_slice %arg12[%mul3A_155, %dma_start3A_156] : memref<5280x128xf32, #tpu.memory_space<vmem_shared>> -> memref<40x128xf32, #tpu.memory_space<vmem_shared>>
        %dma_start3A_158 = arith.constant 0 : i32
        %dma_start3A_159 = tpu.memref_slice %arg12[%mul3A_155, %dma_start3A_158] : memref<5280x128xf32, #tpu.memory_space<vmem_shared>> -> memref<40x128xf32, #tpu.memory_space<vmem_shared>>
        tpu.enqueue_dma source(%arg11 : memref<40x128xf32, #tpu.memory_space<vmem>>) target(%dma_start3A_159 : memref<40x128xf32, #tpu.memory_space<vmem_shared>>) target_semaphore(%run_scoped3A : memref<!tpu.dma_semaphore, #tpu.memory_space<semaphore_mem>>)
        %dma_wait3A_160 = arith.constant 0 : i32
        %dma_wait3A_161 = tpu.memref_slice %arg12[%mul3A_155, %dma_wait3A_160] : memref<5280x128xf32, #tpu.memory_space<vmem_shared>> -> memref<40x128xf32, #tpu.memory_space<vmem_shared>>
        %dma_wait3A_162 = arith.constant 0 : i32
        %dma_wait3A_163 = tpu.memref_slice %arg12[%mul3A_155, %dma_wait3A_162] : memref<5280x128xf32, #tpu.memory_space<vmem_shared>> -> memref<40x128xf32, #tpu.memory_space<vmem_shared>>
        tpu.wait_dma2 semaphore(%run_scoped3A : memref<!tpu.dma_semaphore, #tpu.memory_space<semaphore_mem>>) src(%arg11 : memref<40x128xf32, #tpu.memory_space<vmem>>) dst(%dma_wait3A_163 : memref<40x128xf32, #tpu.memory_space<vmem_shared>>)
        tpu.yield
      }) : () -> ()
    } else {
    }
    %add3A_37 = arith.constant 80 : i32
    %add3A_38 = arith.addi %arg1, %add3A_37 : i32
    %lt3A_39 = arith.constant 132 : i32
    %lt3A_40 = arith.cmpi slt, %add3A_38, %lt3A_39 : i32
    %convert_element_type3A_41 = arith.extui %lt3A_40 : i1 to i32
    %cond3A_42 = arith.constant 0 : i32
    %cond3A_43 = arith.cmpi ne, %convert_element_type3A_41, %cond3A_42 : i32
    scf.if %cond3A_43 {
      %mul3A_154 = arith.constant 40 : i32
      %mul3A_155 = arith.muli %add3A_38, %mul3A_154 : i32
      "tpu.region"() ({
        %run_scoped3A = tpu.sem_alloc : memref<!tpu.dma_semaphore, #tpu.memory_space<semaphore_mem>>
        %dma_start3A_156 = arith.constant 0 : i32
        %dma_start3A_157 = tpu.memref_slice %arg12[%mul3A_155, %dma_start3A_156] : memref<5280x128xf32, #tpu.memory_space<vmem_shared>> -> memref<40x128xf32, #tpu.memory_space<vmem_shared>>
        %dma_start3A_158 = arith.constant 0 : i32
        %dma_start3A_159 = tpu.memref_slice %arg12[%mul3A_155, %dma_start3A_158] : memref<5280x128xf32, #tpu.memory_space<vmem_shared>> -> memref<40x128xf32, #tpu.memory_space<vmem_shared>>
        tpu.enqueue_dma source(%arg11 : memref<40x128xf32, #tpu.memory_space<vmem>>) target(%dma_start3A_159 : memref<40x128xf32, #tpu.memory_space<vmem_shared>>) target_semaphore(%run_scoped3A : memref<!tpu.dma_semaphore, #tpu.memory_space<semaphore_mem>>)
        %dma_wait3A_160 = arith.constant 0 : i32
        %dma_wait3A_161 = tpu.memref_slice %arg12[%mul3A_155, %dma_wait3A_160] : memref<5280x128xf32, #tpu.memory_space<vmem_shared>> -> memref<40x128xf32, #tpu.memory_space<vmem_shared>>
        %dma_wait3A_162 = arith.constant 0 : i32
        %dma_wait3A_163 = tpu.memref_slice %arg12[%mul3A_155, %dma_wait3A_162] : memref<5280x128xf32, #tpu.memory_space<vmem_shared>> -> memref<40x128xf32, #tpu.memory_space<vmem_shared>>
        tpu.wait_dma2 semaphore(%run_scoped3A : memref<!tpu.dma_semaphore, #tpu.memory_space<semaphore_mem>>) src(%arg11 : memref<40x128xf32, #tpu.memory_space<vmem>>) dst(%dma_wait3A_163 : memref<40x128xf32, #tpu.memory_space<vmem_shared>>)
        tpu.yield
      }) : () -> ()
    } else {
    }
    %add3A_44 = arith.constant 96 : i32
    %add3A_45 = arith.addi %arg1, %add3A_44 : i32
    %lt3A_46 = arith.constant 132 : i32
    %lt3A_47 = arith.cmpi slt, %add3A_45, %lt3A_46 : i32
    %convert_element_type3A_48 = arith.extui %lt3A_47 : i1 to i32
    %cond3A_49 = arith.constant 0 : i32
    %cond3A_50 = arith.cmpi ne, %convert_element_type3A_48, %cond3A_49 : i32
    scf.if %cond3A_50 {
      %mul3A_154 = arith.constant 40 : i32
      %mul3A_155 = arith.muli %add3A_45, %mul3A_154 : i32
      "tpu.region"() ({
        %run_scoped3A = tpu.sem_alloc : memref<!tpu.dma_semaphore, #tpu.memory_space<semaphore_mem>>
        %dma_start3A_156 = arith.constant 0 : i32
        %dma_start3A_157 = tpu.memref_slice %arg12[%mul3A_155, %dma_start3A_156] : memref<5280x128xf32, #tpu.memory_space<vmem_shared>> -> memref<40x128xf32, #tpu.memory_space<vmem_shared>>
        %dma_start3A_158 = arith.constant 0 : i32
        %dma_start3A_159 = tpu.memref_slice %arg12[%mul3A_155, %dma_start3A_158] : memref<5280x128xf32, #tpu.memory_space<vmem_shared>> -> memref<40x128xf32, #tpu.memory_space<vmem_shared>>
        tpu.enqueue_dma source(%arg11 : memref<40x128xf32, #tpu.memory_space<vmem>>) target(%dma_start3A_159 : memref<40x128xf32, #tpu.memory_space<vmem_shared>>) target_semaphore(%run_scoped3A : memref<!tpu.dma_semaphore, #tpu.memory_space<semaphore_mem>>)
        %dma_wait3A_160 = arith.constant 0 : i32
        %dma_wait3A_161 = tpu.memref_slice %arg12[%mul3A_155, %dma_wait3A_160] : memref<5280x128xf32, #tpu.memory_space<vmem_shared>> -> memref<40x128xf32, #tpu.memory_space<vmem_shared>>
        %dma_wait3A_162 = arith.constant 0 : i32
        %dma_wait3A_163 = tpu.memref_slice %arg12[%mul3A_155, %dma_wait3A_162] : memref<5280x128xf32, #tpu.memory_space<vmem_shared>> -> memref<40x128xf32, #tpu.memory_space<vmem_shared>>
        tpu.wait_dma2 semaphore(%run_scoped3A : memref<!tpu.dma_semaphore, #tpu.memory_space<semaphore_mem>>) src(%arg11 : memref<40x128xf32, #tpu.memory_space<vmem>>) dst(%dma_wait3A_163 : memref<40x128xf32, #tpu.memory_space<vmem_shared>>)
        tpu.yield
      }) : () -> ()
    } else {
    }
    %add3A_51 = arith.constant 112 : i32
    %add3A_52 = arith.addi %arg1, %add3A_51 : i32
    %lt3A_53 = arith.constant 132 : i32
    %lt3A_54 = arith.cmpi slt, %add3A_52, %lt3A_53 : i32
    %convert_element_type3A_55 = arith.extui %lt3A_54 : i1 to i32
    %cond3A_56 = arith.constant 0 : i32
    %cond3A_57 = arith.cmpi ne, %convert_element_type3A_55, %cond3A_56 : i32
    scf.if %cond3A_57 {
      %mul3A_154 = arith.constant 40 : i32
      %mul3A_155 = arith.muli %add3A_52, %mul3A_154 : i32
      "tpu.region"() ({
        %run_scoped3A = tpu.sem_alloc : memref<!tpu.dma_semaphore, #tpu.memory_space<semaphore_mem>>
        %dma_start3A_156 = arith.constant 0 : i32
        %dma_start3A_157 = tpu.memref_slice %arg12[%mul3A_155, %dma_start3A_156] : memref<5280x128xf32, #tpu.memory_space<vmem_shared>> -> memref<40x128xf32, #tpu.memory_space<vmem_shared>>
        %dma_start3A_158 = arith.constant 0 : i32
        %dma_start3A_159 = tpu.memref_slice %arg12[%mul3A_155, %dma_start3A_158] : memref<5280x128xf32, #tpu.memory_space<vmem_shared>> -> memref<40x128xf32, #tpu.memory_space<vmem_shared>>
        tpu.enqueue_dma source(%arg11 : memref<40x128xf32, #tpu.memory_space<vmem>>) target(%dma_start3A_159 : memref<40x128xf32, #tpu.memory_space<vmem_shared>>) target_semaphore(%run_scoped3A : memref<!tpu.dma_semaphore, #tpu.memory_space<semaphore_mem>>)
        %dma_wait3A_160 = arith.constant 0 : i32
        %dma_wait3A_161 = tpu.memref_slice %arg12[%mul3A_155, %dma_wait3A_160] : memref<5280x128xf32, #tpu.memory_space<vmem_shared>> -> memref<40x128xf32, #tpu.memory_space<vmem_shared>>
        %dma_wait3A_162 = arith.constant 0 : i32
        %dma_wait3A_163 = tpu.memref_slice %arg12[%mul3A_155, %dma_wait3A_162] : memref<5280x128xf32, #tpu.memory_space<vmem_shared>> -> memref<40x128xf32, #tpu.memory_space<vmem_shared>>
        tpu.wait_dma2 semaphore(%run_scoped3A : memref<!tpu.dma_semaphore, #tpu.memory_space<semaphore_mem>>) src(%arg11 : memref<40x128xf32, #tpu.memory_space<vmem>>) dst(%dma_wait3A_163 : memref<40x128xf32, #tpu.memory_space<vmem_shared>>)
        tpu.yield
      }) : () -> ()
    } else {
    }
    %add3A_58 = arith.constant 128 : i32
    %add3A_59 = arith.addi %arg1, %add3A_58 : i32
    %lt3A_60 = arith.constant 132 : i32
    %lt3A_61 = arith.cmpi slt, %add3A_59, %lt3A_60 : i32
    %convert_element_type3A_62 = arith.extui %lt3A_61 : i1 to i32
    %cond3A_63 = arith.constant 0 : i32
    %cond3A_64 = arith.cmpi ne, %convert_element_type3A_62, %cond3A_63 : i32
    scf.if %cond3A_64 {
      %mul3A_154 = arith.constant 40 : i32
      %mul3A_155 = arith.muli %add3A_59, %mul3A_154 : i32
      "tpu.region"() ({
        %run_scoped3A = tpu.sem_alloc : memref<!tpu.dma_semaphore, #tpu.memory_space<semaphore_mem>>
        %dma_start3A_156 = arith.constant 0 : i32
        %dma_start3A_157 = tpu.memref_slice %arg12[%mul3A_155, %dma_start3A_156] : memref<5280x128xf32, #tpu.memory_space<vmem_shared>> -> memref<40x128xf32, #tpu.memory_space<vmem_shared>>
        %dma_start3A_158 = arith.constant 0 : i32
        %dma_start3A_159 = tpu.memref_slice %arg12[%mul3A_155, %dma_start3A_158] : memref<5280x128xf32, #tpu.memory_space<vmem_shared>> -> memref<40x128xf32, #tpu.memory_space<vmem_shared>>
        tpu.enqueue_dma source(%arg11 : memref<40x128xf32, #tpu.memory_space<vmem>>) target(%dma_start3A_159 : memref<40x128xf32, #tpu.memory_space<vmem_shared>>) target_semaphore(%run_scoped3A : memref<!tpu.dma_semaphore, #tpu.memory_space<semaphore_mem>>)
        %dma_wait3A_160 = arith.constant 0 : i32
        %dma_wait3A_161 = tpu.memref_slice %arg12[%mul3A_155, %dma_wait3A_160] : memref<5280x128xf32, #tpu.memory_space<vmem_shared>> -> memref<40x128xf32, #tpu.memory_space<vmem_shared>>
        %dma_wait3A_162 = arith.constant 0 : i32
        %dma_wait3A_163 = tpu.memref_slice %arg12[%mul3A_155, %dma_wait3A_162] : memref<5280x128xf32, #tpu.memory_space<vmem_shared>> -> memref<40x128xf32, #tpu.memory_space<vmem_shared>>
        tpu.wait_dma2 semaphore(%run_scoped3A : memref<!tpu.dma_semaphore, #tpu.memory_space<semaphore_mem>>) src(%arg11 : memref<40x128xf32, #tpu.memory_space<vmem>>) dst(%dma_wait3A_163 : memref<40x128xf32, #tpu.memory_space<vmem_shared>>)
        tpu.yield
      }) : () -> ()
    } else {
    }
    %barrier3A = arith.constant 0 : index
    tpu.barrier barrier_id(%barrier3A)
    %dma_start3A = arith.constant 0 : i32
    %dma_start3A_65 = arith.constant 0 : i32
    %dma_start3A_66 = tpu.memref_slice %arg7[%dma_start3A, %dma_start3A_65] : memref<158x128xi32, #tpu.memory_space<vmem>> -> memref<1x128xi32, #tpu.memory_space<vmem>>
    %dma_start3A_67 = tpu.memref_squeeze %dma_start3A_66 : memref<1x128xi32, #tpu.memory_space<vmem>> -> memref<128xi32, #tpu.memory_space<vmem>>
    %dma_start3A_68 = arith.constant 0 : i32
    %dma_start3A_69 = arith.constant 0 : i32
    %dma_start3A_70 = tpu.memref_slice %arg2[%dma_start3A_68, %dma_start3A_69] : memref<10000x128xf32, #tpu.memory_space<hbm>> -> memref<10000x128xf32, #tpu.memory_space<hbm>>
    tpu.enqueue_indirect_dma source(%dma_start3A_70 : memref<10000x128xf32, #tpu.memory_space<hbm>>) target(%arg9 : memref<128x128xf32, #tpu.memory_space<vmem>>) offsets(%dma_start3A_67 : memref<128xi32, #tpu.memory_space<vmem>>) semaphore(%arg13 : memref<!tpu.dma_semaphore, #tpu.memory_space<semaphore_mem>>)
    %dma_start3A_71 = arith.constant 1 : i32
    %dma_start3A_72 = arith.constant 0 : i32
    %dma_start3A_73 = tpu.memref_slice %arg7[%dma_start3A_71, %dma_start3A_72] : memref<158x128xi32, #tpu.memory_space<vmem>> -> memref<1x128xi32, #tpu.memory_space<vmem>>
    %dma_start3A_74 = tpu.memref_squeeze %dma_start3A_73 : memref<1x128xi32, #tpu.memory_space<vmem>> -> memref<128xi32, #tpu.memory_space<vmem>>
    %dma_start3A_75 = arith.constant 0 : i32
    %dma_start3A_76 = arith.constant 0 : i32
    %dma_start3A_77 = tpu.memref_slice %arg2[%dma_start3A_75, %dma_start3A_76] : memref<10000x128xf32, #tpu.memory_space<hbm>> -> memref<10000x128xf32, #tpu.memory_space<hbm>>
    tpu.enqueue_indirect_dma source(%dma_start3A_77 : memref<10000x128xf32, #tpu.memory_space<hbm>>) target(%arg10 : memref<128x128xf32, #tpu.memory_space<vmem>>) offsets(%dma_start3A_74 : memref<128xi32, #tpu.memory_space<vmem>>) semaphore(%arg14 : memref<!tpu.dma_semaphore, #tpu.memory_space<semaphore_mem>>)
    %scan3A_78 = arith.constant 0 : i32
    %scan3A_79 = arith.constant 0 : i32
    %scan3A_80 = arith.constant 79 : i32
    %scan3A_81 = arith.addi %scan3A_79, %scan3A_80 : i32
    %scan3A_82 = arith.constant 1 : i32
    scf.for %scan3A_154 = %scan3A_79 to %scan3A_81 step %scan3A_82  : i32 {
      %mul3A_155 = arith.constant 2 : i32
      %mul3A_156 = arith.muli %scan3A_154, %mul3A_155 : i32
      %dma_wait3A_157 = arith.constant 0 : i32
      %dma_wait3A_158 = tpu.memref_slice %arg7[%mul3A_156, %dma_wait3A_157] : memref<158x128xi32, #tpu.memory_space<vmem>> -> memref<1x128xi32, #tpu.memory_space<vmem>>
      %dma_wait3A_159 = tpu.memref_squeeze %dma_wait3A_158 : memref<1x128xi32, #tpu.memory_space<vmem>> -> memref<128xi32, #tpu.memory_space<vmem>>
      %dma_wait3A_160 = arith.constant 0 : i32
      %dma_wait3A_161 = arith.constant 0 : i32
      %dma_wait3A_162 = tpu.memref_slice %arg2[%dma_wait3A_160, %dma_wait3A_161] : memref<10000x128xf32, #tpu.memory_space<hbm>> -> memref<10000x128xf32, #tpu.memory_space<hbm>>
      tpu.wait_indirect_dma semaphore(%arg13 : memref<!tpu.dma_semaphore, #tpu.memory_space<semaphore_mem>>) src(%dma_wait3A_162 : memref<10000x128xf32, #tpu.memory_space<hbm>>) dst(%arg9 : memref<128x128xf32, #tpu.memory_space<vmem>>)
      %dma_start3A_163 = arith.constant 0 : i32
      %dma_start3A_164 = tpu.memref_slice %arg8[%mul3A_156, %dma_start3A_163] : memref<158x128xi32, #tpu.memory_space<vmem>> -> memref<1x128xi32, #tpu.memory_space<vmem>>
      %dma_start3A_165 = tpu.memref_squeeze %dma_start3A_164 : memref<1x128xi32, #tpu.memory_space<vmem>> -> memref<128xi32, #tpu.memory_space<vmem>>
      %dma_start3A_166 = arith.constant 0 : i32
      %dma_start3A_167 = arith.constant 0 : i32
      %dma_start3A_168 = tpu.memref_slice %arg12[%dma_start3A_166, %dma_start3A_167] : memref<5280x128xf32, #tpu.memory_space<vmem_shared>> -> memref<5280x128xf32, #tpu.memory_space<vmem_shared>>
      tpu.enqueue_indirect_dma source(%arg9 : memref<128x128xf32, #tpu.memory_space<vmem>>) target(%dma_start3A_168 : memref<5280x128xf32, #tpu.memory_space<vmem_shared>>) offsets(%dma_start3A_165 : memref<128xi32, #tpu.memory_space<vmem>>) semaphore(%arg15 : memref<!tpu.dma_semaphore, #tpu.memory_space<semaphore_mem>>) {add = true}
      %add3A_169 = arith.constant 1 : i32
      %add3A_170 = arith.addi %mul3A_156, %add3A_169 : i32
      %dma_wait3A_171 = arith.constant 0 : i32
      %dma_wait3A_172 = tpu.memref_slice %arg7[%add3A_170, %dma_wait3A_171] : memref<158x128xi32, #tpu.memory_space<vmem>> -> memref<1x128xi32, #tpu.memory_space<vmem>>
      %dma_wait3A_173 = tpu.memref_squeeze %dma_wait3A_172 : memref<1x128xi32, #tpu.memory_space<vmem>> -> memref<128xi32, #tpu.memory_space<vmem>>
      %dma_wait3A_174 = arith.constant 0 : i32
      %dma_wait3A_175 = arith.constant 0 : i32
      %dma_wait3A_176 = tpu.memref_slice %arg2[%dma_wait3A_174, %dma_wait3A_175] : memref<10000x128xf32, #tpu.memory_space<hbm>> -> memref<10000x128xf32, #tpu.memory_space<hbm>>
      tpu.wait_indirect_dma semaphore(%arg14 : memref<!tpu.dma_semaphore, #tpu.memory_space<semaphore_mem>>) src(%dma_wait3A_176 : memref<10000x128xf32, #tpu.memory_space<hbm>>) dst(%arg10 : memref<128x128xf32, #tpu.memory_space<vmem>>)
      %add3A_177 = arith.constant 1 : i32
      %add3A_178 = arith.addi %mul3A_156, %add3A_177 : i32
      %dma_start3A_179 = arith.constant 0 : i32
      %dma_start3A_180 = tpu.memref_slice %arg8[%add3A_178, %dma_start3A_179] : memref<158x128xi32, #tpu.memory_space<vmem>> -> memref<1x128xi32, #tpu.memory_space<vmem>>
      %dma_start3A_181 = tpu.memref_squeeze %dma_start3A_180 : memref<1x128xi32, #tpu.memory_space<vmem>> -> memref<128xi32, #tpu.memory_space<vmem>>
      %dma_start3A_182 = arith.constant 0 : i32
      %dma_start3A_183 = arith.constant 0 : i32
      %dma_start3A_184 = tpu.memref_slice %arg12[%dma_start3A_182, %dma_start3A_183] : memref<5280x128xf32, #tpu.memory_space<vmem_shared>> -> memref<5280x128xf32, #tpu.memory_space<vmem_shared>>
      tpu.enqueue_indirect_dma source(%arg10 : memref<128x128xf32, #tpu.memory_space<vmem>>) target(%dma_start3A_184 : memref<5280x128xf32, #tpu.memory_space<vmem_shared>>) offsets(%dma_start3A_181 : memref<128xi32, #tpu.memory_space<vmem>>) semaphore(%arg16 : memref<!tpu.dma_semaphore, #tpu.memory_space<semaphore_mem>>) {add = true}
      %add3A_185 = arith.constant 2 : i32
      %add3A_186 = arith.addi %mul3A_156, %add3A_185 : i32
      %lt3A_187 = arith.constant 158 : i32
      %lt3A_188 = arith.cmpi slt, %add3A_186, %lt3A_187 : i32
      %convert_element_type3A_189 = arith.extui %lt3A_188 : i1 to i32
      %cond3A_190 = arith.constant 0 : i32
      %cond3A_191 = arith.cmpi ne, %convert_element_type3A_189, %cond3A_190 : i32
      scf.if %cond3A_191 {
        %dma_wait3A_199 = arith.constant 0 : i32
        %dma_wait3A_200 = tpu.memref_slice %arg8[%mul3A_156, %dma_wait3A_199] : memref<158x128xi32, #tpu.memory_space<vmem>> -> memref<1x128xi32, #tpu.memory_space<vmem>>
        %dma_wait3A_201 = tpu.memref_squeeze %dma_wait3A_200 : memref<1x128xi32, #tpu.memory_space<vmem>> -> memref<128xi32, #tpu.memory_space<vmem>>
        %dma_wait3A_202 = arith.constant 0 : i32
        %dma_wait3A_203 = arith.constant 0 : i32
        %dma_wait3A_204 = tpu.memref_slice %arg12[%dma_wait3A_202, %dma_wait3A_203] : memref<5280x128xf32, #tpu.memory_space<vmem_shared>> -> memref<5280x128xf32, #tpu.memory_space<vmem_shared>>
        tpu.wait_indirect_dma semaphore(%arg15 : memref<!tpu.dma_semaphore, #tpu.memory_space<semaphore_mem>>) src(%arg9 : memref<128x128xf32, #tpu.memory_space<vmem>>) dst(%dma_wait3A_204 : memref<5280x128xf32, #tpu.memory_space<vmem_shared>>)
        %add3A_205 = arith.constant 2 : i32
        %add3A_206 = arith.addi %mul3A_156, %add3A_205 : i32
        %dma_start3A_207 = arith.constant 0 : i32
        %dma_start3A_208 = tpu.memref_slice %arg7[%add3A_206, %dma_start3A_207] : memref<158x128xi32, #tpu.memory_space<vmem>> -> memref<1x128xi32, #tpu.memory_space<vmem>>
        %dma_start3A_209 = tpu.memref_squeeze %dma_start3A_208 : memref<1x128xi32, #tpu.memory_space<vmem>> -> memref<128xi32, #tpu.memory_space<vmem>>
        %dma_start3A_210 = arith.constant 0 : i32
        %dma_start3A_211 = arith.constant 0 : i32
        %dma_start3A_212 = tpu.memref_slice %arg2[%dma_start3A_210, %dma_start3A_211] : memref<10000x128xf32, #tpu.memory_space<hbm>> -> memref<10000x128xf32, #tpu.memory_space<hbm>>
        tpu.enqueue_indirect_dma source(%dma_start3A_212 : memref<10000x128xf32, #tpu.memory_space<hbm>>) target(%arg9 : memref<128x128xf32, #tpu.memory_space<vmem>>) offsets(%dma_start3A_209 : memref<128xi32, #tpu.memory_space<vmem>>) semaphore(%arg13 : memref<!tpu.dma_semaphore, #tpu.memory_space<semaphore_mem>>)
      } else {
      }
      %add3A_192 = arith.constant 3 : i32
      %add3A_193 = arith.addi %mul3A_156, %add3A_192 : i32
      %lt3A_194 = arith.constant 158 : i32
      %lt3A_195 = arith.cmpi slt, %add3A_193, %lt3A_194 : i32
      %convert_element_type3A_196 = arith.extui %lt3A_195 : i1 to i32
      %cond3A_197 = arith.constant 0 : i32
      %cond3A_198 = arith.cmpi ne, %convert_element_type3A_196, %cond3A_197 : i32
      scf.if %cond3A_198 {
        %add3A_199 = arith.constant 1 : i32
        %add3A_200 = arith.addi %mul3A_156, %add3A_199 : i32
        %dma_wait3A_201 = arith.constant 0 : i32
        %dma_wait3A_202 = tpu.memref_slice %arg8[%add3A_200, %dma_wait3A_201] : memref<158x128xi32, #tpu.memory_space<vmem>> -> memref<1x128xi32, #tpu.memory_space<vmem>>
        %dma_wait3A_203 = tpu.memref_squeeze %dma_wait3A_202 : memref<1x128xi32, #tpu.memory_space<vmem>> -> memref<128xi32, #tpu.memory_space<vmem>>
        %dma_wait3A_204 = arith.constant 0 : i32
        %dma_wait3A_205 = arith.constant 0 : i32
        %dma_wait3A_206 = tpu.memref_slice %arg12[%dma_wait3A_204, %dma_wait3A_205] : memref<5280x128xf32, #tpu.memory_space<vmem_shared>> -> memref<5280x128xf32, #tpu.memory_space<vmem_shared>>
        tpu.wait_indirect_dma semaphore(%arg16 : memref<!tpu.dma_semaphore, #tpu.memory_space<semaphore_mem>>) src(%arg10 : memref<128x128xf32, #tpu.memory_space<vmem>>) dst(%dma_wait3A_206 : memref<5280x128xf32, #tpu.memory_space<vmem_shared>>)
        %add3A_207 = arith.constant 3 : i32
        %add3A_208 = arith.addi %mul3A_156, %add3A_207 : i32
        %dma_start3A_209 = arith.constant 0 : i32
        %dma_start3A_210 = tpu.memref_slice %arg7[%add3A_208, %dma_start3A_209] : memref<158x128xi32, #tpu.memory_space<vmem>> -> memref<1x128xi32, #tpu.memory_space<vmem>>
        %dma_start3A_211 = tpu.memref_squeeze %dma_start3A_210 : memref<1x128xi32, #tpu.memory_space<vmem>> -> memref<128xi32, #tpu.memory_space<vmem>>
        %dma_start3A_212 = arith.constant 0 : i32
        %dma_start3A_213 = arith.constant 0 : i32
        %dma_start3A_214 = tpu.memref_slice %arg2[%dma_start3A_212, %dma_start3A_213] : memref<10000x128xf32, #tpu.memory_space<hbm>> -> memref<10000x128xf32, #tpu.memory_space<hbm>>
        tpu.enqueue_indirect_dma source(%dma_start3A_214 : memref<10000x128xf32, #tpu.memory_space<hbm>>) target(%arg10 : memref<128x128xf32, #tpu.memory_space<vmem>>) offsets(%dma_start3A_211 : memref<128xi32, #tpu.memory_space<vmem>>) semaphore(%arg14 : memref<!tpu.dma_semaphore, #tpu.memory_space<semaphore_mem>>)
      } else {
      }
    }
    %scan3A_83 = arith.constant 79 : i32
    %dma_wait3A = arith.constant 0 : i32
    %dma_wait3A_84 = arith.constant 0 : i32
    %dma_wait3A_85 = tpu.memref_slice %arg8[%dma_wait3A, %dma_wait3A_84] : memref<158x128xi32, #tpu.memory_space<vmem>> -> memref<1x128xi32, #tpu.memory_space<vmem>>
    %dma_wait3A_86 = tpu.memref_squeeze %dma_wait3A_85 : memref<1x128xi32, #tpu.memory_space<vmem>> -> memref<128xi32, #tpu.memory_space<vmem>>
    %dma_wait3A_87 = arith.constant 0 : i32
    %dma_wait3A_88 = arith.constant 0 : i32
    %dma_wait3A_89 = tpu.memref_slice %arg12[%dma_wait3A_87, %dma_wait3A_88] : memref<5280x128xf32, #tpu.memory_space<vmem_shared>> -> memref<5280x128xf32, #tpu.memory_space<vmem_shared>>
    tpu.wait_indirect_dma semaphore(%arg15 : memref<!tpu.dma_semaphore, #tpu.memory_space<semaphore_mem>>) src(%arg9 : memref<128x128xf32, #tpu.memory_space<vmem>>) dst(%dma_wait3A_89 : memref<5280x128xf32, #tpu.memory_space<vmem_shared>>)
    %dma_wait3A_90 = arith.constant 1 : i32
    %dma_wait3A_91 = arith.constant 0 : i32
    %dma_wait3A_92 = tpu.memref_slice %arg8[%dma_wait3A_90, %dma_wait3A_91] : memref<158x128xi32, #tpu.memory_space<vmem>> -> memref<1x128xi32, #tpu.memory_space<vmem>>
    %dma_wait3A_93 = tpu.memref_squeeze %dma_wait3A_92 : memref<1x128xi32, #tpu.memory_space<vmem>> -> memref<128xi32, #tpu.memory_space<vmem>>
    %dma_wait3A_94 = arith.constant 0 : i32
    %dma_wait3A_95 = arith.constant 0 : i32
    %dma_wait3A_96 = tpu.memref_slice %arg12[%dma_wait3A_94, %dma_wait3A_95] : memref<5280x128xf32, #tpu.memory_space<vmem_shared>> -> memref<5280x128xf32, #tpu.memory_space<vmem_shared>>
    tpu.wait_indirect_dma semaphore(%arg16 : memref<!tpu.dma_semaphore, #tpu.memory_space<semaphore_mem>>) src(%arg10 : memref<128x128xf32, #tpu.memory_space<vmem>>) dst(%dma_wait3A_96 : memref<5280x128xf32, #tpu.memory_space<vmem_shared>>)
    %barrier3A_97 = arith.constant 0 : index
    tpu.barrier barrier_id(%barrier3A_97)
    %add3A_98 = arith.constant 0 : i32
    %add3A_99 = arith.addi %arg1, %add3A_98 : i32
    %lt3A_100 = arith.constant 125 : i32
    %lt3A_101 = arith.cmpi slt, %add3A_99, %lt3A_100 : i32
    %convert_element_type3A_102 = arith.extui %lt3A_101 : i1 to i32
    %cond3A_103 = arith.constant 0 : i32
    %cond3A_104 = arith.cmpi ne, %convert_element_type3A_102, %cond3A_103 : i32
    scf.if %cond3A_104 {
      %mul3A_154 = arith.constant 40 : i32
      %mul3A_155 = arith.muli %add3A_99, %mul3A_154 : i32
      "tpu.region"() ({
        %run_scoped3A = tpu.sem_alloc : memref<!tpu.dma_semaphore, #tpu.memory_space<semaphore_mem>>
        %dma_start3A_161 = arith.constant 0 : i32
        %dma_start3A_162 = tpu.memref_slice %arg12[%mul3A_155, %dma_start3A_161] : memref<5280x128xf32, #tpu.memory_space<vmem_shared>> -> memref<40x128xf32, #tpu.memory_space<vmem_shared>>
        %dma_start3A_163 = arith.constant 0 : i32
        %dma_start3A_164 = tpu.memref_slice %arg12[%mul3A_155, %dma_start3A_163] : memref<5280x128xf32, #tpu.memory_space<vmem_shared>> -> memref<40x128xf32, #tpu.memory_space<vmem_shared>>
        tpu.enqueue_dma source(%dma_start3A_164 : memref<40x128xf32, #tpu.memory_space<vmem_shared>>) target(%arg11 : memref<40x128xf32, #tpu.memory_space<vmem>>) target_semaphore(%run_scoped3A : memref<!tpu.dma_semaphore, #tpu.memory_space<semaphore_mem>>)
        %dma_wait3A_165 = arith.constant 0 : i32
        %dma_wait3A_166 = tpu.memref_slice %arg12[%mul3A_155, %dma_wait3A_165] : memref<5280x128xf32, #tpu.memory_space<vmem_shared>> -> memref<40x128xf32, #tpu.memory_space<vmem_shared>>
        %dma_wait3A_167 = arith.constant 0 : i32
        %dma_wait3A_168 = tpu.memref_slice %arg12[%mul3A_155, %dma_wait3A_167] : memref<5280x128xf32, #tpu.memory_space<vmem_shared>> -> memref<40x128xf32, #tpu.memory_space<vmem_shared>>
        tpu.wait_dma2 semaphore(%run_scoped3A : memref<!tpu.dma_semaphore, #tpu.memory_space<semaphore_mem>>) src(%dma_wait3A_168 : memref<40x128xf32, #tpu.memory_space<vmem_shared>>) dst(%arg11 : memref<40x128xf32, #tpu.memory_space<vmem>>)
        tpu.yield
      }) : () -> ()
      %mul3A_156 = arith.constant 5000 : i32
      %mul3A_157 = arith.muli %arg0, %mul3A_156 : i32
      %mul3A_158 = arith.constant 40 : i32
      %mul3A_159 = arith.muli %add3A_99, %mul3A_158 : i32
      %add3A_160 = arith.addi %mul3A_157, %mul3A_159 : i32
      "tpu.region"() ({
        %run_scoped3A = tpu.sem_alloc : memref<!tpu.dma_semaphore, #tpu.memory_space<semaphore_mem>>
        %dma_start3A_161 = arith.constant 0 : i32
        %dma_start3A_162 = tpu.memref_slice %arg6[%add3A_160, %dma_start3A_161] : memref<10000x128xf32, #tpu.memory_space<hbm>> -> memref<40x128xf32, #tpu.memory_space<hbm>>
        %dma_start3A_163 = arith.constant 0 : i32
        %dma_start3A_164 = tpu.memref_slice %arg6[%add3A_160, %dma_start3A_163] : memref<10000x128xf32, #tpu.memory_space<hbm>> -> memref<40x128xf32, #tpu.memory_space<hbm>>
        tpu.enqueue_dma source(%arg11 : memref<40x128xf32, #tpu.memory_space<vmem>>) target(%dma_start3A_164 : memref<40x128xf32, #tpu.memory_space<hbm>>) target_semaphore(%run_scoped3A : memref<!tpu.dma_semaphore, #tpu.memory_space<semaphore_mem>>)
        %dma_wait3A_165 = arith.constant 0 : i32
        %dma_wait3A_166 = tpu.memref_slice %arg6[%add3A_160, %dma_wait3A_165] : memref<10000x128xf32, #tpu.memory_space<hbm>> -> memref<40x128xf32, #tpu.memory_space<hbm>>
        %dma_wait3A_167 = arith.constant 0 : i32
        %dma_wait3A_168 = tpu.memref_slice %arg6[%add3A_160, %dma_wait3A_167] : memref<10000x128xf32, #tpu.memory_space<hbm>> -> memref<40x128xf32, #tpu.memory_space<hbm>>
        tpu.wait_dma2 semaphore(%run_scoped3A : memref<!tpu.dma_semaphore, #tpu.memory_space<semaphore_mem>>) src(%arg11 : memref<40x128xf32, #tpu.memory_space<vmem>>) dst(%dma_wait3A_168 : memref<40x128xf32, #tpu.memory_space<hbm>>)
        tpu.yield
      }) : () -> ()
    } else {
    }
    %add3A_105 = arith.constant 16 : i32
    %add3A_106 = arith.addi %arg1, %add3A_105 : i32
    %lt3A_107 = arith.constant 125 : i32
    %lt3A_108 = arith.cmpi slt, %add3A_106, %lt3A_107 : i32
    %convert_element_type3A_109 = arith.extui %lt3A_108 : i1 to i32
    %cond3A_110 = arith.constant 0 : i32
    %cond3A_111 = arith.cmpi ne, %convert_element_type3A_109, %cond3A_110 : i32
    scf.if %cond3A_111 {
      %mul3A_154 = arith.constant 40 : i32
      %mul3A_155 = arith.muli %add3A_106, %mul3A_154 : i32
      "tpu.region"() ({
        %run_scoped3A = tpu.sem_alloc : memref<!tpu.dma_semaphore, #tpu.memory_space<semaphore_mem>>
        %dma_start3A_161 = arith.constant 0 : i32
        %dma_start3A_162 = tpu.memref_slice %arg12[%mul3A_155, %dma_start3A_161] : memref<5280x128xf32, #tpu.memory_space<vmem_shared>> -> memref<40x128xf32, #tpu.memory_space<vmem_shared>>
        %dma_start3A_163 = arith.constant 0 : i32
        %dma_start3A_164 = tpu.memref_slice %arg12[%mul3A_155, %dma_start3A_163] : memref<5280x128xf32, #tpu.memory_space<vmem_shared>> -> memref<40x128xf32, #tpu.memory_space<vmem_shared>>
        tpu.enqueue_dma source(%dma_start3A_164 : memref<40x128xf32, #tpu.memory_space<vmem_shared>>) target(%arg11 : memref<40x128xf32, #tpu.memory_space<vmem>>) target_semaphore(%run_scoped3A : memref<!tpu.dma_semaphore, #tpu.memory_space<semaphore_mem>>)
        %dma_wait3A_165 = arith.constant 0 : i32
        %dma_wait3A_166 = tpu.memref_slice %arg12[%mul3A_155, %dma_wait3A_165] : memref<5280x128xf32, #tpu.memory_space<vmem_shared>> -> memref<40x128xf32, #tpu.memory_space<vmem_shared>>
        %dma_wait3A_167 = arith.constant 0 : i32
        %dma_wait3A_168 = tpu.memref_slice %arg12[%mul3A_155, %dma_wait3A_167] : memref<5280x128xf32, #tpu.memory_space<vmem_shared>> -> memref<40x128xf32, #tpu.memory_space<vmem_shared>>
        tpu.wait_dma2 semaphore(%run_scoped3A : memref<!tpu.dma_semaphore, #tpu.memory_space<semaphore_mem>>) src(%dma_wait3A_168 : memref<40x128xf32, #tpu.memory_space<vmem_shared>>) dst(%arg11 : memref<40x128xf32, #tpu.memory_space<vmem>>)
        tpu.yield
      }) : () -> ()
      %mul3A_156 = arith.constant 5000 : i32
      %mul3A_157 = arith.muli %arg0, %mul3A_156 : i32
      %mul3A_158 = arith.constant 40 : i32
      %mul3A_159 = arith.muli %add3A_106, %mul3A_158 : i32
      %add3A_160 = arith.addi %mul3A_157, %mul3A_159 : i32
      "tpu.region"() ({
        %run_scoped3A = tpu.sem_alloc : memref<!tpu.dma_semaphore, #tpu.memory_space<semaphore_mem>>
        %dma_start3A_161 = arith.constant 0 : i32
        %dma_start3A_162 = tpu.memref_slice %arg6[%add3A_160, %dma_start3A_161] : memref<10000x128xf32, #tpu.memory_space<hbm>> -> memref<40x128xf32, #tpu.memory_space<hbm>>
        %dma_start3A_163 = arith.constant 0 : i32
        %dma_start3A_164 = tpu.memref_slice %arg6[%add3A_160, %dma_start3A_163] : memref<10000x128xf32, #tpu.memory_space<hbm>> -> memref<40x128xf32, #tpu.memory_space<hbm>>
        tpu.enqueue_dma source(%arg11 : memref<40x128xf32, #tpu.memory_space<vmem>>) target(%dma_start3A_164 : memref<40x128xf32, #tpu.memory_space<hbm>>) target_semaphore(%run_scoped3A : memref<!tpu.dma_semaphore, #tpu.memory_space<semaphore_mem>>)
        %dma_wait3A_165 = arith.constant 0 : i32
        %dma_wait3A_166 = tpu.memref_slice %arg6[%add3A_160, %dma_wait3A_165] : memref<10000x128xf32, #tpu.memory_space<hbm>> -> memref<40x128xf32, #tpu.memory_space<hbm>>
        %dma_wait3A_167 = arith.constant 0 : i32
        %dma_wait3A_168 = tpu.memref_slice %arg6[%add3A_160, %dma_wait3A_167] : memref<10000x128xf32, #tpu.memory_space<hbm>> -> memref<40x128xf32, #tpu.memory_space<hbm>>
        tpu.wait_dma2 semaphore(%run_scoped3A : memref<!tpu.dma_semaphore, #tpu.memory_space<semaphore_mem>>) src(%arg11 : memref<40x128xf32, #tpu.memory_space<vmem>>) dst(%dma_wait3A_168 : memref<40x128xf32, #tpu.memory_space<hbm>>)
        tpu.yield
      }) : () -> ()
    } else {
    }
    %add3A_112 = arith.constant 32 : i32
    %add3A_113 = arith.addi %arg1, %add3A_112 : i32
    %lt3A_114 = arith.constant 125 : i32
    %lt3A_115 = arith.cmpi slt, %add3A_113, %lt3A_114 : i32
    %convert_element_type3A_116 = arith.extui %lt3A_115 : i1 to i32
    %cond3A_117 = arith.constant 0 : i32
    %cond3A_118 = arith.cmpi ne, %convert_element_type3A_116, %cond3A_117 : i32
    scf.if %cond3A_118 {
      %mul3A_154 = arith.constant 40 : i32
      %mul3A_155 = arith.muli %add3A_113, %mul3A_154 : i32
      "tpu.region"() ({
        %run_scoped3A = tpu.sem_alloc : memref<!tpu.dma_semaphore, #tpu.memory_space<semaphore_mem>>
        %dma_start3A_161 = arith.constant 0 : i32
        %dma_start3A_162 = tpu.memref_slice %arg12[%mul3A_155, %dma_start3A_161] : memref<5280x128xf32, #tpu.memory_space<vmem_shared>> -> memref<40x128xf32, #tpu.memory_space<vmem_shared>>
        %dma_start3A_163 = arith.constant 0 : i32
        %dma_start3A_164 = tpu.memref_slice %arg12[%mul3A_155, %dma_start3A_163] : memref<5280x128xf32, #tpu.memory_space<vmem_shared>> -> memref<40x128xf32, #tpu.memory_space<vmem_shared>>
        tpu.enqueue_dma source(%dma_start3A_164 : memref<40x128xf32, #tpu.memory_space<vmem_shared>>) target(%arg11 : memref<40x128xf32, #tpu.memory_space<vmem>>) target_semaphore(%run_scoped3A : memref<!tpu.dma_semaphore, #tpu.memory_space<semaphore_mem>>)
        %dma_wait3A_165 = arith.constant 0 : i32
        %dma_wait3A_166 = tpu.memref_slice %arg12[%mul3A_155, %dma_wait3A_165] : memref<5280x128xf32, #tpu.memory_space<vmem_shared>> -> memref<40x128xf32, #tpu.memory_space<vmem_shared>>
        %dma_wait3A_167 = arith.constant 0 : i32
        %dma_wait3A_168 = tpu.memref_slice %arg12[%mul3A_155, %dma_wait3A_167] : memref<5280x128xf32, #tpu.memory_space<vmem_shared>> -> memref<40x128xf32, #tpu.memory_space<vmem_shared>>
        tpu.wait_dma2 semaphore(%run_scoped3A : memref<!tpu.dma_semaphore, #tpu.memory_space<semaphore_mem>>) src(%dma_wait3A_168 : memref<40x128xf32, #tpu.memory_space<vmem_shared>>) dst(%arg11 : memref<40x128xf32, #tpu.memory_space<vmem>>)
        tpu.yield
      }) : () -> ()
      %mul3A_156 = arith.constant 5000 : i32
      %mul3A_157 = arith.muli %arg0, %mul3A_156 : i32
      %mul3A_158 = arith.constant 40 : i32
      %mul3A_159 = arith.muli %add3A_113, %mul3A_158 : i32
      %add3A_160 = arith.addi %mul3A_157, %mul3A_159 : i32
      "tpu.region"() ({
        %run_scoped3A = tpu.sem_alloc : memref<!tpu.dma_semaphore, #tpu.memory_space<semaphore_mem>>
        %dma_start3A_161 = arith.constant 0 : i32
        %dma_start3A_162 = tpu.memref_slice %arg6[%add3A_160, %dma_start3A_161] : memref<10000x128xf32, #tpu.memory_space<hbm>> -> memref<40x128xf32, #tpu.memory_space<hbm>>
        %dma_start3A_163 = arith.constant 0 : i32
        %dma_start3A_164 = tpu.memref_slice %arg6[%add3A_160, %dma_start3A_163] : memref<10000x128xf32, #tpu.memory_space<hbm>> -> memref<40x128xf32, #tpu.memory_space<hbm>>
        tpu.enqueue_dma source(%arg11 : memref<40x128xf32, #tpu.memory_space<vmem>>) target(%dma_start3A_164 : memref<40x128xf32, #tpu.memory_space<hbm>>) target_semaphore(%run_scoped3A : memref<!tpu.dma_semaphore, #tpu.memory_space<semaphore_mem>>)
        %dma_wait3A_165 = arith.constant 0 : i32
        %dma_wait3A_166 = tpu.memref_slice %arg6[%add3A_160, %dma_wait3A_165] : memref<10000x128xf32, #tpu.memory_space<hbm>> -> memref<40x128xf32, #tpu.memory_space<hbm>>
        %dma_wait3A_167 = arith.constant 0 : i32
        %dma_wait3A_168 = tpu.memref_slice %arg6[%add3A_160, %dma_wait3A_167] : memref<10000x128xf32, #tpu.memory_space<hbm>> -> memref<40x128xf32, #tpu.memory_space<hbm>>
        tpu.wait_dma2 semaphore(%run_scoped3A : memref<!tpu.dma_semaphore, #tpu.memory_space<semaphore_mem>>) src(%arg11 : memref<40x128xf32, #tpu.memory_space<vmem>>) dst(%dma_wait3A_168 : memref<40x128xf32, #tpu.memory_space<hbm>>)
        tpu.yield
      }) : () -> ()
    } else {
    }
    %add3A_119 = arith.constant 48 : i32
    %add3A_120 = arith.addi %arg1, %add3A_119 : i32
    %lt3A_121 = arith.constant 125 : i32
    %lt3A_122 = arith.cmpi slt, %add3A_120, %lt3A_121 : i32
    %convert_element_type3A_123 = arith.extui %lt3A_122 : i1 to i32
    %cond3A_124 = arith.constant 0 : i32
    %cond3A_125 = arith.cmpi ne, %convert_element_type3A_123, %cond3A_124 : i32
    scf.if %cond3A_125 {
      %mul3A_154 = arith.constant 40 : i32
      %mul3A_155 = arith.muli %add3A_120, %mul3A_154 : i32
      "tpu.region"() ({
        %run_scoped3A = tpu.sem_alloc : memref<!tpu.dma_semaphore, #tpu.memory_space<semaphore_mem>>
        %dma_start3A_161 = arith.constant 0 : i32
        %dma_start3A_162 = tpu.memref_slice %arg12[%mul3A_155, %dma_start3A_161] : memref<5280x128xf32, #tpu.memory_space<vmem_shared>> -> memref<40x128xf32, #tpu.memory_space<vmem_shared>>
        %dma_start3A_163 = arith.constant 0 : i32
        %dma_start3A_164 = tpu.memref_slice %arg12[%mul3A_155, %dma_start3A_163] : memref<5280x128xf32, #tpu.memory_space<vmem_shared>> -> memref<40x128xf32, #tpu.memory_space<vmem_shared>>
        tpu.enqueue_dma source(%dma_start3A_164 : memref<40x128xf32, #tpu.memory_space<vmem_shared>>) target(%arg11 : memref<40x128xf32, #tpu.memory_space<vmem>>) target_semaphore(%run_scoped3A : memref<!tpu.dma_semaphore, #tpu.memory_space<semaphore_mem>>)
        %dma_wait3A_165 = arith.constant 0 : i32
        %dma_wait3A_166 = tpu.memref_slice %arg12[%mul3A_155, %dma_wait3A_165] : memref<5280x128xf32, #tpu.memory_space<vmem_shared>> -> memref<40x128xf32, #tpu.memory_space<vmem_shared>>
        %dma_wait3A_167 = arith.constant 0 : i32
        %dma_wait3A_168 = tpu.memref_slice %arg12[%mul3A_155, %dma_wait3A_167] : memref<5280x128xf32, #tpu.memory_space<vmem_shared>> -> memref<40x128xf32, #tpu.memory_space<vmem_shared>>
        tpu.wait_dma2 semaphore(%run_scoped3A : memref<!tpu.dma_semaphore, #tpu.memory_space<semaphore_mem>>) src(%dma_wait3A_168 : memref<40x128xf32, #tpu.memory_space<vmem_shared>>) dst(%arg11 : memref<40x128xf32, #tpu.memory_space<vmem>>)
        tpu.yield
      }) : () -> ()
      %mul3A_156 = arith.constant 5000 : i32
      %mul3A_157 = arith.muli %arg0, %mul3A_156 : i32
      %mul3A_158 = arith.constant 40 : i32
      %mul3A_159 = arith.muli %add3A_120, %mul3A_158 : i32
      %add3A_160 = arith.addi %mul3A_157, %mul3A_159 : i32
      "tpu.region"() ({
        %run_scoped3A = tpu.sem_alloc : memref<!tpu.dma_semaphore, #tpu.memory_space<semaphore_mem>>
        %dma_start3A_161 = arith.constant 0 : i32
        %dma_start3A_162 = tpu.memref_slice %arg6[%add3A_160, %dma_start3A_161] : memref<10000x128xf32, #tpu.memory_space<hbm>> -> memref<40x128xf32, #tpu.memory_space<hbm>>
        %dma_start3A_163 = arith.constant 0 : i32
        %dma_start3A_164 = tpu.memref_slice %arg6[%add3A_160, %dma_start3A_163] : memref<10000x128xf32, #tpu.memory_space<hbm>> -> memref<40x128xf32, #tpu.memory_space<hbm>>
        tpu.enqueue_dma source(%arg11 : memref<40x128xf32, #tpu.memory_space<vmem>>) target(%dma_start3A_164 : memref<40x128xf32, #tpu.memory_space<hbm>>) target_semaphore(%run_scoped3A : memref<!tpu.dma_semaphore, #tpu.memory_space<semaphore_mem>>)
        %dma_wait3A_165 = arith.constant 0 : i32
        %dma_wait3A_166 = tpu.memref_slice %arg6[%add3A_160, %dma_wait3A_165] : memref<10000x128xf32, #tpu.memory_space<hbm>> -> memref<40x128xf32, #tpu.memory_space<hbm>>
        %dma_wait3A_167 = arith.constant 0 : i32
        %dma_wait3A_168 = tpu.memref_slice %arg6[%add3A_160, %dma_wait3A_167] : memref<10000x128xf32, #tpu.memory_space<hbm>> -> memref<40x128xf32, #tpu.memory_space<hbm>>
        tpu.wait_dma2 semaphore(%run_scoped3A : memref<!tpu.dma_semaphore, #tpu.memory_space<semaphore_mem>>) src(%arg11 : memref<40x128xf32, #tpu.memory_space<vmem>>) dst(%dma_wait3A_168 : memref<40x128xf32, #tpu.memory_space<hbm>>)
        tpu.yield
      }) : () -> ()
    } else {
    }
    %add3A_126 = arith.constant 64 : i32
    %add3A_127 = arith.addi %arg1, %add3A_126 : i32
    %lt3A_128 = arith.constant 125 : i32
    %lt3A_129 = arith.cmpi slt, %add3A_127, %lt3A_128 : i32
    %convert_element_type3A_130 = arith.extui %lt3A_129 : i1 to i32
    %cond3A_131 = arith.constant 0 : i32
    %cond3A_132 = arith.cmpi ne, %convert_element_type3A_130, %cond3A_131 : i32
    scf.if %cond3A_132 {
      %mul3A_154 = arith.constant 40 : i32
      %mul3A_155 = arith.muli %add3A_127, %mul3A_154 : i32
      "tpu.region"() ({
        %run_scoped3A = tpu.sem_alloc : memref<!tpu.dma_semaphore, #tpu.memory_space<semaphore_mem>>
        %dma_start3A_161 = arith.constant 0 : i32
        %dma_start3A_162 = tpu.memref_slice %arg12[%mul3A_155, %dma_start3A_161] : memref<5280x128xf32, #tpu.memory_space<vmem_shared>> -> memref<40x128xf32, #tpu.memory_space<vmem_shared>>
        %dma_start3A_163 = arith.constant 0 : i32
        %dma_start3A_164 = tpu.memref_slice %arg12[%mul3A_155, %dma_start3A_163] : memref<5280x128xf32, #tpu.memory_space<vmem_shared>> -> memref<40x128xf32, #tpu.memory_space<vmem_shared>>
        tpu.enqueue_dma source(%dma_start3A_164 : memref<40x128xf32, #tpu.memory_space<vmem_shared>>) target(%arg11 : memref<40x128xf32, #tpu.memory_space<vmem>>) target_semaphore(%run_scoped3A : memref<!tpu.dma_semaphore, #tpu.memory_space<semaphore_mem>>)
        %dma_wait3A_165 = arith.constant 0 : i32
        %dma_wait3A_166 = tpu.memref_slice %arg12[%mul3A_155, %dma_wait3A_165] : memref<5280x128xf32, #tpu.memory_space<vmem_shared>> -> memref<40x128xf32, #tpu.memory_space<vmem_shared>>
        %dma_wait3A_167 = arith.constant 0 : i32
        %dma_wait3A_168 = tpu.memref_slice %arg12[%mul3A_155, %dma_wait3A_167] : memref<5280x128xf32, #tpu.memory_space<vmem_shared>> -> memref<40x128xf32, #tpu.memory_space<vmem_shared>>
        tpu.wait_dma2 semaphore(%run_scoped3A : memref<!tpu.dma_semaphore, #tpu.memory_space<semaphore_mem>>) src(%dma_wait3A_168 : memref<40x128xf32, #tpu.memory_space<vmem_shared>>) dst(%arg11 : memref<40x128xf32, #tpu.memory_space<vmem>>)
        tpu.yield
      }) : () -> ()
      %mul3A_156 = arith.constant 5000 : i32
      %mul3A_157 = arith.muli %arg0, %mul3A_156 : i32
      %mul3A_158 = arith.constant 40 : i32
      %mul3A_159 = arith.muli %add3A_127, %mul3A_158 : i32
      %add3A_160 = arith.addi %mul3A_157, %mul3A_159 : i32
      "tpu.region"() ({
        %run_scoped3A = tpu.sem_alloc : memref<!tpu.dma_semaphore, #tpu.memory_space<semaphore_mem>>
        %dma_start3A_161 = arith.constant 0 : i32
        %dma_start3A_162 = tpu.memref_slice %arg6[%add3A_160, %dma_start3A_161] : memref<10000x128xf32, #tpu.memory_space<hbm>> -> memref<40x128xf32, #tpu.memory_space<hbm>>
        %dma_start3A_163 = arith.constant 0 : i32
        %dma_start3A_164 = tpu.memref_slice %arg6[%add3A_160, %dma_start3A_163] : memref<10000x128xf32, #tpu.memory_space<hbm>> -> memref<40x128xf32, #tpu.memory_space<hbm>>
        tpu.enqueue_dma source(%arg11 : memref<40x128xf32, #tpu.memory_space<vmem>>) target(%dma_start3A_164 : memref<40x128xf32, #tpu.memory_space<hbm>>) target_semaphore(%run_scoped3A : memref<!tpu.dma_semaphore, #tpu.memory_space<semaphore_mem>>)
        %dma_wait3A_165 = arith.constant 0 : i32
        %dma_wait3A_166 = tpu.memref_slice %arg6[%add3A_160, %dma_wait3A_165] : memref<10000x128xf32, #tpu.memory_space<hbm>> -> memref<40x128xf32, #tpu.memory_space<hbm>>
        %dma_wait3A_167 = arith.constant 0 : i32
        %dma_wait3A_168 = tpu.memref_slice %arg6[%add3A_160, %dma_wait3A_167] : memref<10000x128xf32, #tpu.memory_space<hbm>> -> memref<40x128xf32, #tpu.memory_space<hbm>>
        tpu.wait_dma2 semaphore(%run_scoped3A : memref<!tpu.dma_semaphore, #tpu.memory_space<semaphore_mem>>) src(%arg11 : memref<40x128xf32, #tpu.memory_space<vmem>>) dst(%dma_wait3A_168 : memref<40x128xf32, #tpu.memory_space<hbm>>)
        tpu.yield
      }) : () -> ()
    } else {
    }
    %add3A_133 = arith.constant 80 : i32
    %add3A_134 = arith.addi %arg1, %add3A_133 : i32
    %lt3A_135 = arith.constant 125 : i32
    %lt3A_136 = arith.cmpi slt, %add3A_134, %lt3A_135 : i32
    %convert_element_type3A_137 = arith.extui %lt3A_136 : i1 to i32
    %cond3A_138 = arith.constant 0 : i32
    %cond3A_139 = arith.cmpi ne, %convert_element_type3A_137, %cond3A_138 : i32
    scf.if %cond3A_139 {
      %mul3A_154 = arith.constant 40 : i32
      %mul3A_155 = arith.muli %add3A_134, %mul3A_154 : i32
      "tpu.region"() ({
        %run_scoped3A = tpu.sem_alloc : memref<!tpu.dma_semaphore, #tpu.memory_space<semaphore_mem>>
        %dma_start3A_161 = arith.constant 0 : i32
        %dma_start3A_162 = tpu.memref_slice %arg12[%mul3A_155, %dma_start3A_161] : memref<5280x128xf32, #tpu.memory_space<vmem_shared>> -> memref<40x128xf32, #tpu.memory_space<vmem_shared>>
        %dma_start3A_163 = arith.constant 0 : i32
        %dma_start3A_164 = tpu.memref_slice %arg12[%mul3A_155, %dma_start3A_163] : memref<5280x128xf32, #tpu.memory_space<vmem_shared>> -> memref<40x128xf32, #tpu.memory_space<vmem_shared>>
        tpu.enqueue_dma source(%dma_start3A_164 : memref<40x128xf32, #tpu.memory_space<vmem_shared>>) target(%arg11 : memref<40x128xf32, #tpu.memory_space<vmem>>) target_semaphore(%run_scoped3A : memref<!tpu.dma_semaphore, #tpu.memory_space<semaphore_mem>>)
        %dma_wait3A_165 = arith.constant 0 : i32
        %dma_wait3A_166 = tpu.memref_slice %arg12[%mul3A_155, %dma_wait3A_165] : memref<5280x128xf32, #tpu.memory_space<vmem_shared>> -> memref<40x128xf32, #tpu.memory_space<vmem_shared>>
        %dma_wait3A_167 = arith.constant 0 : i32
        %dma_wait3A_168 = tpu.memref_slice %arg12[%mul3A_155, %dma_wait3A_167] : memref<5280x128xf32, #tpu.memory_space<vmem_shared>> -> memref<40x128xf32, #tpu.memory_space<vmem_shared>>
        tpu.wait_dma2 semaphore(%run_scoped3A : memref<!tpu.dma_semaphore, #tpu.memory_space<semaphore_mem>>) src(%dma_wait3A_168 : memref<40x128xf32, #tpu.memory_space<vmem_shared>>) dst(%arg11 : memref<40x128xf32, #tpu.memory_space<vmem>>)
        tpu.yield
      }) : () -> ()
      %mul3A_156 = arith.constant 5000 : i32
      %mul3A_157 = arith.muli %arg0, %mul3A_156 : i32
      %mul3A_158 = arith.constant 40 : i32
      %mul3A_159 = arith.muli %add3A_134, %mul3A_158 : i32
      %add3A_160 = arith.addi %mul3A_157, %mul3A_159 : i32
      "tpu.region"() ({
        %run_scoped3A = tpu.sem_alloc : memref<!tpu.dma_semaphore, #tpu.memory_space<semaphore_mem>>
        %dma_start3A_161 = arith.constant 0 : i32
        %dma_start3A_162 = tpu.memref_slice %arg6[%add3A_160, %dma_start3A_161] : memref<10000x128xf32, #tpu.memory_space<hbm>> -> memref<40x128xf32, #tpu.memory_space<hbm>>
        %dma_start3A_163 = arith.constant 0 : i32
        %dma_start3A_164 = tpu.memref_slice %arg6[%add3A_160, %dma_start3A_163] : memref<10000x128xf32, #tpu.memory_space<hbm>> -> memref<40x128xf32, #tpu.memory_space<hbm>>
        tpu.enqueue_dma source(%arg11 : memref<40x128xf32, #tpu.memory_space<vmem>>) target(%dma_start3A_164 : memref<40x128xf32, #tpu.memory_space<hbm>>) target_semaphore(%run_scoped3A : memref<!tpu.dma_semaphore, #tpu.memory_space<semaphore_mem>>)
        %dma_wait3A_165 = arith.constant 0 : i32
        %dma_wait3A_166 = tpu.memref_slice %arg6[%add3A_160, %dma_wait3A_165] : memref<10000x128xf32, #tpu.memory_space<hbm>> -> memref<40x128xf32, #tpu.memory_space<hbm>>
        %dma_wait3A_167 = arith.constant 0 : i32
        %dma_wait3A_168 = tpu.memref_slice %arg6[%add3A_160, %dma_wait3A_167] : memref<10000x128xf32, #tpu.memory_space<hbm>> -> memref<40x128xf32, #tpu.memory_space<hbm>>
        tpu.wait_dma2 semaphore(%run_scoped3A : memref<!tpu.dma_semaphore, #tpu.memory_space<semaphore_mem>>) src(%arg11 : memref<40x128xf32, #tpu.memory_space<vmem>>) dst(%dma_wait3A_168 : memref<40x128xf32, #tpu.memory_space<hbm>>)
        tpu.yield
      }) : () -> ()
    } else {
    }
    %add3A_140 = arith.constant 96 : i32
    %add3A_141 = arith.addi %arg1, %add3A_140 : i32
    %lt3A_142 = arith.constant 125 : i32
    %lt3A_143 = arith.cmpi slt, %add3A_141, %lt3A_142 : i32
    %convert_element_type3A_144 = arith.extui %lt3A_143 : i1 to i32
    %cond3A_145 = arith.constant 0 : i32
    %cond3A_146 = arith.cmpi ne, %convert_element_type3A_144, %cond3A_145 : i32
    scf.if %cond3A_146 {
      %mul3A_154 = arith.constant 40 : i32
      %mul3A_155 = arith.muli %add3A_141, %mul3A_154 : i32
      "tpu.region"() ({
        %run_scoped3A = tpu.sem_alloc : memref<!tpu.dma_semaphore, #tpu.memory_space<semaphore_mem>>
        %dma_start3A_161 = arith.constant 0 : i32
        %dma_start3A_162 = tpu.memref_slice %arg12[%mul3A_155, %dma_start3A_161] : memref<5280x128xf32, #tpu.memory_space<vmem_shared>> -> memref<40x128xf32, #tpu.memory_space<vmem_shared>>
        %dma_start3A_163 = arith.constant 0 : i32
        %dma_start3A_164 = tpu.memref_slice %arg12[%mul3A_155, %dma_start3A_163] : memref<5280x128xf32, #tpu.memory_space<vmem_shared>> -> memref<40x128xf32, #tpu.memory_space<vmem_shared>>
        tpu.enqueue_dma source(%dma_start3A_164 : memref<40x128xf32, #tpu.memory_space<vmem_shared>>) target(%arg11 : memref<40x128xf32, #tpu.memory_space<vmem>>) target_semaphore(%run_scoped3A : memref<!tpu.dma_semaphore, #tpu.memory_space<semaphore_mem>>)
        %dma_wait3A_165 = arith.constant 0 : i32
        %dma_wait3A_166 = tpu.memref_slice %arg12[%mul3A_155, %dma_wait3A_165] : memref<5280x128xf32, #tpu.memory_space<vmem_shared>> -> memref<40x128xf32, #tpu.memory_space<vmem_shared>>
        %dma_wait3A_167 = arith.constant 0 : i32
        %dma_wait3A_168 = tpu.memref_slice %arg12[%mul3A_155, %dma_wait3A_167] : memref<5280x128xf32, #tpu.memory_space<vmem_shared>> -> memref<40x128xf32, #tpu.memory_space<vmem_shared>>
        tpu.wait_dma2 semaphore(%run_scoped3A : memref<!tpu.dma_semaphore, #tpu.memory_space<semaphore_mem>>) src(%dma_wait3A_168 : memref<40x128xf32, #tpu.memory_space<vmem_shared>>) dst(%arg11 : memref<40x128xf32, #tpu.memory_space<vmem>>)
        tpu.yield
      }) : () -> ()
      %mul3A_156 = arith.constant 5000 : i32
      %mul3A_157 = arith.muli %arg0, %mul3A_156 : i32
      %mul3A_158 = arith.constant 40 : i32
      %mul3A_159 = arith.muli %add3A_141, %mul3A_158 : i32
      %add3A_160 = arith.addi %mul3A_157, %mul3A_159 : i32
      "tpu.region"() ({
        %run_scoped3A = tpu.sem_alloc : memref<!tpu.dma_semaphore, #tpu.memory_space<semaphore_mem>>
        %dma_start3A_161 = arith.constant 0 : i32
        %dma_start3A_162 = tpu.memref_slice %arg6[%add3A_160, %dma_start3A_161] : memref<10000x128xf32, #tpu.memory_space<hbm>> -> memref<40x128xf32, #tpu.memory_space<hbm>>
        %dma_start3A_163 = arith.constant 0 : i32
        %dma_start3A_164 = tpu.memref_slice %arg6[%add3A_160, %dma_start3A_163] : memref<10000x128xf32, #tpu.memory_space<hbm>> -> memref<40x128xf32, #tpu.memory_space<hbm>>
        tpu.enqueue_dma source(%arg11 : memref<40x128xf32, #tpu.memory_space<vmem>>) target(%dma_start3A_164 : memref<40x128xf32, #tpu.memory_space<hbm>>) target_semaphore(%run_scoped3A : memref<!tpu.dma_semaphore, #tpu.memory_space<semaphore_mem>>)
        %dma_wait3A_165 = arith.constant 0 : i32
        %dma_wait3A_166 = tpu.memref_slice %arg6[%add3A_160, %dma_wait3A_165] : memref<10000x128xf32, #tpu.memory_space<hbm>> -> memref<40x128xf32, #tpu.memory_space<hbm>>
        %dma_wait3A_167 = arith.constant 0 : i32
        %dma_wait3A_168 = tpu.memref_slice %arg6[%add3A_160, %dma_wait3A_167] : memref<10000x128xf32, #tpu.memory_space<hbm>> -> memref<40x128xf32, #tpu.memory_space<hbm>>
        tpu.wait_dma2 semaphore(%run_scoped3A : memref<!tpu.dma_semaphore, #tpu.memory_space<semaphore_mem>>) src(%arg11 : memref<40x128xf32, #tpu.memory_space<vmem>>) dst(%dma_wait3A_168 : memref<40x128xf32, #tpu.memory_space<hbm>>)
        tpu.yield
      }) : () -> ()
    } else {
    }
    %add3A_147 = arith.constant 112 : i32
    %add3A_148 = arith.addi %arg1, %add3A_147 : i32
    %lt3A_149 = arith.constant 125 : i32
    %lt3A_150 = arith.cmpi slt, %add3A_148, %lt3A_149 : i32
    %convert_element_type3A_151 = arith.extui %lt3A_150 : i1 to i32
    %cond3A_152 = arith.constant 0 : i32
    %cond3A_153 = arith.cmpi ne, %convert_element_type3A_151, %cond3A_152 : i32
    scf.if %cond3A_153 {
      %mul3A_154 = arith.constant 40 : i32
      %mul3A_155 = arith.muli %add3A_148, %mul3A_154 : i32
      "tpu.region"() ({
        %run_scoped3A = tpu.sem_alloc : memref<!tpu.dma_semaphore, #tpu.memory_space<semaphore_mem>>
        %dma_start3A_161 = arith.constant 0 : i32
        %dma_start3A_162 = tpu.memref_slice %arg12[%mul3A_155, %dma_start3A_161] : memref<5280x128xf32, #tpu.memory_space<vmem_shared>> -> memref<40x128xf32, #tpu.memory_space<vmem_shared>>
        %dma_start3A_163 = arith.constant 0 : i32
        %dma_start3A_164 = tpu.memref_slice %arg12[%mul3A_155, %dma_start3A_163] : memref<5280x128xf32, #tpu.memory_space<vmem_shared>> -> memref<40x128xf32, #tpu.memory_space<vmem_shared>>
        tpu.enqueue_dma source(%dma_start3A_164 : memref<40x128xf32, #tpu.memory_space<vmem_shared>>) target(%arg11 : memref<40x128xf32, #tpu.memory_space<vmem>>) target_semaphore(%run_scoped3A : memref<!tpu.dma_semaphore, #tpu.memory_space<semaphore_mem>>)
        %dma_wait3A_165 = arith.constant 0 : i32
        %dma_wait3A_166 = tpu.memref_slice %arg12[%mul3A_155, %dma_wait3A_165] : memref<5280x128xf32, #tpu.memory_space<vmem_shared>> -> memref<40x128xf32, #tpu.memory_space<vmem_shared>>
        %dma_wait3A_167 = arith.constant 0 : i32
        %dma_wait3A_168 = tpu.memref_slice %arg12[%mul3A_155, %dma_wait3A_167] : memref<5280x128xf32, #tpu.memory_space<vmem_shared>> -> memref<40x128xf32, #tpu.memory_space<vmem_shared>>
        tpu.wait_dma2 semaphore(%run_scoped3A : memref<!tpu.dma_semaphore, #tpu.memory_space<semaphore_mem>>) src(%dma_wait3A_168 : memref<40x128xf32, #tpu.memory_space<vmem_shared>>) dst(%arg11 : memref<40x128xf32, #tpu.memory_space<vmem>>)
        tpu.yield
      }) : () -> ()
      %mul3A_156 = arith.constant 5000 : i32
      %mul3A_157 = arith.muli %arg0, %mul3A_156 : i32
      %mul3A_158 = arith.constant 40 : i32
      %mul3A_159 = arith.muli %add3A_148, %mul3A_158 : i32
      %add3A_160 = arith.addi %mul3A_157, %mul3A_159 : i32
      "tpu.region"() ({
        %run_scoped3A = tpu.sem_alloc : memref<!tpu.dma_semaphore, #tpu.memory_space<semaphore_mem>>
        %dma_start3A_161 = arith.constant 0 : i32
        %dma_start3A_162 = tpu.memref_slice %arg6[%add3A_160, %dma_start3A_161] : memref<10000x128xf32, #tpu.memory_space<hbm>> -> memref<40x128xf32, #tpu.memory_space<hbm>>
        %dma_start3A_163 = arith.constant 0 : i32
        %dma_start3A_164 = tpu.memref_slice %arg6[%add3A_160, %dma_start3A_163] : memref<10000x128xf32, #tpu.memory_space<hbm>> -> memref<40x128xf32, #tpu.memory_space<hbm>>
        tpu.enqueue_dma source(%arg11 : memref<40x128xf32, #tpu.memory_space<vmem>>) target(%dma_start3A_164 : memref<40x128xf32, #tpu.memory_space<hbm>>) target_semaphore(%run_scoped3A : memref<!tpu.dma_semaphore, #tpu.memory_space<semaphore_mem>>)
        %dma_wait3A_165 = arith.constant 0 : i32
        %dma_wait3A_166 = tpu.memref_slice %arg6[%add3A_160, %dma_wait3A_165] : memref<10000x128xf32, #tpu.memory_space<hbm>> -> memref<40x128xf32, #tpu.memory_space<hbm>>
        %dma_wait3A_167 = arith.constant 0 : i32
        %dma_wait3A_168 = tpu.memref_slice %arg6[%add3A_160, %dma_wait3A_167] : memref<10000x128xf32, #tpu.memory_space<hbm>> -> memref<40x128xf32, #tpu.memory_space<hbm>>
        tpu.wait_dma2 semaphore(%run_scoped3A : memref<!tpu.dma_semaphore, #tpu.memory_space<semaphore_mem>>) src(%arg11 : memref<40x128xf32, #tpu.memory_space<vmem>>) dst(%dma_wait3A_168 : memref<40x128xf32, #tpu.memory_space<hbm>>)
        tpu.yield
      }) : () -> ()
    } else {
    }
    return
  }
}

#map = affine_map<(d0, d1) -> (0, 0, 0)>
#map1 = affine_map<(d0, d1) -> (0)>
module attributes {stable_mosaic.version = 14 : i64} {
  func.func @deg_kernel(%arg0: i32, %arg1: i32, %arg2: memref<32x79x128xi32, #tpu.memory_space<hbm>>, %arg3: memref<10008xf32, #tpu.memory_space<hbm>>, %arg4: memref<128xf32, #tpu.memory_space<hbm>>, %arg5: memref<320256xf32, #tpu.memory_space<hbm>>, %arg6: memref<79x128xi32, #tpu.memory_space<vmem>>, %arg7: memref<128xf32, #tpu.memory_space<vmem>>, %arg8: memref<10008xf32, #tpu.memory_space<vmem>>, %arg9: memref<160128xf32, #tpu.memory_space<vmem_shared>>) attributes {dimension_semantics = [#tpu.dimension_semantics<core_parallel>, #tpu.dimension_semantics<subcore_parallel>], iteration_bounds = array<i64: 2, 16>, scalar_prefetch = 0 : i64, scratch_operands = 4 : i64, tpu.core_type = #tpu.core_type<sc_vector_subcore>, window_params = [{transform_indices = #map}, {transform_indices = #map1}, {transform_indices = #map1}, {transform_indices = #map1}]} {
    %mul3A = arith.constant 16 : i32
    %mul3A_0 = arith.muli %arg0, %mul3A : i32
    %add3A = arith.addi %mul3A_0, %arg1 : i32
    "tpu.region"() ({
      %run_scoped3A = tpu.sem_alloc : memref<!tpu.dma_semaphore, #tpu.memory_space<semaphore_mem>>
      %dma_start3A = arith.constant 0 : i32
      %dma_start3A_20 = arith.constant 0 : i32
      %dma_start3A_21 = tpu.memref_slice %arg2[%add3A, %dma_start3A, %dma_start3A_20] : memref<32x79x128xi32, #tpu.memory_space<hbm>> -> memref<1x79x128xi32, #tpu.memory_space<hbm>>
      %dma_start3A_22 = tpu.memref_squeeze %dma_start3A_21 : memref<1x79x128xi32, #tpu.memory_space<hbm>> -> memref<79x128xi32, #tpu.memory_space<hbm>>
      %dma_start3A_23 = arith.constant 0 : i32
      %dma_start3A_24 = arith.constant 0 : i32
      %dma_start3A_25 = tpu.memref_slice %arg2[%add3A, %dma_start3A_23, %dma_start3A_24] : memref<32x79x128xi32, #tpu.memory_space<hbm>> -> memref<1x79x128xi32, #tpu.memory_space<hbm>>
      %dma_start3A_26 = tpu.memref_squeeze %dma_start3A_25 : memref<1x79x128xi32, #tpu.memory_space<hbm>> -> memref<79x128xi32, #tpu.memory_space<hbm>>
      tpu.enqueue_dma source(%dma_start3A_26 : memref<79x128xi32, #tpu.memory_space<hbm>>) target(%arg6 : memref<79x128xi32, #tpu.memory_space<vmem>>) target_semaphore(%run_scoped3A : memref<!tpu.dma_semaphore, #tpu.memory_space<semaphore_mem>>)
      %dma_wait3A = arith.constant 0 : i32
      %dma_wait3A_27 = arith.constant 0 : i32
      %dma_wait3A_28 = tpu.memref_slice %arg2[%add3A, %dma_wait3A, %dma_wait3A_27] : memref<32x79x128xi32, #tpu.memory_space<hbm>> -> memref<1x79x128xi32, #tpu.memory_space<hbm>>
      %dma_wait3A_29 = tpu.memref_squeeze %dma_wait3A_28 : memref<1x79x128xi32, #tpu.memory_space<hbm>> -> memref<79x128xi32, #tpu.memory_space<hbm>>
      %dma_wait3A_30 = arith.constant 0 : i32
      %dma_wait3A_31 = arith.constant 0 : i32
      %dma_wait3A_32 = tpu.memref_slice %arg2[%add3A, %dma_wait3A_30, %dma_wait3A_31] : memref<32x79x128xi32, #tpu.memory_space<hbm>> -> memref<1x79x128xi32, #tpu.memory_space<hbm>>
      %dma_wait3A_33 = tpu.memref_squeeze %dma_wait3A_32 : memref<1x79x128xi32, #tpu.memory_space<hbm>> -> memref<79x128xi32, #tpu.memory_space<hbm>>
      tpu.wait_dma2 semaphore(%run_scoped3A : memref<!tpu.dma_semaphore, #tpu.memory_space<semaphore_mem>>) src(%dma_wait3A_33 : memref<79x128xi32, #tpu.memory_space<hbm>>) dst(%arg6 : memref<79x128xi32, #tpu.memory_space<vmem>>)
      tpu.yield
    }) : () -> ()
    "tpu.region"() ({
      %run_scoped3A = tpu.sem_alloc : memref<!tpu.dma_semaphore, #tpu.memory_space<semaphore_mem>>
      tpu.enqueue_dma source(%arg4 : memref<128xf32, #tpu.memory_space<hbm>>) target(%arg7 : memref<128xf32, #tpu.memory_space<vmem>>) target_semaphore(%run_scoped3A : memref<!tpu.dma_semaphore, #tpu.memory_space<semaphore_mem>>)
      tpu.wait_dma2 semaphore(%run_scoped3A : memref<!tpu.dma_semaphore, #tpu.memory_space<semaphore_mem>>) src(%arg4 : memref<128xf32, #tpu.memory_space<hbm>>) dst(%arg7 : memref<128xf32, #tpu.memory_space<vmem>>)
      tpu.yield
    }) : () -> ()
    %mul3A_1 = arith.constant 10008 : i32
    %mul3A_2 = arith.muli %arg1, %mul3A_1 : i32
    %scan3A = arith.constant 0 : i32
    %scan3A_3 = arith.constant 0 : i32
    %scan3A_4 = arith.constant 79 : i32
    %scan3A_5 = arith.addi %scan3A_3, %scan3A_4 : i32
    %scan3A_6 = arith.constant 1 : i32
    scf.for %scan3A_20 = %scan3A_3 to %scan3A_5 step %scan3A_6  : i32 {
      %get3A = arith.index_cast %scan3A_20 : i32 to index
      %get3A_21 = arith.constant 0 : index
      %get3A_22 = tpu.vector_load %arg6[%get3A, %get3A_21] {strides = array<i32>} : memref<79x128xi32, #tpu.memory_space<vmem>>, vector<1x16xi32>,
      %get3A_23 = vector.shape_cast %get3A_22 : vector<1x16xi32> to vector<16xi32>
      %add3A_24 = vector.broadcast %mul3A_2 : i32 to vector<16xi32>
      %add3A_25 = arith.addi %get3A_23, %add3A_24 : vector<16xi32>
      %swap3A = arith.index_cast %scan3A_20 : i32 to index
      %swap3A_26 = arith.constant 0 : index
      %swap3A_27 = tpu.vector_load %arg6[%swap3A, %swap3A_26] {strides = array<i32>} : memref<79x128xi32, #tpu.memory_space<vmem>>, vector<1x16xi32>,
      %swap3A_28 = vector.shape_cast %swap3A_27 : vector<1x16xi32> to vector<16xi32>
      %swap3A_29 = vector.shape_cast %add3A_25 : vector<16xi32> to vector<1x16xi32>
      tpu.vector_store %arg6[%swap3A, %swap3A_26], %swap3A_29 {strides = array<i32>} : memref<79x128xi32, #tpu.memory_space<vmem>>, vector<1x16xi32>,
      %get3A_30 = arith.index_cast %scan3A_20 : i32 to index
      %get3A_31 = arith.constant 16 : index
      %get3A_32 = tpu.vector_load %arg6[%get3A_30, %get3A_31] {strides = array<i32>} : memref<79x128xi32, #tpu.memory_space<vmem>>, vector<1x16xi32>,
      %get3A_33 = vector.shape_cast %get3A_32 : vector<1x16xi32> to vector<16xi32>
      %add3A_34 = vector.broadcast %mul3A_2 : i32 to vector<16xi32>
      %add3A_35 = arith.addi %get3A_33, %add3A_34 : vector<16xi32>
      %swap3A_36 = arith.index_cast %scan3A_20 : i32 to index
      %swap3A_37 = arith.constant 16 : index
      %swap3A_38 = tpu.vector_load %arg6[%swap3A_36, %swap3A_37] {strides = array<i32>} : memref<79x128xi32, #tpu.memory_space<vmem>>, vector<1x16xi32>,
      %swap3A_39 = vector.shape_cast %swap3A_38 : vector<1x16xi32> to vector<16xi32>
      %swap3A_40 = vector.shape_cast %add3A_35 : vector<16xi32> to vector<1x16xi32>
      tpu.vector_store %arg6[%swap3A_36, %swap3A_37], %swap3A_40 {strides = array<i32>} : memref<79x128xi32, #tpu.memory_space<vmem>>, vector<1x16xi32>,
      %get3A_41 = arith.index_cast %scan3A_20 : i32 to index
      %get3A_42 = arith.constant 32 : index
      %get3A_43 = tpu.vector_load %arg6[%get3A_41, %get3A_42] {strides = array<i32>} : memref<79x128xi32, #tpu.memory_space<vmem>>, vector<1x16xi32>,
      %get3A_44 = vector.shape_cast %get3A_43 : vector<1x16xi32> to vector<16xi32>
      %add3A_45 = vector.broadcast %mul3A_2 : i32 to vector<16xi32>
      %add3A_46 = arith.addi %get3A_44, %add3A_45 : vector<16xi32>
      %swap3A_47 = arith.index_cast %scan3A_20 : i32 to index
      %swap3A_48 = arith.constant 32 : index
      %swap3A_49 = tpu.vector_load %arg6[%swap3A_47, %swap3A_48] {strides = array<i32>} : memref<79x128xi32, #tpu.memory_space<vmem>>, vector<1x16xi32>,
      %swap3A_50 = vector.shape_cast %swap3A_49 : vector<1x16xi32> to vector<16xi32>
      %swap3A_51 = vector.shape_cast %add3A_46 : vector<16xi32> to vector<1x16xi32>
      tpu.vector_store %arg6[%swap3A_47, %swap3A_48], %swap3A_51 {strides = array<i32>} : memref<79x128xi32, #tpu.memory_space<vmem>>, vector<1x16xi32>,
      %get3A_52 = arith.index_cast %scan3A_20 : i32 to index
      %get3A_53 = arith.constant 48 : index
      %get3A_54 = tpu.vector_load %arg6[%get3A_52, %get3A_53] {strides = array<i32>} : memref<79x128xi32, #tpu.memory_space<vmem>>, vector<1x16xi32>,
      %get3A_55 = vector.shape_cast %get3A_54 : vector<1x16xi32> to vector<16xi32>
      %add3A_56 = vector.broadcast %mul3A_2 : i32 to vector<16xi32>
      %add3A_57 = arith.addi %get3A_55, %add3A_56 : vector<16xi32>
      %swap3A_58 = arith.index_cast %scan3A_20 : i32 to index
      %swap3A_59 = arith.constant 48 : index
      %swap3A_60 = tpu.vector_load %arg6[%swap3A_58, %swap3A_59] {strides = array<i32>} : memref<79x128xi32, #tpu.memory_space<vmem>>, vector<1x16xi32>,
      %swap3A_61 = vector.shape_cast %swap3A_60 : vector<1x16xi32> to vector<16xi32>
      %swap3A_62 = vector.shape_cast %add3A_57 : vector<16xi32> to vector<1x16xi32>
      tpu.vector_store %arg6[%swap3A_58, %swap3A_59], %swap3A_62 {strides = array<i32>} : memref<79x128xi32, #tpu.memory_space<vmem>>, vector<1x16xi32>,
      %get3A_63 = arith.index_cast %scan3A_20 : i32 to index
      %get3A_64 = arith.constant 64 : index
      %get3A_65 = tpu.vector_load %arg6[%get3A_63, %get3A_64] {strides = array<i32>} : memref<79x128xi32, #tpu.memory_space<vmem>>, vector<1x16xi32>,
      %get3A_66 = vector.shape_cast %get3A_65 : vector<1x16xi32> to vector<16xi32>
      %add3A_67 = vector.broadcast %mul3A_2 : i32 to vector<16xi32>
      %add3A_68 = arith.addi %get3A_66, %add3A_67 : vector<16xi32>
      %swap3A_69 = arith.index_cast %scan3A_20 : i32 to index
      %swap3A_70 = arith.constant 64 : index
      %swap3A_71 = tpu.vector_load %arg6[%swap3A_69, %swap3A_70] {strides = array<i32>} : memref<79x128xi32, #tpu.memory_space<vmem>>, vector<1x16xi32>,
      %swap3A_72 = vector.shape_cast %swap3A_71 : vector<1x16xi32> to vector<16xi32>
      %swap3A_73 = vector.shape_cast %add3A_68 : vector<16xi32> to vector<1x16xi32>
      tpu.vector_store %arg6[%swap3A_69, %swap3A_70], %swap3A_73 {strides = array<i32>} : memref<79x128xi32, #tpu.memory_space<vmem>>, vector<1x16xi32>,
      %get3A_74 = arith.index_cast %scan3A_20 : i32 to index
      %get3A_75 = arith.constant 80 : index
      %get3A_76 = tpu.vector_load %arg6[%get3A_74, %get3A_75] {strides = array<i32>} : memref<79x128xi32, #tpu.memory_space<vmem>>, vector<1x16xi32>,
      %get3A_77 = vector.shape_cast %get3A_76 : vector<1x16xi32> to vector<16xi32>
      %add3A_78 = vector.broadcast %mul3A_2 : i32 to vector<16xi32>
      %add3A_79 = arith.addi %get3A_77, %add3A_78 : vector<16xi32>
      %swap3A_80 = arith.index_cast %scan3A_20 : i32 to index
      %swap3A_81 = arith.constant 80 : index
      %swap3A_82 = tpu.vector_load %arg6[%swap3A_80, %swap3A_81] {strides = array<i32>} : memref<79x128xi32, #tpu.memory_space<vmem>>, vector<1x16xi32>,
      %swap3A_83 = vector.shape_cast %swap3A_82 : vector<1x16xi32> to vector<16xi32>
      %swap3A_84 = vector.shape_cast %add3A_79 : vector<16xi32> to vector<1x16xi32>
      tpu.vector_store %arg6[%swap3A_80, %swap3A_81], %swap3A_84 {strides = array<i32>} : memref<79x128xi32, #tpu.memory_space<vmem>>, vector<1x16xi32>,
      %get3A_85 = arith.index_cast %scan3A_20 : i32 to index
      %get3A_86 = arith.constant 96 : index
      %get3A_87 = tpu.vector_load %arg6[%get3A_85, %get3A_86] {strides = array<i32>} : memref<79x128xi32, #tpu.memory_space<vmem>>, vector<1x16xi32>,
      %get3A_88 = vector.shape_cast %get3A_87 : vector<1x16xi32> to vector<16xi32>
      %add3A_89 = vector.broadcast %mul3A_2 : i32 to vector<16xi32>
      %add3A_90 = arith.addi %get3A_88, %add3A_89 : vector<16xi32>
      %swap3A_91 = arith.index_cast %scan3A_20 : i32 to index
      %swap3A_92 = arith.constant 96 : index
      %swap3A_93 = tpu.vector_load %arg6[%swap3A_91, %swap3A_92] {strides = array<i32>} : memref<79x128xi32, #tpu.memory_space<vmem>>, vector<1x16xi32>,
      %swap3A_94 = vector.shape_cast %swap3A_93 : vector<1x16xi32> to vector<16xi32>
      %swap3A_95 = vector.shape_cast %add3A_90 : vector<16xi32> to vector<1x16xi32>
      tpu.vector_store %arg6[%swap3A_91, %swap3A_92], %swap3A_95 {strides = array<i32>} : memref<79x128xi32, #tpu.memory_space<vmem>>, vector<1x16xi32>,
      %get3A_96 = arith.index_cast %scan3A_20 : i32 to index
      %get3A_97 = arith.constant 112 : index
      %get3A_98 = tpu.vector_load %arg6[%get3A_96, %get3A_97] {strides = array<i32>} : memref<79x128xi32, #tpu.memory_space<vmem>>, vector<1x16xi32>,
      %get3A_99 = vector.shape_cast %get3A_98 : vector<1x16xi32> to vector<16xi32>
      %add3A_100 = vector.broadcast %mul3A_2 : i32 to vector<16xi32>
      %add3A_101 = arith.addi %get3A_99, %add3A_100 : vector<16xi32>
      %swap3A_102 = arith.index_cast %scan3A_20 : i32 to index
      %swap3A_103 = arith.constant 112 : index
      %swap3A_104 = tpu.vector_load %arg6[%swap3A_102, %swap3A_103] {strides = array<i32>} : memref<79x128xi32, #tpu.memory_space<vmem>>, vector<1x16xi32>,
      %swap3A_105 = vector.shape_cast %swap3A_104 : vector<1x16xi32> to vector<16xi32>
      %swap3A_106 = vector.shape_cast %add3A_101 : vector<16xi32> to vector<1x16xi32>
      tpu.vector_store %arg6[%swap3A_102, %swap3A_103], %swap3A_106 {strides = array<i32>} : memref<79x128xi32, #tpu.memory_space<vmem>>, vector<1x16xi32>,
    }
    %scan3A_7 = arith.constant 79 : i32
    "tpu.region"() ({
      %run_scoped3A = tpu.sem_alloc : memref<!tpu.dma_semaphore, #tpu.memory_space<semaphore_mem>>
      tpu.enqueue_dma source(%arg3 : memref<10008xf32, #tpu.memory_space<hbm>>) target(%arg8 : memref<10008xf32, #tpu.memory_space<vmem>>) target_semaphore(%run_scoped3A : memref<!tpu.dma_semaphore, #tpu.memory_space<semaphore_mem>>)
      tpu.wait_dma2 semaphore(%run_scoped3A : memref<!tpu.dma_semaphore, #tpu.memory_space<semaphore_mem>>) src(%arg3 : memref<10008xf32, #tpu.memory_space<hbm>>) dst(%arg8 : memref<10008xf32, #tpu.memory_space<vmem>>)
      tpu.yield
    }) : () -> ()
    %mul3A_8 = arith.constant 10008 : i32
    %mul3A_9 = arith.muli %arg1, %mul3A_8 : i32
    "tpu.region"() ({
      %run_scoped3A = tpu.sem_alloc : memref<!tpu.dma_semaphore, #tpu.memory_space<semaphore_mem>>
      %dma_start3A = tpu.memref_slice %arg9[%mul3A_9] : memref<160128xf32, #tpu.memory_space<vmem_shared>> -> memref<10008xf32, #tpu.memory_space<vmem_shared>>
      %dma_start3A_20 = tpu.memref_slice %arg9[%mul3A_9] : memref<160128xf32, #tpu.memory_space<vmem_shared>> -> memref<10008xf32, #tpu.memory_space<vmem_shared>>
      tpu.enqueue_dma source(%arg8 : memref<10008xf32, #tpu.memory_space<vmem>>) target(%dma_start3A_20 : memref<10008xf32, #tpu.memory_space<vmem_shared>>) target_semaphore(%run_scoped3A : memref<!tpu.dma_semaphore, #tpu.memory_space<semaphore_mem>>)
      %dma_wait3A = tpu.memref_slice %arg9[%mul3A_9] : memref<160128xf32, #tpu.memory_space<vmem_shared>> -> memref<10008xf32, #tpu.memory_space<vmem_shared>>
      %dma_wait3A_21 = tpu.memref_slice %arg9[%mul3A_9] : memref<160128xf32, #tpu.memory_space<vmem_shared>> -> memref<10008xf32, #tpu.memory_space<vmem_shared>>
      tpu.wait_dma2 semaphore(%run_scoped3A : memref<!tpu.dma_semaphore, #tpu.memory_space<semaphore_mem>>) src(%arg8 : memref<10008xf32, #tpu.memory_space<vmem>>) dst(%dma_wait3A_21 : memref<10008xf32, #tpu.memory_space<vmem_shared>>)
      tpu.yield
    }) : () -> ()
    %scan3A_10 = arith.constant 0 : i32
    %scan3A_11 = arith.constant 0 : i32
    %scan3A_12 = arith.constant 79 : i32
    %scan3A_13 = arith.addi %scan3A_11, %scan3A_12 : i32
    %scan3A_14 = arith.constant 1 : i32
    scf.for %scan3A_20 = %scan3A_11 to %scan3A_13 step %scan3A_14  : i32 {
      "tpu.region"() ({
        %run_scoped3A = tpu.sem_alloc : memref<!tpu.dma_semaphore, #tpu.memory_space<semaphore_mem>>
        %dma_start3A = arith.constant 0 : i32
        %dma_start3A_21 = tpu.memref_slice %arg6[%scan3A_20, %dma_start3A] : memref<79x128xi32, #tpu.memory_space<vmem>> -> memref<1x128xi32, #tpu.memory_space<vmem>>
        %dma_start3A_22 = tpu.memref_squeeze %dma_start3A_21 : memref<1x128xi32, #tpu.memory_space<vmem>> -> memref<128xi32, #tpu.memory_space<vmem>>
        %dma_start3A_23 = arith.constant 0 : i32
        %dma_start3A_24 = tpu.memref_slice %arg9[%dma_start3A_23] : memref<160128xf32, #tpu.memory_space<vmem_shared>> -> memref<160128xf32, #tpu.memory_space<vmem_shared>>
        tpu.enqueue_indirect_dma source(%arg7 : memref<128xf32, #tpu.memory_space<vmem>>) target(%dma_start3A_24 : memref<160128xf32, #tpu.memory_space<vmem_shared>>) offsets(%dma_start3A_22 : memref<128xi32, #tpu.memory_space<vmem>>) semaphore(%run_scoped3A : memref<!tpu.dma_semaphore, #tpu.memory_space<semaphore_mem>>) {add = true}
        %dma_wait3A = arith.constant 0 : i32
        %dma_wait3A_25 = tpu.memref_slice %arg6[%scan3A_20, %dma_wait3A] : memref<79x128xi32, #tpu.memory_space<vmem>> -> memref<1x128xi32, #tpu.memory_space<vmem>>
        %dma_wait3A_26 = tpu.memref_squeeze %dma_wait3A_25 : memref<1x128xi32, #tpu.memory_space<vmem>> -> memref<128xi32, #tpu.memory_space<vmem>>
        %dma_wait3A_27 = arith.constant 0 : i32
        %dma_wait3A_28 = tpu.memref_slice %arg9[%dma_wait3A_27] : memref<160128xf32, #tpu.memory_space<vmem_shared>> -> memref<160128xf32, #tpu.memory_space<vmem_shared>>
        tpu.wait_indirect_dma semaphore(%run_scoped3A : memref<!tpu.dma_semaphore, #tpu.memory_space<semaphore_mem>>) src(%arg7 : memref<128xf32, #tpu.memory_space<vmem>>) dst(%dma_wait3A_28 : memref<160128xf32, #tpu.memory_space<vmem_shared>>)
        tpu.yield
      }) : () -> ()
    }
    %scan3A_15 = arith.constant 79 : i32
    %mul3A_16 = arith.constant 10008 : i32
    %mul3A_17 = arith.muli %arg1, %mul3A_16 : i32
    "tpu.region"() ({
      %run_scoped3A = tpu.sem_alloc : memref<!tpu.dma_semaphore, #tpu.memory_space<semaphore_mem>>
      %dma_start3A = tpu.memref_slice %arg9[%mul3A_17] : memref<160128xf32, #tpu.memory_space<vmem_shared>> -> memref<10008xf32, #tpu.memory_space<vmem_shared>>
      %dma_start3A_20 = tpu.memref_slice %arg9[%mul3A_17] : memref<160128xf32, #tpu.memory_space<vmem_shared>> -> memref<10008xf32, #tpu.memory_space<vmem_shared>>
      tpu.enqueue_dma source(%dma_start3A_20 : memref<10008xf32, #tpu.memory_space<vmem_shared>>) target(%arg8 : memref<10008xf32, #tpu.memory_space<vmem>>) target_semaphore(%run_scoped3A : memref<!tpu.dma_semaphore, #tpu.memory_space<semaphore_mem>>)
      %dma_wait3A = tpu.memref_slice %arg9[%mul3A_17] : memref<160128xf32, #tpu.memory_space<vmem_shared>> -> memref<10008xf32, #tpu.memory_space<vmem_shared>>
      %dma_wait3A_21 = tpu.memref_slice %arg9[%mul3A_17] : memref<160128xf32, #tpu.memory_space<vmem_shared>> -> memref<10008xf32, #tpu.memory_space<vmem_shared>>
      tpu.wait_dma2 semaphore(%run_scoped3A : memref<!tpu.dma_semaphore, #tpu.memory_space<semaphore_mem>>) src(%dma_wait3A_21 : memref<10008xf32, #tpu.memory_space<vmem_shared>>) dst(%arg8 : memref<10008xf32, #tpu.memory_space<vmem>>)
      tpu.yield
    }) : () -> ()
    %mul3A_18 = arith.constant 10008 : i32
    %mul3A_19 = arith.muli %add3A, %mul3A_18 : i32
    "tpu.region"() ({
      %run_scoped3A = tpu.sem_alloc : memref<!tpu.dma_semaphore, #tpu.memory_space<semaphore_mem>>
      %dma_start3A = tpu.memref_slice %arg5[%mul3A_19] : memref<320256xf32, #tpu.memory_space<hbm>> -> memref<10008xf32, #tpu.memory_space<hbm>>
      %dma_start3A_20 = tpu.memref_slice %arg5[%mul3A_19] : memref<320256xf32, #tpu.memory_space<hbm>> -> memref<10008xf32, #tpu.memory_space<hbm>>
      tpu.enqueue_dma source(%arg8 : memref<10008xf32, #tpu.memory_space<vmem>>) target(%dma_start3A_20 : memref<10008xf32, #tpu.memory_space<hbm>>) target_semaphore(%run_scoped3A : memref<!tpu.dma_semaphore, #tpu.memory_space<semaphore_mem>>)
      %dma_wait3A = tpu.memref_slice %arg5[%mul3A_19] : memref<320256xf32, #tpu.memory_space<hbm>> -> memref<10008xf32, #tpu.memory_space<hbm>>
      %dma_wait3A_21 = tpu.memref_slice %arg5[%mul3A_19] : memref<320256xf32, #tpu.memory_space<hbm>> -> memref<10008xf32, #tpu.memory_space<hbm>>
      tpu.wait_dma2 semaphore(%run_scoped3A : memref<!tpu.dma_semaphore, #tpu.memory_space<semaphore_mem>>) src(%arg8 : memref<10008xf32, #tpu.memory_space<vmem>>) dst(%dma_wait3A_21 : memref<10008xf32, #tpu.memory_space<hbm>>)
      tpu.yield
    }) : () -> ()
    return
  }
}

module attributes {stable_mosaic.version = 14 : i64} {
  func.func @body(%arg0: i32, %arg1: memref<2000x128xf32, #tpu.memory_space<vmem>>, %arg2: memref<128x128xf32, #tpu.memory_space<vmem>>, %arg3: memref<2000x32xf32, #tpu.memory_space<vmem>>, %arg4: memref<2000x128xf32, #tpu.memory_space<vmem>>) attributes {dimension_semantics = [#tpu.dimension_semantics<arbitrary>], iteration_bounds = array<i64: 5>, scalar_prefetch = 0 : i64, scratch_operands = 0 : i64, tpu.core_type = #tpu.core_type<tc>, window_params = [{transform_indices = @transform_0, window_bounds = array<i64: 2000, 128>}, {pipeline_mode = #tpu.pipeline_mode<synchronous>, transform_indices = @transform_1, window_bounds = array<i64: 128, 128>}, {transform_indices = @transform_2, window_bounds = array<i64: 2000, 32>}, {transform_indices = @transform_3, window_bounds = array<i64: 2000, 128>}]} {
    %get3A = arith.constant 0 : index
    %get3A_0 = arith.constant 0 : index
    %get3A_1 = vector.load %arg3[%get3A, %get3A_0] : memref<2000x32xf32, #tpu.memory_space<vmem>>, vector<2000x32xf32>
    %reduce_sum3A = arith.constant dense<0.000000e+00> : vector<2000xf32>
    %reduce_sum3A_2 = vector.multi_reduction <add>, %get3A_1, %reduce_sum3A [1] : vector<2000x32xf32> to vector<2000xf32>
    %broadcast_in_dim3A = vector.shape_cast %reduce_sum3A_2 : vector<2000xf32> to vector<2000x1xf32>
    %add3A = arith.constant 1.000000e+00 : f32
    %add3A_3 = vector.broadcast %add3A : f32 to vector<2000x1xf32>
    %add3A_4 = arith.addf %add3A_3, %broadcast_in_dim3A : vector<2000x1xf32>
    %rsqrt3A = math.rsqrt %add3A_4 : vector<2000x1xf32>
    %get3A_5 = arith.constant 0 : index
    %get3A_6 = arith.constant 0 : index
    %get3A_7 = vector.load %arg1[%get3A_5, %get3A_6] : memref<2000x128xf32, #tpu.memory_space<vmem>>, vector<2000x128xf32>
    %get3A_8 = arith.constant 0 : index
    %get3A_9 = arith.constant 0 : index
    %get3A_10 = vector.load %arg2[%get3A_8, %get3A_9] : memref<128x128xf32, #tpu.memory_space<vmem>>, vector<128x128xf32>
    %dot_general3A = arith.constant dense<0.000000e+00> : vector<2000x128xf32>
    %dot_general3A_11 = tpu.matmul %get3A_7, %get3A_10, %dot_general3A {dimension_numbers = #tpu.dot_dimension_numbers<[1], [0], [0], [1], [0, 0, 1, 1], [], []>, transpose_lhs_hint = false} : vector<2000x128xf32>, vector<128x128xf32>, vector<2000x128xf32> -> vector<2000x128xf32>
    %mul3A = vector.broadcast %rsqrt3A : vector<2000x1xf32> to vector<2000x128xf32>
    %mul3A_12 = arith.mulf %dot_general3A_11, %mul3A : vector<2000x128xf32>
    %swap3A = arith.constant 0 : index
    %swap3A_13 = arith.constant 0 : index
    %swap3A_14 = vector.load %arg4[%swap3A, %swap3A_13] : memref<2000x128xf32, #tpu.memory_space<vmem>>, vector<2000x128xf32>
    tpu.vector_store %arg4[%swap3A, %swap3A_13], %mul3A_12 {strides = array<i32>} : memref<2000x128xf32, #tpu.memory_space<vmem>>, vector<2000x128xf32>,
    return
  }
  func.func @transform_0(%arg0: i32) -> (i32, i32) {
    %c0_i32 = arith.constant 0 : i32
    %c0_i32_0 = arith.constant 0 : i32
    return %arg0, %c0_i32 : i32, i32
  }
  func.func @transform_1(%arg0: i32) -> (i32, i32) {
    %c0_i32 = arith.constant 0 : i32
    %c0_i32_0 = arith.constant 0 : i32
    %c0_i32_1 = arith.constant 0 : i32
    return %c0_i32, %c0_i32_0 : i32, i32
  }
  func.func @transform_2(%arg0: i32) -> (i32, i32) {
    %c0_i32 = arith.constant 0 : i32
    %c0_i32_0 = arith.constant 0 : i32
    return %arg0, %c0_i32 : i32, i32
  }
  func.func @transform_3(%arg0: i32) -> (i32, i32) {
    %c0_i32 = arith.constant 0 : i32
    %c0_i32_0 = arith.constant 0 : i32
    return %arg0, %c0_i32 : i32, i32
  }
}

module attributes {stable_mosaic.version = 14 : i64} {
  func.func @body(%arg0: i32, %arg1: memref<2000x128xf32, #tpu.memory_space<vmem>>, %arg2: memref<2000x128xf32, #tpu.memory_space<vmem>>, %arg3: memref<2000x32xf32, #tpu.memory_space<vmem>>, %arg4: memref<128x128xf32, #tpu.memory_space<vmem>>, %arg5: memref<1x128xf32, #tpu.memory_space<vmem>>, %arg6: memref<2000x128xf32, #tpu.memory_space<vmem>>) attributes {dimension_semantics = [#tpu.dimension_semantics<arbitrary>], iteration_bounds = array<i64: 5>, scalar_prefetch = 0 : i64, scratch_operands = 0 : i64, tpu.core_type = #tpu.core_type<tc>, window_params = [{transform_indices = @transform_0, window_bounds = array<i64: 2000, 128>}, {transform_indices = @transform_1, window_bounds = array<i64: 2000, 128>}, {transform_indices = @transform_2, window_bounds = array<i64: 2000, 32>}, {pipeline_mode = #tpu.pipeline_mode<synchronous>, transform_indices = @transform_3, window_bounds = array<i64: 128, 128>}, {pipeline_mode = #tpu.pipeline_mode<synchronous>, transform_indices = @transform_4, window_bounds = array<i64: 1, 128>}, {transform_indices = @transform_5, window_bounds = array<i64: 2000, 128>}]} {
    %get3A = arith.constant 0 : index
    %get3A_0 = arith.constant 0 : index
    %get3A_1 = vector.load %arg3[%get3A, %get3A_0] : memref<2000x32xf32, #tpu.memory_space<vmem>>, vector<2000x32xf32>
    %reduce_sum3A = arith.constant dense<0.000000e+00> : vector<2000xf32>
    %reduce_sum3A_2 = vector.multi_reduction <add>, %get3A_1, %reduce_sum3A [1] : vector<2000x32xf32> to vector<2000xf32>
    %broadcast_in_dim3A = vector.shape_cast %reduce_sum3A_2 : vector<2000xf32> to vector<2000x1xf32>
    %add3A = arith.constant 1.000000e+00 : f32
    %add3A_3 = vector.broadcast %add3A : f32 to vector<2000x1xf32>
    %add3A_4 = arith.addf %add3A_3, %broadcast_in_dim3A : vector<2000x1xf32>
    %rsqrt3A = math.rsqrt %add3A_4 : vector<2000x1xf32>
    %get3A_5 = arith.constant 0 : index
    %get3A_6 = arith.constant 0 : index
    %get3A_7 = vector.load %arg1[%get3A_5, %get3A_6] : memref<2000x128xf32, #tpu.memory_space<vmem>>, vector<2000x128xf32>
    %get3A_8 = arith.constant 0 : index
    %get3A_9 = arith.constant 0 : index
    %get3A_10 = vector.load %arg2[%get3A_8, %get3A_9] : memref<2000x128xf32, #tpu.memory_space<vmem>>, vector<2000x128xf32>
    %add3A_11 = arith.addf %get3A_7, %get3A_10 : vector<2000x128xf32>
    %mul3A = vector.broadcast %rsqrt3A : vector<2000x1xf32> to vector<2000x128xf32>
    %mul3A_12 = arith.mulf %add3A_11, %mul3A : vector<2000x128xf32>
    %get3A_13 = arith.constant 0 : index
    %get3A_14 = arith.constant 0 : index
    %get3A_15 = vector.load %arg5[%get3A_13, %get3A_14] : memref<1x128xf32, #tpu.memory_space<vmem>>, vector<1x128xf32>
    %add3A_16 = vector.broadcast %get3A_15 : vector<1x128xf32> to vector<2000x128xf32>
    %add3A_17 = arith.addf %mul3A_12, %add3A_16 : vector<2000x128xf32>
    %max3A = arith.constant 0.000000e+00 : f32
    %max3A_18 = vector.broadcast %max3A : f32 to vector<2000x128xf32>
    %max3A_19 = arith.maximumf %add3A_17, %max3A_18 : vector<2000x128xf32>
    %get3A_20 = arith.constant 0 : index
    %get3A_21 = arith.constant 0 : index
    %get3A_22 = vector.load %arg4[%get3A_20, %get3A_21] : memref<128x128xf32, #tpu.memory_space<vmem>>, vector<128x128xf32>
    %dot_general3A = arith.constant dense<0.000000e+00> : vector<2000x128xf32>
    %dot_general3A_23 = tpu.matmul %max3A_19, %get3A_22, %dot_general3A {dimension_numbers = #tpu.dot_dimension_numbers<[1], [0], [0], [1], [0, 0, 1, 1], [], []>, transpose_lhs_hint = false} : vector<2000x128xf32>, vector<128x128xf32>, vector<2000x128xf32> -> vector<2000x128xf32>
    %mul3A_24 = vector.broadcast %rsqrt3A : vector<2000x1xf32> to vector<2000x128xf32>
    %mul3A_25 = arith.mulf %dot_general3A_23, %mul3A_24 : vector<2000x128xf32>
    %swap3A = arith.constant 0 : index
    %swap3A_26 = arith.constant 0 : index
    %swap3A_27 = vector.load %arg6[%swap3A, %swap3A_26] : memref<2000x128xf32, #tpu.memory_space<vmem>>, vector<2000x128xf32>
    tpu.vector_store %arg6[%swap3A, %swap3A_26], %mul3A_25 {strides = array<i32>} : memref<2000x128xf32, #tpu.memory_space<vmem>>, vector<2000x128xf32>,
    return
  }
  func.func @transform_0(%arg0: i32) -> (i32, i32) {
    %c0_i32 = arith.constant 0 : i32
    %c0_i32_0 = arith.constant 0 : i32
    return %arg0, %c0_i32 : i32, i32
  }
  func.func @transform_1(%arg0: i32) -> (i32, i32) {
    %c0_i32 = arith.constant 0 : i32
    %c0_i32_0 = arith.constant 0 : i32
    return %arg0, %c0_i32 : i32, i32
  }
  func.func @transform_2(%arg0: i32) -> (i32, i32) {
    %c0_i32 = arith.constant 0 : i32
    %c0_i32_0 = arith.constant 0 : i32
    return %arg0, %c0_i32 : i32, i32
  }
  func.func @transform_3(%arg0: i32) -> (i32, i32) {
    %c0_i32 = arith.constant 0 : i32
    %c0_i32_0 = arith.constant 0 : i32
    %c0_i32_1 = arith.constant 0 : i32
    return %c0_i32, %c0_i32_0 : i32, i32
  }
  func.func @transform_4(%arg0: i32) -> (i32, i32) {
    %c0_i32 = arith.constant 0 : i32
    %c0_i32_0 = arith.constant 0 : i32
    %c0_i32_1 = arith.constant 0 : i32
    return %c0_i32, %c0_i32_0 : i32, i32
  }
  func.func @transform_5(%arg0: i32) -> (i32, i32) {
    %c0_i32 = arith.constant 0 : i32
    %c0_i32_0 = arith.constant 0 : i32
    return %arg0, %c0_i32 : i32, i32
  }
}

module attributes {stable_mosaic.version = 14 : i64} {
  func.func @body(%arg0: i32, %arg1: memref<2000x128xf32, #tpu.memory_space<vmem>>, %arg2: memref<2000x128xf32, #tpu.memory_space<vmem>>, %arg3: memref<2000x32xf32, #tpu.memory_space<vmem>>, %arg4: memref<1x128xf32, #tpu.memory_space<vmem>>, %arg5: memref<2000x128xf32, #tpu.memory_space<vmem>>) attributes {dimension_semantics = [#tpu.dimension_semantics<arbitrary>], iteration_bounds = array<i64: 5>, scalar_prefetch = 0 : i64, scratch_operands = 0 : i64, tpu.core_type = #tpu.core_type<tc>, window_params = [{transform_indices = @transform_0, window_bounds = array<i64: 2000, 128>}, {transform_indices = @transform_1, window_bounds = array<i64: 2000, 128>}, {transform_indices = @transform_2, window_bounds = array<i64: 2000, 32>}, {pipeline_mode = #tpu.pipeline_mode<synchronous>, transform_indices = @transform_3, window_bounds = array<i64: 1, 128>}, {transform_indices = @transform_4, window_bounds = array<i64: 2000, 128>}]} {
    %get3A = arith.constant 0 : index
    %get3A_0 = arith.constant 0 : index
    %get3A_1 = vector.load %arg3[%get3A, %get3A_0] : memref<2000x32xf32, #tpu.memory_space<vmem>>, vector<2000x32xf32>
    %reduce_sum3A = arith.constant dense<0.000000e+00> : vector<2000xf32>
    %reduce_sum3A_2 = vector.multi_reduction <add>, %get3A_1, %reduce_sum3A [1] : vector<2000x32xf32> to vector<2000xf32>
    %broadcast_in_dim3A = vector.shape_cast %reduce_sum3A_2 : vector<2000xf32> to vector<2000x1xf32>
    %add3A = arith.constant 1.000000e+00 : f32
    %add3A_3 = vector.broadcast %add3A : f32 to vector<2000x1xf32>
    %add3A_4 = arith.addf %add3A_3, %broadcast_in_dim3A : vector<2000x1xf32>
    %rsqrt3A = math.rsqrt %add3A_4 : vector<2000x1xf32>
    %get3A_5 = arith.constant 0 : index
    %get3A_6 = arith.constant 0 : index
    %get3A_7 = vector.load %arg1[%get3A_5, %get3A_6] : memref<2000x128xf32, #tpu.memory_space<vmem>>, vector<2000x128xf32>
    %get3A_8 = arith.constant 0 : index
    %get3A_9 = arith.constant 0 : index
    %get3A_10 = vector.load %arg2[%get3A_8, %get3A_9] : memref<2000x128xf32, #tpu.memory_space<vmem>>, vector<2000x128xf32>
    %add3A_11 = arith.addf %get3A_7, %get3A_10 : vector<2000x128xf32>
    %mul3A = vector.broadcast %rsqrt3A : vector<2000x1xf32> to vector<2000x128xf32>
    %mul3A_12 = arith.mulf %add3A_11, %mul3A : vector<2000x128xf32>
    %get3A_13 = arith.constant 0 : index
    %get3A_14 = arith.constant 0 : index
    %get3A_15 = vector.load %arg4[%get3A_13, %get3A_14] : memref<1x128xf32, #tpu.memory_space<vmem>>, vector<1x128xf32>
    %add3A_16 = vector.broadcast %get3A_15 : vector<1x128xf32> to vector<2000x128xf32>
    %add3A_17 = arith.addf %mul3A_12, %add3A_16 : vector<2000x128xf32>
    %swap3A = arith.constant 0 : index
    %swap3A_18 = arith.constant 0 : index
    %swap3A_19 = vector.load %arg5[%swap3A, %swap3A_18] : memref<2000x128xf32, #tpu.memory_space<vmem>>, vector<2000x128xf32>
    tpu.vector_store %arg5[%swap3A, %swap3A_18], %add3A_17 {strides = array<i32>} : memref<2000x128xf32, #tpu.memory_space<vmem>>, vector<2000x128xf32>,
    return
  }
  func.func @transform_0(%arg0: i32) -> (i32, i32) {
    %c0_i32 = arith.constant 0 : i32
    %c0_i32_0 = arith.constant 0 : i32
    return %arg0, %c0_i32 : i32, i32
  }
  func.func @transform_1(%arg0: i32) -> (i32, i32) {
    %c0_i32 = arith.constant 0 : i32
    %c0_i32_0 = arith.constant 0 : i32
    return %arg0, %c0_i32 : i32, i32
  }
  func.func @transform_2(%arg0: i32) -> (i32, i32) {
    %c0_i32 = arith.constant 0 : i32
    %c0_i32_0 = arith.constant 0 : i32
    return %arg0, %c0_i32 : i32, i32
  }
  func.func @transform_3(%arg0: i32) -> (i32, i32) {
    %c0_i32 = arith.constant 0 : i32
    %c0_i32_0 = arith.constant 0 : i32
    %c0_i32_1 = arith.constant 0 : i32
    return %c0_i32, %c0_i32_0 : i32, i32
  }
  func.func @transform_4(%arg0: i32) -> (i32, i32) {
    %c0_i32 = arith.constant 0 : i32
    %c0_i32_0 = arith.constant 0 : i32
    return %arg0, %c0_i32 : i32, i32
  }
}

</mosaic_0001>

<sc_bundles>
// kernel: kernel.11.cloned.1.call-start
scs
__scs_entry_jumppad:
0x0: {  	(pc) =	sbr.rel $0x88, $3  }
0x1: {  	(tag) =	ssettag $0x0;
	lr =	simm.s32 $0x1  }
0x2: {  	[smem:$0x3F9B] =	sst lr;
	_ =	strace $0xD0000000  }
0x3: {  	_ = 	snop  }
0x4: {  	_ = 	snop  }
0x5: {  	_ = 	snop  }
0x6: {  	_ = 	snop  }
0x7: {  	_ = 	snop  }
__scs_overlays_trampoline_lowered:
0x8: {  	[smem:$0x3FAA] =	sst s0  }
0x9: {  	[smem:$0x3FAB] =	sst s1  }
0xa: {  	[smem:$0x3FAC] =	sst s2  }
0xb: {  	[smem:$0x3FAD] =	sst s3  }
0xc: {  	[smem:$0x3FAE] =	sst s4  }
0xd: {  	[smem:$0x3FAF] =	sst s5  }
0xe: {  	[smem:$0x3FB0] =	sst s6  }
0xf: {  	[smem:$0x3FB1] =	sst s7  }
0x10: {  	[smem:$0x3FB2] =	sst s8  }
0x11: {  	[smem:$0x3FB3] =	sst s9;
	s0 =	simm.s32 @!p0 $0x0  }
0x12: {  	s1 =	sld [smem:$0x3F99];
	s0 =	simm.s32 @p0 $0x1  }
0x13: {  	[smem:$0x3FB4] =	sst s0;
	s0 =	simm.s32 @!p1 $0x0  }
0x14: {  	s2 =	sld [smem:$0x3F98];
	s0 =	simm.s32 @p1 $0x1  }
0x15: {  	[smem:$0x3FB5] =	sst s0;
	s0 =	simm.s32 @!p2 $0x0  }
0x16: {  	s3 =	sld [smem:$0x3FDB];
	s0 =	simm.s32 @p2 $0x1  }
0x17: {  	s4 =	simm.s32 $0x1BF5;
	[smem:$0x3FB7] =	sst s0  }
0x18: {  	s0 =	sld [smem:$0x3F9A];
	_ =	swait.ge [sflag:s4], $0x0  }
0x19: {  	s7 =	sld [smem:$0x3F9B]  }
0x1a: {  	s8 =	sadd.s32 $0xFFFFE003, lr  }
0x1b: {  	s9 =	sadd.s32 $0xFFFFFEF7, lr;
	s5 =	simm.s32 $0xFFFFFFFF;
	p2 =	slt.u32 s8, $0xFFFFF086  }
0x1c: {  	p1 =	slt.u32 s9, $0xF7A;
	s5 =	simm.s32 @!p2 $0x0  }
0x1d: {  	s5 =	simm.s32 @p1 $0x1;
	p0 =	seq.s32 s7, s2  }
0x1e: {  	s7 =	smul.u32 @!p0 $0xF7A, s2;
	p2 =	seq.s32 @!p0 s5, $0x0  }
0x1f: {  	s9 =	smul.u32 $0xF7A, s1;
	s8 =	simm.s32 @!p0 $0x1BF5;
	p2 =	por !p2, p0  }
0x20: {  	[sflag:s8] =	ssyncset.s32 @!p0 $0xFFFFF086;
	s6 =	sadd.s32 @!p0 s3, s7;
	s7 =	simm.s32 @!p0 $0x108  }
0x21: {  	s3 =	sadd.s32 s3, s9;
	s6 =	sadd.s32 @!p0 $0x88, s6;
	s7 =	simm.s32 @p2 $0x1082  }
0x22: {  	[simem:s7], [sflag:s8] =	dma.local @!p0 [hbm:s6], $0xF7A  }
0x23: {  	s9 =	sor.u32 $0xD0000000, s2;
	s6 =	simm.s32 $0x108;
	_ =	swait.ge @!p0 [sflag:s8], $0x0  }
0x24: {  	s3 =	sadd.s32 $0x88, s3;
	s6 =	simm.s32 @!p1 $0x1082;
	[sflag:s4] =	ssyncset.s32 $0xFFFFF086  }
0x25: {  	[simem:s6], [sflag:s4] =	dma.local [hbm:s3], $0xF7A  }
0x26: {  	[smem:$0x3F9B] =	sst s1;
	(tag) =	ssettag s2;
	_ =	strace s9  }
0x27: {  	s1 =	sld [smem:$0x3FAB]  }
0x28: {  	s2 =	sld [smem:$0x3FAC]  }
0x29: {  	s4 =	sld [smem:$0x3FAE]  }
0x2a: {  	p0 =	seq.s32 s5, $0x0;
	s5 =	sld [smem:$0x3FAF]  }
0x2b: {  	s6 =	sld [smem:$0x3FB0]  }
0x2c: {  	s7 =	sld [smem:$0x3FB1]  }
0x2d: {  	s3 =	simm.s32 $0x108;
	s8 =	sld [smem:$0x3FB2]  }
0x2e: {  	s3 =	simm.s32 @!p0 $0x1082;
	s9 =	sld [smem:$0x3FB3]  }
0x2f: {  	lr =	sadd.s32 s0, s3;
	s0 =	sld [smem:$0x3FAA]  }
0x30: {  	s3 =	sld [smem:$0x3FAD]  }
0x31: {  	[smem:$0x3FB6] =	sst s10  }
0x32: {  	s10 =	sld [smem:$0x3FB4];
	_ =	sdelay $0x3  }
0x33: {  	p0 =	seq.s32 s10, $0x1;
	s10 =	sld [smem:$0x3FB6];
	_ =	sdelay $0x3  }
0x34: {  	[smem:$0x3FB6] =	sst s10  }
0x35: {  	s10 =	sld [smem:$0x3FB5];
	_ =	sdelay $0x3  }
0x36: {  	p1 =	seq.s32 s10, $0x1;
	s10 =	sld [smem:$0x3FB6];
	_ =	sdelay $0x3  }
0x37: {  	[smem:$0x3FB6] =	sst s10  }
0x38: {  	s10 =	sld [smem:$0x3FB7]  }
0x39: {  	_ = 	snop;
	(pc) =	sbr.ind lr, $3  }
0x3a: {  	_ = 	snop  }
0x3b: {  	_ = 	snop  }
0x3c: {  	p2 =	seq.s32 s10, $0x1;
	s10 =	sld [smem:$0x3FB6]  }
0x3d: {  	_ =	shalt  }
0x3e: {  	_ =	shalt  }
0x3f: {  	_ =	shalt  }
0x40: {  	_ =	shalt  }
0x41: {  	_ =	shalt  }
0x42: {  	_ =	shalt  }
0x43: {  	_ =	shalt  }
0x44: {  	_ =	shalt  }
0x45: {  	_ =	shalt  }
0x46: {  	_ =	shalt  }
0x47: {  	_ =	shalt  }
0x48: {  	_ =	shalt  }
0x49: {  	_ =	shalt  }
0x4a: {  	_ =	shalt  }
0x4b: {  	_ =	shalt  }
0x4c: {  	_ =	shalt  }
0x4d: {  	_ =	shalt  }
0x4e: {  	_ =	shalt  }
0x4f: {  	_ =	shalt  }
0x50: {  	_ =	shalt  }
0x51: {  	_ =	shalt  }
0x52: {  	_ =	shalt  }
0x53: {  	_ =	shalt  }
0x54: {  	_ =	shalt  }
0x55: {  	_ =	shalt  }
0x56: {  	_ =	shalt  }
0x57: {  	_ =	shalt  }
0x58: {  	_ =	shalt  }
0x59: {  	_ =	shalt  }
0x5a: {  	_ =	shalt  }
0x5b: {  	_ =	shalt  }
0x5c: {  	_ =	shalt  }
0x5d: {  	_ =	shalt  }
0x5e: {  	_ =	shalt  }
0x5f: {  	_ =	shalt  }
0x60: {  	_ =	shalt  }
0x61: {  	_ =	shalt  }
0x62: {  	_ =	shalt  }
0x63: {  	_ =	shalt  }
0x64: {  	_ =	shalt  }
0x65: {  	_ =	shalt  }
0x66: {  	_ =	shalt  }
0x67: {  	_ =	shalt  }
0x68: {  	_ =	shalt  }
0x69: {  	_ =	shalt  }
0x6a: {  	_ =	shalt  }
0x6b: {  	_ =	shalt  }
0x6c: {  	_ =	shalt  }
0x6d: {  	_ =	shalt  }
0x6e: {  	_ =	shalt  }
0x6f: {  	_ =	shalt  }
0x70: {  	_ =	shalt  }
0x71: {  	_ =	shalt  }
0x72: {  	_ =	shalt  }
0x73: {  	_ =	shalt  }
0x74: {  	_ =	shalt  }
0x75: {  	_ =	shalt  }
0x76: {  	_ =	shalt  }
0x77: {  	_ =	shalt  }
0x78: {  	_ =	shalt  }
0x79: {  	_ =	shalt  }
0x7a: {  	_ =	shalt  }
0x7b: {  	_ =	shalt  }
0x7c: {  	_ =	shalt  }
0x7d: {  	_ =	shalt  }
0x7e: {  	_ =	shalt  }
0x7f: {  	_ =	shalt  }
0x80: {  	_ =	shalt  }
0x81: {  	_ =	shalt  }
0x82: {  	_ =	shalt  }
0x83: {  	_ =	shalt  }
0x84: {  	_ =	shalt  }
0x85: {  	_ =	shalt  }
0x86: {  	_ =	shalt  }
0x87: {  	_ =	shalt  }
.Lfunc_end0:
.L_simem_size_0:
called_computation.1_lowered:
.L_overlay_start_0:
0x88: {  	s2 =	sld [smem:$0x3FD9]  }
0x89: {  	s3 =	sld [smem:$0x3FFE];
	_ =	sdelay $0x1  }
0x8a: {  	s1 =	srdreg.scid  }
0x8b: {  	s0 =	sand.u32 $0x1, s1  }
0x8c: {  	s17 =	sshll.u32 s0, $0xA;
	s2 =	sadd.s32 s3, s2  }
0x8d: {  	s2 =	sadd.s32 s2, s17  }
0x8e: {  	[smem:$0x3FC2] =	sst s2  }
0x8f: {  	_ = 	snop  }
0x90: {  	s2 =	sld [smem:$0x3FD0];
	(tm) =	ssettm $0x1  }
0x91: {  	s18 =	sld [smem:$0x3FFB];
	_ =	sdelay $0x3  }
0x92: {  	_ =	strace s18  }
0x93: {  	s3 =	sld [smem:$0x3FFC];
	_ =	sdelay $0x3  }
0x94: {  	_ =	strace s3  }
0x95: {  	s3 =	sld [smem:$0x3FFD];
	_ =	sdelay $0x3  }
0x96: {  	_ =	strace s3  }
0x97: {  	_ =	strace $0x8FFFFFFF  }
0x98: {  	s19 =	sld [smem:$0x3FDB];
	_ =	sdelay $0x1  }
0x99: {  	s4 =	simm.s32 $_scs_section_size  }
0x9a: {  	s5 =	simm.s32 $_size__tile_overlayer_lowered;
	s6 =	simm.s32 $_tile_overlayer_lowered  }
0x9b: {  	s22 =	simm.s32 $0x1BFF;
	s21 =	sshll.u32 s6, $0x1;
	s3 =	sadd.s32 s4, s19  }
0x9c: {  	s7 =	simm.s32 $0x0;
	s20 =	sshll.u32 s5, $0x1;
	s5 =	sadd.s32 s21, s3  }
0x9d: {  	[timem:s7], [sflag:s22] =	dma.local [hbm:s5], s20  }
0x9e: {  	_ =	swait.ge [sflag:s22], s20  }
0x9f: {  	s4 =	ssub.s32 $0x0, s20;
	[sflag:s22] =	ssyncset.done $0x0  }
0xa0: {  	[sflag:s22] =	ssyncadd.s32 s4;
	_ =	sdelay $0x1  }
0xa1: {  	s23 =	simm.s32 $0x1B8B  }
0xa2: {  	_ =	swait.ge [sflag:s23], $0x1  }
0xa3: {  	[sflag:s23] =	ssyncset.done $0x0  }
0xa4: {  	s25 =	simm.s32 $0x1B8E;
	s24 =	sld [smem:$0x3FFE];
	[sflag:s23] =	ssyncadd.s32 $0xFFFFFFFF  }
0xa5: {  	s26 =	simm.s32 $execute0_lowered;
	[smem:$0x3FD2] =	sst s25  }
0xa6: {  	s5 =	sshll.u32 s26, $0x1;
	_ =	strace $0x80000049;
	[dreg:$0x1] =	wrdreg $0xFFFFFFFF  }
0xa7: {  	s28 =	simm.s32 $_size_execute0_lowered;
	s3 =	sadd.s32 s3, s5;
	[dreg:$0x0] =	wrdreg $0x0  }
0xa8: {  	s5 =	sshll.u32 s28, $0x1;
	[dreg:$0x2] =	wrdreg s3  }
0xa9: {  	[dreg:$0x3] =	wrdreg s5  }
0xaa: {  	[dreg:$0x4] =	wrdreg $0xC0  }
0xab: {  	_ =	task [dreg:s7], $0x5FFFF  }
0xac: {  	[dreg:$0x1] =	wrdreg $0xFFFFFFFF  }
0xad: {  	[dreg:$0x0] =	wrdreg $0x60  }
0xae: {  	[dreg:$0x2] =	wrdreg s2  }
0xaf: {  	[dreg:$0x3] =	wrdreg s24  }
0xb0: {  	[dreg:$0x4] =	wrdreg $0x134000  }
0xb1: {  	[dreg:$0x5] =	wrdreg $0x9  }
0xb2: {  	_ =	task.clear_ibuf [dreg:s7], $0x6FFFF;
	_ =	strace $0x90000049  }
0xb3: {  	s29 =	simm.s32 $0x9;
	_ =	strace $0x8000004B  }
0xb4: {  	_ =	swait.ge [sflag:s29], $0x1  }
0xb5: {  	[sflag:s29] =	ssyncadd.s32 $0xFFFFFFFF  }
0xb6: {  	_ =	strace $0x9000004B  }
0xb7: {  	_ =	sfence  }
0xb8: {  	s30 =	sld [smem:$0x0];
	_ =	sdelay $0x2  }
0xb9: {  	s31 =	sshll.u32 s1, $0xD;
	s1 =	sshrl.u32 s1, $0x2  }
0xba: {  	s3 =	sand.u32 $0x4000, s31;
	s1 =	sadd.s32 s1, s30  }
0xbb: {  	s0 =	sor.u32 s3, s0;
	s1 =	sshll.u32 s1, $0x11  }
0xbc: {  	s0 =	sor.u32 s1, s0  }
0xbd: {  	s0 =	sadd.s32 $0x8F2B, s0  }
0xbe: {  	[sflag:s0] =	ssyncadd.remote.s32 $0x1  }
0xbf: {  	_ =	sfence.sel $0xFFFF  }
0xc0: {  	[dreg:$0x0] =	wrdreg $0xFFFFFFFF;
	(pc) =	sbr.abs _section_cstart, $3  }
0xc1: {  	[dreg:$0x1] =	wrdreg $0xFFFFFFFF  }
0xc2: {  	_ =	task.clear_ibuf [dreg:s7], $0x2FFFF;
	_ =	strace $0x9FFFFFFF  }
0xc3: {  	(tm) =	ssettm $0x7FFFFFFF  }
tec
execute0_lowered:
.L_overlay_start_1:
0x0: {  	(tag) =	ssettag $0x1  }
0x1: {  	s2 =	rddreg [dreg:$0x0]  }
0x2: {  	s0 =	rddreg [dreg:$0x1];
	s26 =	stileid.u32  }
0x3: {  	s3 =	rddreg [dreg:$0x2];
	s4 =	simm.s32 $0x0;
	s1 =	smul.u32 $0xA00, s26  }
0x4: {  	s5 =	srdreg.scid;
	s29 =	simm.s32 $0x12000;
	s24 =	smul.u32 $0x5000, s26  }
0x5: {  	s30 =	simm.s32 $0x80;
	s5 =	sand.u32 $0x1, s5;
	s18 =	smul.u32 $0x28, s26  }
0x6: {  	s25 =	sor.u32 $0x10, s26;
	s21 =	ssub.s32 $0x2, s5;
	s5 =	smul.u32 $0x1388, s5  }
0x7: {  	s31 =	simm.s32 $0xA000;
	s15 =	sor.u32 $0x20, s26;
	s9 =	smul.u32 $0x5000, s25  }
0x8: {  	s28 =	simm.s32 $0x2;
	s16 =	sor.u32 $0x30, s26;
	s20 =	smul.u32 $0x5000, s15  }
0x9: {  	[smem:$0x7FF] =	sst s4;
	s17 =	sor.u32 $0x40, s26;
	s11 =	smul.u32 $0x5000, s16  }
0xa: {  	s7 =	sadd.s32 $0x2600, s0;
	s19 =	sor.u32 $0x50, s26;
	s12 =	smul.u32 $0x5000, s17  }
0xb: {  	p0 =	sgt.u32 s26, $0x3;
	p1 =	sgt.u32 s26, $0xC;
	s13 =	smul.u32 $0x5000, s19  }
0xc: {  	_ =	strace $0x8000004A;
	[dreg:$0x4] =	wrdreg s7;
	s16 =	smul.u32 $0x28, s16  }
0xd: {  	s6 =	sadd.s32 s1, s0;
	s0 =	sadd.s32 $0x20C00, s0;
	s22 =	sshrl.u32 s21, $0x1  }
0xe: {  	s7 =	sshrl.u32 s24, $0x2;
	s1 =	ssub.s32 s21, s22;
	s23 =	sadd.s32 $0x16C00, s6  }
0xf: {  	s6 =	sadd.s32 $0xCC00, s6;
	s8 =	sadd.s32 s7, s3;
	s9 =	sshrl.u32 s9, $0x2  }
0x10: {  	s7 =	sshrl.u32 s20, $0x2;
	s21 =	sshrl.u32 s11, $0x2;
	s12 =	sshrl.u32 s12, $0x2  }
0x11: {  	s20 =	sor.u32 $0x60, s26;
	s13 =	sshrl.u32 s13, $0x2;
	[dreg:$0x5] =	wrdreg s23  }
0x12: {  	s16 =	sadd.s32 s5, s16;
	[dreg:$0x6] =	wrdreg s6;
	s9 =	sadd.s32 s9, s3  }
0x13: {  	s10 =	sadd.s32 s7, s3;
	s11 =	sadd.s32 s21, s3;
	s22 =	smul.u32 $0x5000, s20  }
0x14: {  	s12 =	sadd.s32 s12, s3;
	s21 =	sor.u32 $0x70, s26;
	s6 =	smul.u32 $0x28, s25  }
0x15: {  	s13 =	sadd.s32 s13, s3;
	s23 =	sadd.s32 s18, s5;
	s25 =	smul.u32 $0x28, s15  }
0x16: {  	s18 =	smul.u32 $0x28, s20;
	s26 =	simm.s32 $0x5;
	s7 =	sshrl.u32 s22, $0x2  }
0x17: {  	s22 =	smul.u32 $0x5000, s21;
	s6 =	sadd.s32 s5, s6;
	s14 =	sadd.s32 s7, s3  }
0x18: {  	s7 =	sshll.u32 s23, $0x4;
	s23 =	sadd.s32 s5, s25;
	s25 =	smul.u32 $0x28, s17  }
0x19: {  	s6 =	sshll.u32 s6, $0x4;
	s17 =	smul.u32 $0x28, s19;
	s7 =	sadd.s32 s0, s7  }
0x1a: {  	s24 =	sshrl.u32 s22, $0x2;
	s6 =	sadd.s32 s0, s6;
	[dreg:$0x7] =	wrdreg s7  }
0x1b: {  	s22 =	smul.u32 $0x28, s21;
	s15 =	sadd.s32 s24, s3;
	[dreg:$0x8] =	wrdreg s6  }
0x1c: {  	s24 =	sshll.u32 s23, $0x4;
	s7 =	sadd.s32 s5, s25;
	s23 =	sadd.s32 s5, s17  }
0x1d: {  	v16 =	vlaneseq.u32;
	s6 =	sadd.s32 s0, s24;
	s20 =	sshll.u32 s7, $0x4;
	s24 =	sadd.s32 s5, s18  }
0x1e: {  	v1 =	vadd.s32 $0x1388, v16;
	v0 =	vmov s5;
	s7 =	sadd.s32 s5, s22;
	s5 =	simm.s32 $0x3;
	[dreg:$0x9] =	wrdreg s6  }
0x1f: {  	v2 =	vadd.s32 $0x1398, v16;
	v3 =	vadd.s32 $0x13A8, v16;
	v4 =	vadd.s32 $0x13B8, v16;
	s6 =	sshll.u32 s16, $0x4;
	s20 =	sadd.s32 s0, s20;
	s16 =	sshll.u32 s24, $0x4  }
0x20: {  	v5 =	vadd.s32 $0x13C8, v16;
	v6 =	vadd.s32 $0x13D8, v16;
	v7 =	vadd.s32 $0x13E8, v16;
	s25 =	sshll.u32 s7, $0x4;
	s24 =	sadd.s32 $0xA0000, s8;
	s7 =	simm.s32 $0x0  }
0x21: {  	v8 =	vadd.s32 $0x13F8, v16;
	v9 =	vadd.s32 $0x1408, v16;
	v10 =	vadd.s32 $0x1418, v16;
	s19 =	sadd.s32 s0, s6;
	s6 =	sshll.u32 s23, $0x4;
	s22 =	sadd.s32 s0, s16  }
0x22: {  	v11 =	vadd.s32 $0x1428, v16;
	v12 =	vadd.s32 $0x1438, v16;
	v13 =	vadd.s32 $0x1448, v16;
	s23 =	sadd.s32 s0, s25;
	s25 =	smax.u32 s1, $0x1;
	s1 =	simm.s32 $0x1  }
0x23: {  	v14 =	vadd.s32 $0x1458, v16;
	v15 =	vadd.s32 $0x1468, v16;
	v16 =	vadd.s32 $0x1478, v16;
	s21 =	sadd.s32 s0, s6;
	s0 =	simm.s32 $0xE000;
	s6 =	simm.s32 $0x4  }
.LBB2_1:
0x24: {  	s16 =	rddreg [dreg:$0x5]  }
0x25: {  	[tilespmem:s4], [sflag:$0x5] =	stream.linear.gather [hbm4b:s16+s4], $0x4F00, $0x38;
	[tilespmem:$0x1D900] =	vst v63  }
0x26: {  	_ =	swait.ge [sflag:s26], $0x4F00  }
0x27: {  	[sflag:s26] =	ssyncset.done $0x0  }
0x28: {  	s17 =	simm.s32 $0x5000;
	s18 =	rddreg [dreg:$0x6];
	[sflag:s26] =	ssyncadd.s32 $0xFFFFB100  }
0x29: {  	[tilespmem:s17], [sflag:$0x5] =	stream.linear.gather [hbm4b:s18+s4], $0x4F00, $0x38;
	[tilespmem:$0x1D900] =	vst v63  }
0x2a: {  	_ =	swait.ge [sflag:s26], $0x4F00  }
0x2b: {  	[sflag:s26] =	ssyncset.done $0x0  }
0x2c: {  	s16 =	simm.s32 $0x0;
	[sflag:s26] =	ssyncadd.s32 $0xFFFFB100  }
0x2d: {  	v17 =	vld [tilespmem:s16+$0x5000]  }
0x2e: {  	v18 =	vld [tilespmem:s16+$0x5010];
	_ =	sdelay $0x1  }
0x2f: {  	v19 =	vld [tilespmem:s16+$0x5020]  }
0x30: {  	v20 =	vld [tilespmem:s16+$0x5030]  }
0x31: {  	v17 =	vsub.s32 v17, v0  }
0x32: {  	v21 =	vld [tilespmem:s16+$0x5040];
	v18 =	vsub.s32 v18, v0;
	vm0 =	vlt.u32 v17, $0x1388  }
0x33: {  	v22 =	vld [tilespmem:s16+$0x5050];
	v17 =	vsel vm0, v17, v1;
	vm0 =	vlt.u32 v18, $0x1388  }
0x34: {  	[tilespmem:s16+$0x5000] =	vst v17;
	v17 =	vsub.s32 v19, v0;
	v18 =	vsel vm0, v18, v2  }
0x35: {  	v23 =	vld [tilespmem:s16+$0x5060];
	vm0 =	vlt.u32 v17, $0x1388;
	[tilespmem:s16+$0x5010] =	vst v18;
	v18 =	vsub.s32 v20, v0  }
0x36: {  	v24 =	vld [tilespmem:s16+$0x5070];
	v17 =	vsel vm0, v17, v3;
	vm0 =	vlt.u32 v18, $0x1388  }
0x37: {  	v25 =	vld [tilespmem:s16+$0x5080];
	[tilespmem:s16+$0x5020] =	vst v17;
	v17 =	vsub.s32 v21, v0;
	v19 =	vsel vm0, v18, v4  }
0x38: {  	v26 =	vld [tilespmem:s16+$0x5090];
	vm0 =	vlt.u32 v17, $0x1388;
	[tilespmem:s16+$0x5030] =	vst v19;
	v19 =	vsub.s32 v22, v0  }
0x39: {  	v18 =	vld [tilespmem:s16+$0x50A0];
	v20 =	vsel vm0, v17, v5;
	vm0 =	vlt.u32 v19, $0x1388  }
0x3a: {  	v17 =	vld [tilespmem:s16+$0x50B0];
	[tilespmem:s16+$0x5040] =	vst v20;
	v20 =	vsub.s32 v23, v0;
	v21 =	vsel vm0, v19, v6  }
0x3b: {  	v19 =	vld [tilespmem:s16+$0x50C0];
	vm0 =	vlt.u32 v20, $0x1388;
	[tilespmem:s16+$0x5050] =	vst v21;
	v21 =	vsub.s32 v24, v0  }
0x3c: {  	v23 =	vsub.s32 v25, v0;
	v22 =	vsel vm0, v20, v7;
	v20 =	vld [tilespmem:s16+$0x50D0];
	vm0 =	vlt.u32 v21, $0x1388  }
0x3d: {  	s17 =	simm.s32 $0x400;
	[tilespmem:s16+$0x5060] =	vst v22;
	v24 =	vsel vm0, v21, v8;
	vm0 =	vlt.u32 v23, $0x1388;
	v22 =	vsub.s32 v26, v0;
	v21 =	vld [tilespmem:s16+$0x50E0]  }
.LBB2_2:
0x3e: {  	s18 =	sshra.s32 s17, $0x2;
	p2 =	sne.s32 s17, $0x13800;
	[tilespmem:s16+$0x5070] =	vst v24;
	v23 =	vsel vm0, v23, v9;
	vm0 =	vlt.u32 v22, $0x1388;
	v18 =	vsub.s32 v18, v0;
	v24 =	vld [tilespmem:s16+$0x50F0]  }
0x3f: {  	v25 =	vld [tilespmem:s18+$0x5000];
	[tilespmem:s16+$0x5080] =	vst v23;
	v22 =	vsel vm0, v22, v10;
	vm0 =	vlt.u32 v18, $0x1388;
	v17 =	vsub.s32 v17, v0  }
0x40: {  	v23 =	vld [tilespmem:s18+$0x5010];
	[tilespmem:s16+$0x5090] =	vst v22;
	v18 =	vsel vm0, v18, v11;
	vm0 =	vlt.u32 v17, $0x1388;
	v19 =	vsub.s32 v19, v0  }
0x41: {  	v22 =	vld [tilespmem:s18+$0x5020];
	[tilespmem:s16+$0x50A0] =	vst v18;
	v17 =	vsel vm0, v17, v12;
	vm0 =	vlt.u32 v19, $0x1388;
	v18 =	vsub.s32 v20, v0  }
0x42: {  	v20 =	vld [tilespmem:s18+$0x5030];
	[tilespmem:s16+$0x50B0] =	vst v17;
	v17 =	vsel vm0, v19, v13;
	vm0 =	vlt.u32 v18, $0x1388;
	v19 =	vsub.s32 v21, v0  }
0x43: {  	v21 =	vld [tilespmem:s18+$0x5040];
	[tilespmem:s16+$0x50C0] =	vst v17;
	v17 =	vsel vm0, v18, v14;
	vm0 =	vlt.u32 v19, $0x1388;
	v18 =	vsub.s32 v24, v0  }
0x44: {  	v24 =	vsub.s32 v25, v0;
	v25 =	vld [tilespmem:s18+$0x5050];
	[tilespmem:s16+$0x50D0] =	vst v17;
	v17 =	vsel vm0, v19, v15;
	vm0 =	vlt.u32 v18, $0x1388  }
0x45: {  	vm1 =	vlt.u32 v24, $0x1388;
	v19 =	vsub.s32 v23, v0;
	v23 =	vld [tilespmem:s18+$0x5060];
	[tilespmem:s16+$0x50E0] =	vst v17;
	v17 =	vsel vm0, v18, v16  }
0x46: {  	v18 =	vsel vm1, v24, v1;
	vm0 =	vlt.u32 v19, $0x1388;
	v22 =	vsub.s32 v22, v0;
	v24 =	vld [tilespmem:s18+$0x5070];
	[tilespmem:s16+$0x50F0] =	vst v17;
	s16 =	smov.u32 s18  }
0x47: {  	[tilespmem:s16+$0x5000] =	vst v18;
	v17 =	vsel vm0, v19, v2;
	vm0 =	vlt.u32 v22, $0x1388;
	v18 =	vsub.s32 v20, v0;
	v20 =	vld [tilespmem:s16+$0x5080]  }
0x48: {  	[tilespmem:s16+$0x5010] =	vst v17;
	v17 =	vsel vm0, v22, v3;
	vm0 =	vlt.u32 v18, $0x1388;
	v19 =	vsub.s32 v21, v0;
	v21 =	vld [tilespmem:s16+$0x5090]  }
.Ltmp0:
0x49: {  	[tilespmem:s16+$0x5020] =	vst v17;
	v17 =	vsel vm0, v18, v4;
	vm0 =	vlt.u32 v19, $0x1388;
	v22 =	vsub.s32 v25, v0;
	v18 =	vld [tilespmem:s16+$0x50A0];
	(pc) =	sbr.rel @p2 .LBB2_2-.Ltmp0, $4  }
0x4a: {  	[tilespmem:s16+$0x5030] =	vst v17;
	v19 =	vsel vm0, v19, v5;
	vm0 =	vlt.u32 v22, $0x1388;
	v23 =	vsub.s32 v23, v0;
	v17 =	vld [tilespmem:s16+$0x50B0]  }
0x4b: {  	[tilespmem:s16+$0x5040] =	vst v19;
	v22 =	vsel vm0, v22, v6;
	vm0 =	vlt.u32 v23, $0x1388;
	v24 =	vsub.s32 v24, v0;
	v19 =	vld [tilespmem:s16+$0x50C0]  }
0x4c: {  	[tilespmem:s16+$0x5050] =	vst v22;
	v22 =	vsel vm0, v23, v7;
	vm0 =	vlt.u32 v24, $0x1388;
	v23 =	vsub.s32 v20, v0;
	v20 =	vld [tilespmem:s16+$0x50D0]  }
0x4d: {  	s17 =	sadd.s32 $0x400, s17;
	[tilespmem:s16+$0x5060] =	vst v22;
	v24 =	vsel vm0, v24, v8;
	vm0 =	vlt.u32 v23, $0x1388;
	v22 =	vsub.s32 v21, v0;
	v21 =	vld [tilespmem:s16+$0x50E0]  }
0x4e: {  	[tilespmem:s16+$0x5070] =	vst v24;
	v23 =	vsel vm0, v23, v9;
	vm9 =	vlt.u32 v22, $0x1388;
	v18 =	vsub.s32 v18, v0;
	v63 =	vld [tilespmem:s16+$0x50F0]  }
0x4f: {  	[tilespmem:s16+$0x5080] =	vst v23;
	v22 =	vsel vm9, v22, v10;
	vm10 =	vlt.u32 v18, $0x1388;
	v17 =	vsub.s32 v17, v0  }
0x50: {  	[tilespmem:s16+$0x5090] =	vst v22;
	v18 =	vsel vm10, v18, v11;
	vm11 =	vlt.u32 v17, $0x1388;
	v19 =	vsub.s32 v19, v0  }
0x51: {  	[tilespmem:s16+$0x50A0] =	vst v18;
	v17 =	vsel vm11, v17, v12;
	vm12 =	vlt.u32 v19, $0x1388;
	v18 =	vsub.s32 v20, v0  }
0x52: {  	[tilespmem:s16+$0x50B0] =	vst v17;
	v17 =	vsel vm12, v19, v13;
	vm13 =	vlt.u32 v18, $0x1388;
	v19 =	vsub.s32 v21, v0  }
0x53: {  	[tilespmem:s16+$0x50C0] =	vst v17;
	v17 =	vsel vm13, v18, v14;
	vm14 =	vlt.u32 v19, $0x1388;
	v18 =	vsub.s32 v63, v0  }
0x54: {  	[tilespmem:s16+$0x50D0] =	vst v17;
	v17 =	vsel vm14, v19, v15;
	vm15 =	vlt.u32 v18, $0x1388  }
0x55: {  	[tilespmem:s16+$0x50E0] =	vst v17;
	v17 =	vsel vm15, v18, v16  }
0x56: {  	s18 =	rddreg [dreg:$0x4];
	[tilespmem:s16+$0x50F0] =	vst v17  }
0x57: {  	[tilespmem:s29], [sflag:$0x5] =	stream.linear.gather [hbm4b:s18+s4], $0x1400, $0x38;
	[tilespmem:$0x1D900] =	vst v63  }
0x58: {  	_ =	swait.ge [sflag:s26], $0x1400  }
0x59: {  	[sflag:s26] =	ssyncset.done $0x0  }
0x5a: {  	[sflag:s26] =	ssyncadd.s32 $0xFFFFEC00  }
0x5b: {  	[spmem:s8] =	stream.linear.scatter [tilespmem:s29], [sflag:$0x5], $0x1400, $0x38;
	[tilespmem:$0x1D900] =	vst v63  }
0x5c: {  	_ =	swait.ge [sflag:s26], $0x1400  }
0x5d: {  	[sflag:s26] =	ssyncset.done $0x0  }
0x5e: {  	[sflag:s26] =	ssyncadd.s32 $0xFFFFEC00  }
0x5f: {  	[spmem:s9] =	stream.linear.scatter [tilespmem:s29], [sflag:$0x5], $0x1400, $0x38;
	[tilespmem:$0x1D900] =	vst v63  }
0x60: {  	_ =	swait.ge [sflag:s26], $0x1400  }
0x61: {  	[sflag:s26] =	ssyncset.done $0x0  }
0x62: {  	[sflag:s26] =	ssyncadd.s32 $0xFFFFEC00  }
0x63: {  	[spmem:s10] =	stream.linear.scatter [tilespmem:s29], [sflag:$0x5], $0x1400, $0x38;
	[tilespmem:$0x1D900] =	vst v63  }
0x64: {  	_ =	swait.ge [sflag:s26], $0x1400  }
0x65: {  	[sflag:s26] =	ssyncset.done $0x0  }
0x66: {  	[sflag:s26] =	ssyncadd.s32 $0xFFFFEC00  }
0x67: {  	[spmem:s11] =	stream.linear.scatter [tilespmem:s29], [sflag:$0x5], $0x1400, $0x38;
	[tilespmem:$0x1D900] =	vst v63  }
0x68: {  	_ =	swait.ge [sflag:s26], $0x1400  }
0x69: {  	[sflag:s26] =	ssyncset.done $0x0  }
0x6a: {  	[sflag:s26] =	ssyncadd.s32 $0xFFFFEC00  }
0x6b: {  	[spmem:s12] =	stream.linear.scatter [tilespmem:s29], [sflag:$0x5], $0x1400, $0x38;
	[tilespmem:$0x1D900] =	vst v63  }
0x6c: {  	_ =	swait.ge [sflag:s26], $0x1400  }
0x6d: {  	[sflag:s26] =	ssyncset.done $0x0  }
0x6e: {  	[sflag:s26] =	ssyncadd.s32 $0xFFFFEC00  }
0x6f: {  	[spmem:s13] =	stream.linear.scatter [tilespmem:s29], [sflag:$0x5], $0x1400, $0x38;
	[tilespmem:$0x1D900] =	vst v63  }
0x70: {  	_ =	swait.ge [sflag:s26], $0x1400  }
0x71: {  	[sflag:s26] =	ssyncset.done $0x0  }
0x72: {  	[sflag:s26] =	ssyncadd.s32 $0xFFFFEC00  }
0x73: {  	[spmem:s14] =	stream.linear.scatter [tilespmem:s29], [sflag:$0x5], $0x1400, $0x38;
	[tilespmem:$0x1D900] =	vst v63  }
0x74: {  	_ =	swait.ge [sflag:s26], $0x1400  }
0x75: {  	[sflag:s26] =	ssyncset.done $0x0  }
0x76: {  	[sflag:s26] =	ssyncadd.s32 $0xFFFFEC00  }
0x77: {  	[spmem:s15] =	stream.linear.scatter [tilespmem:s29], [sflag:$0x5], $0x1400, $0x38;
	[tilespmem:$0x1D900] =	vst v63  }
0x78: {  	_ =	swait.ge [sflag:s26], $0x1400  }
0x79: {  	[sflag:s26] =	ssyncset.done $0x0  }
0x7a: {  	s16 =	simm.s32 @!p0 $0x12000;
	[sflag:s26] =	ssyncadd.s32 $0xFFFFEC00  }
0x7b: {  	[spmem:s24] =	stream.linear.scatter @!p0 [tilespmem:s16], [sflag:$0x5], $0x1400, $0x38;
	[tilespmem:$0x1D900] =	vst v63  }
0x7c: {  	s16 =	simm.s32 @!p0 $0x5  }
0x7d: {  	_ =	swait.ge @!p0 [sflag:s16], $0x1400  }
0x7e: {  	[sflag:s16] =	ssyncset.done @!p0 $0x0  }
0x7f: {  	[sflag:s16] =	ssyncadd.s32 @!p0 $0xFFFFEC00  }
0x80: {  	s17 =	simm.s32 $0x0;
	[bflag:$0x0] =	sbarrier.arrive $0xFFFF  }
0x81: {  	[tilespmem:s31], [sflag:$0x1] =	stream.indirect.gather [hbm4b:s2+s30], $0x80, s17, s30, $0xb8;
	[tilespmem:$0x1D900] =	vst v63  }
0x82: {  	_ = 	snop  }
0x83: {  	[tilespmem:s0], [sflag:$0x2] =	stream.indirect.gather [hbm4b:s2+s30], $0x80, s30, s30, $0xb8;
	[tilespmem:$0x1D900] =	vst v63  }
0x84: {  	_ =	swait.ge [sflag:s1], $0x4000  }
0x85: {  	[sflag:s1] =	ssyncset.done $0x0  }
0x86: {  	s18 =	simm.s32 $0x5000;
	[sflag:s1] =	ssyncadd.s32 $0xFFFFC000  }
0x87: {  	[spmem:s3] =	stream.indirect.scatter.add.f32 [tilespmem:s31], [sflag:$0x3], $0x80, s18, s30, $0xb8;
	[tilespmem:$0x1D900] =	vst v63  }
0x88: {  	_ =	swait.ge [sflag:s28], $0x4000  }
0x89: {  	[sflag:s28] =	ssyncset.done $0x0  }
0x8a: {  	s17 =	simm.s32 $0x5080;
	[sflag:s28] =	ssyncadd.s32 $0xFFFFC000  }
0x8b: {  	[spmem:s3] =	stream.indirect.scatter.add.f32 [tilespmem:s0], [sflag:$0x4], $0x80, s17, s30, $0xb8;
	[tilespmem:$0x1D900] =	vst v63  }
0x8c: {  	_ =	swait.ge [sflag:s5], $0x4000  }
0x8d: {  	[sflag:s5] =	ssyncset.done $0x0  }
0x8e: {  	s18 =	simm.s32 $0x100;
	[sflag:s5] =	ssyncadd.s32 $0xFFFFC000  }
0x8f: {  	[tilespmem:s31], [sflag:$0x1] =	stream.indirect.gather [hbm4b:s2+s30], $0x80, s18, s30, $0xb8;
	[tilespmem:$0x1D900] =	vst v63  }
0x90: {  	_ =	swait.ge [sflag:s6], $0x4000  }
0x91: {  	[sflag:s6] =	ssyncset.done $0x0  }
0x92: {  	s16 =	simm.s32 $0x400;
	s17 =	simm.s32 $0x180;
	[sflag:s6] =	ssyncadd.s32 $0xFFFFC000  }
.LBB2_4:
0x93: {  	[tilespmem:s0], [sflag:$0x2] =	stream.indirect.gather [hbm4b:s2+s30], $0x80, s17, s30, $0xb8;
	[tilespmem:$0x1D900] =	vst v63  }
0x94: {  	s17 =	smov.u32 s16  }
0x95: {  	p2 =	sne.s32 s16, $0x13400;
	s16 =	sadd.s32 $0x400, s16;
	_ =	swait.ge [sflag:s1], $0x4000  }
0x96: {  	s17 =	sshra.s32 s17, $0x2;
	[sflag:s1] =	ssyncset.done $0x0  }
0x97: {  	s18 =	sadd.s32 $0x5000, s17;
	[sflag:s1] =	ssyncadd.s32 $0xFFFFC000  }
0x98: {  	[spmem:s3] =	stream.indirect.scatter.add.f32 [tilespmem:s31], [sflag:$0x3], $0x80, s18, s30, $0xb8;
	[tilespmem:$0x1D900] =	vst v63  }
0x99: {  	_ =	swait.ge [sflag:s28], $0x4000  }
0x9a: {  	[sflag:s28] =	ssyncset.done $0x0  }
0x9b: {  	s18 =	sadd.s32 $0x5080, s17;
	[sflag:s28] =	ssyncadd.s32 $0xFFFFC000  }
0x9c: {  	[spmem:s3] =	stream.indirect.scatter.add.f32 [tilespmem:s0], [sflag:$0x4], $0x80, s18, s30, $0xb8;
	[tilespmem:$0x1D900] =	vst v63  }
0x9d: {  	_ =	swait.ge [sflag:s5], $0x4000  }
0x9e: {  	[sflag:s5] =	ssyncset.done $0x0  }
.Ltmp1:
0x9f: {  	s18 =	sadd.s32 $0x100, s17;
	[sflag:s5] =	ssyncadd.s32 $0xFFFFC000;
	(pc) =	sbr.rel @p2 .LBB2_4-.Ltmp1, $4  }
0xa0: {  	[tilespmem:s31], [sflag:$0x1] =	stream.indirect.gather [hbm4b:s2+s30], $0x80, s18, s30, $0xb8;
	[tilespmem:$0x1D900] =	vst v63  }
0xa1: {  	_ =	swait.ge [sflag:s6], $0x4000  }
0xa2: {  	[sflag:s6] =	ssyncset.done $0x0  }
0xa3: {  	s17 =	sadd.s32 $0x180, s17;
	[sflag:s6] =	ssyncadd.s32 $0xFFFFC000  }
0xa4: {  	[tilespmem:s0], [sflag:$0x2] =	stream.indirect.gather [hbm4b:s2+s30], $0x80, s17, s30, $0xb8;
	[tilespmem:$0x1D900] =	vst v63  }
0xa5: {  	_ =	swait.ge [sflag:s1], $0x4000  }
0xa6: {  	[sflag:s1] =	ssyncset.done $0x0  }
0xa7: {  	s16 =	simm.s32 $0x9E00;
	[sflag:s1] =	ssyncadd.s32 $0xFFFFC000  }
0xa8: {  	[spmem:s3] =	stream.indirect.scatter.add.f32 [tilespmem:s31], [sflag:$0x3], $0x80, s16, s30, $0xb8;
	[tilespmem:$0x1D900] =	vst v63  }
0xa9: {  	_ =	swait.ge [sflag:s28], $0x4000  }
0xaa: {  	[sflag:s28] =	ssyncset.done $0x0  }
0xab: {  	s17 =	simm.s32 $0x9E80;
	[sflag:s28] =	ssyncadd.s32 $0xFFFFC000  }
0xac: {  	[spmem:s3] =	stream.indirect.scatter.add.f32 [tilespmem:s0], [sflag:$0x4], $0x80, s17, s30, $0xb8;
	[tilespmem:$0x1D900] =	vst v63  }
0xad: {  	_ =	swait.ge [sflag:s5], $0x4000  }
0xae: {  	[sflag:s5] =	ssyncset.done $0x0  }
0xaf: {  	[sflag:s5] =	ssyncadd.s32 $0xFFFFC000  }
0xb0: {  	_ =	swait.ge [sflag:s6], $0x4000  }
0xb1: {  	[sflag:s6] =	ssyncset.done $0x0  }
0xb2: {  	[sflag:s6] =	ssyncadd.s32 $0xFFFFC000  }
0xb3: {  	[bflag:$0x0] =	sbarrier.arrive $0xFFFF  }
0xb4: {  	[tilespmem:s29], [sflag:$0x5] =	stream.linear.gather [spmem:s8], $0x1400, $0x38;
	[tilespmem:$0x1D900] =	vst v63  }
0xb5: {  	_ =	swait.ge [sflag:s26], $0x1400  }
0xb6: {  	[sflag:s26] =	ssyncset.done $0x0  }
0xb7: {  	s18 =	rddreg [dreg:$0x7];
	[sflag:s26] =	ssyncadd.s32 $0xFFFFEC00  }
0xb8: {  	[hbm4b:s18+s4] =	stream.linear.scatter [tilespmem:s29], [sflag:$0x5], $0x1400, $0x38;
	[tilespmem:$0x1D900] =	vst v63  }
0xb9: {  	_ =	swait.ge [sflag:s26], $0x1400  }
0xba: {  	[sflag:s26] =	ssyncset.done $0x0  }
0xbb: {  	[sflag:s26] =	ssyncadd.s32 $0xFFFFEC00  }
0xbc: {  	[tilespmem:s29], [sflag:$0x5] =	stream.linear.gather [spmem:s9], $0x1400, $0x38;
	[tilespmem:$0x1D900] =	vst v63  }
0xbd: {  	_ =	swait.ge [sflag:s26], $0x1400  }
0xbe: {  	[sflag:s26] =	ssyncset.done $0x0  }
0xbf: {  	s17 =	rddreg [dreg:$0x8];
	[sflag:s26] =	ssyncadd.s32 $0xFFFFEC00  }
0xc0: {  	[hbm4b:s17+s4] =	stream.linear.scatter [tilespmem:s29], [sflag:$0x5], $0x1400, $0x38;
	[tilespmem:$0x1D900] =	vst v63  }
0xc1: {  	_ =	swait.ge [sflag:s26], $0x1400  }
0xc2: {  	[sflag:s26] =	ssyncset.done $0x0  }
0xc3: {  	[sflag:s26] =	ssyncadd.s32 $0xFFFFEC00  }
0xc4: {  	[tilespmem:s29], [sflag:$0x5] =	stream.linear.gather [spmem:s10], $0x1400, $0x38;
	[tilespmem:$0x1D900] =	vst v63  }
0xc5: {  	_ =	swait.ge [sflag:s26], $0x1400  }
0xc6: {  	[sflag:s26] =	ssyncset.done $0x0  }
0xc7: {  	s18 =	rddreg [dreg:$0x9];
	[sflag:s26] =	ssyncadd.s32 $0xFFFFEC00  }
0xc8: {  	[hbm4b:s18+s4] =	stream.linear.scatter [tilespmem:s29], [sflag:$0x5], $0x1400, $0x38;
	[tilespmem:$0x1D900] =	vst v63  }
0xc9: {  	_ =	swait.ge [sflag:s26], $0x1400  }
0xca: {  	[sflag:s26] =	ssyncset.done $0x0  }
0xcb: {  	[sflag:s26] =	ssyncadd.s32 $0xFFFFEC00  }
0xcc: {  	[tilespmem:s29], [sflag:$0x5] =	stream.linear.gather [spmem:s11], $0x1400, $0x38;
	[tilespmem:$0x1D900] =	vst v63  }
0xcd: {  	_ =	swait.ge [sflag:s26], $0x1400  }
0xce: {  	[sflag:s26] =	ssyncset.done $0x0  }
0xcf: {  	[sflag:s26] =	ssyncadd.s32 $0xFFFFEC00  }
0xd0: {  	[hbm4b:s19+s4] =	stream.linear.scatter [tilespmem:s29], [sflag:$0x5], $0x1400, $0x38;
	[tilespmem:$0x1D900] =	vst v63  }
0xd1: {  	_ =	swait.ge [sflag:s26], $0x1400  }
0xd2: {  	[sflag:s26] =	ssyncset.done $0x0  }
0xd3: {  	[sflag:s26] =	ssyncadd.s32 $0xFFFFEC00  }
0xd4: {  	[tilespmem:s29], [sflag:$0x5] =	stream.linear.gather [spmem:s12], $0x1400, $0x38;
	[tilespmem:$0x1D900] =	vst v63  }
0xd5: {  	_ =	swait.ge [sflag:s26], $0x1400  }
0xd6: {  	[sflag:s26] =	ssyncset.done $0x0  }
0xd7: {  	[sflag:s26] =	ssyncadd.s32 $0xFFFFEC00  }
0xd8: {  	[hbm4b:s20+s4] =	stream.linear.scatter [tilespmem:s29], [sflag:$0x5], $0x1400, $0x38;
	[tilespmem:$0x1D900] =	vst v63  }
0xd9: {  	_ =	swait.ge [sflag:s26], $0x1400  }
0xda: {  	[sflag:s26] =	ssyncset.done $0x0  }
0xdb: {  	[sflag:s26] =	ssyncadd.s32 $0xFFFFEC00  }
0xdc: {  	[tilespmem:s29], [sflag:$0x5] =	stream.linear.gather [spmem:s13], $0x1400, $0x38;
	[tilespmem:$0x1D900] =	vst v63  }
0xdd: {  	_ =	swait.ge [sflag:s26], $0x1400  }
0xde: {  	[sflag:s26] =	ssyncset.done $0x0  }
0xdf: {  	[sflag:s26] =	ssyncadd.s32 $0xFFFFEC00  }
0xe0: {  	[hbm4b:s21+s4] =	stream.linear.scatter [tilespmem:s29], [sflag:$0x5], $0x1400, $0x38;
	[tilespmem:$0x1D900] =	vst v63  }
0xe1: {  	_ =	swait.ge [sflag:s26], $0x1400  }
0xe2: {  	[sflag:s26] =	ssyncset.done $0x0  }
0xe3: {  	[sflag:s26] =	ssyncadd.s32 $0xFFFFEC00  }
0xe4: {  	[tilespmem:s29], [sflag:$0x5] =	stream.linear.gather [spmem:s14], $0x1400, $0x38;
	[tilespmem:$0x1D900] =	vst v63  }
0xe5: {  	_ =	swait.ge [sflag:s26], $0x1400  }
0xe6: {  	[sflag:s26] =	ssyncset.done $0x0  }
0xe7: {  	[sflag:s26] =	ssyncadd.s32 $0xFFFFEC00  }
0xe8: {  	[hbm4b:s22+s4] =	stream.linear.scatter [tilespmem:s29], [sflag:$0x5], $0x1400, $0x38;
	[tilespmem:$0x1D900] =	vst v63  }
0xe9: {  	_ =	swait.ge [sflag:s26], $0x1400  }
0xea: {  	[sflag:s26] =	ssyncset.done $0x0  }
0xeb: {  	s16 =	simm.s32 @!p1 $0x12000;
	s17 =	simm.s32 @!p1 $0x5;
	[sflag:s26] =	ssyncadd.s32 $0xFFFFEC00  }
0xec: {  	[tilespmem:s16], [sflag:$0x5] =	stream.linear.gather @!p1 [spmem:s15], $0x1400, $0x38;
	[tilespmem:$0x1D900] =	vst v63  }
0xed: {  	s7 =	sadd.s32 $0x1, s7;
	_ =	swait.ge @!p1 [sflag:s17], $0x1400  }
0xee: {  	p2 =	sne.s32 s7, s25;
	[sflag:s17] =	ssyncset.done @!p1 $0x0  }
.Ltmp2:
0xef: {  	s18 =	simm.s32 @!p1 $0x0;
	[sflag:s17] =	ssyncadd.s32 @!p1 $0xFFFFEC00;
	(pc) =	sbr.rel @p2 .LBB2_1-.Ltmp2, $4  }
0xf0: {  	[hbm4b:s23+s18] =	stream.linear.scatter @!p1 [tilespmem:s16], [sflag:$0x5], $0x1400, $0x38;
	[tilespmem:$0x1D900] =	vst v63  }
0xf1: {  	_ =	swait.ge @!p1 [sflag:s17], $0x1400  }
0xf2: {  	[sflag:s17] =	ssyncset.done @!p1 $0x0  }
0xf3: {  	[sflag:s17] =	ssyncadd.s32 @!p1 $0xFFFFEC00  }
0xf4: {  	_ =	sfence.sel $0x180000  }
0xf5: {  	[bflag:$0x0] =	sbarrier.arrive $0xFFFF  }
0xf6: {  	_ =	strace $0x9000004A  }
0xf7: {  	s0 =	stileid.u32;
	[bflag:$0x2] =	sbarrier.arrive $0xFFFF  }
0xf8: {  	p0 =	sne.s32 s0, $0x0;
	s0 =	rddreg [dreg:$0x3]  }
0xf9: {  	s0 =	sadd.s32 @!p0 $0x100000, s0  }
0xfa: {  	[sflag:s0] =	ssyncadd.tile.s32 @!p0 $0x1;
	_ =	shalt  }
.Lfunc_end2:
_tile_overlayer_lowered:
.L_overlay_start_2:
0xfb: {  	(tag) =	ssettag $0x2  }
0xfc: {  	s0 =	rddreg [dreg:$0x0];
	s2 =	stileid.u32  }
0xfd: {  	s1 =	rddreg [dreg:$0x1];
	p0 =	sne.s32 s2, $0x0  }
0xfe: {  	s3 =	rddreg [dreg:$0x2];
	[bflag:$0x3] =	sbarrier.arrive $0xFFFF;
	s2 =	simm.s32 @!p0 $0x1C05  }
0xff: {  	[timem:s3], [sflag:s2] =	dma.local @!p0 [hbm:s0], s1  }
0x100: {  	s0 =	simm.s32 @!p0 $0x5  }
0x101: {  	_ =	swait.ge @!p0 [sflag:s0], s1  }
0x102: {  	s1 =	ssub.s32 @!p0 $0x0, s1;
	[sflag:s0] =	ssyncset.done @!p0 $0x0  }
0x103: {  	[sflag:s0] =	ssyncadd.s32 @!p0 s1  }
0x104: {  	[bflag:$0x3] =	sbarrier.arrive $0xFFFF  }
0x105: {  	_ =	shalt  }

// kernel: kernel.14.cloned.1.call-start
scs
__scs_entry_jumppad:
0x0: {  	(pc) =	sbr.rel $0x88, $3  }
0x1: {  	(tag) =	ssettag $0x0;
	lr =	simm.s32 $0x1  }
0x2: {  	[smem:$0x3F9B] =	sst lr;
	_ =	strace $0xD0000000  }
0x3: {  	_ = 	snop  }
0x4: {  	_ = 	snop  }
0x5: {  	_ = 	snop  }
0x6: {  	_ = 	snop  }
0x7: {  	_ = 	snop  }
__scs_overlays_trampoline_lowered:
0x8: {  	[smem:$0x3FAA] =	sst s0  }
0x9: {  	[smem:$0x3FAB] =	sst s1  }
0xa: {  	[smem:$0x3FAC] =	sst s2  }
0xb: {  	[smem:$0x3FAD] =	sst s3  }
0xc: {  	[smem:$0x3FAE] =	sst s4  }
0xd: {  	[smem:$0x3FAF] =	sst s5  }
0xe: {  	[smem:$0x3FB0] =	sst s6  }
0xf: {  	[smem:$0x3FB1] =	sst s7  }
0x10: {  	[smem:$0x3FB2] =	sst s8  }
0x11: {  	[smem:$0x3FB3] =	sst s9;
	s0 =	simm.s32 @!p0 $0x0  }
0x12: {  	s1 =	sld [smem:$0x3F99];
	s0 =	simm.s32 @p0 $0x1  }
0x13: {  	[smem:$0x3FB4] =	sst s0;
	s0 =	simm.s32 @!p1 $0x0  }
0x14: {  	s2 =	sld [smem:$0x3F98];
	s0 =	simm.s32 @p1 $0x1  }
0x15: {  	[smem:$0x3FB5] =	sst s0;
	s0 =	simm.s32 @!p2 $0x0  }
0x16: {  	s3 =	sld [smem:$0x3FDB];
	s0 =	simm.s32 @p2 $0x1  }
0x17: {  	s4 =	simm.s32 $0x1BF5;
	[smem:$0x3FB7] =	sst s0  }
0x18: {  	s0 =	sld [smem:$0x3F9A];
	_ =	swait.ge [sflag:s4], $0x0  }
0x19: {  	s7 =	sld [smem:$0x3F9B]  }
0x1a: {  	s8 =	sadd.s32 $0xFFFFE003, lr  }
0x1b: {  	s9 =	sadd.s32 $0xFFFFFEF7, lr;
	s5 =	simm.s32 $0xFFFFFFFF;
	p2 =	slt.u32 s8, $0xFFFFF086  }
0x1c: {  	p1 =	slt.u32 s9, $0xF7A;
	s5 =	simm.s32 @!p2 $0x0  }
0x1d: {  	s5 =	simm.s32 @p1 $0x1;
	p0 =	seq.s32 s7, s2  }
0x1e: {  	s7 =	smul.u32 @!p0 $0xF7A, s2;
	p2 =	seq.s32 @!p0 s5, $0x0  }
0x1f: {  	s9 =	smul.u32 $0xF7A, s1;
	s8 =	simm.s32 @!p0 $0x1BF5;
	p2 =	por !p2, p0  }
0x20: {  	[sflag:s8] =	ssyncset.s32 @!p0 $0xFFFFF086;
	s6 =	sadd.s32 @!p0 s3, s7;
	s7 =	simm.s32 @!p0 $0x108  }
0x21: {  	s3 =	sadd.s32 s3, s9;
	s6 =	sadd.s32 @!p0 $0x88, s6;
	s7 =	simm.s32 @p2 $0x1082  }
0x22: {  	[simem:s7], [sflag:s8] =	dma.local @!p0 [hbm:s6], $0xF7A  }
0x23: {  	s9 =	sor.u32 $0xD0000000, s2;
	s6 =	simm.s32 $0x108;
	_ =	swait.ge @!p0 [sflag:s8], $0x0  }
0x24: {  	s3 =	sadd.s32 $0x88, s3;
	s6 =	simm.s32 @!p1 $0x1082;
	[sflag:s4] =	ssyncset.s32 $0xFFFFF086  }
0x25: {  	[simem:s6], [sflag:s4] =	dma.local [hbm:s3], $0xF7A  }
0x26: {  	[smem:$0x3F9B] =	sst s1;
	(tag) =	ssettag s2;
	_ =	strace s9  }
0x27: {  	s1 =	sld [smem:$0x3FAB]  }
0x28: {  	s2 =	sld [smem:$0x3FAC]  }
0x29: {  	s4 =	sld [smem:$0x3FAE]  }
0x2a: {  	p0 =	seq.s32 s5, $0x0;
	s5 =	sld [smem:$0x3FAF]  }
0x2b: {  	s6 =	sld [smem:$0x3FB0]  }
0x2c: {  	s7 =	sld [smem:$0x3FB1]  }
0x2d: {  	s3 =	simm.s32 $0x108;
	s8 =	sld [smem:$0x3FB2]  }
0x2e: {  	s3 =	simm.s32 @!p0 $0x1082;
	s9 =	sld [smem:$0x3FB3]  }
0x2f: {  	lr =	sadd.s32 s0, s3;
	s0 =	sld [smem:$0x3FAA]  }
0x30: {  	s3 =	sld [smem:$0x3FAD]  }
0x31: {  	[smem:$0x3FB6] =	sst s10  }
0x32: {  	s10 =	sld [smem:$0x3FB4];
	_ =	sdelay $0x3  }
0x33: {  	p0 =	seq.s32 s10, $0x1;
	s10 =	sld [smem:$0x3FB6];
	_ =	sdelay $0x3  }
0x34: {  	[smem:$0x3FB6] =	sst s10  }
0x35: {  	s10 =	sld [smem:$0x3FB5];
	_ =	sdelay $0x3  }
0x36: {  	p1 =	seq.s32 s10, $0x1;
	s10 =	sld [smem:$0x3FB6];
	_ =	sdelay $0x3  }
0x37: {  	[smem:$0x3FB6] =	sst s10  }
0x38: {  	s10 =	sld [smem:$0x3FB7]  }
0x39: {  	_ = 	snop;
	(pc) =	sbr.ind lr, $3  }
0x3a: {  	_ = 	snop  }
0x3b: {  	_ = 	snop  }
0x3c: {  	p2 =	seq.s32 s10, $0x1;
	s10 =	sld [smem:$0x3FB6]  }
0x3d: {  	_ =	shalt  }
0x3e: {  	_ =	shalt  }
0x3f: {  	_ =	shalt  }
0x40: {  	_ =	shalt  }
0x41: {  	_ =	shalt  }
0x42: {  	_ =	shalt  }
0x43: {  	_ =	shalt  }
0x44: {  	_ =	shalt  }
0x45: {  	_ =	shalt  }
0x46: {  	_ =	shalt  }
0x47: {  	_ =	shalt  }
0x48: {  	_ =	shalt  }
0x49: {  	_ =	shalt  }
0x4a: {  	_ =	shalt  }
0x4b: {  	_ =	shalt  }
0x4c: {  	_ =	shalt  }
0x4d: {  	_ =	shalt  }
0x4e: {  	_ =	shalt  }
0x4f: {  	_ =	shalt  }
0x50: {  	_ =	shalt  }
0x51: {  	_ =	shalt  }
0x52: {  	_ =	shalt  }
0x53: {  	_ =	shalt  }
0x54: {  	_ =	shalt  }
0x55: {  	_ =	shalt  }
0x56: {  	_ =	shalt  }
0x57: {  	_ =	shalt  }
0x58: {  	_ =	shalt  }
0x59: {  	_ =	shalt  }
0x5a: {  	_ =	shalt  }
0x5b: {  	_ =	shalt  }
0x5c: {  	_ =	shalt  }
0x5d: {  	_ =	shalt  }
0x5e: {  	_ =	shalt  }
0x5f: {  	_ =	shalt  }
0x60: {  	_ =	shalt  }
0x61: {  	_ =	shalt  }
0x62: {  	_ =	shalt  }
0x63: {  	_ =	shalt  }
0x64: {  	_ =	shalt  }
0x65: {  	_ =	shalt  }
0x66: {  	_ =	shalt  }
0x67: {  	_ =	shalt  }
0x68: {  	_ =	shalt  }
0x69: {  	_ =	shalt  }
0x6a: {  	_ =	shalt  }
0x6b: {  	_ =	shalt  }
0x6c: {  	_ =	shalt  }
0x6d: {  	_ =	shalt  }
0x6e: {  	_ =	shalt  }
0x6f: {  	_ =	shalt  }
0x70: {  	_ =	shalt  }
0x71: {  	_ =	shalt  }
0x72: {  	_ =	shalt  }
0x73: {  	_ =	shalt  }
0x74: {  	_ =	shalt  }
0x75: {  	_ =	shalt  }
0x76: {  	_ =	shalt  }
0x77: {  	_ =	shalt  }
0x78: {  	_ =	shalt  }
0x79: {  	_ =	shalt  }
0x7a: {  	_ =	shalt  }
0x7b: {  	_ =	shalt  }
0x7c: {  	_ =	shalt  }
0x7d: {  	_ =	shalt  }
0x7e: {  	_ =	shalt  }
0x7f: {  	_ =	shalt  }
0x80: {  	_ =	shalt  }
0x81: {  	_ =	shalt  }
0x82: {  	_ =	shalt  }
0x83: {  	_ =	shalt  }
0x84: {  	_ =	shalt  }
0x85: {  	_ =	shalt  }
0x86: {  	_ =	shalt  }
0x87: {  	_ =	shalt  }
.Lfunc_end0:
.L_simem_size_0:
called_computation.2_lowered:
.L_overlay_start_0:
0x88: {  	s2 =	sld [smem:$0x3FD9]  }
0x89: {  	s3 =	sld [smem:$0x3FFE];
	_ =	sdelay $0x1  }
0x8a: {  	s1 =	srdreg.scid  }
0x8b: {  	s0 =	sand.u32 $0x1, s1  }
0x8c: {  	s17 =	sshll.u32 s0, $0xA;
	s2 =	sadd.s32 s3, s2  }
0x8d: {  	s2 =	sadd.s32 s2, s17  }
0x8e: {  	[smem:$0x3FC2] =	sst s2  }
0x8f: {  	_ = 	snop  }
0x90: {  	s2 =	sld [smem:$0x3FD0];
	(tm) =	ssettm $0x1  }
0x91: {  	s18 =	sld [smem:$0x3FFB];
	_ =	sdelay $0x3  }
0x92: {  	_ =	strace s18  }
0x93: {  	s3 =	sld [smem:$0x3FFC];
	_ =	sdelay $0x3  }
0x94: {  	_ =	strace s3  }
0x95: {  	s3 =	sld [smem:$0x3FFD];
	_ =	sdelay $0x3  }
0x96: {  	_ =	strace s3  }
0x97: {  	_ =	strace $0x8FFFFFFF  }
0x98: {  	s19 =	sld [smem:$0x3FDB];
	_ =	sdelay $0x1  }
0x99: {  	s4 =	simm.s32 $_scs_section_size  }
0x9a: {  	s5 =	simm.s32 $_size__tile_overlayer_lowered;
	s6 =	simm.s32 $_tile_overlayer_lowered  }
0x9b: {  	s22 =	simm.s32 $0x1BFF;
	s21 =	sshll.u32 s6, $0x1;
	s3 =	sadd.s32 s4, s19  }
0x9c: {  	s7 =	simm.s32 $0x0;
	s20 =	sshll.u32 s5, $0x1;
	s5 =	sadd.s32 s21, s3  }
0x9d: {  	[timem:s7], [sflag:s22] =	dma.local [hbm:s5], s20  }
0x9e: {  	_ =	swait.ge [sflag:s22], s20  }
0x9f: {  	s4 =	ssub.s32 $0x0, s20;
	[sflag:s22] =	ssyncset.done $0x0  }
0xa0: {  	[sflag:s22] =	ssyncadd.s32 s4;
	_ =	sdelay $0x1  }
0xa1: {  	s23 =	simm.s32 $0x1B8B  }
0xa2: {  	_ =	swait.ge [sflag:s23], $0x1  }
0xa3: {  	[sflag:s23] =	ssyncset.done $0x0  }
0xa4: {  	s25 =	simm.s32 $0x1B8E;
	s24 =	sld [smem:$0x3FFE];
	[sflag:s23] =	ssyncadd.s32 $0xFFFFFFFF  }
0xa5: {  	s26 =	simm.s32 $execute0_lowered;
	[smem:$0x3FD2] =	sst s25  }
0xa6: {  	s5 =	sshll.u32 s26, $0x1;
	_ =	strace $0x8000004C;
	[dreg:$0x1] =	wrdreg $0xFFFFFFFF  }
0xa7: {  	s28 =	simm.s32 $_size_execute0_lowered;
	s3 =	sadd.s32 s3, s5;
	[dreg:$0x0] =	wrdreg $0x0  }
0xa8: {  	s5 =	sshll.u32 s28, $0x1;
	[dreg:$0x2] =	wrdreg s3  }
0xa9: {  	[dreg:$0x3] =	wrdreg s5  }
0xaa: {  	[dreg:$0x4] =	wrdreg $0xC0  }
0xab: {  	_ =	task [dreg:s7], $0x5FFFF  }
0xac: {  	[dreg:$0x1] =	wrdreg $0xFFFFFFFF  }
0xad: {  	[dreg:$0x0] =	wrdreg $0x60  }
0xae: {  	[dreg:$0x2] =	wrdreg s2  }
0xaf: {  	[dreg:$0x3] =	wrdreg s24  }
0xb0: {  	[dreg:$0x4] =	wrdreg $0x134000  }
0xb1: {  	[dreg:$0x5] =	wrdreg $0x9  }
0xb2: {  	_ =	task.clear_ibuf [dreg:s7], $0x6FFFF;
	_ =	strace $0x9000004C  }
0xb3: {  	s29 =	simm.s32 $0x9;
	_ =	strace $0x8000004E  }
0xb4: {  	_ =	swait.ge [sflag:s29], $0x1  }
0xb5: {  	[sflag:s29] =	ssyncadd.s32 $0xFFFFFFFF  }
0xb6: {  	_ =	strace $0x9000004E  }
0xb7: {  	_ =	sfence  }
0xb8: {  	s30 =	sld [smem:$0x0];
	_ =	sdelay $0x2  }
0xb9: {  	s31 =	sshll.u32 s1, $0xD;
	s1 =	sshrl.u32 s1, $0x2  }
0xba: {  	s3 =	sand.u32 $0x4000, s31;
	s1 =	sadd.s32 s1, s30  }
0xbb: {  	s0 =	sor.u32 s3, s0;
	s1 =	sshll.u32 s1, $0x11  }
0xbc: {  	s0 =	sor.u32 s1, s0  }
0xbd: {  	s0 =	sadd.s32 $0x8F2B, s0  }
0xbe: {  	[sflag:s0] =	ssyncadd.remote.s32 $0x1  }
0xbf: {  	_ =	sfence.sel $0xFFFF  }
0xc0: {  	[dreg:$0x0] =	wrdreg $0xFFFFFFFF;
	(pc) =	sbr.abs _section_cstart, $3  }
0xc1: {  	[dreg:$0x1] =	wrdreg $0xFFFFFFFF  }
0xc2: {  	_ =	task.clear_ibuf [dreg:s7], $0x2FFFF;
	_ =	strace $0x9FFFFFFF  }
0xc3: {  	(tm) =	ssettm $0x7FFFFFFF  }
tec
execute0_lowered:
.L_overlay_start_1:
0x0: {  	(tag) =	ssettag $0x1  }
0x1: {  	s2 =	rddreg [dreg:$0x0]  }
0x2: {  	s0 =	rddreg [dreg:$0x1];
	s26 =	stileid.u32  }
0x3: {  	s3 =	rddreg [dreg:$0x2];
	s4 =	simm.s32 $0x0;
	s1 =	smul.u32 $0xA00, s26  }
0x4: {  	s5 =	srdreg.scid;
	s29 =	simm.s32 $0x12000;
	s24 =	smul.u32 $0x5000, s26  }
0x5: {  	s30 =	simm.s32 $0x80;
	s5 =	sand.u32 $0x1, s5;
	s18 =	smul.u32 $0x28, s26  }
0x6: {  	s25 =	sor.u32 $0x10, s26;
	s21 =	ssub.s32 $0x2, s5;
	s5 =	smul.u32 $0x1388, s5  }
0x7: {  	s31 =	simm.s32 $0xA000;
	s15 =	sor.u32 $0x20, s26;
	s9 =	smul.u32 $0x5000, s25  }
0x8: {  	s28 =	simm.s32 $0x2;
	s16 =	sor.u32 $0x30, s26;
	s20 =	smul.u32 $0x5000, s15  }
0x9: {  	[smem:$0x7FF] =	sst s4;
	s17 =	sor.u32 $0x40, s26;
	s11 =	smul.u32 $0x5000, s16  }
0xa: {  	s7 =	sadd.s32 $0x2600, s0;
	s19 =	sor.u32 $0x50, s26;
	s12 =	smul.u32 $0x5000, s17  }
0xb: {  	p0 =	sgt.u32 s26, $0x3;
	p1 =	sgt.u32 s26, $0xC;
	s13 =	smul.u32 $0x5000, s19  }
0xc: {  	_ =	strace $0x8000004D;
	[dreg:$0x4] =	wrdreg s7;
	s16 =	smul.u32 $0x28, s16  }
0xd: {  	s6 =	sadd.s32 s1, s0;
	s0 =	sadd.s32 $0x20C00, s0;
	s22 =	sshrl.u32 s21, $0x1  }
0xe: {  	s7 =	sshrl.u32 s24, $0x2;
	s1 =	ssub.s32 s21, s22;
	s23 =	sadd.s32 $0x16C00, s6  }
0xf: {  	s6 =	sadd.s32 $0xCC00, s6;
	s8 =	sadd.s32 s7, s3;
	s9 =	sshrl.u32 s9, $0x2  }
0x10: {  	s7 =	sshrl.u32 s20, $0x2;
	s21 =	sshrl.u32 s11, $0x2;
	s12 =	sshrl.u32 s12, $0x2  }
0x11: {  	s20 =	sor.u32 $0x60, s26;
	s13 =	sshrl.u32 s13, $0x2;
	[dreg:$0x5] =	wrdreg s23  }
0x12: {  	s16 =	sadd.s32 s5, s16;
	[dreg:$0x6] =	wrdreg s6;
	s9 =	sadd.s32 s9, s3  }
0x13: {  	s10 =	sadd.s32 s7, s3;
	s11 =	sadd.s32 s21, s3;
	s22 =	smul.u32 $0x5000, s20  }
0x14: {  	s12 =	sadd.s32 s12, s3;
	s21 =	sor.u32 $0x70, s26;
	s6 =	smul.u32 $0x28, s25  }
0x15: {  	s13 =	sadd.s32 s13, s3;
	s23 =	sadd.s32 s18, s5;
	s25 =	smul.u32 $0x28, s15  }
0x16: {  	s18 =	smul.u32 $0x28, s20;
	s26 =	simm.s32 $0x5;
	s7 =	sshrl.u32 s22, $0x2  }
0x17: {  	s22 =	smul.u32 $0x5000, s21;
	s6 =	sadd.s32 s5, s6;
	s14 =	sadd.s32 s7, s3  }
0x18: {  	s7 =	sshll.u32 s23, $0x4;
	s23 =	sadd.s32 s5, s25;
	s25 =	smul.u32 $0x28, s17  }
0x19: {  	s6 =	sshll.u32 s6, $0x4;
	s17 =	smul.u32 $0x28, s19;
	s7 =	sadd.s32 s0, s7  }
0x1a: {  	s24 =	sshrl.u32 s22, $0x2;
	s6 =	sadd.s32 s0, s6;
	[dreg:$0x7] =	wrdreg s7  }
0x1b: {  	s22 =	smul.u32 $0x28, s21;
	s15 =	sadd.s32 s24, s3;
	[dreg:$0x8] =	wrdreg s6  }
0x1c: {  	s24 =	sshll.u32 s23, $0x4;
	s7 =	sadd.s32 s5, s25;
	s23 =	sadd.s32 s5, s17  }
0x1d: {  	v16 =	vlaneseq.u32;
	s6 =	sadd.s32 s0, s24;
	s20 =	sshll.u32 s7, $0x4;
	s24 =	sadd.s32 s5, s18  }
0x1e: {  	v1 =	vadd.s32 $0x1388, v16;
	v0 =	vmov s5;
	s7 =	sadd.s32 s5, s22;
	s5 =	simm.s32 $0x3;
	[dreg:$0x9] =	wrdreg s6  }
0x1f: {  	v2 =	vadd.s32 $0x1398, v16;
	v3 =	vadd.s32 $0x13A8, v16;
	v4 =	vadd.s32 $0x13B8, v16;
	s6 =	sshll.u32 s16, $0x4;
	s20 =	sadd.s32 s0, s20;
	s16 =	sshll.u32 s24, $0x4  }
0x20: {  	v5 =	vadd.s32 $0x13C8, v16;
	v6 =	vadd.s32 $0x13D8, v16;
	v7 =	vadd.s32 $0x13E8, v16;
	s25 =	sshll.u32 s7, $0x4;
	s24 =	sadd.s32 $0xA0000, s8;
	s7 =	simm.s32 $0x0  }
0x21: {  	v8 =	vadd.s32 $0x13F8, v16;
	v9 =	vadd.s32 $0x1408, v16;
	v10 =	vadd.s32 $0x1418, v16;
	s19 =	sadd.s32 s0, s6;
	s6 =	sshll.u32 s23, $0x4;
	s22 =	sadd.s32 s0, s16  }
0x22: {  	v11 =	vadd.s32 $0x1428, v16;
	v12 =	vadd.s32 $0x1438, v16;
	v13 =	vadd.s32 $0x1448, v16;
	s23 =	sadd.s32 s0, s25;
	s25 =	smax.u32 s1, $0x1;
	s1 =	simm.s32 $0x1  }
0x23: {  	v14 =	vadd.s32 $0x1458, v16;
	v15 =	vadd.s32 $0x1468, v16;
	v16 =	vadd.s32 $0x1478, v16;
	s21 =	sadd.s32 s0, s6;
	s0 =	simm.s32 $0xE000;
	s6 =	simm.s32 $0x4  }
.LBB2_1:
0x24: {  	s16 =	rddreg [dreg:$0x5]  }
0x25: {  	[tilespmem:s4], [sflag:$0x5] =	stream.linear.gather [hbm4b:s16+s4], $0x4F00, $0x38;
	[tilespmem:$0x1D900] =	vst v63  }
0x26: {  	_ =	swait.ge [sflag:s26], $0x4F00  }
0x27: {  	[sflag:s26] =	ssyncset.done $0x0  }
0x28: {  	s17 =	simm.s32 $0x5000;
	s18 =	rddreg [dreg:$0x6];
	[sflag:s26] =	ssyncadd.s32 $0xFFFFB100  }
0x29: {  	[tilespmem:s17], [sflag:$0x5] =	stream.linear.gather [hbm4b:s18+s4], $0x4F00, $0x38;
	[tilespmem:$0x1D900] =	vst v63  }
0x2a: {  	_ =	swait.ge [sflag:s26], $0x4F00  }
0x2b: {  	[sflag:s26] =	ssyncset.done $0x0  }
0x2c: {  	s16 =	simm.s32 $0x0;
	[sflag:s26] =	ssyncadd.s32 $0xFFFFB100  }
0x2d: {  	v17 =	vld [tilespmem:s16+$0x5000]  }
0x2e: {  	v18 =	vld [tilespmem:s16+$0x5010];
	_ =	sdelay $0x1  }
0x2f: {  	v19 =	vld [tilespmem:s16+$0x5020]  }
0x30: {  	v20 =	vld [tilespmem:s16+$0x5030]  }
0x31: {  	v17 =	vsub.s32 v17, v0  }
0x32: {  	v21 =	vld [tilespmem:s16+$0x5040];
	v18 =	vsub.s32 v18, v0;
	vm0 =	vlt.u32 v17, $0x1388  }
0x33: {  	v22 =	vld [tilespmem:s16+$0x5050];
	v17 =	vsel vm0, v17, v1;
	vm0 =	vlt.u32 v18, $0x1388  }
0x34: {  	[tilespmem:s16+$0x5000] =	vst v17;
	v17 =	vsub.s32 v19, v0;
	v18 =	vsel vm0, v18, v2  }
0x35: {  	v23 =	vld [tilespmem:s16+$0x5060];
	vm0 =	vlt.u32 v17, $0x1388;
	[tilespmem:s16+$0x5010] =	vst v18;
	v18 =	vsub.s32 v20, v0  }
0x36: {  	v24 =	vld [tilespmem:s16+$0x5070];
	v17 =	vsel vm0, v17, v3;
	vm0 =	vlt.u32 v18, $0x1388  }
0x37: {  	v25 =	vld [tilespmem:s16+$0x5080];
	[tilespmem:s16+$0x5020] =	vst v17;
	v17 =	vsub.s32 v21, v0;
	v19 =	vsel vm0, v18, v4  }
0x38: {  	v26 =	vld [tilespmem:s16+$0x5090];
	vm0 =	vlt.u32 v17, $0x1388;
	[tilespmem:s16+$0x5030] =	vst v19;
	v19 =	vsub.s32 v22, v0  }
0x39: {  	v18 =	vld [tilespmem:s16+$0x50A0];
	v20 =	vsel vm0, v17, v5;
	vm0 =	vlt.u32 v19, $0x1388  }
0x3a: {  	v17 =	vld [tilespmem:s16+$0x50B0];
	[tilespmem:s16+$0x5040] =	vst v20;
	v20 =	vsub.s32 v23, v0;
	v21 =	vsel vm0, v19, v6  }
0x3b: {  	v19 =	vld [tilespmem:s16+$0x50C0];
	vm0 =	vlt.u32 v20, $0x1388;
	[tilespmem:s16+$0x5050] =	vst v21;
	v21 =	vsub.s32 v24, v0  }
0x3c: {  	v23 =	vsub.s32 v25, v0;
	v22 =	vsel vm0, v20, v7;
	v20 =	vld [tilespmem:s16+$0x50D0];
	vm0 =	vlt.u32 v21, $0x1388  }
0x3d: {  	s17 =	simm.s32 $0x400;
	[tilespmem:s16+$0x5060] =	vst v22;
	v24 =	vsel vm0, v21, v8;
	vm0 =	vlt.u32 v23, $0x1388;
	v22 =	vsub.s32 v26, v0;
	v21 =	vld [tilespmem:s16+$0x50E0]  }
.LBB2_2:
0x3e: {  	s18 =	sshra.s32 s17, $0x2;
	p2 =	sne.s32 s17, $0x13800;
	[tilespmem:s16+$0x5070] =	vst v24;
	v23 =	vsel vm0, v23, v9;
	vm0 =	vlt.u32 v22, $0x1388;
	v18 =	vsub.s32 v18, v0;
	v24 =	vld [tilespmem:s16+$0x50F0]  }
0x3f: {  	v25 =	vld [tilespmem:s18+$0x5000];
	[tilespmem:s16+$0x5080] =	vst v23;
	v22 =	vsel vm0, v22, v10;
	vm0 =	vlt.u32 v18, $0x1388;
	v17 =	vsub.s32 v17, v0  }
0x40: {  	v23 =	vld [tilespmem:s18+$0x5010];
	[tilespmem:s16+$0x5090] =	vst v22;
	v18 =	vsel vm0, v18, v11;
	vm0 =	vlt.u32 v17, $0x1388;
	v19 =	vsub.s32 v19, v0  }
0x41: {  	v22 =	vld [tilespmem:s18+$0x5020];
	[tilespmem:s16+$0x50A0] =	vst v18;
	v17 =	vsel vm0, v17, v12;
	vm0 =	vlt.u32 v19, $0x1388;
	v18 =	vsub.s32 v20, v0  }
0x42: {  	v20 =	vld [tilespmem:s18+$0x5030];
	[tilespmem:s16+$0x50B0] =	vst v17;
	v17 =	vsel vm0, v19, v13;
	vm0 =	vlt.u32 v18, $0x1388;
	v19 =	vsub.s32 v21, v0  }
0x43: {  	v21 =	vld [tilespmem:s18+$0x5040];
	[tilespmem:s16+$0x50C0] =	vst v17;
	v17 =	vsel vm0, v18, v14;
	vm0 =	vlt.u32 v19, $0x1388;
	v18 =	vsub.s32 v24, v0  }
0x44: {  	v24 =	vsub.s32 v25, v0;
	v25 =	vld [tilespmem:s18+$0x5050];
	[tilespmem:s16+$0x50D0] =	vst v17;
	v17 =	vsel vm0, v19, v15;
	vm0 =	vlt.u32 v18, $0x1388  }
0x45: {  	vm1 =	vlt.u32 v24, $0x1388;
	v19 =	vsub.s32 v23, v0;
	v23 =	vld [tilespmem:s18+$0x5060];
	[tilespmem:s16+$0x50E0] =	vst v17;
	v17 =	vsel vm0, v18, v16  }
0x46: {  	v18 =	vsel vm1, v24, v1;
	vm0 =	vlt.u32 v19, $0x1388;
	v22 =	vsub.s32 v22, v0;
	v24 =	vld [tilespmem:s18+$0x5070];
	[tilespmem:s16+$0x50F0] =	vst v17;
	s16 =	smov.u32 s18  }
0x47: {  	[tilespmem:s16+$0x5000] =	vst v18;
	v17 =	vsel vm0, v19, v2;
	vm0 =	vlt.u32 v22, $0x1388;
	v18 =	vsub.s32 v20, v0;
	v20 =	vld [tilespmem:s16+$0x5080]  }
0x48: {  	[tilespmem:s16+$0x5010] =	vst v17;
	v17 =	vsel vm0, v22, v3;
	vm0 =	vlt.u32 v18, $0x1388;
	v19 =	vsub.s32 v21, v0;
	v21 =	vld [tilespmem:s16+$0x5090]  }
.Ltmp0:
0x49: {  	[tilespmem:s16+$0x5020] =	vst v17;
	v17 =	vsel vm0, v18, v4;
	vm0 =	vlt.u32 v19, $0x1388;
	v22 =	vsub.s32 v25, v0;
	v18 =	vld [tilespmem:s16+$0x50A0];
	(pc) =	sbr.rel @p2 .LBB2_2-.Ltmp0, $4  }
0x4a: {  	[tilespmem:s16+$0x5030] =	vst v17;
	v19 =	vsel vm0, v19, v5;
	vm0 =	vlt.u32 v22, $0x1388;
	v23 =	vsub.s32 v23, v0;
	v17 =	vld [tilespmem:s16+$0x50B0]  }
0x4b: {  	[tilespmem:s16+$0x5040] =	vst v19;
	v22 =	vsel vm0, v22, v6;
	vm0 =	vlt.u32 v23, $0x1388;
	v24 =	vsub.s32 v24, v0;
	v19 =	vld [tilespmem:s16+$0x50C0]  }
0x4c: {  	[tilespmem:s16+$0x5050] =	vst v22;
	v22 =	vsel vm0, v23, v7;
	vm0 =	vlt.u32 v24, $0x1388;
	v23 =	vsub.s32 v20, v0;
	v20 =	vld [tilespmem:s16+$0x50D0]  }
0x4d: {  	s17 =	sadd.s32 $0x400, s17;
	[tilespmem:s16+$0x5060] =	vst v22;
	v24 =	vsel vm0, v24, v8;
	vm0 =	vlt.u32 v23, $0x1388;
	v22 =	vsub.s32 v21, v0;
	v21 =	vld [tilespmem:s16+$0x50E0]  }
0x4e: {  	[tilespmem:s16+$0x5070] =	vst v24;
	v23 =	vsel vm0, v23, v9;
	vm9 =	vlt.u32 v22, $0x1388;
	v18 =	vsub.s32 v18, v0;
	v63 =	vld [tilespmem:s16+$0x50F0]  }
0x4f: {  	[tilespmem:s16+$0x5080] =	vst v23;
	v22 =	vsel vm9, v22, v10;
	vm10 =	vlt.u32 v18, $0x1388;
	v17 =	vsub.s32 v17, v0  }
0x50: {  	[tilespmem:s16+$0x5090] =	vst v22;
	v18 =	vsel vm10, v18, v11;
	vm11 =	vlt.u32 v17, $0x1388;
	v19 =	vsub.s32 v19, v0  }
0x51: {  	[tilespmem:s16+$0x50A0] =	vst v18;
	v17 =	vsel vm11, v17, v12;
	vm12 =	vlt.u32 v19, $0x1388;
	v18 =	vsub.s32 v20, v0  }
0x52: {  	[tilespmem:s16+$0x50B0] =	vst v17;
	v17 =	vsel vm12, v19, v13;
	vm13 =	vlt.u32 v18, $0x1388;
	v19 =	vsub.s32 v21, v0  }
0x53: {  	[tilespmem:s16+$0x50C0] =	vst v17;
	v17 =	vsel vm13, v18, v14;
	vm14 =	vlt.u32 v19, $0x1388;
	v18 =	vsub.s32 v63, v0  }
0x54: {  	[tilespmem:s16+$0x50D0] =	vst v17;
	v17 =	vsel vm14, v19, v15;
	vm15 =	vlt.u32 v18, $0x1388  }
0x55: {  	[tilespmem:s16+$0x50E0] =	vst v17;
	v17 =	vsel vm15, v18, v16  }
0x56: {  	s18 =	rddreg [dreg:$0x4];
	[tilespmem:s16+$0x50F0] =	vst v17  }
0x57: {  	[tilespmem:s29], [sflag:$0x5] =	stream.linear.gather [hbm4b:s18+s4], $0x1400, $0x38;
	[tilespmem:$0x1D900] =	vst v63  }
0x58: {  	_ =	swait.ge [sflag:s26], $0x1400  }
0x59: {  	[sflag:s26] =	ssyncset.done $0x0  }
0x5a: {  	[sflag:s26] =	ssyncadd.s32 $0xFFFFEC00  }
0x5b: {  	[spmem:s8] =	stream.linear.scatter [tilespmem:s29], [sflag:$0x5], $0x1400, $0x38;
	[tilespmem:$0x1D900] =	vst v63  }
0x5c: {  	_ =	swait.ge [sflag:s26], $0x1400  }
0x5d: {  	[sflag:s26] =	ssyncset.done $0x0  }
0x5e: {  	[sflag:s26] =	ssyncadd.s32 $0xFFFFEC00  }
0x5f: {  	[spmem:s9] =	stream.linear.scatter [tilespmem:s29], [sflag:$0x5], $0x1400, $0x38;
	[tilespmem:$0x1D900] =	vst v63  }
0x60: {  	_ =	swait.ge [sflag:s26], $0x1400  }
0x61: {  	[sflag:s26] =	ssyncset.done $0x0  }
0x62: {  	[sflag:s26] =	ssyncadd.s32 $0xFFFFEC00  }
0x63: {  	[spmem:s10] =	stream.linear.scatter [tilespmem:s29], [sflag:$0x5], $0x1400, $0x38;
	[tilespmem:$0x1D900] =	vst v63  }
0x64: {  	_ =	swait.ge [sflag:s26], $0x1400  }
0x65: {  	[sflag:s26] =	ssyncset.done $0x0  }
0x66: {  	[sflag:s26] =	ssyncadd.s32 $0xFFFFEC00  }
0x67: {  	[spmem:s11] =	stream.linear.scatter [tilespmem:s29], [sflag:$0x5], $0x1400, $0x38;
	[tilespmem:$0x1D900] =	vst v63  }
0x68: {  	_ =	swait.ge [sflag:s26], $0x1400  }
0x69: {  	[sflag:s26] =	ssyncset.done $0x0  }
0x6a: {  	[sflag:s26] =	ssyncadd.s32 $0xFFFFEC00  }
0x6b: {  	[spmem:s12] =	stream.linear.scatter [tilespmem:s29], [sflag:$0x5], $0x1400, $0x38;
	[tilespmem:$0x1D900] =	vst v63  }
0x6c: {  	_ =	swait.ge [sflag:s26], $0x1400  }
0x6d: {  	[sflag:s26] =	ssyncset.done $0x0  }
0x6e: {  	[sflag:s26] =	ssyncadd.s32 $0xFFFFEC00  }
0x6f: {  	[spmem:s13] =	stream.linear.scatter [tilespmem:s29], [sflag:$0x5], $0x1400, $0x38;
	[tilespmem:$0x1D900] =	vst v63  }
0x70: {  	_ =	swait.ge [sflag:s26], $0x1400  }
0x71: {  	[sflag:s26] =	ssyncset.done $0x0  }
0x72: {  	[sflag:s26] =	ssyncadd.s32 $0xFFFFEC00  }
0x73: {  	[spmem:s14] =	stream.linear.scatter [tilespmem:s29], [sflag:$0x5], $0x1400, $0x38;
	[tilespmem:$0x1D900] =	vst v63  }
0x74: {  	_ =	swait.ge [sflag:s26], $0x1400  }
0x75: {  	[sflag:s26] =	ssyncset.done $0x0  }
0x76: {  	[sflag:s26] =	ssyncadd.s32 $0xFFFFEC00  }
0x77: {  	[spmem:s15] =	stream.linear.scatter [tilespmem:s29], [sflag:$0x5], $0x1400, $0x38;
	[tilespmem:$0x1D900] =	vst v63  }
0x78: {  	_ =	swait.ge [sflag:s26], $0x1400  }
0x79: {  	[sflag:s26] =	ssyncset.done $0x0  }
0x7a: {  	s16 =	simm.s32 @!p0 $0x12000;
	[sflag:s26] =	ssyncadd.s32 $0xFFFFEC00  }
0x7b: {  	[spmem:s24] =	stream.linear.scatter @!p0 [tilespmem:s16], [sflag:$0x5], $0x1400, $0x38;
	[tilespmem:$0x1D900] =	vst v63  }
0x7c: {  	s16 =	simm.s32 @!p0 $0x5  }
0x7d: {  	_ =	swait.ge @!p0 [sflag:s16], $0x1400  }
0x7e: {  	[sflag:s16] =	ssyncset.done @!p0 $0x0  }
0x7f: {  	[sflag:s16] =	ssyncadd.s32 @!p0 $0xFFFFEC00  }
0x80: {  	s17 =	simm.s32 $0x0;
	[bflag:$0x0] =	sbarrier.arrive $0xFFFF  }
0x81: {  	[tilespmem:s31], [sflag:$0x1] =	stream.indirect.gather [hbm4b:s2+s30], $0x80, s17, s30, $0xb8;
	[tilespmem:$0x1D900] =	vst v63  }
0x82: {  	_ = 	snop  }
0x83: {  	[tilespmem:s0], [sflag:$0x2] =	stream.indirect.gather [hbm4b:s2+s30], $0x80, s30, s30, $0xb8;
	[tilespmem:$0x1D900] =	vst v63  }
0x84: {  	_ =	swait.ge [sflag:s1], $0x4000  }
0x85: {  	[sflag:s1] =	ssyncset.done $0x0  }
0x86: {  	s18 =	simm.s32 $0x5000;
	[sflag:s1] =	ssyncadd.s32 $0xFFFFC000  }
0x87: {  	[spmem:s3] =	stream.indirect.scatter.add.f32 [tilespmem:s31], [sflag:$0x3], $0x80, s18, s30, $0xb8;
	[tilespmem:$0x1D900] =	vst v63  }
0x88: {  	_ =	swait.ge [sflag:s28], $0x4000  }
0x89: {  	[sflag:s28] =	ssyncset.done $0x0  }
0x8a: {  	s17 =	simm.s32 $0x5080;
	[sflag:s28] =	ssyncadd.s32 $0xFFFFC000  }
0x8b: {  	[spmem:s3] =	stream.indirect.scatter.add.f32 [tilespmem:s0], [sflag:$0x4], $0x80, s17, s30, $0xb8;
	[tilespmem:$0x1D900] =	vst v63  }
0x8c: {  	_ =	swait.ge [sflag:s5], $0x4000  }
0x8d: {  	[sflag:s5] =	ssyncset.done $0x0  }
0x8e: {  	s18 =	simm.s32 $0x100;
	[sflag:s5] =	ssyncadd.s32 $0xFFFFC000  }
0x8f: {  	[tilespmem:s31], [sflag:$0x1] =	stream.indirect.gather [hbm4b:s2+s30], $0x80, s18, s30, $0xb8;
	[tilespmem:$0x1D900] =	vst v63  }
0x90: {  	_ =	swait.ge [sflag:s6], $0x4000  }
0x91: {  	[sflag:s6] =	ssyncset.done $0x0  }
0x92: {  	s16 =	simm.s32 $0x400;
	s17 =	simm.s32 $0x180;
	[sflag:s6] =	ssyncadd.s32 $0xFFFFC000  }
.LBB2_4:
0x93: {  	[tilespmem:s0], [sflag:$0x2] =	stream.indirect.gather [hbm4b:s2+s30], $0x80, s17, s30, $0xb8;
	[tilespmem:$0x1D900] =	vst v63  }
0x94: {  	s17 =	smov.u32 s16  }
0x95: {  	p2 =	sne.s32 s16, $0x13400;
	s16 =	sadd.s32 $0x400, s16;
	_ =	swait.ge [sflag:s1], $0x4000  }
0x96: {  	s17 =	sshra.s32 s17, $0x2;
	[sflag:s1] =	ssyncset.done $0x0  }
0x97: {  	s18 =	sadd.s32 $0x5000, s17;
	[sflag:s1] =	ssyncadd.s32 $0xFFFFC000  }
0x98: {  	[spmem:s3] =	stream.indirect.scatter.add.f32 [tilespmem:s31], [sflag:$0x3], $0x80, s18, s30, $0xb8;
	[tilespmem:$0x1D900] =	vst v63  }
0x99: {  	_ =	swait.ge [sflag:s28], $0x4000  }
0x9a: {  	[sflag:s28] =	ssyncset.done $0x0  }
0x9b: {  	s18 =	sadd.s32 $0x5080, s17;
	[sflag:s28] =	ssyncadd.s32 $0xFFFFC000  }
0x9c: {  	[spmem:s3] =	stream.indirect.scatter.add.f32 [tilespmem:s0], [sflag:$0x4], $0x80, s18, s30, $0xb8;
	[tilespmem:$0x1D900] =	vst v63  }
0x9d: {  	_ =	swait.ge [sflag:s5], $0x4000  }
0x9e: {  	[sflag:s5] =	ssyncset.done $0x0  }
.Ltmp1:
0x9f: {  	s18 =	sadd.s32 $0x100, s17;
	[sflag:s5] =	ssyncadd.s32 $0xFFFFC000;
	(pc) =	sbr.rel @p2 .LBB2_4-.Ltmp1, $4  }
0xa0: {  	[tilespmem:s31], [sflag:$0x1] =	stream.indirect.gather [hbm4b:s2+s30], $0x80, s18, s30, $0xb8;
	[tilespmem:$0x1D900] =	vst v63  }
0xa1: {  	_ =	swait.ge [sflag:s6], $0x4000  }
0xa2: {  	[sflag:s6] =	ssyncset.done $0x0  }
0xa3: {  	s17 =	sadd.s32 $0x180, s17;
	[sflag:s6] =	ssyncadd.s32 $0xFFFFC000  }
0xa4: {  	[tilespmem:s0], [sflag:$0x2] =	stream.indirect.gather [hbm4b:s2+s30], $0x80, s17, s30, $0xb8;
	[tilespmem:$0x1D900] =	vst v63  }
0xa5: {  	_ =	swait.ge [sflag:s1], $0x4000  }
0xa6: {  	[sflag:s1] =	ssyncset.done $0x0  }
0xa7: {  	s16 =	simm.s32 $0x9E00;
	[sflag:s1] =	ssyncadd.s32 $0xFFFFC000  }
0xa8: {  	[spmem:s3] =	stream.indirect.scatter.add.f32 [tilespmem:s31], [sflag:$0x3], $0x80, s16, s30, $0xb8;
	[tilespmem:$0x1D900] =	vst v63  }
0xa9: {  	_ =	swait.ge [sflag:s28], $0x4000  }
0xaa: {  	[sflag:s28] =	ssyncset.done $0x0  }
0xab: {  	s17 =	simm.s32 $0x9E80;
	[sflag:s28] =	ssyncadd.s32 $0xFFFFC000  }
0xac: {  	[spmem:s3] =	stream.indirect.scatter.add.f32 [tilespmem:s0], [sflag:$0x4], $0x80, s17, s30, $0xb8;
	[tilespmem:$0x1D900] =	vst v63  }
0xad: {  	_ =	swait.ge [sflag:s5], $0x4000  }
0xae: {  	[sflag:s5] =	ssyncset.done $0x0  }
0xaf: {  	[sflag:s5] =	ssyncadd.s32 $0xFFFFC000  }
0xb0: {  	_ =	swait.ge [sflag:s6], $0x4000  }
0xb1: {  	[sflag:s6] =	ssyncset.done $0x0  }
0xb2: {  	[sflag:s6] =	ssyncadd.s32 $0xFFFFC000  }
0xb3: {  	[bflag:$0x0] =	sbarrier.arrive $0xFFFF  }
0xb4: {  	[tilespmem:s29], [sflag:$0x5] =	stream.linear.gather [spmem:s8], $0x1400, $0x38;
	[tilespmem:$0x1D900] =	vst v63  }
0xb5: {  	_ =	swait.ge [sflag:s26], $0x1400  }
0xb6: {  	[sflag:s26] =	ssyncset.done $0x0  }
0xb7: {  	s18 =	rddreg [dreg:$0x7];
	[sflag:s26] =	ssyncadd.s32 $0xFFFFEC00  }
0xb8: {  	[hbm4b:s18+s4] =	stream.linear.scatter [tilespmem:s29], [sflag:$0x5], $0x1400, $0x38;
	[tilespmem:$0x1D900] =	vst v63  }
0xb9: {  	_ =	swait.ge [sflag:s26], $0x1400  }
0xba: {  	[sflag:s26] =	ssyncset.done $0x0  }
0xbb: {  	[sflag:s26] =	ssyncadd.s32 $0xFFFFEC00  }
0xbc: {  	[tilespmem:s29], [sflag:$0x5] =	stream.linear.gather [spmem:s9], $0x1400, $0x38;
	[tilespmem:$0x1D900] =	vst v63  }
0xbd: {  	_ =	swait.ge [sflag:s26], $0x1400  }
0xbe: {  	[sflag:s26] =	ssyncset.done $0x0  }
0xbf: {  	s17 =	rddreg [dreg:$0x8];
	[sflag:s26] =	ssyncadd.s32 $0xFFFFEC00  }
0xc0: {  	[hbm4b:s17+s4] =	stream.linear.scatter [tilespmem:s29], [sflag:$0x5], $0x1400, $0x38;
	[tilespmem:$0x1D900] =	vst v63  }
0xc1: {  	_ =	swait.ge [sflag:s26], $0x1400  }
0xc2: {  	[sflag:s26] =	ssyncset.done $0x0  }
0xc3: {  	[sflag:s26] =	ssyncadd.s32 $0xFFFFEC00  }
0xc4: {  	[tilespmem:s29], [sflag:$0x5] =	stream.linear.gather [spmem:s10], $0x1400, $0x38;
	[tilespmem:$0x1D900] =	vst v63  }
0xc5: {  	_ =	swait.ge [sflag:s26], $0x1400  }
0xc6: {  	[sflag:s26] =	ssyncset.done $0x0  }
0xc7: {  	s18 =	rddreg [dreg:$0x9];
	[sflag:s26] =	ssyncadd.s32 $0xFFFFEC00  }
0xc8: {  	[hbm4b:s18+s4] =	stream.linear.scatter [tilespmem:s29], [sflag:$0x5], $0x1400, $0x38;
	[tilespmem:$0x1D900] =	vst v63  }
0xc9: {  	_ =	swait.ge [sflag:s26], $0x1400  }
0xca: {  	[sflag:s26] =	ssyncset.done $0x0  }
0xcb: {  	[sflag:s26] =	ssyncadd.s32 $0xFFFFEC00  }
0xcc: {  	[tilespmem:s29], [sflag:$0x5] =	stream.linear.gather [spmem:s11], $0x1400, $0x38;
	[tilespmem:$0x1D900] =	vst v63  }
0xcd: {  	_ =	swait.ge [sflag:s26], $0x1400  }
0xce: {  	[sflag:s26] =	ssyncset.done $0x0  }
0xcf: {  	[sflag:s26] =	ssyncadd.s32 $0xFFFFEC00  }
0xd0: {  	[hbm4b:s19+s4] =	stream.linear.scatter [tilespmem:s29], [sflag:$0x5], $0x1400, $0x38;
	[tilespmem:$0x1D900] =	vst v63  }
0xd1: {  	_ =	swait.ge [sflag:s26], $0x1400  }
0xd2: {  	[sflag:s26] =	ssyncset.done $0x0  }
0xd3: {  	[sflag:s26] =	ssyncadd.s32 $0xFFFFEC00  }
0xd4: {  	[tilespmem:s29], [sflag:$0x5] =	stream.linear.gather [spmem:s12], $0x1400, $0x38;
	[tilespmem:$0x1D900] =	vst v63  }
0xd5: {  	_ =	swait.ge [sflag:s26], $0x1400  }
0xd6: {  	[sflag:s26] =	ssyncset.done $0x0  }
0xd7: {  	[sflag:s26] =	ssyncadd.s32 $0xFFFFEC00  }
0xd8: {  	[hbm4b:s20+s4] =	stream.linear.scatter [tilespmem:s29], [sflag:$0x5], $0x1400, $0x38;
	[tilespmem:$0x1D900] =	vst v63  }
0xd9: {  	_ =	swait.ge [sflag:s26], $0x1400  }
0xda: {  	[sflag:s26] =	ssyncset.done $0x0  }
0xdb: {  	[sflag:s26] =	ssyncadd.s32 $0xFFFFEC00  }
0xdc: {  	[tilespmem:s29], [sflag:$0x5] =	stream.linear.gather [spmem:s13], $0x1400, $0x38;
	[tilespmem:$0x1D900] =	vst v63  }
0xdd: {  	_ =	swait.ge [sflag:s26], $0x1400  }
0xde: {  	[sflag:s26] =	ssyncset.done $0x0  }
0xdf: {  	[sflag:s26] =	ssyncadd.s32 $0xFFFFEC00  }
0xe0: {  	[hbm4b:s21+s4] =	stream.linear.scatter [tilespmem:s29], [sflag:$0x5], $0x1400, $0x38;
	[tilespmem:$0x1D900] =	vst v63  }
0xe1: {  	_ =	swait.ge [sflag:s26], $0x1400  }
0xe2: {  	[sflag:s26] =	ssyncset.done $0x0  }
0xe3: {  	[sflag:s26] =	ssyncadd.s32 $0xFFFFEC00  }
0xe4: {  	[tilespmem:s29], [sflag:$0x5] =	stream.linear.gather [spmem:s14], $0x1400, $0x38;
	[tilespmem:$0x1D900] =	vst v63  }
0xe5: {  	_ =	swait.ge [sflag:s26], $0x1400  }
0xe6: {  	[sflag:s26] =	ssyncset.done $0x0  }
0xe7: {  	[sflag:s26] =	ssyncadd.s32 $0xFFFFEC00  }
0xe8: {  	[hbm4b:s22+s4] =	stream.linear.scatter [tilespmem:s29], [sflag:$0x5], $0x1400, $0x38;
	[tilespmem:$0x1D900] =	vst v63  }
0xe9: {  	_ =	swait.ge [sflag:s26], $0x1400  }
0xea: {  	[sflag:s26] =	ssyncset.done $0x0  }
0xeb: {  	s16 =	simm.s32 @!p1 $0x12000;
	s17 =	simm.s32 @!p1 $0x5;
	[sflag:s26] =	ssyncadd.s32 $0xFFFFEC00  }
0xec: {  	[tilespmem:s16], [sflag:$0x5] =	stream.linear.gather @!p1 [spmem:s15], $0x1400, $0x38;
	[tilespmem:$0x1D900] =	vst v63  }
0xed: {  	s7 =	sadd.s32 $0x1, s7;
	_ =	swait.ge @!p1 [sflag:s17], $0x1400  }
0xee: {  	p2 =	sne.s32 s7, s25;
	[sflag:s17] =	ssyncset.done @!p1 $0x0  }
.Ltmp2:
0xef: {  	s18 =	simm.s32 @!p1 $0x0;
	[sflag:s17] =	ssyncadd.s32 @!p1 $0xFFFFEC00;
	(pc) =	sbr.rel @p2 .LBB2_1-.Ltmp2, $4  }
0xf0: {  	[hbm4b:s23+s18] =	stream.linear.scatter @!p1 [tilespmem:s16], [sflag:$0x5], $0x1400, $0x38;
	[tilespmem:$0x1D900] =	vst v63  }
0xf1: {  	_ =	swait.ge @!p1 [sflag:s17], $0x1400  }
0xf2: {  	[sflag:s17] =	ssyncset.done @!p1 $0x0  }
0xf3: {  	[sflag:s17] =	ssyncadd.s32 @!p1 $0xFFFFEC00  }
0xf4: {  	_ =	sfence.sel $0x180000  }
0xf5: {  	[bflag:$0x0] =	sbarrier.arrive $0xFFFF  }
0xf6: {  	_ =	strace $0x9000004D  }
0xf7: {  	s0 =	stileid.u32;
	[bflag:$0x2] =	sbarrier.arrive $0xFFFF  }
0xf8: {  	p0 =	sne.s32 s0, $0x0;
	s0 =	rddreg [dreg:$0x3]  }
0xf9: {  	s0 =	sadd.s32 @!p0 $0x100000, s0  }
0xfa: {  	[sflag:s0] =	ssyncadd.tile.s32 @!p0 $0x1;
	_ =	shalt  }
.Lfunc_end2:
_tile_overlayer_lowered:
.L_overlay_start_2:
0xfb: {  	(tag) =	ssettag $0x2  }
0xfc: {  	s0 =	rddreg [dreg:$0x0];
	s2 =	stileid.u32  }
0xfd: {  	s1 =	rddreg [dreg:$0x1];
	p0 =	sne.s32 s2, $0x0  }
0xfe: {  	s3 =	rddreg [dreg:$0x2];
	[bflag:$0x3] =	sbarrier.arrive $0xFFFF;
	s2 =	simm.s32 @!p0 $0x1C05  }
0xff: {  	[timem:s3], [sflag:s2] =	dma.local @!p0 [hbm:s0], s1  }
0x100: {  	s0 =	simm.s32 @!p0 $0x5  }
0x101: {  	_ =	swait.ge @!p0 [sflag:s0], s1  }
0x102: {  	s1 =	ssub.s32 @!p0 $0x0, s1;
	[sflag:s0] =	ssyncset.done @!p0 $0x0  }
0x103: {  	[sflag:s0] =	ssyncadd.s32 @!p0 s1  }
0x104: {  	[bflag:$0x3] =	sbarrier.arrive $0xFFFF  }
0x105: {  	_ =	shalt  }

// kernel: kernel.8.cloned.1.call-start
scs
__scs_entry_jumppad:
0x0: {  	(pc) =	sbr.rel $0x88, $3  }
0x1: {  	(tag) =	ssettag $0x0;
	lr =	simm.s32 $0x1  }
0x2: {  	[smem:$0x3F9B] =	sst lr;
	_ =	strace $0xD0000000  }
0x3: {  	_ = 	snop  }
0x4: {  	_ = 	snop  }
0x5: {  	_ = 	snop  }
0x6: {  	_ = 	snop  }
0x7: {  	_ = 	snop  }
__scs_overlays_trampoline_lowered:
0x8: {  	[smem:$0x3FAA] =	sst s0  }
0x9: {  	[smem:$0x3FAB] =	sst s1  }
0xa: {  	[smem:$0x3FAC] =	sst s2  }
0xb: {  	[smem:$0x3FAD] =	sst s3  }
0xc: {  	[smem:$0x3FAE] =	sst s4  }
0xd: {  	[smem:$0x3FAF] =	sst s5  }
0xe: {  	[smem:$0x3FB0] =	sst s6  }
0xf: {  	[smem:$0x3FB1] =	sst s7  }
0x10: {  	[smem:$0x3FB2] =	sst s8  }
0x11: {  	[smem:$0x3FB3] =	sst s9;
	s0 =	simm.s32 @!p0 $0x0  }
0x12: {  	s1 =	sld [smem:$0x3F99];
	s0 =	simm.s32 @p0 $0x1  }
0x13: {  	[smem:$0x3FB4] =	sst s0;
	s0 =	simm.s32 @!p1 $0x0  }
0x14: {  	s2 =	sld [smem:$0x3F98];
	s0 =	simm.s32 @p1 $0x1  }
0x15: {  	[smem:$0x3FB5] =	sst s0;
	s0 =	simm.s32 @!p2 $0x0  }
0x16: {  	s3 =	sld [smem:$0x3FDB];
	s0 =	simm.s32 @p2 $0x1  }
0x17: {  	s4 =	simm.s32 $0x1BF5;
	[smem:$0x3FB7] =	sst s0  }
0x18: {  	s0 =	sld [smem:$0x3F9A];
	_ =	swait.ge [sflag:s4], $0x0  }
0x19: {  	s7 =	sld [smem:$0x3F9B]  }
0x1a: {  	s8 =	sadd.s32 $0xFFFFE003, lr  }
0x1b: {  	s9 =	sadd.s32 $0xFFFFFEF7, lr;
	s5 =	simm.s32 $0xFFFFFFFF;
	p2 =	slt.u32 s8, $0xFFFFF086  }
0x1c: {  	p1 =	slt.u32 s9, $0xF7A;
	s5 =	simm.s32 @!p2 $0x0  }
0x1d: {  	s5 =	simm.s32 @p1 $0x1;
	p0 =	seq.s32 s7, s2  }
0x1e: {  	s7 =	smul.u32 @!p0 $0xF7A, s2;
	p2 =	seq.s32 @!p0 s5, $0x0  }
0x1f: {  	s9 =	smul.u32 $0xF7A, s1;
	s8 =	simm.s32 @!p0 $0x1BF5;
	p2 =	por !p2, p0  }
0x20: {  	[sflag:s8] =	ssyncset.s32 @!p0 $0xFFFFF086;
	s6 =	sadd.s32 @!p0 s3, s7;
	s7 =	simm.s32 @!p0 $0x108  }
0x21: {  	s3 =	sadd.s32 s3, s9;
	s6 =	sadd.s32 @!p0 $0x88, s6;
	s7 =	simm.s32 @p2 $0x1082  }
0x22: {  	[simem:s7], [sflag:s8] =	dma.local @!p0 [hbm:s6], $0xF7A  }
0x23: {  	s9 =	sor.u32 $0xD0000000, s2;
	s6 =	simm.s32 $0x108;
	_ =	swait.ge @!p0 [sflag:s8], $0x0  }
0x24: {  	s3 =	sadd.s32 $0x88, s3;
	s6 =	simm.s32 @!p1 $0x1082;
	[sflag:s4] =	ssyncset.s32 $0xFFFFF086  }
0x25: {  	[simem:s6], [sflag:s4] =	dma.local [hbm:s3], $0xF7A  }
0x26: {  	[smem:$0x3F9B] =	sst s1;
	(tag) =	ssettag s2;
	_ =	strace s9  }
0x27: {  	s1 =	sld [smem:$0x3FAB]  }
0x28: {  	s2 =	sld [smem:$0x3FAC]  }
0x29: {  	s4 =	sld [smem:$0x3FAE]  }
0x2a: {  	p0 =	seq.s32 s5, $0x0;
	s5 =	sld [smem:$0x3FAF]  }
0x2b: {  	s6 =	sld [smem:$0x3FB0]  }
0x2c: {  	s7 =	sld [smem:$0x3FB1]  }
0x2d: {  	s3 =	simm.s32 $0x108;
	s8 =	sld [smem:$0x3FB2]  }
0x2e: {  	s3 =	simm.s32 @!p0 $0x1082;
	s9 =	sld [smem:$0x3FB3]  }
0x2f: {  	lr =	sadd.s32 s0, s3;
	s0 =	sld [smem:$0x3FAA]  }
0x30: {  	s3 =	sld [smem:$0x3FAD]  }
0x31: {  	[smem:$0x3FB6] =	sst s10  }
0x32: {  	s10 =	sld [smem:$0x3FB4];
	_ =	sdelay $0x3  }
0x33: {  	p0 =	seq.s32 s10, $0x1;
	s10 =	sld [smem:$0x3FB6];
	_ =	sdelay $0x3  }
0x34: {  	[smem:$0x3FB6] =	sst s10  }
0x35: {  	s10 =	sld [smem:$0x3FB5];
	_ =	sdelay $0x3  }
0x36: {  	p1 =	seq.s32 s10, $0x1;
	s10 =	sld [smem:$0x3FB6];
	_ =	sdelay $0x3  }
0x37: {  	[smem:$0x3FB6] =	sst s10  }
0x38: {  	s10 =	sld [smem:$0x3FB7]  }
0x39: {  	_ = 	snop;
	(pc) =	sbr.ind lr, $3  }
0x3a: {  	_ = 	snop  }
0x3b: {  	_ = 	snop  }
0x3c: {  	p2 =	seq.s32 s10, $0x1;
	s10 =	sld [smem:$0x3FB6]  }
0x3d: {  	_ =	shalt  }
0x3e: {  	_ =	shalt  }
0x3f: {  	_ =	shalt  }
0x40: {  	_ =	shalt  }
0x41: {  	_ =	shalt  }
0x42: {  	_ =	shalt  }
0x43: {  	_ =	shalt  }
0x44: {  	_ =	shalt  }
0x45: {  	_ =	shalt  }
0x46: {  	_ =	shalt  }
0x47: {  	_ =	shalt  }
0x48: {  	_ =	shalt  }
0x49: {  	_ =	shalt  }
0x4a: {  	_ =	shalt  }
0x4b: {  	_ =	shalt  }
0x4c: {  	_ =	shalt  }
0x4d: {  	_ =	shalt  }
0x4e: {  	_ =	shalt  }
0x4f: {  	_ =	shalt  }
0x50: {  	_ =	shalt  }
0x51: {  	_ =	shalt  }
0x52: {  	_ =	shalt  }
0x53: {  	_ =	shalt  }
0x54: {  	_ =	shalt  }
0x55: {  	_ =	shalt  }
0x56: {  	_ =	shalt  }
0x57: {  	_ =	shalt  }
0x58: {  	_ =	shalt  }
0x59: {  	_ =	shalt  }
0x5a: {  	_ =	shalt  }
0x5b: {  	_ =	shalt  }
0x5c: {  	_ =	shalt  }
0x5d: {  	_ =	shalt  }
0x5e: {  	_ =	shalt  }
0x5f: {  	_ =	shalt  }
0x60: {  	_ =	shalt  }
0x61: {  	_ =	shalt  }
0x62: {  	_ =	shalt  }
0x63: {  	_ =	shalt  }
0x64: {  	_ =	shalt  }
0x65: {  	_ =	shalt  }
0x66: {  	_ =	shalt  }
0x67: {  	_ =	shalt  }
0x68: {  	_ =	shalt  }
0x69: {  	_ =	shalt  }
0x6a: {  	_ =	shalt  }
0x6b: {  	_ =	shalt  }
0x6c: {  	_ =	shalt  }
0x6d: {  	_ =	shalt  }
0x6e: {  	_ =	shalt  }
0x6f: {  	_ =	shalt  }
0x70: {  	_ =	shalt  }
0x71: {  	_ =	shalt  }
0x72: {  	_ =	shalt  }
0x73: {  	_ =	shalt  }
0x74: {  	_ =	shalt  }
0x75: {  	_ =	shalt  }
0x76: {  	_ =	shalt  }
0x77: {  	_ =	shalt  }
0x78: {  	_ =	shalt  }
0x79: {  	_ =	shalt  }
0x7a: {  	_ =	shalt  }
0x7b: {  	_ =	shalt  }
0x7c: {  	_ =	shalt  }
0x7d: {  	_ =	shalt  }
0x7e: {  	_ =	shalt  }
0x7f: {  	_ =	shalt  }
0x80: {  	_ =	shalt  }
0x81: {  	_ =	shalt  }
0x82: {  	_ =	shalt  }
0x83: {  	_ =	shalt  }
0x84: {  	_ =	shalt  }
0x85: {  	_ =	shalt  }
0x86: {  	_ =	shalt  }
0x87: {  	_ =	shalt  }
.Lfunc_end0:
.L_simem_size_0:
called_computation_lowered:
.L_overlay_start_0:
0x88: {  	s2 =	sld [smem:$0x3FD9]  }
0x89: {  	s3 =	sld [smem:$0x3FFE];
	_ =	sdelay $0x1  }
0x8a: {  	s1 =	srdreg.scid  }
0x8b: {  	s0 =	sand.u32 $0x1, s1  }
0x8c: {  	s17 =	sshll.u32 s0, $0xA;
	s2 =	sadd.s32 s3, s2  }
0x8d: {  	s2 =	sadd.s32 s2, s17  }
0x8e: {  	[smem:$0x3FC2] =	sst s2  }
0x8f: {  	_ = 	snop  }
0x90: {  	s2 =	sld [smem:$0x3FD0];
	(tm) =	ssettm $0x1  }
0x91: {  	s18 =	sld [smem:$0x3FFB];
	_ =	sdelay $0x3  }
0x92: {  	_ =	strace s18  }
0x93: {  	s3 =	sld [smem:$0x3FFC];
	_ =	sdelay $0x3  }
0x94: {  	_ =	strace s3  }
0x95: {  	s3 =	sld [smem:$0x3FFD];
	_ =	sdelay $0x3  }
0x96: {  	_ =	strace s3  }
0x97: {  	_ =	strace $0x8FFFFFFF  }
0x98: {  	s19 =	sld [smem:$0x3FDB];
	_ =	sdelay $0x1  }
0x99: {  	s4 =	simm.s32 $_scs_section_size  }
0x9a: {  	s5 =	simm.s32 $_size__tile_overlayer_lowered;
	s6 =	simm.s32 $_tile_overlayer_lowered  }
0x9b: {  	s22 =	simm.s32 $0x1BFF;
	s21 =	sshll.u32 s6, $0x1;
	s3 =	sadd.s32 s4, s19  }
0x9c: {  	s7 =	simm.s32 $0x0;
	s20 =	sshll.u32 s5, $0x1;
	s5 =	sadd.s32 s21, s3  }
0x9d: {  	[timem:s7], [sflag:s22] =	dma.local [hbm:s5], s20  }
0x9e: {  	_ =	swait.ge [sflag:s22], s20  }
0x9f: {  	s4 =	ssub.s32 $0x0, s20;
	[sflag:s22] =	ssyncset.done $0x0  }
0xa0: {  	[sflag:s22] =	ssyncadd.s32 s4;
	_ =	sdelay $0x1  }
0xa1: {  	s23 =	simm.s32 $0x1B8B  }
0xa2: {  	_ =	swait.ge [sflag:s23], $0x1  }
0xa3: {  	[sflag:s23] =	ssyncset.done $0x0  }
0xa4: {  	s25 =	simm.s32 $0x1B8E;
	s24 =	sld [smem:$0x3FFE];
	[sflag:s23] =	ssyncadd.s32 $0xFFFFFFFF  }
0xa5: {  	s26 =	simm.s32 $execute0_lowered;
	[smem:$0x3FD2] =	sst s25  }
0xa6: {  	s5 =	sshll.u32 s26, $0x1;
	_ =	strace $0x80000046;
	[dreg:$0x1] =	wrdreg $0xFFFFFFFF  }
0xa7: {  	s28 =	simm.s32 $_size_execute0_lowered;
	s3 =	sadd.s32 s3, s5;
	[dreg:$0x0] =	wrdreg $0x0  }
0xa8: {  	s5 =	sshll.u32 s28, $0x1;
	[dreg:$0x2] =	wrdreg s3  }
0xa9: {  	[dreg:$0x3] =	wrdreg s5  }
0xaa: {  	[dreg:$0x4] =	wrdreg $0xC0  }
0xab: {  	_ =	task [dreg:s7], $0x5FFFF  }
0xac: {  	[dreg:$0x1] =	wrdreg $0xFFFFFFFF  }
0xad: {  	[dreg:$0x0] =	wrdreg $0x60  }
0xae: {  	[dreg:$0x2] =	wrdreg s2  }
0xaf: {  	[dreg:$0x3] =	wrdreg s24  }
0xb0: {  	[dreg:$0x4] =	wrdreg $0x50000  }
0xb1: {  	[dreg:$0x5] =	wrdreg $0x9  }
0xb2: {  	_ =	task.clear_ibuf [dreg:s7], $0x6FFFF;
	_ =	strace $0x90000046  }
0xb3: {  	s29 =	simm.s32 $0x9;
	_ =	strace $0x80000048  }
0xb4: {  	_ =	swait.ge [sflag:s29], $0x1  }
0xb5: {  	[sflag:s29] =	ssyncadd.s32 $0xFFFFFFFF  }
0xb6: {  	_ =	strace $0x90000048  }
0xb7: {  	_ =	sfence  }
0xb8: {  	s30 =	sld [smem:$0x0];
	_ =	sdelay $0x2  }
0xb9: {  	s31 =	sshll.u32 s1, $0xD;
	s1 =	sshrl.u32 s1, $0x2  }
0xba: {  	s3 =	sand.u32 $0x4000, s31;
	s1 =	sadd.s32 s1, s30  }
0xbb: {  	s0 =	sor.u32 s3, s0;
	s1 =	sshll.u32 s1, $0x11  }
0xbc: {  	s0 =	sor.u32 s1, s0  }
0xbd: {  	s0 =	sadd.s32 $0x8F2B, s0  }
0xbe: {  	[sflag:s0] =	ssyncadd.remote.s32 $0x1  }
0xbf: {  	_ =	sfence.sel $0xFFFF  }
0xc0: {  	[dreg:$0x0] =	wrdreg $0xFFFFFFFF;
	(pc) =	sbr.abs _section_cstart, $3  }
0xc1: {  	[dreg:$0x1] =	wrdreg $0xFFFFFFFF  }
0xc2: {  	_ =	task.clear_ibuf [dreg:s7], $0x2FFFF;
	_ =	strace $0x9FFFFFFF  }
0xc3: {  	(tm) =	ssettm $0x7FFFFFFF  }
tec
execute0_lowered:
.L_overlay_start_1:
0x0: {  	(tag) =	ssettag $0x1  }
0x1: {  	s6 =	rddreg [dreg:$0x0]  }
0x2: {  	s0 =	srdreg.scid;
	s7 =	rddreg [dreg:$0x1]  }
0x3: {  	s2 =	rddreg [dreg:$0x2];
	s1 =	stileid.u32;
	s3 =	simm.s32 $0x0  }
0x4: {  	s13 =	simm.s32 $0x80;
	s4 =	sand.u32 $0x1, s0;
	s0 =	rddreg [dreg:$0x3]  }
0x5: {  	s14 =	simm.s32 $0x0;
	[smem:$0x7FF] =	sst s3;
	s5 =	sshll.u32 s4, $0x4  }
0x6: {  	s12 =	smul.u32 $0x2718, s1;
	s9 =	ssub.s32 $0x2, s4;
	s5 =	sor.u32 s1, s5  }
0x7: {  	_ =	strace $0x80000047;
	s11 =	sshrl.u32 s9, $0x1;
	s8 =	smul.u32 $0x4E3, s5  }
0x8: {  	s4 =	sadd.s32 $0x2800, s7;
	s10 =	smul.u32 $0x500, s5;
	s9 =	ssub.s32 s9, s11  }
0x9: {  	s5 =	sadd.s32 $0x2600, s7;
	s11 =	simm.s32 $0x2800;
	s9 =	smax.u32 s9, $0x1  }
0xa: {  	s8 =	sadd.s32 s8, s7;
	s6 =	sadd.s32 s6, s10;
	s7 =	sadd.s32 s12, s2  }
0xb: {  	v0 =	vmov s12;
	s10 =	simm.s32 $0x1;
	s12 =	simm.s32 $0x2880;
	s8 =	sadd.s32 $0x2E00, s8  }
.LBB2_1:
0xc: {  	[tilespmem:s3], [sflag:$0x1] =	stream.linear.gather [hbm4b:s6+s3], $0x2780, $0x38;
	[tilespmem:$0x7718] =	vst v63  }
0xd: {  	_ =	swait.ge [sflag:s10], $0x2780  }
0xe: {  	[sflag:s10] =	ssyncset.done $0x0  }
0xf: {  	[sflag:s10] =	ssyncadd.s32 $0xFFFFD880  }
0x10: {  	[tilespmem:s11], [sflag:$0x1] =	stream.linear.gather [hbm4b:s5+s3], $0x80, $0x38;
	[tilespmem:$0x7718] =	vst v63  }
0x11: {  	_ =	swait.ge [sflag:s10], $0x80  }
0x12: {  	[sflag:s10] =	ssyncset.done $0x0  }
0x13: {  	s15 =	simm.s32 $0x0;
	[sflag:s10] =	ssyncadd.s32 $0xFFFFFF80  }
0x14: {  	v3 =	vld [tilespmem:s15+$0x0]  }
0x15: {  	v5 =	vld [tilespmem:s15+$0x10]  }
0x16: {  	v4 =	vld [tilespmem:s15+$0x20]  }
0x17: {  	v2 =	vld [tilespmem:s15+$0x30]  }
0x18: {  	v1 =	vld [tilespmem:s15+$0x40]  }
0x19: {  	v6 =	vadd.s32 v0, v3;
	v3 =	vld [tilespmem:s15+$0x50]  }
0x1a: {  	s16 =	simm.s32 $0x200;
	[tilespmem:s15+$0x0] =	vst v6;
	v6 =	vadd.s32 v0, v5;
	v5 =	vld [tilespmem:s15+$0x60]  }
.LBB2_2:
0x1b: {  	s17 =	sshra.s32 s16, $0x2;
	p0 =	sne.s32 s16, $0x9C00;
	[tilespmem:s15+$0x10] =	vst v6;
	v4 =	vadd.s32 v0, v4;
	v6 =	vld [tilespmem:s15+$0x70]  }
0x1c: {  	v7 =	vld [tilespmem:s17+$0x0];
	[tilespmem:s15+$0x20] =	vst v4;
	v2 =	vadd.s32 v0, v2  }
0x1d: {  	v8 =	vld [tilespmem:s17+$0x10];
	[tilespmem:s15+$0x30] =	vst v2;
	v1 =	vadd.s32 v0, v1  }
.Ltmp0:
0x1e: {  	v4 =	vld [tilespmem:s17+$0x20];
	[tilespmem:s15+$0x40] =	vst v1;
	v1 =	vadd.s32 v0, v3;
	(pc) =	sbr.rel @p0 .LBB2_2-.Ltmp0, $4  }
0x1f: {  	v2 =	vld [tilespmem:s17+$0x30];
	[tilespmem:s15+$0x50] =	vst v1;
	v3 =	vadd.s32 v0, v5  }
0x20: {  	v1 =	vld [tilespmem:s17+$0x40];
	[tilespmem:s15+$0x60] =	vst v3;
	v5 =	vadd.s32 v0, v6  }
0x21: {  	v6 =	vadd.s32 v0, v7;
	v3 =	vld [tilespmem:s17+$0x50];
	[tilespmem:s15+$0x70] =	vst v5;
	s15 =	smov.u32 s17  }
0x22: {  	s16 =	sadd.s32 $0x200, s16;
	[tilespmem:s15+$0x0] =	vst v6;
	v6 =	vadd.s32 v0, v8;
	v5 =	vld [tilespmem:s15+$0x60]  }
0x23: {  	[tilespmem:s15+$0x10] =	vst v6;
	v4 =	vadd.s32 v0, v4;
	v63 =	vld [tilespmem:s15+$0x70]  }
0x24: {  	[tilespmem:s15+$0x20] =	vst v4;
	v2 =	vadd.s32 v0, v2  }
0x25: {  	[tilespmem:s15+$0x30] =	vst v2;
	v1 =	vadd.s32 v0, v1  }
0x26: {  	[tilespmem:s15+$0x40] =	vst v1;
	v1 =	vadd.s32 v0, v3  }
0x27: {  	[tilespmem:s15+$0x50] =	vst v1;
	v1 =	vadd.s32 v0, v5  }
0x28: {  	[tilespmem:s15+$0x60] =	vst v1;
	v1 =	vadd.s32 v0, v63  }
0x29: {  	s30 =	simm.s32 $0x0;
	[tilespmem:s15+$0x70] =	vst v1  }
0x2a: {  	[tilespmem:s12], [sflag:$0x1] =	stream.linear.gather [hbm4b:s4+s30], $0x2780, $0x38;
	[tilespmem:$0x7718] =	vst v63  }
0x2b: {  	_ =	swait.ge [sflag:s10], $0x2780  }
0x2c: {  	[sflag:s10] =	ssyncset.done $0x0  }
0x2d: {  	[sflag:s10] =	ssyncadd.s32 $0xFFFFD880  }
0x2e: {  	[spmem:s7] =	stream.linear.scatter [tilespmem:s12], [sflag:$0x1], $0x2718, $0x38;
	[tilespmem:$0x7718] =	vst v63  }
0x2f: {  	_ =	swait.ge [sflag:s10], $0x2718  }
0x30: {  	[sflag:s10] =	ssyncset.done $0x0  }
0x31: {  	s31 =	simm.s32 $0x0;
	[sflag:s10] =	ssyncadd.s32 $0xFFFFD8E8  }
0x32: {  	[spmem:s2] =	stream.indirect.scatter.add.f32 [tilespmem:s11], [sflag:$0x1], $0x1, s31, s13, $0xb8;
	[tilespmem:$0x7718] =	vst v63  }
0x33: {  	_ =	swait.ge [sflag:s10], $0x80  }
0x34: {  	s15 =	simm.s32 $0x200;
	[sflag:s10] =	ssyncset.done $0x0  }
.LBB2_4:
0x35: {  	s16 =	sshra.s32 s15, $0x2;
	[sflag:s10] =	ssyncadd.s32 $0xFFFFFF80;
	p0 =	sne.s32 s15, $0x9C00  }
0x36: {  	[spmem:s2] =	stream.indirect.scatter.add.f32 [tilespmem:s11], [sflag:$0x1], $0x1, s16, s13, $0xb8;
	[tilespmem:$0x7718] =	vst v63  }
.Ltmp1:
0x37: {  	_ = 	snop;
	(pc) =	sbr.rel @p0 .LBB2_4-.Ltmp1, $4  }
0x38: {  	_ = 	snop  }
0x39: {  	s15 =	sadd.s32 $0x200, s15  }
0x3a: {  	_ =	swait.ge [sflag:s10], $0x80  }
0x3b: {  	[sflag:s10] =	ssyncset.done $0x0  }
0x3c: {  	[sflag:s10] =	ssyncadd.s32 $0xFFFFFF80  }
0x3d: {  	[tilespmem:s12], [sflag:$0x1] =	stream.linear.gather [spmem:s7], $0x2718, $0x38;
	[tilespmem:$0x7718] =	vst v63  }
0x3e: {  	s14 =	sadd.s32 $0x1, s14;
	_ =	swait.ge [sflag:s10], $0x2718  }
0x3f: {  	p0 =	sne.s32 s14, s9;
	[sflag:s10] =	ssyncset.done $0x0  }
.Ltmp2:
0x40: {  	[sflag:s10] =	ssyncadd.s32 $0xFFFFD8E8;
	(pc) =	sbr.rel @p0 .LBB2_1-.Ltmp2, $4  }
0x41: {  	[hbm4b:s8+s3] =	stream.linear.scatter [tilespmem:s12], [sflag:$0x1], $0x2718, $0x38;
	[tilespmem:$0x7718] =	vst v63  }
0x42: {  	_ =	swait.ge [sflag:s10], $0x2718  }
0x43: {  	[sflag:s10] =	ssyncset.done $0x0  }
0x44: {  	[sflag:s10] =	ssyncadd.s32 $0xFFFFD8E8  }
0x45: {  	_ =	sfence.sel $0x180000  }
0x46: {  	[bflag:$0x0] =	sbarrier.arrive $0xFFFF  }
0x47: {  	p0 =	sne.s32 s1, $0x0;
	_ =	strace $0x90000047  }
0x48: {  	s0 =	sadd.s32 @!p0 $0x100000, s0;
	[bflag:$0x2] =	sbarrier.arrive $0xFFFF  }
0x49: {  	[sflag:s0] =	ssyncadd.tile.s32 @!p0 $0x1;
	_ =	shalt  }
.Lfunc_end2:
_tile_overlayer_lowered:
.L_overlay_start_2:
0x4a: {  	(tag) =	ssettag $0x2  }
0x4b: {  	s0 =	rddreg [dreg:$0x0];
	s2 =	stileid.u32  }
0x4c: {  	s1 =	rddreg [dreg:$0x1];
	p0 =	sne.s32 s2, $0x0  }
0x4d: {  	s3 =	rddreg [dreg:$0x2];
	[bflag:$0x3] =	sbarrier.arrive $0xFFFF;
	s2 =	simm.s32 @!p0 $0x1C01  }
0x4e: {  	[timem:s3], [sflag:s2] =	dma.local @!p0 [hbm:s0], s1  }
0x4f: {  	s0 =	simm.s32 @!p0 $0x1  }
0x50: {  	_ =	swait.ge @!p0 [sflag:s0], s1  }
0x51: {  	s1 =	ssub.s32 @!p0 $0x0, s1;
	[sflag:s0] =	ssyncset.done @!p0 $0x0  }
0x52: {  	[sflag:s0] =	ssyncadd.s32 @!p0 s1  }
0x53: {  	[bflag:$0x3] =	sbarrier.arrive $0xFFFF  }
0x54: {  	_ =	shalt  }

</sc_bundles>
